<compile_context>
chip_gen: v7x
topology: tpu7x:2x2x1
jax: 0.10.2.dev20260603
libtpu: 0.0.44.dev20260713+nightly
codegen_flags: <defaults>
</compile_context>

<pallas_src>
import jax
import jax.numpy as jnp
from jax import lax
from jax.experimental import pallas as pl
from jax.experimental.pallas import tpu as pltpu
from jax.experimental.pallas import tpu_sc as plsc

N_NODES = 50000
N_EDGES = 800000
N_GRAPHS = 128
NODE_EMB = 128
N_RBF = 32
EDGE_EMB = 32
CUTOFF = 6.0
SIGMA = CUTOFF / N_RBF
INV2S2 = 1.0 / (2.0 * SIGMA * SIGMA)
MU_STEP = CUTOFF / (N_RBF - 1)

NC, NS = 2, 16
NW = NC * NS
EPW = N_EDGES // NW
ECHUNK = 2000
NECHUNK = EPW // ECHUNK
NODE_WORKERS = 25
NPW = N_NODES // NODE_WORKERS


def _sc_body(cartx, carty, cartz, senders, receivers, jx, jy, jz, gidx,
             lats_flat, species, table,
             vx_out, vy_out, vz_out, nemb_out,
             sidx, ridx, sxb, syb, szb, rxb, ryb, rzb,
             jxb, jyb, jzb, gb, latb, vxb, vyb, vzb, spid, nrows,
             cxsh, cysh, czsh, sem_in, sem_g, sem_g2, sem_n):
    sid = lax.axis_index("s")
    wid = sid * NC + lax.axis_index("c")

    pltpu.sync_copy(lats_flat, latb)

    @pl.when(sid == 0)
    def _():
        pltpu.sync_copy(cartx, cxsh)
        pltpu.sync_copy(carty, cysh)
        pltpu.sync_copy(cartz, czsh)
    plsc.subcore_barrier()

    def edge_group(o):
        sx = sxb[pl.ds(o, 16)]
        sy = syb[pl.ds(o, 16)]
        sz = szb[pl.ds(o, 16)]
        rx = rxb[pl.ds(o, 16)]
        ry = ryb[pl.ds(o, 16)]
        rz = rzb[pl.ds(o, 16)]
        g9 = gb[pl.ds(o, 16)] * 9
        ja = jxb[pl.ds(o, 16)].astype(jnp.float32)
        jb_ = jyb[pl.ds(o, 16)].astype(jnp.float32)
        jc = jzb[pl.ds(o, 16)].astype(jnp.float32)
        l00 = plsc.load_gather(latb, [g9])
        l01 = plsc.load_gather(latb, [g9 + 1])
        l02 = plsc.load_gather(latb, [g9 + 2])
        l10 = plsc.load_gather(latb, [g9 + 3])
        l11 = plsc.load_gather(latb, [g9 + 4])
        l12 = plsc.load_gather(latb, [g9 + 5])
        l20 = plsc.load_gather(latb, [g9 + 6])
        l21 = plsc.load_gather(latb, [g9 + 7])
        l22 = plsc.load_gather(latb, [g9 + 8])
        vxb[pl.ds(o, 16)] = rx + (l00 * ja + l10 * jb_ + l20 * jc) - sx
        vyb[pl.ds(o, 16)] = ry + (l01 * ja + l11 * jb_ + l21 * jc) - sy
        vzb[pl.ds(o, 16)] = rz + (l02 * ja + l12 * jb_ + l22 * jc) - sz

    tables = ((cxsh, sidx, sxb), (cysh, sidx, syb), (czsh, sidx, szb),
              (cxsh, ridx, rxb), (cysh, ridx, ryb), (czsh, ridx, rzb))

    def do_chunk(base, size):
        half = (size // 2 // 128) * 128
        sl_e = pl.ds(base, size)
        cps = [pltpu.async_copy(senders.at[pl.ds(base, size)], sidx.at[pl.ds(0, size)], sem_in),
               pltpu.async_copy(receivers.at[pl.ds(base, size)], ridx.at[pl.ds(0, size)], sem_in),
               pltpu.async_copy(gidx.at[pl.ds(base, size)], gb.at[pl.ds(0, size)], sem_in),
               pltpu.async_copy(jx.at[pl.ds(base, size)], jxb.at[pl.ds(0, size)], sem_in),
               pltpu.async_copy(jy.at[pl.ds(base, size)], jyb.at[pl.ds(0, size)], sem_in),
               pltpu.async_copy(jz.at[pl.ds(base, size)], jzb.at[pl.ds(0, size)], sem_in)]
        for cp in cps:
            cp.wait()
        gca, gcb = [], []
        for j in range(half // 128):
            sl = pl.ds(j * 128, 128)
            for tab, idx, dst in tables:
                gca.append(pltpu.async_copy(tab.at[idx.at[sl]], dst.at[sl],
                                            sem_g))
        rest = size - half
        for j in range((rest + 127) // 128):
            n = 128 if (j + 1) * 128 <= rest else rest - j * 128
            sl = pl.ds(half + j * 128, n)
            for tab, idx, dst in tables:
                gcb.append(pltpu.async_copy(tab.at[idx.at[sl]], dst.at[sl],
                                            sem_g2))

        def g_body(i, c):
            edge_group(i * 16)
            return c
        for cp in gca:
            cp.wait()
        lax.fori_loop(0, half // 16, g_body, 0)
        for cp in gcb:
            cp.wait()
        lax.fori_loop(half // 16, size // 16, g_body, 0)
        if size % 16:
            edge_group(size - 16)
        ocps = [pltpu.async_copy(vxb.at[pl.ds(0, size)], vx_out.at[sl_e],
                                 sem_in),
                pltpu.async_copy(vyb.at[pl.ds(0, size)], vy_out.at[sl_e],
                                 sem_in),
                pltpu.async_copy(vzb.at[pl.ds(0, size)], vz_out.at[sl_e],
                                 sem_in)]
        for cp in ocps:
            cp.wait()

    def chunk_body(ci, carry):
        do_chunk(wid * EPW + ci * ECHUNK, ECHUNK)
        return carry

    lax.fori_loop(0, NECHUNK, chunk_body, 0)
    do_chunk(wid * EPW + NECHUNK * ECHUNK, EPW - NECHUNK * ECHUNK)

    @pl.when(wid < NODE_WORKERS)
    def _():
        nb = wid * NPW
        pltpu.sync_copy(species.at[pl.ds(nb, NPW)], spid)
        for r in range(4):
            cnt = 512 if r < 3 else NPW - 3 * 512
            nfull, tail = cnt // 128, cnt % 128
            gcs = []
            for q in range(nfull):
                gcs.append(pltpu.async_copy(
                    table.at[spid.at[pl.ds(r * 512 + q * 128, 128)]],
                    nrows.at[pl.ds(q * 128, 128)], sem_n))
            if tail:
                gcs.append(pltpu.async_copy(
                    table.at[spid.at[pl.ds(r * 512 + nfull * 128, tail)]],
                    nrows.at[pl.ds(nfull * 128, tail)], sem_n))
            for cp in gcs:
                cp.wait()
            pltpu.sync_copy(nrows.at[pl.ds(0, cnt)],
                            nemb_out.at[pl.ds(nb + r * 512, cnt)])


_sc_call = pl.kernel(
    _sc_body,
    out_type=[
        jax.ShapeDtypeStruct((N_EDGES,), jnp.float32),
        jax.ShapeDtypeStruct((N_EDGES,), jnp.float32),
        jax.ShapeDtypeStruct((N_EDGES,), jnp.float32),
        jax.ShapeDtypeStruct((N_NODES, NODE_EMB), jnp.float32),
    ],
    mesh=plsc.VectorSubcoreMesh(core_axis_name="c", subcore_axis_name="s"),
    compiler_params=pltpu.CompilerParams(needs_layout_passes=False,
                                         use_tc_tiling_on_sc=False),
    scratch_types=[
        pltpu.VMEM((ECHUNK,), jnp.int32),
        pltpu.VMEM((ECHUNK,), jnp.int32),
        pltpu.VMEM((ECHUNK,), jnp.float32),
        pltpu.VMEM((ECHUNK,), jnp.float32),
        pltpu.VMEM((ECHUNK,), jnp.float32),
        pltpu.VMEM((ECHUNK,), jnp.float32),
        pltpu.VMEM((ECHUNK,), jnp.float32),
        pltpu.VMEM((ECHUNK,), jnp.float32),
        pltpu.VMEM((ECHUNK,), jnp.int32),
        pltpu.VMEM((ECHUNK,), jnp.int32),
        pltpu.VMEM((ECHUNK,), jnp.int32),
        pltpu.VMEM((ECHUNK,), jnp.int32),
        pltpu.VMEM((N_GRAPHS * 9,), jnp.float32),
        pltpu.VMEM((ECHUNK,), jnp.float32),
        pltpu.VMEM((ECHUNK,), jnp.float32),
        pltpu.VMEM((ECHUNK,), jnp.float32),
        pltpu.VMEM((NPW,), jnp.int32),
        pltpu.VMEM((512, NODE_EMB), jnp.float32),
        pltpu.VMEM_SHARED((N_NODES,), jnp.float32),
        pltpu.VMEM_SHARED((N_NODES,), jnp.float32),
        pltpu.VMEM_SHARED((N_NODES,), jnp.float32),
        pltpu.SemaphoreType.DMA,
        pltpu.SemaphoreType.DMA,
        pltpu.SemaphoreType.DMA,
        pltpu.SemaphoreType.DMA,
    ],
)

TBR = 64
TBE = TBR * 128
NROW = N_EDGES // 128
TGRID = (NROW + TBR - 1) // TBR


def _tc_body(vx_ref, vy_ref, vz_ref, w_ref, b_ref, dist_ref, emb_ref):
    x = vx_ref[...]
    y = vy_ref[...]
    z = vz_ref[...]
    d = jnp.sqrt(x * x + y * y + z * z + 1e-12)
    dist_ref[...] = d
    mu = lax.broadcasted_iota(jnp.int32, (N_RBF, TBE), 0).astype(
        jnp.float32) * MU_STEP
    db = jnp.broadcast_to(d.reshape(1, TBE), (N_RBF, TBE))
    delta = db - mu
    rbf_t = jnp.exp(-(delta * delta) * INV2S2)
    embT = lax.dot_general(w_ref[...], rbf_t, (((0,), (0,)), ((), ())),
                           preferred_element_type=jnp.float32)
    emb_ref[...] = embT + b_ref[...]


_tc_call = pl.pallas_call(
    _tc_body,
    grid=(TGRID,),
    in_specs=[
        pl.BlockSpec((TBE,), lambda i: (i,)),
        pl.BlockSpec((TBE,), lambda i: (i,)),
        pl.BlockSpec((TBE,), lambda i: (i,)),
        pl.BlockSpec((N_RBF, EDGE_EMB), lambda i: (0, 0)),
        pl.BlockSpec((EDGE_EMB, 1), lambda i: (0, 0)),
    ],
    out_specs=[
        pl.BlockSpec((TBE,), lambda i: (i,)),
        pl.BlockSpec((EDGE_EMB, TBE), lambda i: (0, i)),
    ],
    out_shape=[
        jax.ShapeDtypeStruct((N_EDGES,), jnp.float32),
        jax.ShapeDtypeStruct((EDGE_EMB, N_EDGES), jnp.float32),
    ],
)


def kernel(cart, lats, senders, receivers, to_jimage, edge_graph_i, species,
           W_proj, b_proj, species_table):
    lats_flat = lax.reduce_precision(lats, exponent_bits=8,
                                     mantissa_bits=7).reshape(-1)
    cartx, carty, cartz = cart[:, 0], cart[:, 1], cart[:, 2]
    vx, vy, vz, node_emb = _sc_call(cartx, carty, cartz, senders, receivers,
                                    to_jimage[:, 0], to_jimage[:, 1],
                                    to_jimage[:, 2], edge_graph_i,
                                    lats_flat, species, species_table)
    dist, embT = _tc_call(vx, vy, vz, W_proj, b_proj.reshape(EDGE_EMB, 1))
    vecs = jnp.stack([vx, vy, vz], axis=1)
    return node_emb, embT.T, vecs, dist

# --- scband reference (transcript-rebuilt; emitter-appended) ---
"""Pipeline reference for scband-input-encoder-10754598109835 (READ-ONLY COPY).

The authoritative reference and input builder live on the scoring server;
editing this copy changes nothing except your own understanding.
"""

import jax, jax.numpy as jnp
import numpy as np

N_NODES = 50000
N_EDGES = 800000
N_GRAPHS = 128
NODE_EMB = 128
N_RBF = 32
EDGE_EMB = 32
N_SPECIES = 100
CUTOFF = 6.0


def setup_inputs(seed: int = 0) -> dict:
    key = jax.random.key(seed)
    ks = jax.random.split(key, 12)
    cart = jax.random.normal(ks[0], (N_NODES, 3), jnp.float32)
    lats = jax.random.normal(ks[1], (N_GRAPHS, 3, 3), jnp.float32)
    senders = jax.random.randint(ks[2], (N_EDGES,), 0, N_NODES, dtype=jnp.int32)
    receivers = jax.random.randint(ks[3], (N_EDGES,), 0, N_NODES, dtype=jnp.int32)
    to_jimage = jax.random.randint(ks[4], (N_EDGES, 3), 0, 3, dtype=jnp.int32)
    edge_graph_i = jnp.sort(jax.random.randint(ks[5], (N_EDGES,), 0, N_GRAPHS, dtype=jnp.int32))
    species = jax.random.randint(ks[6], (N_NODES,), 0, N_SPECIES, dtype=jnp.int32)
    W_proj = jax.random.normal(ks[7], (N_RBF, EDGE_EMB), jnp.float32) / np.sqrt(N_RBF)
    b_proj = jnp.zeros((EDGE_EMB,), jnp.float32)
    species_table = jax.random.normal(ks[8], (N_SPECIES, NODE_EMB), jnp.float32)
    return {"cart": cart, "lats": lats, "senders": senders, "receivers": receivers,
            "to_jimage": to_jimage, "edge_graph_i": edge_graph_i, "species": species,
            "W_proj": W_proj, "b_proj": b_proj, "species_table": species_table}


def reference(cart, lats, senders, receivers, to_jimage, edge_graph_i, species, W_proj, b_proj, species_table):
    # gather sender positions: cart[cg.senders]
    send_pos = jnp.take(cart, senders, axis=0)
    # offsets = EinsOp('e abc xyz, e abc -> e xyz')(lats[edge_graph_i], to_jimage)
    edge_lats = jnp.take(lats, edge_graph_i, axis=0)
    offsets = jnp.einsum('eab,ea->eb', edge_lats, to_jimage.astype(cart.dtype))
    # receiver positions with periodic-image offset
    recv_pos = jnp.take(cart, receivers, axis=0) + offsets
    vecs = recv_pos - send_pos
    # dist = l2_norm over xyz
    dist = jnp.sqrt(jnp.sum(vecs * vecs, axis=-1) + 1e-12)
    # distance_enc: Gaussian radial basis expansion
    mu = jnp.linspace(0.0, CUTOFF, N_RBF)
    sigma = CUTOFF / N_RBF
    rbf = jnp.exp(-((dist[:, None] - mu[None, :]) ** 2) / (2.0 * sigma ** 2))
    # distance_projector: Dense(n_rbf -> edge_emb)
    edge_emb = rbf @ W_proj + b_proj
    # species_emb: embedding lookup per node
    node_emb = jnp.take(species_table, species, axis=0)
    return node_emb, edge_emb, vecs, dist

if __name__ == "__main__":
    import jax
    _d = setup_inputs()
    print(jax.jit(kernel)(*tuple(_d.values())))

</pallas_src>

<mosaic_0001>
#map = affine_map<(d0, d1) -> (0)>
#map1 = affine_map<(d0, d1) -> (0, 0)>
module attributes {stable_mosaic.version = 14 : i64} {
  func.func @_sc_body(%arg0: i32, %arg1: i32, %arg2: memref<50000xf32, #tpu.memory_space<hbm>>, %arg3: memref<50000xf32, #tpu.memory_space<hbm>>, %arg4: memref<50000xf32, #tpu.memory_space<hbm>>, %arg5: memref<800000xi32, #tpu.memory_space<hbm>>, %arg6: memref<800000xi32, #tpu.memory_space<hbm>>, %arg7: memref<800000xi32, #tpu.memory_space<hbm>>, %arg8: memref<800000xi32, #tpu.memory_space<hbm>>, %arg9: memref<800000xi32, #tpu.memory_space<hbm>>, %arg10: memref<800000xi32, #tpu.memory_space<hbm>>, %arg11: memref<1152xf32, #tpu.memory_space<hbm>>, %arg12: memref<50000xi32, #tpu.memory_space<hbm>>, %arg13: memref<100x128xf32, #tpu.memory_space<hbm>>, %arg14: memref<800000xf32, #tpu.memory_space<hbm>>, %arg15: memref<800000xf32, #tpu.memory_space<hbm>>, %arg16: memref<800000xf32, #tpu.memory_space<hbm>>, %arg17: memref<50000x128xf32, #tpu.memory_space<hbm>>, %arg18: memref<2000xi32, #tpu.memory_space<vmem>>, %arg19: memref<2000xi32, #tpu.memory_space<vmem>>, %arg20: memref<2000xf32, #tpu.memory_space<vmem>>, %arg21: memref<2000xf32, #tpu.memory_space<vmem>>, %arg22: memref<2000xf32, #tpu.memory_space<vmem>>, %arg23: memref<2000xf32, #tpu.memory_space<vmem>>, %arg24: memref<2000xf32, #tpu.memory_space<vmem>>, %arg25: memref<2000xf32, #tpu.memory_space<vmem>>, %arg26: memref<2000xi32, #tpu.memory_space<vmem>>, %arg27: memref<2000xi32, #tpu.memory_space<vmem>>, %arg28: memref<2000xi32, #tpu.memory_space<vmem>>, %arg29: memref<2000xi32, #tpu.memory_space<vmem>>, %arg30: memref<1152xf32, #tpu.memory_space<vmem>>, %arg31: memref<2000xf32, #tpu.memory_space<vmem>>, %arg32: memref<2000xf32, #tpu.memory_space<vmem>>, %arg33: memref<2000xf32, #tpu.memory_space<vmem>>, %arg34: memref<2000xi32, #tpu.memory_space<vmem>>, %arg35: memref<512x128xf32, #tpu.memory_space<vmem>>, %arg36: memref<50000xf32, #tpu.memory_space<vmem_shared>>, %arg37: memref<50000xf32, #tpu.memory_space<vmem_shared>>, %arg38: memref<50000xf32, #tpu.memory_space<vmem_shared>>, %arg39: memref<!tpu.dma_semaphore, #tpu.memory_space<semaphore_mem>>, %arg40: memref<!tpu.dma_semaphore, #tpu.memory_space<semaphore_mem>>, %arg41: memref<!tpu.dma_semaphore, #tpu.memory_space<semaphore_mem>>, %arg42: memref<!tpu.dma_semaphore, #tpu.memory_space<semaphore_mem>>) attributes {dimension_semantics = [#tpu.dimension_semantics<core_parallel>, #tpu.dimension_semantics<subcore_parallel>], iteration_bounds = array<i64: 2, 16>, scalar_prefetch = 0 : i64, scratch_operands = 25 : i64, tpu.core_type = #tpu.core_type<sc_vector_subcore>, window_params = [{transform_indices = #map}, {transform_indices = #map}, {transform_indices = #map}, {transform_indices = #map}, {transform_indices = #map}, {transform_indices = #map}, {transform_indices = #map}, {transform_indices = #map}, {transform_indices = #map}, {transform_indices = #map}, {transform_indices = #map}, {transform_indices = #map1}, {transform_indices = #map}, {transform_indices = #map}, {transform_indices = #map}, {transform_indices = #map1}]} {
    %mul3A = arith.constant 2 : i32
    %mul3A_0 = arith.muli %arg1, %mul3A : i32
    %add3A = arith.addi %mul3A_0, %arg0 : i32
    "tpu.region"() ({
      %run_scoped3A = tpu.sem_alloc : memref<!tpu.dma_semaphore, #tpu.memory_space<semaphore_mem>>
      tpu.enqueue_dma source(%arg11 : memref<1152xf32, #tpu.memory_space<hbm>>) target(%arg30 : memref<1152xf32, #tpu.memory_space<vmem>>) target_semaphore(%run_scoped3A : memref<!tpu.dma_semaphore, #tpu.memory_space<semaphore_mem>>)
      tpu.wait_dma2 semaphore(%run_scoped3A : memref<!tpu.dma_semaphore, #tpu.memory_space<semaphore_mem>>) src(%arg11 : memref<1152xf32, #tpu.memory_space<hbm>>) dst(%arg30 : memref<1152xf32, #tpu.memory_space<vmem>>)
      tpu.yield
    }) : () -> ()
    %eq3A = arith.constant 0 : i32
    %eq3A_1 = arith.cmpi eq, %arg1, %eq3A : i32
    %convert_element_type3A = arith.extui %eq3A_1 : i1 to i32
    %cond3A = arith.constant 0 : i32
    %cond3A_2 = arith.cmpi ne, %convert_element_type3A, %cond3A : i32
    scf.if %cond3A_2 {
      "tpu.region"() ({
        %run_scoped3A = tpu.sem_alloc : memref<!tpu.dma_semaphore, #tpu.memory_space<semaphore_mem>>
        tpu.enqueue_dma source(%arg2 : memref<50000xf32, #tpu.memory_space<hbm>>) target(%arg36 : memref<50000xf32, #tpu.memory_space<vmem_shared>>) target_semaphore(%run_scoped3A : memref<!tpu.dma_semaphore, #tpu.memory_space<semaphore_mem>>)
        tpu.wait_dma2 semaphore(%run_scoped3A : memref<!tpu.dma_semaphore, #tpu.memory_space<semaphore_mem>>) src(%arg2 : memref<50000xf32, #tpu.memory_space<hbm>>) dst(%arg36 : memref<50000xf32, #tpu.memory_space<vmem_shared>>)
        tpu.yield
      }) : () -> ()
      "tpu.region"() ({
        %run_scoped3A = tpu.sem_alloc : memref<!tpu.dma_semaphore, #tpu.memory_space<semaphore_mem>>
        tpu.enqueue_dma source(%arg3 : memref<50000xf32, #tpu.memory_space<hbm>>) target(%arg37 : memref<50000xf32, #tpu.memory_space<vmem_shared>>) target_semaphore(%run_scoped3A : memref<!tpu.dma_semaphore, #tpu.memory_space<semaphore_mem>>)
        tpu.wait_dma2 semaphore(%run_scoped3A : memref<!tpu.dma_semaphore, #tpu.memory_space<semaphore_mem>>) src(%arg3 : memref<50000xf32, #tpu.memory_space<hbm>>) dst(%arg37 : memref<50000xf32, #tpu.memory_space<vmem_shared>>)
        tpu.yield
      }) : () -> ()
      "tpu.region"() ({
        %run_scoped3A = tpu.sem_alloc : memref<!tpu.dma_semaphore, #tpu.memory_space<semaphore_mem>>
        tpu.enqueue_dma source(%arg4 : memref<50000xf32, #tpu.memory_space<hbm>>) target(%arg38 : memref<50000xf32, #tpu.memory_space<vmem_shared>>) target_semaphore(%run_scoped3A : memref<!tpu.dma_semaphore, #tpu.memory_space<semaphore_mem>>)
        tpu.wait_dma2 semaphore(%run_scoped3A : memref<!tpu.dma_semaphore, #tpu.memory_space<semaphore_mem>>) src(%arg4 : memref<50000xf32, #tpu.memory_space<hbm>>) dst(%arg38 : memref<50000xf32, #tpu.memory_space<vmem_shared>>)
        tpu.yield
      }) : () -> ()
    } else {
    }
    %barrier3A = arith.constant 0 : index
    tpu.barrier barrier_id(%barrier3A)
    %scan3A = arith.constant 0 : i32
    %scan3A_3 = arith.constant 0 : i32
    %scan3A_4 = arith.constant 12 : i32
    %scan3A_5 = arith.addi %scan3A_3, %scan3A_4 : i32
    %scan3A_6 = arith.constant 1 : i32
    scf.for %scan3A_792 = %scan3A_3 to %scan3A_5 step %scan3A_6  : i32 {
      %mul3A_793 = arith.constant 25000 : i32
      %mul3A_794 = arith.muli %add3A, %mul3A_793 : i32
      %mul3A_795 = arith.constant 2000 : i32
      %mul3A_796 = arith.muli %scan3A_792, %mul3A_795 : i32
      %add3A_797 = arith.addi %mul3A_794, %mul3A_796 : i32
      %dma_start3A_798 = arith.constant 0 : i32
      %dma_start3A_799 = tpu.memref_slice %arg18[%dma_start3A_798] : memref<2000xi32, #tpu.memory_space<vmem>> -> memref<2000xi32, #tpu.memory_space<vmem>>
      %dma_start3A_800 = tpu.memref_slice %arg5[%add3A_797] : memref<800000xi32, #tpu.memory_space<hbm>> -> memref<2000xi32, #tpu.memory_space<hbm>>
      %dma_start3A_801 = arith.constant 0 : i32
      %dma_start3A_802 = tpu.memref_slice %arg18[%dma_start3A_801] : memref<2000xi32, #tpu.memory_space<vmem>> -> memref<2000xi32, #tpu.memory_space<vmem>>
      %dma_start3A_803 = tpu.memref_slice %arg5[%add3A_797] : memref<800000xi32, #tpu.memory_space<hbm>> -> memref<2000xi32, #tpu.memory_space<hbm>>
      tpu.enqueue_dma source(%dma_start3A_803 : memref<2000xi32, #tpu.memory_space<hbm>>) target(%dma_start3A_802 : memref<2000xi32, #tpu.memory_space<vmem>>) target_semaphore(%arg39 : memref<!tpu.dma_semaphore, #tpu.memory_space<semaphore_mem>>)
      %dma_start3A_804 = arith.constant 0 : i32
      %dma_start3A_805 = tpu.memref_slice %arg19[%dma_start3A_804] : memref<2000xi32, #tpu.memory_space<vmem>> -> memref<2000xi32, #tpu.memory_space<vmem>>
      %dma_start3A_806 = tpu.memref_slice %arg6[%add3A_797] : memref<800000xi32, #tpu.memory_space<hbm>> -> memref<2000xi32, #tpu.memory_space<hbm>>
      %dma_start3A_807 = arith.constant 0 : i32
      %dma_start3A_808 = tpu.memref_slice %arg19[%dma_start3A_807] : memref<2000xi32, #tpu.memory_space<vmem>> -> memref<2000xi32, #tpu.memory_space<vmem>>
      %dma_start3A_809 = tpu.memref_slice %arg6[%add3A_797] : memref<800000xi32, #tpu.memory_space<hbm>> -> memref<2000xi32, #tpu.memory_space<hbm>>
      tpu.enqueue_dma source(%dma_start3A_809 : memref<2000xi32, #tpu.memory_space<hbm>>) target(%dma_start3A_808 : memref<2000xi32, #tpu.memory_space<vmem>>) target_semaphore(%arg39 : memref<!tpu.dma_semaphore, #tpu.memory_space<semaphore_mem>>)
      %dma_start3A_810 = arith.constant 0 : i32
      %dma_start3A_811 = tpu.memref_slice %arg29[%dma_start3A_810] : memref<2000xi32, #tpu.memory_space<vmem>> -> memref<2000xi32, #tpu.memory_space<vmem>>
      %dma_start3A_812 = tpu.memref_slice %arg10[%add3A_797] : memref<800000xi32, #tpu.memory_space<hbm>> -> memref<2000xi32, #tpu.memory_space<hbm>>
      %dma_start3A_813 = arith.constant 0 : i32
      %dma_start3A_814 = tpu.memref_slice %arg29[%dma_start3A_813] : memref<2000xi32, #tpu.memory_space<vmem>> -> memref<2000xi32, #tpu.memory_space<vmem>>
      %dma_start3A_815 = tpu.memref_slice %arg10[%add3A_797] : memref<800000xi32, #tpu.memory_space<hbm>> -> memref<2000xi32, #tpu.memory_space<hbm>>
      tpu.enqueue_dma source(%dma_start3A_815 : memref<2000xi32, #tpu.memory_space<hbm>>) target(%dma_start3A_814 : memref<2000xi32, #tpu.memory_space<vmem>>) target_semaphore(%arg39 : memref<!tpu.dma_semaphore, #tpu.memory_space<semaphore_mem>>)
      %dma_start3A_816 = arith.constant 0 : i32
      %dma_start3A_817 = tpu.memref_slice %arg26[%dma_start3A_816] : memref<2000xi32, #tpu.memory_space<vmem>> -> memref<2000xi32, #tpu.memory_space<vmem>>
      %dma_start3A_818 = tpu.memref_slice %arg7[%add3A_797] : memref<800000xi32, #tpu.memory_space<hbm>> -> memref<2000xi32, #tpu.memory_space<hbm>>
      %dma_start3A_819 = arith.constant 0 : i32
      %dma_start3A_820 = tpu.memref_slice %arg26[%dma_start3A_819] : memref<2000xi32, #tpu.memory_space<vmem>> -> memref<2000xi32, #tpu.memory_space<vmem>>
      %dma_start3A_821 = tpu.memref_slice %arg7[%add3A_797] : memref<800000xi32, #tpu.memory_space<hbm>> -> memref<2000xi32, #tpu.memory_space<hbm>>
      tpu.enqueue_dma source(%dma_start3A_821 : memref<2000xi32, #tpu.memory_space<hbm>>) target(%dma_start3A_820 : memref<2000xi32, #tpu.memory_space<vmem>>) target_semaphore(%arg39 : memref<!tpu.dma_semaphore, #tpu.memory_space<semaphore_mem>>)
      %dma_start3A_822 = arith.constant 0 : i32
      %dma_start3A_823 = tpu.memref_slice %arg27[%dma_start3A_822] : memref<2000xi32, #tpu.memory_space<vmem>> -> memref<2000xi32, #tpu.memory_space<vmem>>
      %dma_start3A_824 = tpu.memref_slice %arg8[%add3A_797] : memref<800000xi32, #tpu.memory_space<hbm>> -> memref<2000xi32, #tpu.memory_space<hbm>>
      %dma_start3A_825 = arith.constant 0 : i32
      %dma_start3A_826 = tpu.memref_slice %arg27[%dma_start3A_825] : memref<2000xi32, #tpu.memory_space<vmem>> -> memref<2000xi32, #tpu.memory_space<vmem>>
      %dma_start3A_827 = tpu.memref_slice %arg8[%add3A_797] : memref<800000xi32, #tpu.memory_space<hbm>> -> memref<2000xi32, #tpu.memory_space<hbm>>
      tpu.enqueue_dma source(%dma_start3A_827 : memref<2000xi32, #tpu.memory_space<hbm>>) target(%dma_start3A_826 : memref<2000xi32, #tpu.memory_space<vmem>>) target_semaphore(%arg39 : memref<!tpu.dma_semaphore, #tpu.memory_space<semaphore_mem>>)
      %dma_start3A_828 = arith.constant 0 : i32
      %dma_start3A_829 = tpu.memref_slice %arg28[%dma_start3A_828] : memref<2000xi32, #tpu.memory_space<vmem>> -> memref<2000xi32, #tpu.memory_space<vmem>>
      %dma_start3A_830 = tpu.memref_slice %arg9[%add3A_797] : memref<800000xi32, #tpu.memory_space<hbm>> -> memref<2000xi32, #tpu.memory_space<hbm>>
      %dma_start3A_831 = arith.constant 0 : i32
      %dma_start3A_832 = tpu.memref_slice %arg28[%dma_start3A_831] : memref<2000xi32, #tpu.memory_space<vmem>> -> memref<2000xi32, #tpu.memory_space<vmem>>
      %dma_start3A_833 = tpu.memref_slice %arg9[%add3A_797] : memref<800000xi32, #tpu.memory_space<hbm>> -> memref<2000xi32, #tpu.memory_space<hbm>>
      tpu.enqueue_dma source(%dma_start3A_833 : memref<2000xi32, #tpu.memory_space<hbm>>) target(%dma_start3A_832 : memref<2000xi32, #tpu.memory_space<vmem>>) target_semaphore(%arg39 : memref<!tpu.dma_semaphore, #tpu.memory_space<semaphore_mem>>)
      %dma_wait3A_834 = arith.constant 0 : i32
      %dma_wait3A_835 = tpu.memref_slice %arg18[%dma_wait3A_834] : memref<2000xi32, #tpu.memory_space<vmem>> -> memref<2000xi32, #tpu.memory_space<vmem>>
      %dma_wait3A_836 = tpu.memref_slice %arg5[%add3A_797] : memref<800000xi32, #tpu.memory_space<hbm>> -> memref<2000xi32, #tpu.memory_space<hbm>>
      %dma_wait3A_837 = arith.constant 0 : i32
      %dma_wait3A_838 = tpu.memref_slice %arg18[%dma_wait3A_837] : memref<2000xi32, #tpu.memory_space<vmem>> -> memref<2000xi32, #tpu.memory_space<vmem>>
      %dma_wait3A_839 = tpu.memref_slice %arg5[%add3A_797] : memref<800000xi32, #tpu.memory_space<hbm>> -> memref<2000xi32, #tpu.memory_space<hbm>>
      tpu.wait_dma2 semaphore(%arg39 : memref<!tpu.dma_semaphore, #tpu.memory_space<semaphore_mem>>) src(%dma_wait3A_839 : memref<2000xi32, #tpu.memory_space<hbm>>) dst(%dma_wait3A_838 : memref<2000xi32, #tpu.memory_space<vmem>>)
      %dma_wait3A_840 = arith.constant 0 : i32
      %dma_wait3A_841 = tpu.memref_slice %arg19[%dma_wait3A_840] : memref<2000xi32, #tpu.memory_space<vmem>> -> memref<2000xi32, #tpu.memory_space<vmem>>
      %dma_wait3A_842 = tpu.memref_slice %arg6[%add3A_797] : memref<800000xi32, #tpu.memory_space<hbm>> -> memref<2000xi32, #tpu.memory_space<hbm>>
      %dma_wait3A_843 = arith.constant 0 : i32
      %dma_wait3A_844 = tpu.memref_slice %arg19[%dma_wait3A_843] : memref<2000xi32, #tpu.memory_space<vmem>> -> memref<2000xi32, #tpu.memory_space<vmem>>
      %dma_wait3A_845 = tpu.memref_slice %arg6[%add3A_797] : memref<800000xi32, #tpu.memory_space<hbm>> -> memref<2000xi32, #tpu.memory_space<hbm>>
      tpu.wait_dma2 semaphore(%arg39 : memref<!tpu.dma_semaphore, #tpu.memory_space<semaphore_mem>>) src(%dma_wait3A_845 : memref<2000xi32, #tpu.memory_space<hbm>>) dst(%dma_wait3A_844 : memref<2000xi32, #tpu.memory_space<vmem>>)
      %dma_wait3A_846 = arith.constant 0 : i32
      %dma_wait3A_847 = tpu.memref_slice %arg29[%dma_wait3A_846] : memref<2000xi32, #tpu.memory_space<vmem>> -> memref<2000xi32, #tpu.memory_space<vmem>>
      %dma_wait3A_848 = tpu.memref_slice %arg10[%add3A_797] : memref<800000xi32, #tpu.memory_space<hbm>> -> memref<2000xi32, #tpu.memory_space<hbm>>
      %dma_wait3A_849 = arith.constant 0 : i32
      %dma_wait3A_850 = tpu.memref_slice %arg29[%dma_wait3A_849] : memref<2000xi32, #tpu.memory_space<vmem>> -> memref<2000xi32, #tpu.memory_space<vmem>>
      %dma_wait3A_851 = tpu.memref_slice %arg10[%add3A_797] : memref<800000xi32, #tpu.memory_space<hbm>> -> memref<2000xi32, #tpu.memory_space<hbm>>
      tpu.wait_dma2 semaphore(%arg39 : memref<!tpu.dma_semaphore, #tpu.memory_space<semaphore_mem>>) src(%dma_wait3A_851 : memref<2000xi32, #tpu.memory_space<hbm>>) dst(%dma_wait3A_850 : memref<2000xi32, #tpu.memory_space<vmem>>)
      %dma_wait3A_852 = arith.constant 0 : i32
      %dma_wait3A_853 = tpu.memref_slice %arg26[%dma_wait3A_852] : memref<2000xi32, #tpu.memory_space<vmem>> -> memref<2000xi32, #tpu.memory_space<vmem>>
      %dma_wait3A_854 = tpu.memref_slice %arg7[%add3A_797] : memref<800000xi32, #tpu.memory_space<hbm>> -> memref<2000xi32, #tpu.memory_space<hbm>>
      %dma_wait3A_855 = arith.constant 0 : i32
      %dma_wait3A_856 = tpu.memref_slice %arg26[%dma_wait3A_855] : memref<2000xi32, #tpu.memory_space<vmem>> -> memref<2000xi32, #tpu.memory_space<vmem>>
      %dma_wait3A_857 = tpu.memref_slice %arg7[%add3A_797] : memref<800000xi32, #tpu.memory_space<hbm>> -> memref<2000xi32, #tpu.memory_space<hbm>>
      tpu.wait_dma2 semaphore(%arg39 : memref<!tpu.dma_semaphore, #tpu.memory_space<semaphore_mem>>) src(%dma_wait3A_857 : memref<2000xi32, #tpu.memory_space<hbm>>) dst(%dma_wait3A_856 : memref<2000xi32, #tpu.memory_space<vmem>>)
      %dma_wait3A_858 = arith.constant 0 : i32
      %dma_wait3A_859 = tpu.memref_slice %arg27[%dma_wait3A_858] : memref<2000xi32, #tpu.memory_space<vmem>> -> memref<2000xi32, #tpu.memory_space<vmem>>
      %dma_wait3A_860 = tpu.memref_slice %arg8[%add3A_797] : memref<800000xi32, #tpu.memory_space<hbm>> -> memref<2000xi32, #tpu.memory_space<hbm>>
      %dma_wait3A_861 = arith.constant 0 : i32
      %dma_wait3A_862 = tpu.memref_slice %arg27[%dma_wait3A_861] : memref<2000xi32, #tpu.memory_space<vmem>> -> memref<2000xi32, #tpu.memory_space<vmem>>
      %dma_wait3A_863 = tpu.memref_slice %arg8[%add3A_797] : memref<800000xi32, #tpu.memory_space<hbm>> -> memref<2000xi32, #tpu.memory_space<hbm>>
      tpu.wait_dma2 semaphore(%arg39 : memref<!tpu.dma_semaphore, #tpu.memory_space<semaphore_mem>>) src(%dma_wait3A_863 : memref<2000xi32, #tpu.memory_space<hbm>>) dst(%dma_wait3A_862 : memref<2000xi32, #tpu.memory_space<vmem>>)
      %dma_wait3A_864 = arith.constant 0 : i32
      %dma_wait3A_865 = tpu.memref_slice %arg28[%dma_wait3A_864] : memref<2000xi32, #tpu.memory_space<vmem>> -> memref<2000xi32, #tpu.memory_space<vmem>>
      %dma_wait3A_866 = tpu.memref_slice %arg9[%add3A_797] : memref<800000xi32, #tpu.memory_space<hbm>> -> memref<2000xi32, #tpu.memory_space<hbm>>
      %dma_wait3A_867 = arith.constant 0 : i32
      %dma_wait3A_868 = tpu.memref_slice %arg28[%dma_wait3A_867] : memref<2000xi32, #tpu.memory_space<vmem>> -> memref<2000xi32, #tpu.memory_space<vmem>>
      %dma_wait3A_869 = tpu.memref_slice %arg9[%add3A_797] : memref<800000xi32, #tpu.memory_space<hbm>> -> memref<2000xi32, #tpu.memory_space<hbm>>
      tpu.wait_dma2 semaphore(%arg39 : memref<!tpu.dma_semaphore, #tpu.memory_space<semaphore_mem>>) src(%dma_wait3A_869 : memref<2000xi32, #tpu.memory_space<hbm>>) dst(%dma_wait3A_868 : memref<2000xi32, #tpu.memory_space<vmem>>)
      %dma_start3A_870 = arith.constant 0 : i32
      %dma_start3A_871 = tpu.memref_slice %arg20[%dma_start3A_870] : memref<2000xf32, #tpu.memory_space<vmem>> -> memref<128xf32, #tpu.memory_space<vmem>>
      %dma_start3A_872 = arith.constant 0 : i32
      %dma_start3A_873 = tpu.memref_slice %arg18[%dma_start3A_872] : memref<2000xi32, #tpu.memory_space<vmem>> -> memref<128xi32, #tpu.memory_space<vmem>>
      %dma_start3A_874 = arith.constant 0 : i32
      %dma_start3A_875 = tpu.memref_slice %arg36[%dma_start3A_874] : memref<50000xf32, #tpu.memory_space<vmem_shared>> -> memref<50000xf32, #tpu.memory_space<vmem_shared>>
      tpu.enqueue_indirect_dma source(%dma_start3A_875 : memref<50000xf32, #tpu.memory_space<vmem_shared>>) target(%dma_start3A_871 : memref<128xf32, #tpu.memory_space<vmem>>) offsets(%dma_start3A_873 : memref<128xi32, #tpu.memory_space<vmem>>) semaphore(%arg40 : memref<!tpu.dma_semaphore, #tpu.memory_space<semaphore_mem>>)
      %dma_start3A_876 = arith.constant 0 : i32
      %dma_start3A_877 = tpu.memref_slice %arg21[%dma_start3A_876] : memref<2000xf32, #tpu.memory_space<vmem>> -> memref<128xf32, #tpu.memory_space<vmem>>
      %dma_start3A_878 = arith.constant 0 : i32
      %dma_start3A_879 = tpu.memref_slice %arg18[%dma_start3A_878] : memref<2000xi32, #tpu.memory_space<vmem>> -> memref<128xi32, #tpu.memory_space<vmem>>
      %dma_start3A_880 = arith.constant 0 : i32
      %dma_start3A_881 = tpu.memref_slice %arg37[%dma_start3A_880] : memref<50000xf32, #tpu.memory_space<vmem_shared>> -> memref<50000xf32, #tpu.memory_space<vmem_shared>>
      tpu.enqueue_indirect_dma source(%dma_start3A_881 : memref<50000xf32, #tpu.memory_space<vmem_shared>>) target(%dma_start3A_877 : memref<128xf32, #tpu.memory_space<vmem>>) offsets(%dma_start3A_879 : memref<128xi32, #tpu.memory_space<vmem>>) semaphore(%arg40 : memref<!tpu.dma_semaphore, #tpu.memory_space<semaphore_mem>>)
      %dma_start3A_882 = arith.constant 0 : i32
      %dma_start3A_883 = tpu.memref_slice %arg22[%dma_start3A_882] : memref<2000xf32, #tpu.memory_space<vmem>> -> memref<128xf32, #tpu.memory_space<vmem>>
      %dma_start3A_884 = arith.constant 0 : i32
      %dma_start3A_885 = tpu.memref_slice %arg18[%dma_start3A_884] : memref<2000xi32, #tpu.memory_space<vmem>> -> memref<128xi32, #tpu.memory_space<vmem>>
      %dma_start3A_886 = arith.constant 0 : i32
      %dma_start3A_887 = tpu.memref_slice %arg38[%dma_start3A_886] : memref<50000xf32, #tpu.memory_space<vmem_shared>> -> memref<50000xf32, #tpu.memory_space<vmem_shared>>
      tpu.enqueue_indirect_dma source(%dma_start3A_887 : memref<50000xf32, #tpu.memory_space<vmem_shared>>) target(%dma_start3A_883 : memref<128xf32, #tpu.memory_space<vmem>>) offsets(%dma_start3A_885 : memref<128xi32, #tpu.memory_space<vmem>>) semaphore(%arg40 : memref<!tpu.dma_semaphore, #tpu.memory_space<semaphore_mem>>)
      %dma_start3A_888 = arith.constant 0 : i32
      %dma_start3A_889 = tpu.memref_slice %arg23[%dma_start3A_888] : memref<2000xf32, #tpu.memory_space<vmem>> -> memref<128xf32, #tpu.memory_space<vmem>>
      %dma_start3A_890 = arith.constant 0 : i32
      %dma_start3A_891 = tpu.memref_slice %arg19[%dma_start3A_890] : memref<2000xi32, #tpu.memory_space<vmem>> -> memref<128xi32, #tpu.memory_space<vmem>>
      %dma_start3A_892 = arith.constant 0 : i32
      %dma_start3A_893 = tpu.memref_slice %arg36[%dma_start3A_892] : memref<50000xf32, #tpu.memory_space<vmem_shared>> -> memref<50000xf32, #tpu.memory_space<vmem_shared>>
      tpu.enqueue_indirect_dma source(%dma_start3A_893 : memref<50000xf32, #tpu.memory_space<vmem_shared>>) target(%dma_start3A_889 : memref<128xf32, #tpu.memory_space<vmem>>) offsets(%dma_start3A_891 : memref<128xi32, #tpu.memory_space<vmem>>) semaphore(%arg40 : memref<!tpu.dma_semaphore, #tpu.memory_space<semaphore_mem>>)
      %dma_start3A_894 = arith.constant 0 : i32
      %dma_start3A_895 = tpu.memref_slice %arg24[%dma_start3A_894] : memref<2000xf32, #tpu.memory_space<vmem>> -> memref<128xf32, #tpu.memory_space<vmem>>
      %dma_start3A_896 = arith.constant 0 : i32
      %dma_start3A_897 = tpu.memref_slice %arg19[%dma_start3A_896] : memref<2000xi32, #tpu.memory_space<vmem>> -> memref<128xi32, #tpu.memory_space<vmem>>
      %dma_start3A_898 = arith.constant 0 : i32
      %dma_start3A_899 = tpu.memref_slice %arg37[%dma_start3A_898] : memref<50000xf32, #tpu.memory_space<vmem_shared>> -> memref<50000xf32, #tpu.memory_space<vmem_shared>>
      tpu.enqueue_indirect_dma source(%dma_start3A_899 : memref<50000xf32, #tpu.memory_space<vmem_shared>>) target(%dma_start3A_895 : memref<128xf32, #tpu.memory_space<vmem>>) offsets(%dma_start3A_897 : memref<128xi32, #tpu.memory_space<vmem>>) semaphore(%arg40 : memref<!tpu.dma_semaphore, #tpu.memory_space<semaphore_mem>>)
      %dma_start3A_900 = arith.constant 0 : i32
      %dma_start3A_901 = tpu.memref_slice %arg25[%dma_start3A_900] : memref<2000xf32, #tpu.memory_space<vmem>> -> memref<128xf32, #tpu.memory_space<vmem>>
      %dma_start3A_902 = arith.constant 0 : i32
      %dma_start3A_903 = tpu.memref_slice %arg19[%dma_start3A_902] : memref<2000xi32, #tpu.memory_space<vmem>> -> memref<128xi32, #tpu.memory_space<vmem>>
      %dma_start3A_904 = arith.constant 0 : i32
      %dma_start3A_905 = tpu.memref_slice %arg38[%dma_start3A_904] : memref<50000xf32, #tpu.memory_space<vmem_shared>> -> memref<50000xf32, #tpu.memory_space<vmem_shared>>
      tpu.enqueue_indirect_dma source(%dma_start3A_905 : memref<50000xf32, #tpu.memory_space<vmem_shared>>) target(%dma_start3A_901 : memref<128xf32, #tpu.memory_space<vmem>>) offsets(%dma_start3A_903 : memref<128xi32, #tpu.memory_space<vmem>>) semaphore(%arg40 : memref<!tpu.dma_semaphore, #tpu.memory_space<semaphore_mem>>)
      %dma_start3A_906 = arith.constant 128 : i32
      %dma_start3A_907 = tpu.memref_slice %arg20[%dma_start3A_906] : memref<2000xf32, #tpu.memory_space<vmem>> -> memref<128xf32, #tpu.memory_space<vmem>>
      %dma_start3A_908 = arith.constant 128 : i32
      %dma_start3A_909 = tpu.memref_slice %arg18[%dma_start3A_908] : memref<2000xi32, #tpu.memory_space<vmem>> -> memref<128xi32, #tpu.memory_space<vmem>>
      %dma_start3A_910 = arith.constant 0 : i32
      %dma_start3A_911 = tpu.memref_slice %arg36[%dma_start3A_910] : memref<50000xf32, #tpu.memory_space<vmem_shared>> -> memref<50000xf32, #tpu.memory_space<vmem_shared>>
      tpu.enqueue_indirect_dma source(%dma_start3A_911 : memref<50000xf32, #tpu.memory_space<vmem_shared>>) target(%dma_start3A_907 : memref<128xf32, #tpu.memory_space<vmem>>) offsets(%dma_start3A_909 : memref<128xi32, #tpu.memory_space<vmem>>) semaphore(%arg40 : memref<!tpu.dma_semaphore, #tpu.memory_space<semaphore_mem>>)
      %dma_start3A_912 = arith.constant 128 : i32
      %dma_start3A_913 = tpu.memref_slice %arg21[%dma_start3A_912] : memref<2000xf32, #tpu.memory_space<vmem>> -> memref<128xf32, #tpu.memory_space<vmem>>
      %dma_start3A_914 = arith.constant 128 : i32
      %dma_start3A_915 = tpu.memref_slice %arg18[%dma_start3A_914] : memref<2000xi32, #tpu.memory_space<vmem>> -> memref<128xi32, #tpu.memory_space<vmem>>
      %dma_start3A_916 = arith.constant 0 : i32
      %dma_start3A_917 = tpu.memref_slice %arg37[%dma_start3A_916] : memref<50000xf32, #tpu.memory_space<vmem_shared>> -> memref<50000xf32, #tpu.memory_space<vmem_shared>>
      tpu.enqueue_indirect_dma source(%dma_start3A_917 : memref<50000xf32, #tpu.memory_space<vmem_shared>>) target(%dma_start3A_913 : memref<128xf32, #tpu.memory_space<vmem>>) offsets(%dma_start3A_915 : memref<128xi32, #tpu.memory_space<vmem>>) semaphore(%arg40 : memref<!tpu.dma_semaphore, #tpu.memory_space<semaphore_mem>>)
      %dma_start3A_918 = arith.constant 128 : i32
      %dma_start3A_919 = tpu.memref_slice %arg22[%dma_start3A_918] : memref<2000xf32, #tpu.memory_space<vmem>> -> memref<128xf32, #tpu.memory_space<vmem>>
      %dma_start3A_920 = arith.constant 128 : i32
      %dma_start3A_921 = tpu.memref_slice %arg18[%dma_start3A_920] : memref<2000xi32, #tpu.memory_space<vmem>> -> memref<128xi32, #tpu.memory_space<vmem>>
      %dma_start3A_922 = arith.constant 0 : i32
      %dma_start3A_923 = tpu.memref_slice %arg38[%dma_start3A_922] : memref<50000xf32, #tpu.memory_space<vmem_shared>> -> memref<50000xf32, #tpu.memory_space<vmem_shared>>
      tpu.enqueue_indirect_dma source(%dma_start3A_923 : memref<50000xf32, #tpu.memory_space<vmem_shared>>) target(%dma_start3A_919 : memref<128xf32, #tpu.memory_space<vmem>>) offsets(%dma_start3A_921 : memref<128xi32, #tpu.memory_space<vmem>>) semaphore(%arg40 : memref<!tpu.dma_semaphore, #tpu.memory_space<semaphore_mem>>)
      %dma_start3A_924 = arith.constant 128 : i32
      %dma_start3A_925 = tpu.memref_slice %arg23[%dma_start3A_924] : memref<2000xf32, #tpu.memory_space<vmem>> -> memref<128xf32, #tpu.memory_space<vmem>>
      %dma_start3A_926 = arith.constant 128 : i32
      %dma_start3A_927 = tpu.memref_slice %arg19[%dma_start3A_926] : memref<2000xi32, #tpu.memory_space<vmem>> -> memref<128xi32, #tpu.memory_space<vmem>>
      %dma_start3A_928 = arith.constant 0 : i32
      %dma_start3A_929 = tpu.memref_slice %arg36[%dma_start3A_928] : memref<50000xf32, #tpu.memory_space<vmem_shared>> -> memref<50000xf32, #tpu.memory_space<vmem_shared>>
      tpu.enqueue_indirect_dma source(%dma_start3A_929 : memref<50000xf32, #tpu.memory_space<vmem_shared>>) target(%dma_start3A_925 : memref<128xf32, #tpu.memory_space<vmem>>) offsets(%dma_start3A_927 : memref<128xi32, #tpu.memory_space<vmem>>) semaphore(%arg40 : memref<!tpu.dma_semaphore, #tpu.memory_space<semaphore_mem>>)
      %dma_start3A_930 = arith.constant 128 : i32
      %dma_start3A_931 = tpu.memref_slice %arg24[%dma_start3A_930] : memref<2000xf32, #tpu.memory_space<vmem>> -> memref<128xf32, #tpu.memory_space<vmem>>
      %dma_start3A_932 = arith.constant 128 : i32
      %dma_start3A_933 = tpu.memref_slice %arg19[%dma_start3A_932] : memref<2000xi32, #tpu.memory_space<vmem>> -> memref<128xi32, #tpu.memory_space<vmem>>
      %dma_start3A_934 = arith.constant 0 : i32
      %dma_start3A_935 = tpu.memref_slice %arg37[%dma_start3A_934] : memref<50000xf32, #tpu.memory_space<vmem_shared>> -> memref<50000xf32, #tpu.memory_space<vmem_shared>>
      tpu.enqueue_indirect_dma source(%dma_start3A_935 : memref<50000xf32, #tpu.memory_space<vmem_shared>>) target(%dma_start3A_931 : memref<128xf32, #tpu.memory_space<vmem>>) offsets(%dma_start3A_933 : memref<128xi32, #tpu.memory_space<vmem>>) semaphore(%arg40 : memref<!tpu.dma_semaphore, #tpu.memory_space<semaphore_mem>>)
      %dma_start3A_936 = arith.constant 128 : i32
      %dma_start3A_937 = tpu.memref_slice %arg25[%dma_start3A_936] : memref<2000xf32, #tpu.memory_space<vmem>> -> memref<128xf32, #tpu.memory_space<vmem>>
      %dma_start3A_938 = arith.constant 128 : i32
      %dma_start3A_939 = tpu.memref_slice %arg19[%dma_start3A_938] : memref<2000xi32, #tpu.memory_space<vmem>> -> memref<128xi32, #tpu.memory_space<vmem>>
      %dma_start3A_940 = arith.constant 0 : i32
      %dma_start3A_941 = tpu.memref_slice %arg38[%dma_start3A_940] : memref<50000xf32, #tpu.memory_space<vmem_shared>> -> memref<50000xf32, #tpu.memory_space<vmem_shared>>
      tpu.enqueue_indirect_dma source(%dma_start3A_941 : memref<50000xf32, #tpu.memory_space<vmem_shared>>) target(%dma_start3A_937 : memref<128xf32, #tpu.memory_space<vmem>>) offsets(%dma_start3A_939 : memref<128xi32, #tpu.memory_space<vmem>>) semaphore(%arg40 : memref<!tpu.dma_semaphore, #tpu.memory_space<semaphore_mem>>)
      %dma_start3A_942 = arith.constant 256 : i32
      %dma_start3A_943 = tpu.memref_slice %arg20[%dma_start3A_942] : memref<2000xf32, #tpu.memory_space<vmem>> -> memref<128xf32, #tpu.memory_space<vmem>>
      %dma_start3A_944 = arith.constant 256 : i32
      %dma_start3A_945 = tpu.memref_slice %arg18[%dma_start3A_944] : memref<2000xi32, #tpu.memory_space<vmem>> -> memref<128xi32, #tpu.memory_space<vmem>>
      %dma_start3A_946 = arith.constant 0 : i32
      %dma_start3A_947 = tpu.memref_slice %arg36[%dma_start3A_946] : memref<50000xf32, #tpu.memory_space<vmem_shared>> -> memref<50000xf32, #tpu.memory_space<vmem_shared>>
      tpu.enqueue_indirect_dma source(%dma_start3A_947 : memref<50000xf32, #tpu.memory_space<vmem_shared>>) target(%dma_start3A_943 : memref<128xf32, #tpu.memory_space<vmem>>) offsets(%dma_start3A_945 : memref<128xi32, #tpu.memory_space<vmem>>) semaphore(%arg40 : memref<!tpu.dma_semaphore, #tpu.memory_space<semaphore_mem>>)
      %dma_start3A_948 = arith.constant 256 : i32
      %dma_start3A_949 = tpu.memref_slice %arg21[%dma_start3A_948] : memref<2000xf32, #tpu.memory_space<vmem>> -> memref<128xf32, #tpu.memory_space<vmem>>
      %dma_start3A_950 = arith.constant 256 : i32
      %dma_start3A_951 = tpu.memref_slice %arg18[%dma_start3A_950] : memref<2000xi32, #tpu.memory_space<vmem>> -> memref<128xi32, #tpu.memory_space<vmem>>
      %dma_start3A_952 = arith.constant 0 : i32
      %dma_start3A_953 = tpu.memref_slice %arg37[%dma_start3A_952] : memref<50000xf32, #tpu.memory_space<vmem_shared>> -> memref<50000xf32, #tpu.memory_space<vmem_shared>>
      tpu.enqueue_indirect_dma source(%dma_start3A_953 : memref<50000xf32, #tpu.memory_space<vmem_shared>>) target(%dma_start3A_949 : memref<128xf32, #tpu.memory_space<vmem>>) offsets(%dma_start3A_951 : memref<128xi32, #tpu.memory_space<vmem>>) semaphore(%arg40 : memref<!tpu.dma_semaphore, #tpu.memory_space<semaphore_mem>>)
      %dma_start3A_954 = arith.constant 256 : i32
      %dma_start3A_955 = tpu.memref_slice %arg22[%dma_start3A_954] : memref<2000xf32, #tpu.memory_space<vmem>> -> memref<128xf32, #tpu.memory_space<vmem>>
      %dma_start3A_956 = arith.constant 256 : i32
      %dma_start3A_957 = tpu.memref_slice %arg18[%dma_start3A_956] : memref<2000xi32, #tpu.memory_space<vmem>> -> memref<128xi32, #tpu.memory_space<vmem>>
      %dma_start3A_958 = arith.constant 0 : i32
      %dma_start3A_959 = tpu.memref_slice %arg38[%dma_start3A_958] : memref<50000xf32, #tpu.memory_space<vmem_shared>> -> memref<50000xf32, #tpu.memory_space<vmem_shared>>
      tpu.enqueue_indirect_dma source(%dma_start3A_959 : memref<50000xf32, #tpu.memory_space<vmem_shared>>) target(%dma_start3A_955 : memref<128xf32, #tpu.memory_space<vmem>>) offsets(%dma_start3A_957 : memref<128xi32, #tpu.memory_space<vmem>>) semaphore(%arg40 : memref<!tpu.dma_semaphore, #tpu.memory_space<semaphore_mem>>)
      %dma_start3A_960 = arith.constant 256 : i32
      %dma_start3A_961 = tpu.memref_slice %arg23[%dma_start3A_960] : memref<2000xf32, #tpu.memory_space<vmem>> -> memref<128xf32, #tpu.memory_space<vmem>>
      %dma_start3A_962 = arith.constant 256 : i32
      %dma_start3A_963 = tpu.memref_slice %arg19[%dma_start3A_962] : memref<2000xi32, #tpu.memory_space<vmem>> -> memref<128xi32, #tpu.memory_space<vmem>>
      %dma_start3A_964 = arith.constant 0 : i32
      %dma_start3A_965 = tpu.memref_slice %arg36[%dma_start3A_964] : memref<50000xf32, #tpu.memory_space<vmem_shared>> -> memref<50000xf32, #tpu.memory_space<vmem_shared>>
      tpu.enqueue_indirect_dma source(%dma_start3A_965 : memref<50000xf32, #tpu.memory_space<vmem_shared>>) target(%dma_start3A_961 : memref<128xf32, #tpu.memory_space<vmem>>) offsets(%dma_start3A_963 : memref<128xi32, #tpu.memory_space<vmem>>) semaphore(%arg40 : memref<!tpu.dma_semaphore, #tpu.memory_space<semaphore_mem>>)
      %dma_start3A_966 = arith.constant 256 : i32
      %dma_start3A_967 = tpu.memref_slice %arg24[%dma_start3A_966] : memref<2000xf32, #tpu.memory_space<vmem>> -> memref<128xf32, #tpu.memory_space<vmem>>
      %dma_start3A_968 = arith.constant 256 : i32
      %dma_start3A_969 = tpu.memref_slice %arg19[%dma_start3A_968] : memref<2000xi32, #tpu.memory_space<vmem>> -> memref<128xi32, #tpu.memory_space<vmem>>
      %dma_start3A_970 = arith.constant 0 : i32
      %dma_start3A_971 = tpu.memref_slice %arg37[%dma_start3A_970] : memref<50000xf32, #tpu.memory_space<vmem_shared>> -> memref<50000xf32, #tpu.memory_space<vmem_shared>>
      tpu.enqueue_indirect_dma source(%dma_start3A_971 : memref<50000xf32, #tpu.memory_space<vmem_shared>>) target(%dma_start3A_967 : memref<128xf32, #tpu.memory_space<vmem>>) offsets(%dma_start3A_969 : memref<128xi32, #tpu.memory_space<vmem>>) semaphore(%arg40 : memref<!tpu.dma_semaphore, #tpu.memory_space<semaphore_mem>>)
      %dma_start3A_972 = arith.constant 256 : i32
      %dma_start3A_973 = tpu.memref_slice %arg25[%dma_start3A_972] : memref<2000xf32, #tpu.memory_space<vmem>> -> memref<128xf32, #tpu.memory_space<vmem>>
      %dma_start3A_974 = arith.constant 256 : i32
      %dma_start3A_975 = tpu.memref_slice %arg19[%dma_start3A_974] : memref<2000xi32, #tpu.memory_space<vmem>> -> memref<128xi32, #tpu.memory_space<vmem>>
      %dma_start3A_976 = arith.constant 0 : i32
      %dma_start3A_977 = tpu.memref_slice %arg38[%dma_start3A_976] : memref<50000xf32, #tpu.memory_space<vmem_shared>> -> memref<50000xf32, #tpu.memory_space<vmem_shared>>
      tpu.enqueue_indirect_dma source(%dma_start3A_977 : memref<50000xf32, #tpu.memory_space<vmem_shared>>) target(%dma_start3A_973 : memref<128xf32, #tpu.memory_space<vmem>>) offsets(%dma_start3A_975 : memref<128xi32, #tpu.memory_space<vmem>>) semaphore(%arg40 : memref<!tpu.dma_semaphore, #tpu.memory_space<semaphore_mem>>)
      %dma_start3A_978 = arith.constant 384 : i32
      %dma_start3A_979 = tpu.memref_slice %arg20[%dma_start3A_978] : memref<2000xf32, #tpu.memory_space<vmem>> -> memref<128xf32, #tpu.memory_space<vmem>>
      %dma_start3A_980 = arith.constant 384 : i32
      %dma_start3A_981 = tpu.memref_slice %arg18[%dma_start3A_980] : memref<2000xi32, #tpu.memory_space<vmem>> -> memref<128xi32, #tpu.memory_space<vmem>>
      %dma_start3A_982 = arith.constant 0 : i32
      %dma_start3A_983 = tpu.memref_slice %arg36[%dma_start3A_982] : memref<50000xf32, #tpu.memory_space<vmem_shared>> -> memref<50000xf32, #tpu.memory_space<vmem_shared>>
      tpu.enqueue_indirect_dma source(%dma_start3A_983 : memref<50000xf32, #tpu.memory_space<vmem_shared>>) target(%dma_start3A_979 : memref<128xf32, #tpu.memory_space<vmem>>) offsets(%dma_start3A_981 : memref<128xi32, #tpu.memory_space<vmem>>) semaphore(%arg40 : memref<!tpu.dma_semaphore, #tpu.memory_space<semaphore_mem>>)
      %dma_start3A_984 = arith.constant 384 : i32
      %dma_start3A_985 = tpu.memref_slice %arg21[%dma_start3A_984] : memref<2000xf32, #tpu.memory_space<vmem>> -> memref<128xf32, #tpu.memory_space<vmem>>
      %dma_start3A_986 = arith.constant 384 : i32
      %dma_start3A_987 = tpu.memref_slice %arg18[%dma_start3A_986] : memref<2000xi32, #tpu.memory_space<vmem>> -> memref<128xi32, #tpu.memory_space<vmem>>
      %dma_start3A_988 = arith.constant 0 : i32
      %dma_start3A_989 = tpu.memref_slice %arg37[%dma_start3A_988] : memref<50000xf32, #tpu.memory_space<vmem_shared>> -> memref<50000xf32, #tpu.memory_space<vmem_shared>>
      tpu.enqueue_indirect_dma source(%dma_start3A_989 : memref<50000xf32, #tpu.memory_space<vmem_shared>>) target(%dma_start3A_985 : memref<128xf32, #tpu.memory_space<vmem>>) offsets(%dma_start3A_987 : memref<128xi32, #tpu.memory_space<vmem>>) semaphore(%arg40 : memref<!tpu.dma_semaphore, #tpu.memory_space<semaphore_mem>>)
      %dma_start3A_990 = arith.constant 384 : i32
      %dma_start3A_991 = tpu.memref_slice %arg22[%dma_start3A_990] : memref<2000xf32, #tpu.memory_space<vmem>> -> memref<128xf32, #tpu.memory_space<vmem>>
      %dma_start3A_992 = arith.constant 384 : i32
      %dma_start3A_993 = tpu.memref_slice %arg18[%dma_start3A_992] : memref<2000xi32, #tpu.memory_space<vmem>> -> memref<128xi32, #tpu.memory_space<vmem>>
      %dma_start3A_994 = arith.constant 0 : i32
      %dma_start3A_995 = tpu.memref_slice %arg38[%dma_start3A_994] : memref<50000xf32, #tpu.memory_space<vmem_shared>> -> memref<50000xf32, #tpu.memory_space<vmem_shared>>
      tpu.enqueue_indirect_dma source(%dma_start3A_995 : memref<50000xf32, #tpu.memory_space<vmem_shared>>) target(%dma_start3A_991 : memref<128xf32, #tpu.memory_space<vmem>>) offsets(%dma_start3A_993 : memref<128xi32, #tpu.memory_space<vmem>>) semaphore(%arg40 : memref<!tpu.dma_semaphore, #tpu.memory_space<semaphore_mem>>)
      %dma_start3A_996 = arith.constant 384 : i32
      %dma_start3A_997 = tpu.memref_slice %arg23[%dma_start3A_996] : memref<2000xf32, #tpu.memory_space<vmem>> -> memref<128xf32, #tpu.memory_space<vmem>>
      %dma_start3A_998 = arith.constant 384 : i32
      %dma_start3A_999 = tpu.memref_slice %arg19[%dma_start3A_998] : memref<2000xi32, #tpu.memory_space<vmem>> -> memref<128xi32, #tpu.memory_space<vmem>>
      %dma_start3A_1000 = arith.constant 0 : i32
      %dma_start3A_1001 = tpu.memref_slice %arg36[%dma_start3A_1000] : memref<50000xf32, #tpu.memory_space<vmem_shared>> -> memref<50000xf32, #tpu.memory_space<vmem_shared>>
      tpu.enqueue_indirect_dma source(%dma_start3A_1001 : memref<50000xf32, #tpu.memory_space<vmem_shared>>) target(%dma_start3A_997 : memref<128xf32, #tpu.memory_space<vmem>>) offsets(%dma_start3A_999 : memref<128xi32, #tpu.memory_space<vmem>>) semaphore(%arg40 : memref<!tpu.dma_semaphore, #tpu.memory_space<semaphore_mem>>)
      %dma_start3A_1002 = arith.constant 384 : i32
      %dma_start3A_1003 = tpu.memref_slice %arg24[%dma_start3A_1002] : memref<2000xf32, #tpu.memory_space<vmem>> -> memref<128xf32, #tpu.memory_space<vmem>>
      %dma_start3A_1004 = arith.constant 384 : i32
      %dma_start3A_1005 = tpu.memref_slice %arg19[%dma_start3A_1004] : memref<2000xi32, #tpu.memory_space<vmem>> -> memref<128xi32, #tpu.memory_space<vmem>>
      %dma_start3A_1006 = arith.constant 0 : i32
      %dma_start3A_1007 = tpu.memref_slice %arg37[%dma_start3A_1006] : memref<50000xf32, #tpu.memory_space<vmem_shared>> -> memref<50000xf32, #tpu.memory_space<vmem_shared>>
      tpu.enqueue_indirect_dma source(%dma_start3A_1007 : memref<50000xf32, #tpu.memory_space<vmem_shared>>) target(%dma_start3A_1003 : memref<128xf32, #tpu.memory_space<vmem>>) offsets(%dma_start3A_1005 : memref<128xi32, #tpu.memory_space<vmem>>) semaphore(%arg40 : memref<!tpu.dma_semaphore, #tpu.memory_space<semaphore_mem>>)
      %dma_start3A_1008 = arith.constant 384 : i32
      %dma_start3A_1009 = tpu.memref_slice %arg25[%dma_start3A_1008] : memref<2000xf32, #tpu.memory_space<vmem>> -> memref<128xf32, #tpu.memory_space<vmem>>
      %dma_start3A_1010 = arith.constant 384 : i32
      %dma_start3A_1011 = tpu.memref_slice %arg19[%dma_start3A_1010] : memref<2000xi32, #tpu.memory_space<vmem>> -> memref<128xi32, #tpu.memory_space<vmem>>
      %dma_start3A_1012 = arith.constant 0 : i32
      %dma_start3A_1013 = tpu.memref_slice %arg38[%dma_start3A_1012] : memref<50000xf32, #tpu.memory_space<vmem_shared>> -> memref<50000xf32, #tpu.memory_space<vmem_shared>>
      tpu.enqueue_indirect_dma source(%dma_start3A_1013 : memref<50000xf32, #tpu.memory_space<vmem_shared>>) target(%dma_start3A_1009 : memref<128xf32, #tpu.memory_space<vmem>>) offsets(%dma_start3A_1011 : memref<128xi32, #tpu.memory_space<vmem>>) semaphore(%arg40 : memref<!tpu.dma_semaphore, #tpu.memory_space<semaphore_mem>>)
      %dma_start3A_1014 = arith.constant 512 : i32
      %dma_start3A_1015 = tpu.memref_slice %arg20[%dma_start3A_1014] : memref<2000xf32, #tpu.memory_space<vmem>> -> memref<128xf32, #tpu.memory_space<vmem>>
      %dma_start3A_1016 = arith.constant 512 : i32
      %dma_start3A_1017 = tpu.memref_slice %arg18[%dma_start3A_1016] : memref<2000xi32, #tpu.memory_space<vmem>> -> memref<128xi32, #tpu.memory_space<vmem>>
      %dma_start3A_1018 = arith.constant 0 : i32
      %dma_start3A_1019 = tpu.memref_slice %arg36[%dma_start3A_1018] : memref<50000xf32, #tpu.memory_space<vmem_shared>> -> memref<50000xf32, #tpu.memory_space<vmem_shared>>
      tpu.enqueue_indirect_dma source(%dma_start3A_1019 : memref<50000xf32, #tpu.memory_space<vmem_shared>>) target(%dma_start3A_1015 : memref<128xf32, #tpu.memory_space<vmem>>) offsets(%dma_start3A_1017 : memref<128xi32, #tpu.memory_space<vmem>>) semaphore(%arg40 : memref<!tpu.dma_semaphore, #tpu.memory_space<semaphore_mem>>)
      %dma_start3A_1020 = arith.constant 512 : i32
      %dma_start3A_1021 = tpu.memref_slice %arg21[%dma_start3A_1020] : memref<2000xf32, #tpu.memory_space<vmem>> -> memref<128xf32, #tpu.memory_space<vmem>>
      %dma_start3A_1022 = arith.constant 512 : i32
      %dma_start3A_1023 = tpu.memref_slice %arg18[%dma_start3A_1022] : memref<2000xi32, #tpu.memory_space<vmem>> -> memref<128xi32, #tpu.memory_space<vmem>>
      %dma_start3A_1024 = arith.constant 0 : i32
      %dma_start3A_1025 = tpu.memref_slice %arg37[%dma_start3A_1024] : memref<50000xf32, #tpu.memory_space<vmem_shared>> -> memref<50000xf32, #tpu.memory_space<vmem_shared>>
      tpu.enqueue_indirect_dma source(%dma_start3A_1025 : memref<50000xf32, #tpu.memory_space<vmem_shared>>) target(%dma_start3A_1021 : memref<128xf32, #tpu.memory_space<vmem>>) offsets(%dma_start3A_1023 : memref<128xi32, #tpu.memory_space<vmem>>) semaphore(%arg40 : memref<!tpu.dma_semaphore, #tpu.memory_space<semaphore_mem>>)
      %dma_start3A_1026 = arith.constant 512 : i32
      %dma_start3A_1027 = tpu.memref_slice %arg22[%dma_start3A_1026] : memref<2000xf32, #tpu.memory_space<vmem>> -> memref<128xf32, #tpu.memory_space<vmem>>
      %dma_start3A_1028 = arith.constant 512 : i32
      %dma_start3A_1029 = tpu.memref_slice %arg18[%dma_start3A_1028] : memref<2000xi32, #tpu.memory_space<vmem>> -> memref<128xi32, #tpu.memory_space<vmem>>
      %dma_start3A_1030 = arith.constant 0 : i32
      %dma_start3A_1031 = tpu.memref_slice %arg38[%dma_start3A_1030] : memref<50000xf32, #tpu.memory_space<vmem_shared>> -> memref<50000xf32, #tpu.memory_space<vmem_shared>>
      tpu.enqueue_indirect_dma source(%dma_start3A_1031 : memref<50000xf32, #tpu.memory_space<vmem_shared>>) target(%dma_start3A_1027 : memref<128xf32, #tpu.memory_space<vmem>>) offsets(%dma_start3A_1029 : memref<128xi32, #tpu.memory_space<vmem>>) semaphore(%arg40 : memref<!tpu.dma_semaphore, #tpu.memory_space<semaphore_mem>>)
      %dma_start3A_1032 = arith.constant 512 : i32
      %dma_start3A_1033 = tpu.memref_slice %arg23[%dma_start3A_1032] : memref<2000xf32, #tpu.memory_space<vmem>> -> memref<128xf32, #tpu.memory_space<vmem>>
      %dma_start3A_1034 = arith.constant 512 : i32
      %dma_start3A_1035 = tpu.memref_slice %arg19[%dma_start3A_1034] : memref<2000xi32, #tpu.memory_space<vmem>> -> memref<128xi32, #tpu.memory_space<vmem>>
      %dma_start3A_1036 = arith.constant 0 : i32
      %dma_start3A_1037 = tpu.memref_slice %arg36[%dma_start3A_1036] : memref<50000xf32, #tpu.memory_space<vmem_shared>> -> memref<50000xf32, #tpu.memory_space<vmem_shared>>
      tpu.enqueue_indirect_dma source(%dma_start3A_1037 : memref<50000xf32, #tpu.memory_space<vmem_shared>>) target(%dma_start3A_1033 : memref<128xf32, #tpu.memory_space<vmem>>) offsets(%dma_start3A_1035 : memref<128xi32, #tpu.memory_space<vmem>>) semaphore(%arg40 : memref<!tpu.dma_semaphore, #tpu.memory_space<semaphore_mem>>)
      %dma_start3A_1038 = arith.constant 512 : i32
      %dma_start3A_1039 = tpu.memref_slice %arg24[%dma_start3A_1038] : memref<2000xf32, #tpu.memory_space<vmem>> -> memref<128xf32, #tpu.memory_space<vmem>>
      %dma_start3A_1040 = arith.constant 512 : i32
      %dma_start3A_1041 = tpu.memref_slice %arg19[%dma_start3A_1040] : memref<2000xi32, #tpu.memory_space<vmem>> -> memref<128xi32, #tpu.memory_space<vmem>>
      %dma_start3A_1042 = arith.constant 0 : i32
      %dma_start3A_1043 = tpu.memref_slice %arg37[%dma_start3A_1042] : memref<50000xf32, #tpu.memory_space<vmem_shared>> -> memref<50000xf32, #tpu.memory_space<vmem_shared>>
      tpu.enqueue_indirect_dma source(%dma_start3A_1043 : memref<50000xf32, #tpu.memory_space<vmem_shared>>) target(%dma_start3A_1039 : memref<128xf32, #tpu.memory_space<vmem>>) offsets(%dma_start3A_1041 : memref<128xi32, #tpu.memory_space<vmem>>) semaphore(%arg40 : memref<!tpu.dma_semaphore, #tpu.memory_space<semaphore_mem>>)
      %dma_start3A_1044 = arith.constant 512 : i32
      %dma_start3A_1045 = tpu.memref_slice %arg25[%dma_start3A_1044] : memref<2000xf32, #tpu.memory_space<vmem>> -> memref<128xf32, #tpu.memory_space<vmem>>
      %dma_start3A_1046 = arith.constant 512 : i32
      %dma_start3A_1047 = tpu.memref_slice %arg19[%dma_start3A_1046] : memref<2000xi32, #tpu.memory_space<vmem>> -> memref<128xi32, #tpu.memory_space<vmem>>
      %dma_start3A_1048 = arith.constant 0 : i32
      %dma_start3A_1049 = tpu.memref_slice %arg38[%dma_start3A_1048] : memref<50000xf32, #tpu.memory_space<vmem_shared>> -> memref<50000xf32, #tpu.memory_space<vmem_shared>>
      tpu.enqueue_indirect_dma source(%dma_start3A_1049 : memref<50000xf32, #tpu.memory_space<vmem_shared>>) target(%dma_start3A_1045 : memref<128xf32, #tpu.memory_space<vmem>>) offsets(%dma_start3A_1047 : memref<128xi32, #tpu.memory_space<vmem>>) semaphore(%arg40 : memref<!tpu.dma_semaphore, #tpu.memory_space<semaphore_mem>>)
      %dma_start3A_1050 = arith.constant 640 : i32
      %dma_start3A_1051 = tpu.memref_slice %arg20[%dma_start3A_1050] : memref<2000xf32, #tpu.memory_space<vmem>> -> memref<128xf32, #tpu.memory_space<vmem>>
      %dma_start3A_1052 = arith.constant 640 : i32
      %dma_start3A_1053 = tpu.memref_slice %arg18[%dma_start3A_1052] : memref<2000xi32, #tpu.memory_space<vmem>> -> memref<128xi32, #tpu.memory_space<vmem>>
      %dma_start3A_1054 = arith.constant 0 : i32
      %dma_start3A_1055 = tpu.memref_slice %arg36[%dma_start3A_1054] : memref<50000xf32, #tpu.memory_space<vmem_shared>> -> memref<50000xf32, #tpu.memory_space<vmem_shared>>
      tpu.enqueue_indirect_dma source(%dma_start3A_1055 : memref<50000xf32, #tpu.memory_space<vmem_shared>>) target(%dma_start3A_1051 : memref<128xf32, #tpu.memory_space<vmem>>) offsets(%dma_start3A_1053 : memref<128xi32, #tpu.memory_space<vmem>>) semaphore(%arg40 : memref<!tpu.dma_semaphore, #tpu.memory_space<semaphore_mem>>)
      %dma_start3A_1056 = arith.constant 640 : i32
      %dma_start3A_1057 = tpu.memref_slice %arg21[%dma_start3A_1056] : memref<2000xf32, #tpu.memory_space<vmem>> -> memref<128xf32, #tpu.memory_space<vmem>>
      %dma_start3A_1058 = arith.constant 640 : i32
      %dma_start3A_1059 = tpu.memref_slice %arg18[%dma_start3A_1058] : memref<2000xi32, #tpu.memory_space<vmem>> -> memref<128xi32, #tpu.memory_space<vmem>>
      %dma_start3A_1060 = arith.constant 0 : i32
      %dma_start3A_1061 = tpu.memref_slice %arg37[%dma_start3A_1060] : memref<50000xf32, #tpu.memory_space<vmem_shared>> -> memref<50000xf32, #tpu.memory_space<vmem_shared>>
      tpu.enqueue_indirect_dma source(%dma_start3A_1061 : memref<50000xf32, #tpu.memory_space<vmem_shared>>) target(%dma_start3A_1057 : memref<128xf32, #tpu.memory_space<vmem>>) offsets(%dma_start3A_1059 : memref<128xi32, #tpu.memory_space<vmem>>) semaphore(%arg40 : memref<!tpu.dma_semaphore, #tpu.memory_space<semaphore_mem>>)
      %dma_start3A_1062 = arith.constant 640 : i32
      %dma_start3A_1063 = tpu.memref_slice %arg22[%dma_start3A_1062] : memref<2000xf32, #tpu.memory_space<vmem>> -> memref<128xf32, #tpu.memory_space<vmem>>
      %dma_start3A_1064 = arith.constant 640 : i32
      %dma_start3A_1065 = tpu.memref_slice %arg18[%dma_start3A_1064] : memref<2000xi32, #tpu.memory_space<vmem>> -> memref<128xi32, #tpu.memory_space<vmem>>
      %dma_start3A_1066 = arith.constant 0 : i32
      %dma_start3A_1067 = tpu.memref_slice %arg38[%dma_start3A_1066] : memref<50000xf32, #tpu.memory_space<vmem_shared>> -> memref<50000xf32, #tpu.memory_space<vmem_shared>>
      tpu.enqueue_indirect_dma source(%dma_start3A_1067 : memref<50000xf32, #tpu.memory_space<vmem_shared>>) target(%dma_start3A_1063 : memref<128xf32, #tpu.memory_space<vmem>>) offsets(%dma_start3A_1065 : memref<128xi32, #tpu.memory_space<vmem>>) semaphore(%arg40 : memref<!tpu.dma_semaphore, #tpu.memory_space<semaphore_mem>>)
      %dma_start3A_1068 = arith.constant 640 : i32
      %dma_start3A_1069 = tpu.memref_slice %arg23[%dma_start3A_1068] : memref<2000xf32, #tpu.memory_space<vmem>> -> memref<128xf32, #tpu.memory_space<vmem>>
      %dma_start3A_1070 = arith.constant 640 : i32
      %dma_start3A_1071 = tpu.memref_slice %arg19[%dma_start3A_1070] : memref<2000xi32, #tpu.memory_space<vmem>> -> memref<128xi32, #tpu.memory_space<vmem>>
      %dma_start3A_1072 = arith.constant 0 : i32
      %dma_start3A_1073 = tpu.memref_slice %arg36[%dma_start3A_1072] : memref<50000xf32, #tpu.memory_space<vmem_shared>> -> memref<50000xf32, #tpu.memory_space<vmem_shared>>
      tpu.enqueue_indirect_dma source(%dma_start3A_1073 : memref<50000xf32, #tpu.memory_space<vmem_shared>>) target(%dma_start3A_1069 : memref<128xf32, #tpu.memory_space<vmem>>) offsets(%dma_start3A_1071 : memref<128xi32, #tpu.memory_space<vmem>>) semaphore(%arg40 : memref<!tpu.dma_semaphore, #tpu.memory_space<semaphore_mem>>)
      %dma_start3A_1074 = arith.constant 640 : i32
      %dma_start3A_1075 = tpu.memref_slice %arg24[%dma_start3A_1074] : memref<2000xf32, #tpu.memory_space<vmem>> -> memref<128xf32, #tpu.memory_space<vmem>>
      %dma_start3A_1076 = arith.constant 640 : i32
      %dma_start3A_1077 = tpu.memref_slice %arg19[%dma_start3A_1076] : memref<2000xi32, #tpu.memory_space<vmem>> -> memref<128xi32, #tpu.memory_space<vmem>>
      %dma_start3A_1078 = arith.constant 0 : i32
      %dma_start3A_1079 = tpu.memref_slice %arg37[%dma_start3A_1078] : memref<50000xf32, #tpu.memory_space<vmem_shared>> -> memref<50000xf32, #tpu.memory_space<vmem_shared>>
      tpu.enqueue_indirect_dma source(%dma_start3A_1079 : memref<50000xf32, #tpu.memory_space<vmem_shared>>) target(%dma_start3A_1075 : memref<128xf32, #tpu.memory_space<vmem>>) offsets(%dma_start3A_1077 : memref<128xi32, #tpu.memory_space<vmem>>) semaphore(%arg40 : memref<!tpu.dma_semaphore, #tpu.memory_space<semaphore_mem>>)
      %dma_start3A_1080 = arith.constant 640 : i32
      %dma_start3A_1081 = tpu.memref_slice %arg25[%dma_start3A_1080] : memref<2000xf32, #tpu.memory_space<vmem>> -> memref<128xf32, #tpu.memory_space<vmem>>
      %dma_start3A_1082 = arith.constant 640 : i32
      %dma_start3A_1083 = tpu.memref_slice %arg19[%dma_start3A_1082] : memref<2000xi32, #tpu.memory_space<vmem>> -> memref<128xi32, #tpu.memory_space<vmem>>
      %dma_start3A_1084 = arith.constant 0 : i32
      %dma_start3A_1085 = tpu.memref_slice %arg38[%dma_start3A_1084] : memref<50000xf32, #tpu.memory_space<vmem_shared>> -> memref<50000xf32, #tpu.memory_space<vmem_shared>>
      tpu.enqueue_indirect_dma source(%dma_start3A_1085 : memref<50000xf32, #tpu.memory_space<vmem_shared>>) target(%dma_start3A_1081 : memref<128xf32, #tpu.memory_space<vmem>>) offsets(%dma_start3A_1083 : memref<128xi32, #tpu.memory_space<vmem>>) semaphore(%arg40 : memref<!tpu.dma_semaphore, #tpu.memory_space<semaphore_mem>>)
      %dma_start3A_1086 = arith.constant 768 : i32
      %dma_start3A_1087 = tpu.memref_slice %arg20[%dma_start3A_1086] : memref<2000xf32, #tpu.memory_space<vmem>> -> memref<128xf32, #tpu.memory_space<vmem>>
      %dma_start3A_1088 = arith.constant 768 : i32
      %dma_start3A_1089 = tpu.memref_slice %arg18[%dma_start3A_1088] : memref<2000xi32, #tpu.memory_space<vmem>> -> memref<128xi32, #tpu.memory_space<vmem>>
      %dma_start3A_1090 = arith.constant 0 : i32
      %dma_start3A_1091 = tpu.memref_slice %arg36[%dma_start3A_1090] : memref<50000xf32, #tpu.memory_space<vmem_shared>> -> memref<50000xf32, #tpu.memory_space<vmem_shared>>
      tpu.enqueue_indirect_dma source(%dma_start3A_1091 : memref<50000xf32, #tpu.memory_space<vmem_shared>>) target(%dma_start3A_1087 : memref<128xf32, #tpu.memory_space<vmem>>) offsets(%dma_start3A_1089 : memref<128xi32, #tpu.memory_space<vmem>>) semaphore(%arg40 : memref<!tpu.dma_semaphore, #tpu.memory_space<semaphore_mem>>)
      %dma_start3A_1092 = arith.constant 768 : i32
      %dma_start3A_1093 = tpu.memref_slice %arg21[%dma_start3A_1092] : memref<2000xf32, #tpu.memory_space<vmem>> -> memref<128xf32, #tpu.memory_space<vmem>>
      %dma_start3A_1094 = arith.constant 768 : i32
      %dma_start3A_1095 = tpu.memref_slice %arg18[%dma_start3A_1094] : memref<2000xi32, #tpu.memory_space<vmem>> -> memref<128xi32, #tpu.memory_space<vmem>>
      %dma_start3A_1096 = arith.constant 0 : i32
      %dma_start3A_1097 = tpu.memref_slice %arg37[%dma_start3A_1096] : memref<50000xf32, #tpu.memory_space<vmem_shared>> -> memref<50000xf32, #tpu.memory_space<vmem_shared>>
      tpu.enqueue_indirect_dma source(%dma_start3A_1097 : memref<50000xf32, #tpu.memory_space<vmem_shared>>) target(%dma_start3A_1093 : memref<128xf32, #tpu.memory_space<vmem>>) offsets(%dma_start3A_1095 : memref<128xi32, #tpu.memory_space<vmem>>) semaphore(%arg40 : memref<!tpu.dma_semaphore, #tpu.memory_space<semaphore_mem>>)
      %dma_start3A_1098 = arith.constant 768 : i32
      %dma_start3A_1099 = tpu.memref_slice %arg22[%dma_start3A_1098] : memref<2000xf32, #tpu.memory_space<vmem>> -> memref<128xf32, #tpu.memory_space<vmem>>
      %dma_start3A_1100 = arith.constant 768 : i32
      %dma_start3A_1101 = tpu.memref_slice %arg18[%dma_start3A_1100] : memref<2000xi32, #tpu.memory_space<vmem>> -> memref<128xi32, #tpu.memory_space<vmem>>
      %dma_start3A_1102 = arith.constant 0 : i32
      %dma_start3A_1103 = tpu.memref_slice %arg38[%dma_start3A_1102] : memref<50000xf32, #tpu.memory_space<vmem_shared>> -> memref<50000xf32, #tpu.memory_space<vmem_shared>>
      tpu.enqueue_indirect_dma source(%dma_start3A_1103 : memref<50000xf32, #tpu.memory_space<vmem_shared>>) target(%dma_start3A_1099 : memref<128xf32, #tpu.memory_space<vmem>>) offsets(%dma_start3A_1101 : memref<128xi32, #tpu.memory_space<vmem>>) semaphore(%arg40 : memref<!tpu.dma_semaphore, #tpu.memory_space<semaphore_mem>>)
      %dma_start3A_1104 = arith.constant 768 : i32
      %dma_start3A_1105 = tpu.memref_slice %arg23[%dma_start3A_1104] : memref<2000xf32, #tpu.memory_space<vmem>> -> memref<128xf32, #tpu.memory_space<vmem>>
      %dma_start3A_1106 = arith.constant 768 : i32
      %dma_start3A_1107 = tpu.memref_slice %arg19[%dma_start3A_1106] : memref<2000xi32, #tpu.memory_space<vmem>> -> memref<128xi32, #tpu.memory_space<vmem>>
      %dma_start3A_1108 = arith.constant 0 : i32
      %dma_start3A_1109 = tpu.memref_slice %arg36[%dma_start3A_1108] : memref<50000xf32, #tpu.memory_space<vmem_shared>> -> memref<50000xf32, #tpu.memory_space<vmem_shared>>
      tpu.enqueue_indirect_dma source(%dma_start3A_1109 : memref<50000xf32, #tpu.memory_space<vmem_shared>>) target(%dma_start3A_1105 : memref<128xf32, #tpu.memory_space<vmem>>) offsets(%dma_start3A_1107 : memref<128xi32, #tpu.memory_space<vmem>>) semaphore(%arg40 : memref<!tpu.dma_semaphore, #tpu.memory_space<semaphore_mem>>)
      %dma_start3A_1110 = arith.constant 768 : i32
      %dma_start3A_1111 = tpu.memref_slice %arg24[%dma_start3A_1110] : memref<2000xf32, #tpu.memory_space<vmem>> -> memref<128xf32, #tpu.memory_space<vmem>>
      %dma_start3A_1112 = arith.constant 768 : i32
      %dma_start3A_1113 = tpu.memref_slice %arg19[%dma_start3A_1112] : memref<2000xi32, #tpu.memory_space<vmem>> -> memref<128xi32, #tpu.memory_space<vmem>>
      %dma_start3A_1114 = arith.constant 0 : i32
      %dma_start3A_1115 = tpu.memref_slice %arg37[%dma_start3A_1114] : memref<50000xf32, #tpu.memory_space<vmem_shared>> -> memref<50000xf32, #tpu.memory_space<vmem_shared>>
      tpu.enqueue_indirect_dma source(%dma_start3A_1115 : memref<50000xf32, #tpu.memory_space<vmem_shared>>) target(%dma_start3A_1111 : memref<128xf32, #tpu.memory_space<vmem>>) offsets(%dma_start3A_1113 : memref<128xi32, #tpu.memory_space<vmem>>) semaphore(%arg40 : memref<!tpu.dma_semaphore, #tpu.memory_space<semaphore_mem>>)
      %dma_start3A_1116 = arith.constant 768 : i32
      %dma_start3A_1117 = tpu.memref_slice %arg25[%dma_start3A_1116] : memref<2000xf32, #tpu.memory_space<vmem>> -> memref<128xf32, #tpu.memory_space<vmem>>
      %dma_start3A_1118 = arith.constant 768 : i32
      %dma_start3A_1119 = tpu.memref_slice %arg19[%dma_start3A_1118] : memref<2000xi32, #tpu.memory_space<vmem>> -> memref<128xi32, #tpu.memory_space<vmem>>
      %dma_start3A_1120 = arith.constant 0 : i32
      %dma_start3A_1121 = tpu.memref_slice %arg38[%dma_start3A_1120] : memref<50000xf32, #tpu.memory_space<vmem_shared>> -> memref<50000xf32, #tpu.memory_space<vmem_shared>>
      tpu.enqueue_indirect_dma source(%dma_start3A_1121 : memref<50000xf32, #tpu.memory_space<vmem_shared>>) target(%dma_start3A_1117 : memref<128xf32, #tpu.memory_space<vmem>>) offsets(%dma_start3A_1119 : memref<128xi32, #tpu.memory_space<vmem>>) semaphore(%arg40 : memref<!tpu.dma_semaphore, #tpu.memory_space<semaphore_mem>>)
      %dma_start3A_1122 = arith.constant 896 : i32
      %dma_start3A_1123 = tpu.memref_slice %arg20[%dma_start3A_1122] : memref<2000xf32, #tpu.memory_space<vmem>> -> memref<128xf32, #tpu.memory_space<vmem>>
      %dma_start3A_1124 = arith.constant 896 : i32
      %dma_start3A_1125 = tpu.memref_slice %arg18[%dma_start3A_1124] : memref<2000xi32, #tpu.memory_space<vmem>> -> memref<128xi32, #tpu.memory_space<vmem>>
      %dma_start3A_1126 = arith.constant 0 : i32
      %dma_start3A_1127 = tpu.memref_slice %arg36[%dma_start3A_1126] : memref<50000xf32, #tpu.memory_space<vmem_shared>> -> memref<50000xf32, #tpu.memory_space<vmem_shared>>
      tpu.enqueue_indirect_dma source(%dma_start3A_1127 : memref<50000xf32, #tpu.memory_space<vmem_shared>>) target(%dma_start3A_1123 : memref<128xf32, #tpu.memory_space<vmem>>) offsets(%dma_start3A_1125 : memref<128xi32, #tpu.memory_space<vmem>>) semaphore(%arg41 : memref<!tpu.dma_semaphore, #tpu.memory_space<semaphore_mem>>)
      %dma_start3A_1128 = arith.constant 896 : i32
      %dma_start3A_1129 = tpu.memref_slice %arg21[%dma_start3A_1128] : memref<2000xf32, #tpu.memory_space<vmem>> -> memref<128xf32, #tpu.memory_space<vmem>>
      %dma_start3A_1130 = arith.constant 896 : i32
      %dma_start3A_1131 = tpu.memref_slice %arg18[%dma_start3A_1130] : memref<2000xi32, #tpu.memory_space<vmem>> -> memref<128xi32, #tpu.memory_space<vmem>>
      %dma_start3A_1132 = arith.constant 0 : i32
      %dma_start3A_1133 = tpu.memref_slice %arg37[%dma_start3A_1132] : memref<50000xf32, #tpu.memory_space<vmem_shared>> -> memref<50000xf32, #tpu.memory_space<vmem_shared>>
      tpu.enqueue_indirect_dma source(%dma_start3A_1133 : memref<50000xf32, #tpu.memory_space<vmem_shared>>) target(%dma_start3A_1129 : memref<128xf32, #tpu.memory_space<vmem>>) offsets(%dma_start3A_1131 : memref<128xi32, #tpu.memory_space<vmem>>) semaphore(%arg41 : memref<!tpu.dma_semaphore, #tpu.memory_space<semaphore_mem>>)
      %dma_start3A_1134 = arith.constant 896 : i32
      %dma_start3A_1135 = tpu.memref_slice %arg22[%dma_start3A_1134] : memref<2000xf32, #tpu.memory_space<vmem>> -> memref<128xf32, #tpu.memory_space<vmem>>
      %dma_start3A_1136 = arith.constant 896 : i32
      %dma_start3A_1137 = tpu.memref_slice %arg18[%dma_start3A_1136] : memref<2000xi32, #tpu.memory_space<vmem>> -> memref<128xi32, #tpu.memory_space<vmem>>
      %dma_start3A_1138 = arith.constant 0 : i32
      %dma_start3A_1139 = tpu.memref_slice %arg38[%dma_start3A_1138] : memref<50000xf32, #tpu.memory_space<vmem_shared>> -> memref<50000xf32, #tpu.memory_space<vmem_shared>>
      tpu.enqueue_indirect_dma source(%dma_start3A_1139 : memref<50000xf32, #tpu.memory_space<vmem_shared>>) target(%dma_start3A_1135 : memref<128xf32, #tpu.memory_space<vmem>>) offsets(%dma_start3A_1137 : memref<128xi32, #tpu.memory_space<vmem>>) semaphore(%arg41 : memref<!tpu.dma_semaphore, #tpu.memory_space<semaphore_mem>>)
      %dma_start3A_1140 = arith.constant 896 : i32
      %dma_start3A_1141 = tpu.memref_slice %arg23[%dma_start3A_1140] : memref<2000xf32, #tpu.memory_space<vmem>> -> memref<128xf32, #tpu.memory_space<vmem>>
      %dma_start3A_1142 = arith.constant 896 : i32
      %dma_start3A_1143 = tpu.memref_slice %arg19[%dma_start3A_1142] : memref<2000xi32, #tpu.memory_space<vmem>> -> memref<128xi32, #tpu.memory_space<vmem>>
      %dma_start3A_1144 = arith.constant 0 : i32
      %dma_start3A_1145 = tpu.memref_slice %arg36[%dma_start3A_1144] : memref<50000xf32, #tpu.memory_space<vmem_shared>> -> memref<50000xf32, #tpu.memory_space<vmem_shared>>
      tpu.enqueue_indirect_dma source(%dma_start3A_1145 : memref<50000xf32, #tpu.memory_space<vmem_shared>>) target(%dma_start3A_1141 : memref<128xf32, #tpu.memory_space<vmem>>) offsets(%dma_start3A_1143 : memref<128xi32, #tpu.memory_space<vmem>>) semaphore(%arg41 : memref<!tpu.dma_semaphore, #tpu.memory_space<semaphore_mem>>)
      %dma_start3A_1146 = arith.constant 896 : i32
      %dma_start3A_1147 = tpu.memref_slice %arg24[%dma_start3A_1146] : memref<2000xf32, #tpu.memory_space<vmem>> -> memref<128xf32, #tpu.memory_space<vmem>>
      %dma_start3A_1148 = arith.constant 896 : i32
      %dma_start3A_1149 = tpu.memref_slice %arg19[%dma_start3A_1148] : memref<2000xi32, #tpu.memory_space<vmem>> -> memref<128xi32, #tpu.memory_space<vmem>>
      %dma_start3A_1150 = arith.constant 0 : i32
      %dma_start3A_1151 = tpu.memref_slice %arg37[%dma_start3A_1150] : memref<50000xf32, #tpu.memory_space<vmem_shared>> -> memref<50000xf32, #tpu.memory_space<vmem_shared>>
      tpu.enqueue_indirect_dma source(%dma_start3A_1151 : memref<50000xf32, #tpu.memory_space<vmem_shared>>) target(%dma_start3A_1147 : memref<128xf32, #tpu.memory_space<vmem>>) offsets(%dma_start3A_1149 : memref<128xi32, #tpu.memory_space<vmem>>) semaphore(%arg41 : memref<!tpu.dma_semaphore, #tpu.memory_space<semaphore_mem>>)
      %dma_start3A_1152 = arith.constant 896 : i32
      %dma_start3A_1153 = tpu.memref_slice %arg25[%dma_start3A_1152] : memref<2000xf32, #tpu.memory_space<vmem>> -> memref<128xf32, #tpu.memory_space<vmem>>
      %dma_start3A_1154 = arith.constant 896 : i32
      %dma_start3A_1155 = tpu.memref_slice %arg19[%dma_start3A_1154] : memref<2000xi32, #tpu.memory_space<vmem>> -> memref<128xi32, #tpu.memory_space<vmem>>
      %dma_start3A_1156 = arith.constant 0 : i32
      %dma_start3A_1157 = tpu.memref_slice %arg38[%dma_start3A_1156] : memref<50000xf32, #tpu.memory_space<vmem_shared>> -> memref<50000xf32, #tpu.memory_space<vmem_shared>>
      tpu.enqueue_indirect_dma source(%dma_start3A_1157 : memref<50000xf32, #tpu.memory_space<vmem_shared>>) target(%dma_start3A_1153 : memref<128xf32, #tpu.memory_space<vmem>>) offsets(%dma_start3A_1155 : memref<128xi32, #tpu.memory_space<vmem>>) semaphore(%arg41 : memref<!tpu.dma_semaphore, #tpu.memory_space<semaphore_mem>>)
      %dma_start3A_1158 = arith.constant 1024 : i32
      %dma_start3A_1159 = tpu.memref_slice %arg20[%dma_start3A_1158] : memref<2000xf32, #tpu.memory_space<vmem>> -> memref<128xf32, #tpu.memory_space<vmem>>
      %dma_start3A_1160 = arith.constant 1024 : i32
      %dma_start3A_1161 = tpu.memref_slice %arg18[%dma_start3A_1160] : memref<2000xi32, #tpu.memory_space<vmem>> -> memref<128xi32, #tpu.memory_space<vmem>>
      %dma_start3A_1162 = arith.constant 0 : i32
      %dma_start3A_1163 = tpu.memref_slice %arg36[%dma_start3A_1162] : memref<50000xf32, #tpu.memory_space<vmem_shared>> -> memref<50000xf32, #tpu.memory_space<vmem_shared>>
      tpu.enqueue_indirect_dma source(%dma_start3A_1163 : memref<50000xf32, #tpu.memory_space<vmem_shared>>) target(%dma_start3A_1159 : memref<128xf32, #tpu.memory_space<vmem>>) offsets(%dma_start3A_1161 : memref<128xi32, #tpu.memory_space<vmem>>) semaphore(%arg41 : memref<!tpu.dma_semaphore, #tpu.memory_space<semaphore_mem>>)
      %dma_start3A_1164 = arith.constant 1024 : i32
      %dma_start3A_1165 = tpu.memref_slice %arg21[%dma_start3A_1164] : memref<2000xf32, #tpu.memory_space<vmem>> -> memref<128xf32, #tpu.memory_space<vmem>>
      %dma_start3A_1166 = arith.constant 1024 : i32
      %dma_start3A_1167 = tpu.memref_slice %arg18[%dma_start3A_1166] : memref<2000xi32, #tpu.memory_space<vmem>> -> memref<128xi32, #tpu.memory_space<vmem>>
      %dma_start3A_1168 = arith.constant 0 : i32
      %dma_start3A_1169 = tpu.memref_slice %arg37[%dma_start3A_1168] : memref<50000xf32, #tpu.memory_space<vmem_shared>> -> memref<50000xf32, #tpu.memory_space<vmem_shared>>
      tpu.enqueue_indirect_dma source(%dma_start3A_1169 : memref<50000xf32, #tpu.memory_space<vmem_shared>>) target(%dma_start3A_1165 : memref<128xf32, #tpu.memory_space<vmem>>) offsets(%dma_start3A_1167 : memref<128xi32, #tpu.memory_space<vmem>>) semaphore(%arg41 : memref<!tpu.dma_semaphore, #tpu.memory_space<semaphore_mem>>)
      %dma_start3A_1170 = arith.constant 1024 : i32
      %dma_start3A_1171 = tpu.memref_slice %arg22[%dma_start3A_1170] : memref<2000xf32, #tpu.memory_space<vmem>> -> memref<128xf32, #tpu.memory_space<vmem>>
      %dma_start3A_1172 = arith.constant 1024 : i32
      %dma_start3A_1173 = tpu.memref_slice %arg18[%dma_start3A_1172] : memref<2000xi32, #tpu.memory_space<vmem>> -> memref<128xi32, #tpu.memory_space<vmem>>
      %dma_start3A_1174 = arith.constant 0 : i32
      %dma_start3A_1175 = tpu.memref_slice %arg38[%dma_start3A_1174] : memref<50000xf32, #tpu.memory_space<vmem_shared>> -> memref<50000xf32, #tpu.memory_space<vmem_shared>>
      tpu.enqueue_indirect_dma source(%dma_start3A_1175 : memref<50000xf32, #tpu.memory_space<vmem_shared>>) target(%dma_start3A_1171 : memref<128xf32, #tpu.memory_space<vmem>>) offsets(%dma_start3A_1173 : memref<128xi32, #tpu.memory_space<vmem>>) semaphore(%arg41 : memref<!tpu.dma_semaphore, #tpu.memory_space<semaphore_mem>>)
      %dma_start3A_1176 = arith.constant 1024 : i32
      %dma_start3A_1177 = tpu.memref_slice %arg23[%dma_start3A_1176] : memref<2000xf32, #tpu.memory_space<vmem>> -> memref<128xf32, #tpu.memory_space<vmem>>
      %dma_start3A_1178 = arith.constant 1024 : i32
      %dma_start3A_1179 = tpu.memref_slice %arg19[%dma_start3A_1178] : memref<2000xi32, #tpu.memory_space<vmem>> -> memref<128xi32, #tpu.memory_space<vmem>>
      %dma_start3A_1180 = arith.constant 0 : i32
      %dma_start3A_1181 = tpu.memref_slice %arg36[%dma_start3A_1180] : memref<50000xf32, #tpu.memory_space<vmem_shared>> -> memref<50000xf32, #tpu.memory_space<vmem_shared>>
      tpu.enqueue_indirect_dma source(%dma_start3A_1181 : memref<50000xf32, #tpu.memory_space<vmem_shared>>) target(%dma_start3A_1177 : memref<128xf32, #tpu.memory_space<vmem>>) offsets(%dma_start3A_1179 : memref<128xi32, #tpu.memory_space<vmem>>) semaphore(%arg41 : memref<!tpu.dma_semaphore, #tpu.memory_space<semaphore_mem>>)
      %dma_start3A_1182 = arith.constant 1024 : i32
      %dma_start3A_1183 = tpu.memref_slice %arg24[%dma_start3A_1182] : memref<2000xf32, #tpu.memory_space<vmem>> -> memref<128xf32, #tpu.memory_space<vmem>>
      %dma_start3A_1184 = arith.constant 1024 : i32
      %dma_start3A_1185 = tpu.memref_slice %arg19[%dma_start3A_1184] : memref<2000xi32, #tpu.memory_space<vmem>> -> memref<128xi32, #tpu.memory_space<vmem>>
      %dma_start3A_1186 = arith.constant 0 : i32
      %dma_start3A_1187 = tpu.memref_slice %arg37[%dma_start3A_1186] : memref<50000xf32, #tpu.memory_space<vmem_shared>> -> memref<50000xf32, #tpu.memory_space<vmem_shared>>
      tpu.enqueue_indirect_dma source(%dma_start3A_1187 : memref<50000xf32, #tpu.memory_space<vmem_shared>>) target(%dma_start3A_1183 : memref<128xf32, #tpu.memory_space<vmem>>) offsets(%dma_start3A_1185 : memref<128xi32, #tpu.memory_space<vmem>>) semaphore(%arg41 : memref<!tpu.dma_semaphore, #tpu.memory_space<semaphore_mem>>)
      %dma_start3A_1188 = arith.constant 1024 : i32
      %dma_start3A_1189 = tpu.memref_slice %arg25[%dma_start3A_1188] : memref<2000xf32, #tpu.memory_space<vmem>> -> memref<128xf32, #tpu.memory_space<vmem>>
      %dma_start3A_1190 = arith.constant 1024 : i32
      %dma_start3A_1191 = tpu.memref_slice %arg19[%dma_start3A_1190] : memref<2000xi32, #tpu.memory_space<vmem>> -> memref<128xi32, #tpu.memory_space<vmem>>
      %dma_start3A_1192 = arith.constant 0 : i32
      %dma_start3A_1193 = tpu.memref_slice %arg38[%dma_start3A_1192] : memref<50000xf32, #tpu.memory_space<vmem_shared>> -> memref<50000xf32, #tpu.memory_space<vmem_shared>>
      tpu.enqueue_indirect_dma source(%dma_start3A_1193 : memref<50000xf32, #tpu.memory_space<vmem_shared>>) target(%dma_start3A_1189 : memref<128xf32, #tpu.memory_space<vmem>>) offsets(%dma_start3A_1191 : memref<128xi32, #tpu.memory_space<vmem>>) semaphore(%arg41 : memref<!tpu.dma_semaphore, #tpu.memory_space<semaphore_mem>>)
      %dma_start3A_1194 = arith.constant 1152 : i32
      %dma_start3A_1195 = tpu.memref_slice %arg20[%dma_start3A_1194] : memref<2000xf32, #tpu.memory_space<vmem>> -> memref<128xf32, #tpu.memory_space<vmem>>
      %dma_start3A_1196 = arith.constant 1152 : i32
      %dma_start3A_1197 = tpu.memref_slice %arg18[%dma_start3A_1196] : memref<2000xi32, #tpu.memory_space<vmem>> -> memref<128xi32, #tpu.memory_space<vmem>>
      %dma_start3A_1198 = arith.constant 0 : i32
      %dma_start3A_1199 = tpu.memref_slice %arg36[%dma_start3A_1198] : memref<50000xf32, #tpu.memory_space<vmem_shared>> -> memref<50000xf32, #tpu.memory_space<vmem_shared>>
      tpu.enqueue_indirect_dma source(%dma_start3A_1199 : memref<50000xf32, #tpu.memory_space<vmem_shared>>) target(%dma_start3A_1195 : memref<128xf32, #tpu.memory_space<vmem>>) offsets(%dma_start3A_1197 : memref<128xi32, #tpu.memory_space<vmem>>) semaphore(%arg41 : memref<!tpu.dma_semaphore, #tpu.memory_space<semaphore_mem>>)
      %dma_start3A_1200 = arith.constant 1152 : i32
      %dma_start3A_1201 = tpu.memref_slice %arg21[%dma_start3A_1200] : memref<2000xf32, #tpu.memory_space<vmem>> -> memref<128xf32, #tpu.memory_space<vmem>>
      %dma_start3A_1202 = arith.constant 1152 : i32
      %dma_start3A_1203 = tpu.memref_slice %arg18[%dma_start3A_1202] : memref<2000xi32, #tpu.memory_space<vmem>> -> memref<128xi32, #tpu.memory_space<vmem>>
      %dma_start3A_1204 = arith.constant 0 : i32
      %dma_start3A_1205 = tpu.memref_slice %arg37[%dma_start3A_1204] : memref<50000xf32, #tpu.memory_space<vmem_shared>> -> memref<50000xf32, #tpu.memory_space<vmem_shared>>
      tpu.enqueue_indirect_dma source(%dma_start3A_1205 : memref<50000xf32, #tpu.memory_space<vmem_shared>>) target(%dma_start3A_1201 : memref<128xf32, #tpu.memory_space<vmem>>) offsets(%dma_start3A_1203 : memref<128xi32, #tpu.memory_space<vmem>>) semaphore(%arg41 : memref<!tpu.dma_semaphore, #tpu.memory_space<semaphore_mem>>)
      %dma_start3A_1206 = arith.constant 1152 : i32
      %dma_start3A_1207 = tpu.memref_slice %arg22[%dma_start3A_1206] : memref<2000xf32, #tpu.memory_space<vmem>> -> memref<128xf32, #tpu.memory_space<vmem>>
      %dma_start3A_1208 = arith.constant 1152 : i32
      %dma_start3A_1209 = tpu.memref_slice %arg18[%dma_start3A_1208] : memref<2000xi32, #tpu.memory_space<vmem>> -> memref<128xi32, #tpu.memory_space<vmem>>
      %dma_start3A_1210 = arith.constant 0 : i32
      %dma_start3A_1211 = tpu.memref_slice %arg38[%dma_start3A_1210] : memref<50000xf32, #tpu.memory_space<vmem_shared>> -> memref<50000xf32, #tpu.memory_space<vmem_shared>>
      tpu.enqueue_indirect_dma source(%dma_start3A_1211 : memref<50000xf32, #tpu.memory_space<vmem_shared>>) target(%dma_start3A_1207 : memref<128xf32, #tpu.memory_space<vmem>>) offsets(%dma_start3A_1209 : memref<128xi32, #tpu.memory_space<vmem>>) semaphore(%arg41 : memref<!tpu.dma_semaphore, #tpu.memory_space<semaphore_mem>>)
      %dma_start3A_1212 = arith.constant 1152 : i32
      %dma_start3A_1213 = tpu.memref_slice %arg23[%dma_start3A_1212] : memref<2000xf32, #tpu.memory_space<vmem>> -> memref<128xf32, #tpu.memory_space<vmem>>
      %dma_start3A_1214 = arith.constant 1152 : i32
      %dma_start3A_1215 = tpu.memref_slice %arg19[%dma_start3A_1214] : memref<2000xi32, #tpu.memory_space<vmem>> -> memref<128xi32, #tpu.memory_space<vmem>>
      %dma_start3A_1216 = arith.constant 0 : i32
      %dma_start3A_1217 = tpu.memref_slice %arg36[%dma_start3A_1216] : memref<50000xf32, #tpu.memory_space<vmem_shared>> -> memref<50000xf32, #tpu.memory_space<vmem_shared>>
      tpu.enqueue_indirect_dma source(%dma_start3A_1217 : memref<50000xf32, #tpu.memory_space<vmem_shared>>) target(%dma_start3A_1213 : memref<128xf32, #tpu.memory_space<vmem>>) offsets(%dma_start3A_1215 : memref<128xi32, #tpu.memory_space<vmem>>) semaphore(%arg41 : memref<!tpu.dma_semaphore, #tpu.memory_space<semaphore_mem>>)
      %dma_start3A_1218 = arith.constant 1152 : i32
      %dma_start3A_1219 = tpu.memref_slice %arg24[%dma_start3A_1218] : memref<2000xf32, #tpu.memory_space<vmem>> -> memref<128xf32, #tpu.memory_space<vmem>>
      %dma_start3A_1220 = arith.constant 1152 : i32
      %dma_start3A_1221 = tpu.memref_slice %arg19[%dma_start3A_1220] : memref<2000xi32, #tpu.memory_space<vmem>> -> memref<128xi32, #tpu.memory_space<vmem>>
      %dma_start3A_1222 = arith.constant 0 : i32
      %dma_start3A_1223 = tpu.memref_slice %arg37[%dma_start3A_1222] : memref<50000xf32, #tpu.memory_space<vmem_shared>> -> memref<50000xf32, #tpu.memory_space<vmem_shared>>
      tpu.enqueue_indirect_dma source(%dma_start3A_1223 : memref<50000xf32, #tpu.memory_space<vmem_shared>>) target(%dma_start3A_1219 : memref<128xf32, #tpu.memory_space<vmem>>) offsets(%dma_start3A_1221 : memref<128xi32, #tpu.memory_space<vmem>>) semaphore(%arg41 : memref<!tpu.dma_semaphore, #tpu.memory_space<semaphore_mem>>)
      %dma_start3A_1224 = arith.constant 1152 : i32
      %dma_start3A_1225 = tpu.memref_slice %arg25[%dma_start3A_1224] : memref<2000xf32, #tpu.memory_space<vmem>> -> memref<128xf32, #tpu.memory_space<vmem>>
      %dma_start3A_1226 = arith.constant 1152 : i32
      %dma_start3A_1227 = tpu.memref_slice %arg19[%dma_start3A_1226] : memref<2000xi32, #tpu.memory_space<vmem>> -> memref<128xi32, #tpu.memory_space<vmem>>
      %dma_start3A_1228 = arith.constant 0 : i32
      %dma_start3A_1229 = tpu.memref_slice %arg38[%dma_start3A_1228] : memref<50000xf32, #tpu.memory_space<vmem_shared>> -> memref<50000xf32, #tpu.memory_space<vmem_shared>>
      tpu.enqueue_indirect_dma source(%dma_start3A_1229 : memref<50000xf32, #tpu.memory_space<vmem_shared>>) target(%dma_start3A_1225 : memref<128xf32, #tpu.memory_space<vmem>>) offsets(%dma_start3A_1227 : memref<128xi32, #tpu.memory_space<vmem>>) semaphore(%arg41 : memref<!tpu.dma_semaphore, #tpu.memory_space<semaphore_mem>>)
      %dma_start3A_1230 = arith.constant 1280 : i32
      %dma_start3A_1231 = tpu.memref_slice %arg20[%dma_start3A_1230] : memref<2000xf32, #tpu.memory_space<vmem>> -> memref<128xf32, #tpu.memory_space<vmem>>
      %dma_start3A_1232 = arith.constant 1280 : i32
      %dma_start3A_1233 = tpu.memref_slice %arg18[%dma_start3A_1232] : memref<2000xi32, #tpu.memory_space<vmem>> -> memref<128xi32, #tpu.memory_space<vmem>>
      %dma_start3A_1234 = arith.constant 0 : i32
      %dma_start3A_1235 = tpu.memref_slice %arg36[%dma_start3A_1234] : memref<50000xf32, #tpu.memory_space<vmem_shared>> -> memref<50000xf32, #tpu.memory_space<vmem_shared>>
      tpu.enqueue_indirect_dma source(%dma_start3A_1235 : memref<50000xf32, #tpu.memory_space<vmem_shared>>) target(%dma_start3A_1231 : memref<128xf32, #tpu.memory_space<vmem>>) offsets(%dma_start3A_1233 : memref<128xi32, #tpu.memory_space<vmem>>) semaphore(%arg41 : memref<!tpu.dma_semaphore, #tpu.memory_space<semaphore_mem>>)
      %dma_start3A_1236 = arith.constant 1280 : i32
      %dma_start3A_1237 = tpu.memref_slice %arg21[%dma_start3A_1236] : memref<2000xf32, #tpu.memory_space<vmem>> -> memref<128xf32, #tpu.memory_space<vmem>>
      %dma_start3A_1238 = arith.constant 1280 : i32
      %dma_start3A_1239 = tpu.memref_slice %arg18[%dma_start3A_1238] : memref<2000xi32, #tpu.memory_space<vmem>> -> memref<128xi32, #tpu.memory_space<vmem>>
      %dma_start3A_1240 = arith.constant 0 : i32
      %dma_start3A_1241 = tpu.memref_slice %arg37[%dma_start3A_1240] : memref<50000xf32, #tpu.memory_space<vmem_shared>> -> memref<50000xf32, #tpu.memory_space<vmem_shared>>
      tpu.enqueue_indirect_dma source(%dma_start3A_1241 : memref<50000xf32, #tpu.memory_space<vmem_shared>>) target(%dma_start3A_1237 : memref<128xf32, #tpu.memory_space<vmem>>) offsets(%dma_start3A_1239 : memref<128xi32, #tpu.memory_space<vmem>>) semaphore(%arg41 : memref<!tpu.dma_semaphore, #tpu.memory_space<semaphore_mem>>)
      %dma_start3A_1242 = arith.constant 1280 : i32
      %dma_start3A_1243 = tpu.memref_slice %arg22[%dma_start3A_1242] : memref<2000xf32, #tpu.memory_space<vmem>> -> memref<128xf32, #tpu.memory_space<vmem>>
      %dma_start3A_1244 = arith.constant 1280 : i32
      %dma_start3A_1245 = tpu.memref_slice %arg18[%dma_start3A_1244] : memref<2000xi32, #tpu.memory_space<vmem>> -> memref<128xi32, #tpu.memory_space<vmem>>
      %dma_start3A_1246 = arith.constant 0 : i32
      %dma_start3A_1247 = tpu.memref_slice %arg38[%dma_start3A_1246] : memref<50000xf32, #tpu.memory_space<vmem_shared>> -> memref<50000xf32, #tpu.memory_space<vmem_shared>>
      tpu.enqueue_indirect_dma source(%dma_start3A_1247 : memref<50000xf32, #tpu.memory_space<vmem_shared>>) target(%dma_start3A_1243 : memref<128xf32, #tpu.memory_space<vmem>>) offsets(%dma_start3A_1245 : memref<128xi32, #tpu.memory_space<vmem>>) semaphore(%arg41 : memref<!tpu.dma_semaphore, #tpu.memory_space<semaphore_mem>>)
      %dma_start3A_1248 = arith.constant 1280 : i32
      %dma_start3A_1249 = tpu.memref_slice %arg23[%dma_start3A_1248] : memref<2000xf32, #tpu.memory_space<vmem>> -> memref<128xf32, #tpu.memory_space<vmem>>
      %dma_start3A_1250 = arith.constant 1280 : i32
      %dma_start3A_1251 = tpu.memref_slice %arg19[%dma_start3A_1250] : memref<2000xi32, #tpu.memory_space<vmem>> -> memref<128xi32, #tpu.memory_space<vmem>>
      %dma_start3A_1252 = arith.constant 0 : i32
      %dma_start3A_1253 = tpu.memref_slice %arg36[%dma_start3A_1252] : memref<50000xf32, #tpu.memory_space<vmem_shared>> -> memref<50000xf32, #tpu.memory_space<vmem_shared>>
      tpu.enqueue_indirect_dma source(%dma_start3A_1253 : memref<50000xf32, #tpu.memory_space<vmem_shared>>) target(%dma_start3A_1249 : memref<128xf32, #tpu.memory_space<vmem>>) offsets(%dma_start3A_1251 : memref<128xi32, #tpu.memory_space<vmem>>) semaphore(%arg41 : memref<!tpu.dma_semaphore, #tpu.memory_space<semaphore_mem>>)
      %dma_start3A_1254 = arith.constant 1280 : i32
      %dma_start3A_1255 = tpu.memref_slice %arg24[%dma_start3A_1254] : memref<2000xf32, #tpu.memory_space<vmem>> -> memref<128xf32, #tpu.memory_space<vmem>>
      %dma_start3A_1256 = arith.constant 1280 : i32
      %dma_start3A_1257 = tpu.memref_slice %arg19[%dma_start3A_1256] : memref<2000xi32, #tpu.memory_space<vmem>> -> memref<128xi32, #tpu.memory_space<vmem>>
      %dma_start3A_1258 = arith.constant 0 : i32
      %dma_start3A_1259 = tpu.memref_slice %arg37[%dma_start3A_1258] : memref<50000xf32, #tpu.memory_space<vmem_shared>> -> memref<50000xf32, #tpu.memory_space<vmem_shared>>
      tpu.enqueue_indirect_dma source(%dma_start3A_1259 : memref<50000xf32, #tpu.memory_space<vmem_shared>>) target(%dma_start3A_1255 : memref<128xf32, #tpu.memory_space<vmem>>) offsets(%dma_start3A_1257 : memref<128xi32, #tpu.memory_space<vmem>>) semaphore(%arg41 : memref<!tpu.dma_semaphore, #tpu.memory_space<semaphore_mem>>)
      %dma_start3A_1260 = arith.constant 1280 : i32
      %dma_start3A_1261 = tpu.memref_slice %arg25[%dma_start3A_1260] : memref<2000xf32, #tpu.memory_space<vmem>> -> memref<128xf32, #tpu.memory_space<vmem>>
      %dma_start3A_1262 = arith.constant 1280 : i32
      %dma_start3A_1263 = tpu.memref_slice %arg19[%dma_start3A_1262] : memref<2000xi32, #tpu.memory_space<vmem>> -> memref<128xi32, #tpu.memory_space<vmem>>
      %dma_start3A_1264 = arith.constant 0 : i32
      %dma_start3A_1265 = tpu.memref_slice %arg38[%dma_start3A_1264] : memref<50000xf32, #tpu.memory_space<vmem_shared>> -> memref<50000xf32, #tpu.memory_space<vmem_shared>>
      tpu.enqueue_indirect_dma source(%dma_start3A_1265 : memref<50000xf32, #tpu.memory_space<vmem_shared>>) target(%dma_start3A_1261 : memref<128xf32, #tpu.memory_space<vmem>>) offsets(%dma_start3A_1263 : memref<128xi32, #tpu.memory_space<vmem>>) semaphore(%arg41 : memref<!tpu.dma_semaphore, #tpu.memory_space<semaphore_mem>>)
      %dma_start3A_1266 = arith.constant 1408 : i32
      %dma_start3A_1267 = tpu.memref_slice %arg20[%dma_start3A_1266] : memref<2000xf32, #tpu.memory_space<vmem>> -> memref<128xf32, #tpu.memory_space<vmem>>
      %dma_start3A_1268 = arith.constant 1408 : i32
      %dma_start3A_1269 = tpu.memref_slice %arg18[%dma_start3A_1268] : memref<2000xi32, #tpu.memory_space<vmem>> -> memref<128xi32, #tpu.memory_space<vmem>>
      %dma_start3A_1270 = arith.constant 0 : i32
      %dma_start3A_1271 = tpu.memref_slice %arg36[%dma_start3A_1270] : memref<50000xf32, #tpu.memory_space<vmem_shared>> -> memref<50000xf32, #tpu.memory_space<vmem_shared>>
      tpu.enqueue_indirect_dma source(%dma_start3A_1271 : memref<50000xf32, #tpu.memory_space<vmem_shared>>) target(%dma_start3A_1267 : memref<128xf32, #tpu.memory_space<vmem>>) offsets(%dma_start3A_1269 : memref<128xi32, #tpu.memory_space<vmem>>) semaphore(%arg41 : memref<!tpu.dma_semaphore, #tpu.memory_space<semaphore_mem>>)
      %dma_start3A_1272 = arith.constant 1408 : i32
      %dma_start3A_1273 = tpu.memref_slice %arg21[%dma_start3A_1272] : memref<2000xf32, #tpu.memory_space<vmem>> -> memref<128xf32, #tpu.memory_space<vmem>>
      %dma_start3A_1274 = arith.constant 1408 : i32
      %dma_start3A_1275 = tpu.memref_slice %arg18[%dma_start3A_1274] : memref<2000xi32, #tpu.memory_space<vmem>> -> memref<128xi32, #tpu.memory_space<vmem>>
      %dma_start3A_1276 = arith.constant 0 : i32
      %dma_start3A_1277 = tpu.memref_slice %arg37[%dma_start3A_1276] : memref<50000xf32, #tpu.memory_space<vmem_shared>> -> memref<50000xf32, #tpu.memory_space<vmem_shared>>
      tpu.enqueue_indirect_dma source(%dma_start3A_1277 : memref<50000xf32, #tpu.memory_space<vmem_shared>>) target(%dma_start3A_1273 : memref<128xf32, #tpu.memory_space<vmem>>) offsets(%dma_start3A_1275 : memref<128xi32, #tpu.memory_space<vmem>>) semaphore(%arg41 : memref<!tpu.dma_semaphore, #tpu.memory_space<semaphore_mem>>)
      %dma_start3A_1278 = arith.constant 1408 : i32
      %dma_start3A_1279 = tpu.memref_slice %arg22[%dma_start3A_1278] : memref<2000xf32, #tpu.memory_space<vmem>> -> memref<128xf32, #tpu.memory_space<vmem>>
      %dma_start3A_1280 = arith.constant 1408 : i32
      %dma_start3A_1281 = tpu.memref_slice %arg18[%dma_start3A_1280] : memref<2000xi32, #tpu.memory_space<vmem>> -> memref<128xi32, #tpu.memory_space<vmem>>
      %dma_start3A_1282 = arith.constant 0 : i32
      %dma_start3A_1283 = tpu.memref_slice %arg38[%dma_start3A_1282] : memref<50000xf32, #tpu.memory_space<vmem_shared>> -> memref<50000xf32, #tpu.memory_space<vmem_shared>>
      tpu.enqueue_indirect_dma source(%dma_start3A_1283 : memref<50000xf32, #tpu.memory_space<vmem_shared>>) target(%dma_start3A_1279 : memref<128xf32, #tpu.memory_space<vmem>>) offsets(%dma_start3A_1281 : memref<128xi32, #tpu.memory_space<vmem>>) semaphore(%arg41 : memref<!tpu.dma_semaphore, #tpu.memory_space<semaphore_mem>>)
      %dma_start3A_1284 = arith.constant 1408 : i32
      %dma_start3A_1285 = tpu.memref_slice %arg23[%dma_start3A_1284] : memref<2000xf32, #tpu.memory_space<vmem>> -> memref<128xf32, #tpu.memory_space<vmem>>
      %dma_start3A_1286 = arith.constant 1408 : i32
      %dma_start3A_1287 = tpu.memref_slice %arg19[%dma_start3A_1286] : memref<2000xi32, #tpu.memory_space<vmem>> -> memref<128xi32, #tpu.memory_space<vmem>>
      %dma_start3A_1288 = arith.constant 0 : i32
      %dma_start3A_1289 = tpu.memref_slice %arg36[%dma_start3A_1288] : memref<50000xf32, #tpu.memory_space<vmem_shared>> -> memref<50000xf32, #tpu.memory_space<vmem_shared>>
      tpu.enqueue_indirect_dma source(%dma_start3A_1289 : memref<50000xf32, #tpu.memory_space<vmem_shared>>) target(%dma_start3A_1285 : memref<128xf32, #tpu.memory_space<vmem>>) offsets(%dma_start3A_1287 : memref<128xi32, #tpu.memory_space<vmem>>) semaphore(%arg41 : memref<!tpu.dma_semaphore, #tpu.memory_space<semaphore_mem>>)
      %dma_start3A_1290 = arith.constant 1408 : i32
      %dma_start3A_1291 = tpu.memref_slice %arg24[%dma_start3A_1290] : memref<2000xf32, #tpu.memory_space<vmem>> -> memref<128xf32, #tpu.memory_space<vmem>>
      %dma_start3A_1292 = arith.constant 1408 : i32
      %dma_start3A_1293 = tpu.memref_slice %arg19[%dma_start3A_1292] : memref<2000xi32, #tpu.memory_space<vmem>> -> memref<128xi32, #tpu.memory_space<vmem>>
      %dma_start3A_1294 = arith.constant 0 : i32
      %dma_start3A_1295 = tpu.memref_slice %arg37[%dma_start3A_1294] : memref<50000xf32, #tpu.memory_space<vmem_shared>> -> memref<50000xf32, #tpu.memory_space<vmem_shared>>
      tpu.enqueue_indirect_dma source(%dma_start3A_1295 : memref<50000xf32, #tpu.memory_space<vmem_shared>>) target(%dma_start3A_1291 : memref<128xf32, #tpu.memory_space<vmem>>) offsets(%dma_start3A_1293 : memref<128xi32, #tpu.memory_space<vmem>>) semaphore(%arg41 : memref<!tpu.dma_semaphore, #tpu.memory_space<semaphore_mem>>)
      %dma_start3A_1296 = arith.constant 1408 : i32
      %dma_start3A_1297 = tpu.memref_slice %arg25[%dma_start3A_1296] : memref<2000xf32, #tpu.memory_space<vmem>> -> memref<128xf32, #tpu.memory_space<vmem>>
      %dma_start3A_1298 = arith.constant 1408 : i32
      %dma_start3A_1299 = tpu.memref_slice %arg19[%dma_start3A_1298] : memref<2000xi32, #tpu.memory_space<vmem>> -> memref<128xi32, #tpu.memory_space<vmem>>
      %dma_start3A_1300 = arith.constant 0 : i32
      %dma_start3A_1301 = tpu.memref_slice %arg38[%dma_start3A_1300] : memref<50000xf32, #tpu.memory_space<vmem_shared>> -> memref<50000xf32, #tpu.memory_space<vmem_shared>>
      tpu.enqueue_indirect_dma source(%dma_start3A_1301 : memref<50000xf32, #tpu.memory_space<vmem_shared>>) target(%dma_start3A_1297 : memref<128xf32, #tpu.memory_space<vmem>>) offsets(%dma_start3A_1299 : memref<128xi32, #tpu.memory_space<vmem>>) semaphore(%arg41 : memref<!tpu.dma_semaphore, #tpu.memory_space<semaphore_mem>>)
      %dma_start3A_1302 = arith.constant 1536 : i32
      %dma_start3A_1303 = tpu.memref_slice %arg20[%dma_start3A_1302] : memref<2000xf32, #tpu.memory_space<vmem>> -> memref<128xf32, #tpu.memory_space<vmem>>
      %dma_start3A_1304 = arith.constant 1536 : i32
      %dma_start3A_1305 = tpu.memref_slice %arg18[%dma_start3A_1304] : memref<2000xi32, #tpu.memory_space<vmem>> -> memref<128xi32, #tpu.memory_space<vmem>>
      %dma_start3A_1306 = arith.constant 0 : i32
      %dma_start3A_1307 = tpu.memref_slice %arg36[%dma_start3A_1306] : memref<50000xf32, #tpu.memory_space<vmem_shared>> -> memref<50000xf32, #tpu.memory_space<vmem_shared>>
      tpu.enqueue_indirect_dma source(%dma_start3A_1307 : memref<50000xf32, #tpu.memory_space<vmem_shared>>) target(%dma_start3A_1303 : memref<128xf32, #tpu.memory_space<vmem>>) offsets(%dma_start3A_1305 : memref<128xi32, #tpu.memory_space<vmem>>) semaphore(%arg41 : memref<!tpu.dma_semaphore, #tpu.memory_space<semaphore_mem>>)
      %dma_start3A_1308 = arith.constant 1536 : i32
      %dma_start3A_1309 = tpu.memref_slice %arg21[%dma_start3A_1308] : memref<2000xf32, #tpu.memory_space<vmem>> -> memref<128xf32, #tpu.memory_space<vmem>>
      %dma_start3A_1310 = arith.constant 1536 : i32
      %dma_start3A_1311 = tpu.memref_slice %arg18[%dma_start3A_1310] : memref<2000xi32, #tpu.memory_space<vmem>> -> memref<128xi32, #tpu.memory_space<vmem>>
      %dma_start3A_1312 = arith.constant 0 : i32
      %dma_start3A_1313 = tpu.memref_slice %arg37[%dma_start3A_1312] : memref<50000xf32, #tpu.memory_space<vmem_shared>> -> memref<50000xf32, #tpu.memory_space<vmem_shared>>
      tpu.enqueue_indirect_dma source(%dma_start3A_1313 : memref<50000xf32, #tpu.memory_space<vmem_shared>>) target(%dma_start3A_1309 : memref<128xf32, #tpu.memory_space<vmem>>) offsets(%dma_start3A_1311 : memref<128xi32, #tpu.memory_space<vmem>>) semaphore(%arg41 : memref<!tpu.dma_semaphore, #tpu.memory_space<semaphore_mem>>)
      %dma_start3A_1314 = arith.constant 1536 : i32
      %dma_start3A_1315 = tpu.memref_slice %arg22[%dma_start3A_1314] : memref<2000xf32, #tpu.memory_space<vmem>> -> memref<128xf32, #tpu.memory_space<vmem>>
      %dma_start3A_1316 = arith.constant 1536 : i32
      %dma_start3A_1317 = tpu.memref_slice %arg18[%dma_start3A_1316] : memref<2000xi32, #tpu.memory_space<vmem>> -> memref<128xi32, #tpu.memory_space<vmem>>
      %dma_start3A_1318 = arith.constant 0 : i32
      %dma_start3A_1319 = tpu.memref_slice %arg38[%dma_start3A_1318] : memref<50000xf32, #tpu.memory_space<vmem_shared>> -> memref<50000xf32, #tpu.memory_space<vmem_shared>>
      tpu.enqueue_indirect_dma source(%dma_start3A_1319 : memref<50000xf32, #tpu.memory_space<vmem_shared>>) target(%dma_start3A_1315 : memref<128xf32, #tpu.memory_space<vmem>>) offsets(%dma_start3A_1317 : memref<128xi32, #tpu.memory_space<vmem>>) semaphore(%arg41 : memref<!tpu.dma_semaphore, #tpu.memory_space<semaphore_mem>>)
      %dma_start3A_1320 = arith.constant 1536 : i32
      %dma_start3A_1321 = tpu.memref_slice %arg23[%dma_start3A_1320] : memref<2000xf32, #tpu.memory_space<vmem>> -> memref<128xf32, #tpu.memory_space<vmem>>
      %dma_start3A_1322 = arith.constant 1536 : i32
      %dma_start3A_1323 = tpu.memref_slice %arg19[%dma_start3A_1322] : memref<2000xi32, #tpu.memory_space<vmem>> -> memref<128xi32, #tpu.memory_space<vmem>>
      %dma_start3A_1324 = arith.constant 0 : i32
      %dma_start3A_1325 = tpu.memref_slice %arg36[%dma_start3A_1324] : memref<50000xf32, #tpu.memory_space<vmem_shared>> -> memref<50000xf32, #tpu.memory_space<vmem_shared>>
      tpu.enqueue_indirect_dma source(%dma_start3A_1325 : memref<50000xf32, #tpu.memory_space<vmem_shared>>) target(%dma_start3A_1321 : memref<128xf32, #tpu.memory_space<vmem>>) offsets(%dma_start3A_1323 : memref<128xi32, #tpu.memory_space<vmem>>) semaphore(%arg41 : memref<!tpu.dma_semaphore, #tpu.memory_space<semaphore_mem>>)
      %dma_start3A_1326 = arith.constant 1536 : i32
      %dma_start3A_1327 = tpu.memref_slice %arg24[%dma_start3A_1326] : memref<2000xf32, #tpu.memory_space<vmem>> -> memref<128xf32, #tpu.memory_space<vmem>>
      %dma_start3A_1328 = arith.constant 1536 : i32
      %dma_start3A_1329 = tpu.memref_slice %arg19[%dma_start3A_1328] : memref<2000xi32, #tpu.memory_space<vmem>> -> memref<128xi32, #tpu.memory_space<vmem>>
      %dma_start3A_1330 = arith.constant 0 : i32
      %dma_start3A_1331 = tpu.memref_slice %arg37[%dma_start3A_1330] : memref<50000xf32, #tpu.memory_space<vmem_shared>> -> memref<50000xf32, #tpu.memory_space<vmem_shared>>
      tpu.enqueue_indirect_dma source(%dma_start3A_1331 : memref<50000xf32, #tpu.memory_space<vmem_shared>>) target(%dma_start3A_1327 : memref<128xf32, #tpu.memory_space<vmem>>) offsets(%dma_start3A_1329 : memref<128xi32, #tpu.memory_space<vmem>>) semaphore(%arg41 : memref<!tpu.dma_semaphore, #tpu.memory_space<semaphore_mem>>)
      %dma_start3A_1332 = arith.constant 1536 : i32
      %dma_start3A_1333 = tpu.memref_slice %arg25[%dma_start3A_1332] : memref<2000xf32, #tpu.memory_space<vmem>> -> memref<128xf32, #tpu.memory_space<vmem>>
      %dma_start3A_1334 = arith.constant 1536 : i32
      %dma_start3A_1335 = tpu.memref_slice %arg19[%dma_start3A_1334] : memref<2000xi32, #tpu.memory_space<vmem>> -> memref<128xi32, #tpu.memory_space<vmem>>
      %dma_start3A_1336 = arith.constant 0 : i32
      %dma_start3A_1337 = tpu.memref_slice %arg38[%dma_start3A_1336] : memref<50000xf32, #tpu.memory_space<vmem_shared>> -> memref<50000xf32, #tpu.memory_space<vmem_shared>>
      tpu.enqueue_indirect_dma source(%dma_start3A_1337 : memref<50000xf32, #tpu.memory_space<vmem_shared>>) target(%dma_start3A_1333 : memref<128xf32, #tpu.memory_space<vmem>>) offsets(%dma_start3A_1335 : memref<128xi32, #tpu.memory_space<vmem>>) semaphore(%arg41 : memref<!tpu.dma_semaphore, #tpu.memory_space<semaphore_mem>>)
      %dma_start3A_1338 = arith.constant 1664 : i32
      %dma_start3A_1339 = tpu.memref_slice %arg20[%dma_start3A_1338] : memref<2000xf32, #tpu.memory_space<vmem>> -> memref<128xf32, #tpu.memory_space<vmem>>
      %dma_start3A_1340 = arith.constant 1664 : i32
      %dma_start3A_1341 = tpu.memref_slice %arg18[%dma_start3A_1340] : memref<2000xi32, #tpu.memory_space<vmem>> -> memref<128xi32, #tpu.memory_space<vmem>>
      %dma_start3A_1342 = arith.constant 0 : i32
      %dma_start3A_1343 = tpu.memref_slice %arg36[%dma_start3A_1342] : memref<50000xf32, #tpu.memory_space<vmem_shared>> -> memref<50000xf32, #tpu.memory_space<vmem_shared>>
      tpu.enqueue_indirect_dma source(%dma_start3A_1343 : memref<50000xf32, #tpu.memory_space<vmem_shared>>) target(%dma_start3A_1339 : memref<128xf32, #tpu.memory_space<vmem>>) offsets(%dma_start3A_1341 : memref<128xi32, #tpu.memory_space<vmem>>) semaphore(%arg41 : memref<!tpu.dma_semaphore, #tpu.memory_space<semaphore_mem>>)
      %dma_start3A_1344 = arith.constant 1664 : i32
      %dma_start3A_1345 = tpu.memref_slice %arg21[%dma_start3A_1344] : memref<2000xf32, #tpu.memory_space<vmem>> -> memref<128xf32, #tpu.memory_space<vmem>>
      %dma_start3A_1346 = arith.constant 1664 : i32
      %dma_start3A_1347 = tpu.memref_slice %arg18[%dma_start3A_1346] : memref<2000xi32, #tpu.memory_space<vmem>> -> memref<128xi32, #tpu.memory_space<vmem>>
      %dma_start3A_1348 = arith.constant 0 : i32
      %dma_start3A_1349 = tpu.memref_slice %arg37[%dma_start3A_1348] : memref<50000xf32, #tpu.memory_space<vmem_shared>> -> memref<50000xf32, #tpu.memory_space<vmem_shared>>
      tpu.enqueue_indirect_dma source(%dma_start3A_1349 : memref<50000xf32, #tpu.memory_space<vmem_shared>>) target(%dma_start3A_1345 : memref<128xf32, #tpu.memory_space<vmem>>) offsets(%dma_start3A_1347 : memref<128xi32, #tpu.memory_space<vmem>>) semaphore(%arg41 : memref<!tpu.dma_semaphore, #tpu.memory_space<semaphore_mem>>)
      %dma_start3A_1350 = arith.constant 1664 : i32
      %dma_start3A_1351 = tpu.memref_slice %arg22[%dma_start3A_1350] : memref<2000xf32, #tpu.memory_space<vmem>> -> memref<128xf32, #tpu.memory_space<vmem>>
      %dma_start3A_1352 = arith.constant 1664 : i32
      %dma_start3A_1353 = tpu.memref_slice %arg18[%dma_start3A_1352] : memref<2000xi32, #tpu.memory_space<vmem>> -> memref<128xi32, #tpu.memory_space<vmem>>
      %dma_start3A_1354 = arith.constant 0 : i32
      %dma_start3A_1355 = tpu.memref_slice %arg38[%dma_start3A_1354] : memref<50000xf32, #tpu.memory_space<vmem_shared>> -> memref<50000xf32, #tpu.memory_space<vmem_shared>>
      tpu.enqueue_indirect_dma source(%dma_start3A_1355 : memref<50000xf32, #tpu.memory_space<vmem_shared>>) target(%dma_start3A_1351 : memref<128xf32, #tpu.memory_space<vmem>>) offsets(%dma_start3A_1353 : memref<128xi32, #tpu.memory_space<vmem>>) semaphore(%arg41 : memref<!tpu.dma_semaphore, #tpu.memory_space<semaphore_mem>>)
      %dma_start3A_1356 = arith.constant 1664 : i32
      %dma_start3A_1357 = tpu.memref_slice %arg23[%dma_start3A_1356] : memref<2000xf32, #tpu.memory_space<vmem>> -> memref<128xf32, #tpu.memory_space<vmem>>
      %dma_start3A_1358 = arith.constant 1664 : i32
      %dma_start3A_1359 = tpu.memref_slice %arg19[%dma_start3A_1358] : memref<2000xi32, #tpu.memory_space<vmem>> -> memref<128xi32, #tpu.memory_space<vmem>>
      %dma_start3A_1360 = arith.constant 0 : i32
      %dma_start3A_1361 = tpu.memref_slice %arg36[%dma_start3A_1360] : memref<50000xf32, #tpu.memory_space<vmem_shared>> -> memref<50000xf32, #tpu.memory_space<vmem_shared>>
      tpu.enqueue_indirect_dma source(%dma_start3A_1361 : memref<50000xf32, #tpu.memory_space<vmem_shared>>) target(%dma_start3A_1357 : memref<128xf32, #tpu.memory_space<vmem>>) offsets(%dma_start3A_1359 : memref<128xi32, #tpu.memory_space<vmem>>) semaphore(%arg41 : memref<!tpu.dma_semaphore, #tpu.memory_space<semaphore_mem>>)
      %dma_start3A_1362 = arith.constant 1664 : i32
      %dma_start3A_1363 = tpu.memref_slice %arg24[%dma_start3A_1362] : memref<2000xf32, #tpu.memory_space<vmem>> -> memref<128xf32, #tpu.memory_space<vmem>>
      %dma_start3A_1364 = arith.constant 1664 : i32
      %dma_start3A_1365 = tpu.memref_slice %arg19[%dma_start3A_1364] : memref<2000xi32, #tpu.memory_space<vmem>> -> memref<128xi32, #tpu.memory_space<vmem>>
      %dma_start3A_1366 = arith.constant 0 : i32
      %dma_start3A_1367 = tpu.memref_slice %arg37[%dma_start3A_1366] : memref<50000xf32, #tpu.memory_space<vmem_shared>> -> memref<50000xf32, #tpu.memory_space<vmem_shared>>
      tpu.enqueue_indirect_dma source(%dma_start3A_1367 : memref<50000xf32, #tpu.memory_space<vmem_shared>>) target(%dma_start3A_1363 : memref<128xf32, #tpu.memory_space<vmem>>) offsets(%dma_start3A_1365 : memref<128xi32, #tpu.memory_space<vmem>>) semaphore(%arg41 : memref<!tpu.dma_semaphore, #tpu.memory_space<semaphore_mem>>)
      %dma_start3A_1368 = arith.constant 1664 : i32
      %dma_start3A_1369 = tpu.memref_slice %arg25[%dma_start3A_1368] : memref<2000xf32, #tpu.memory_space<vmem>> -> memref<128xf32, #tpu.memory_space<vmem>>
      %dma_start3A_1370 = arith.constant 1664 : i32
      %dma_start3A_1371 = tpu.memref_slice %arg19[%dma_start3A_1370] : memref<2000xi32, #tpu.memory_space<vmem>> -> memref<128xi32, #tpu.memory_space<vmem>>
      %dma_start3A_1372 = arith.constant 0 : i32
      %dma_start3A_1373 = tpu.memref_slice %arg38[%dma_start3A_1372] : memref<50000xf32, #tpu.memory_space<vmem_shared>> -> memref<50000xf32, #tpu.memory_space<vmem_shared>>
      tpu.enqueue_indirect_dma source(%dma_start3A_1373 : memref<50000xf32, #tpu.memory_space<vmem_shared>>) target(%dma_start3A_1369 : memref<128xf32, #tpu.memory_space<vmem>>) offsets(%dma_start3A_1371 : memref<128xi32, #tpu.memory_space<vmem>>) semaphore(%arg41 : memref<!tpu.dma_semaphore, #tpu.memory_space<semaphore_mem>>)
      %dma_start3A_1374 = arith.constant 1792 : i32
      %dma_start3A_1375 = tpu.memref_slice %arg20[%dma_start3A_1374] : memref<2000xf32, #tpu.memory_space<vmem>> -> memref<128xf32, #tpu.memory_space<vmem>>
      %dma_start3A_1376 = arith.constant 1792 : i32
      %dma_start3A_1377 = tpu.memref_slice %arg18[%dma_start3A_1376] : memref<2000xi32, #tpu.memory_space<vmem>> -> memref<128xi32, #tpu.memory_space<vmem>>
      %dma_start3A_1378 = arith.constant 0 : i32
      %dma_start3A_1379 = tpu.memref_slice %arg36[%dma_start3A_1378] : memref<50000xf32, #tpu.memory_space<vmem_shared>> -> memref<50000xf32, #tpu.memory_space<vmem_shared>>
      tpu.enqueue_indirect_dma source(%dma_start3A_1379 : memref<50000xf32, #tpu.memory_space<vmem_shared>>) target(%dma_start3A_1375 : memref<128xf32, #tpu.memory_space<vmem>>) offsets(%dma_start3A_1377 : memref<128xi32, #tpu.memory_space<vmem>>) semaphore(%arg41 : memref<!tpu.dma_semaphore, #tpu.memory_space<semaphore_mem>>)
      %dma_start3A_1380 = arith.constant 1792 : i32
      %dma_start3A_1381 = tpu.memref_slice %arg21[%dma_start3A_1380] : memref<2000xf32, #tpu.memory_space<vmem>> -> memref<128xf32, #tpu.memory_space<vmem>>
      %dma_start3A_1382 = arith.constant 1792 : i32
      %dma_start3A_1383 = tpu.memref_slice %arg18[%dma_start3A_1382] : memref<2000xi32, #tpu.memory_space<vmem>> -> memref<128xi32, #tpu.memory_space<vmem>>
      %dma_start3A_1384 = arith.constant 0 : i32
      %dma_start3A_1385 = tpu.memref_slice %arg37[%dma_start3A_1384] : memref<50000xf32, #tpu.memory_space<vmem_shared>> -> memref<50000xf32, #tpu.memory_space<vmem_shared>>
      tpu.enqueue_indirect_dma source(%dma_start3A_1385 : memref<50000xf32, #tpu.memory_space<vmem_shared>>) target(%dma_start3A_1381 : memref<128xf32, #tpu.memory_space<vmem>>) offsets(%dma_start3A_1383 : memref<128xi32, #tpu.memory_space<vmem>>) semaphore(%arg41 : memref<!tpu.dma_semaphore, #tpu.memory_space<semaphore_mem>>)
      %dma_start3A_1386 = arith.constant 1792 : i32
      %dma_start3A_1387 = tpu.memref_slice %arg22[%dma_start3A_1386] : memref<2000xf32, #tpu.memory_space<vmem>> -> memref<128xf32, #tpu.memory_space<vmem>>
      %dma_start3A_1388 = arith.constant 1792 : i32
      %dma_start3A_1389 = tpu.memref_slice %arg18[%dma_start3A_1388] : memref<2000xi32, #tpu.memory_space<vmem>> -> memref<128xi32, #tpu.memory_space<vmem>>
      %dma_start3A_1390 = arith.constant 0 : i32
      %dma_start3A_1391 = tpu.memref_slice %arg38[%dma_start3A_1390] : memref<50000xf32, #tpu.memory_space<vmem_shared>> -> memref<50000xf32, #tpu.memory_space<vmem_shared>>
      tpu.enqueue_indirect_dma source(%dma_start3A_1391 : memref<50000xf32, #tpu.memory_space<vmem_shared>>) target(%dma_start3A_1387 : memref<128xf32, #tpu.memory_space<vmem>>) offsets(%dma_start3A_1389 : memref<128xi32, #tpu.memory_space<vmem>>) semaphore(%arg41 : memref<!tpu.dma_semaphore, #tpu.memory_space<semaphore_mem>>)
      %dma_start3A_1392 = arith.constant 1792 : i32
      %dma_start3A_1393 = tpu.memref_slice %arg23[%dma_start3A_1392] : memref<2000xf32, #tpu.memory_space<vmem>> -> memref<128xf32, #tpu.memory_space<vmem>>
      %dma_start3A_1394 = arith.constant 1792 : i32
      %dma_start3A_1395 = tpu.memref_slice %arg19[%dma_start3A_1394] : memref<2000xi32, #tpu.memory_space<vmem>> -> memref<128xi32, #tpu.memory_space<vmem>>
      %dma_start3A_1396 = arith.constant 0 : i32
      %dma_start3A_1397 = tpu.memref_slice %arg36[%dma_start3A_1396] : memref<50000xf32, #tpu.memory_space<vmem_shared>> -> memref<50000xf32, #tpu.memory_space<vmem_shared>>
      tpu.enqueue_indirect_dma source(%dma_start3A_1397 : memref<50000xf32, #tpu.memory_space<vmem_shared>>) target(%dma_start3A_1393 : memref<128xf32, #tpu.memory_space<vmem>>) offsets(%dma_start3A_1395 : memref<128xi32, #tpu.memory_space<vmem>>) semaphore(%arg41 : memref<!tpu.dma_semaphore, #tpu.memory_space<semaphore_mem>>)
      %dma_start3A_1398 = arith.constant 1792 : i32
      %dma_start3A_1399 = tpu.memref_slice %arg24[%dma_start3A_1398] : memref<2000xf32, #tpu.memory_space<vmem>> -> memref<128xf32, #tpu.memory_space<vmem>>
      %dma_start3A_1400 = arith.constant 1792 : i32
      %dma_start3A_1401 = tpu.memref_slice %arg19[%dma_start3A_1400] : memref<2000xi32, #tpu.memory_space<vmem>> -> memref<128xi32, #tpu.memory_space<vmem>>
      %dma_start3A_1402 = arith.constant 0 : i32
      %dma_start3A_1403 = tpu.memref_slice %arg37[%dma_start3A_1402] : memref<50000xf32, #tpu.memory_space<vmem_shared>> -> memref<50000xf32, #tpu.memory_space<vmem_shared>>
      tpu.enqueue_indirect_dma source(%dma_start3A_1403 : memref<50000xf32, #tpu.memory_space<vmem_shared>>) target(%dma_start3A_1399 : memref<128xf32, #tpu.memory_space<vmem>>) offsets(%dma_start3A_1401 : memref<128xi32, #tpu.memory_space<vmem>>) semaphore(%arg41 : memref<!tpu.dma_semaphore, #tpu.memory_space<semaphore_mem>>)
      %dma_start3A_1404 = arith.constant 1792 : i32
      %dma_start3A_1405 = tpu.memref_slice %arg25[%dma_start3A_1404] : memref<2000xf32, #tpu.memory_space<vmem>> -> memref<128xf32, #tpu.memory_space<vmem>>
      %dma_start3A_1406 = arith.constant 1792 : i32
      %dma_start3A_1407 = tpu.memref_slice %arg19[%dma_start3A_1406] : memref<2000xi32, #tpu.memory_space<vmem>> -> memref<128xi32, #tpu.memory_space<vmem>>
      %dma_start3A_1408 = arith.constant 0 : i32
      %dma_start3A_1409 = tpu.memref_slice %arg38[%dma_start3A_1408] : memref<50000xf32, #tpu.memory_space<vmem_shared>> -> memref<50000xf32, #tpu.memory_space<vmem_shared>>
      tpu.enqueue_indirect_dma source(%dma_start3A_1409 : memref<50000xf32, #tpu.memory_space<vmem_shared>>) target(%dma_start3A_1405 : memref<128xf32, #tpu.memory_space<vmem>>) offsets(%dma_start3A_1407 : memref<128xi32, #tpu.memory_space<vmem>>) semaphore(%arg41 : memref<!tpu.dma_semaphore, #tpu.memory_space<semaphore_mem>>)
      %dma_start3A_1410 = arith.constant 1920 : i32
      %dma_start3A_1411 = tpu.memref_slice %arg20[%dma_start3A_1410] : memref<2000xf32, #tpu.memory_space<vmem>> -> memref<80xf32, #tpu.memory_space<vmem>>
      %dma_start3A_1412 = arith.constant 1920 : i32
      %dma_start3A_1413 = tpu.memref_slice %arg18[%dma_start3A_1412] : memref<2000xi32, #tpu.memory_space<vmem>> -> memref<80xi32, #tpu.memory_space<vmem>>
      %dma_start3A_1414 = arith.constant 0 : i32
      %dma_start3A_1415 = tpu.memref_slice %arg36[%dma_start3A_1414] : memref<50000xf32, #tpu.memory_space<vmem_shared>> -> memref<50000xf32, #tpu.memory_space<vmem_shared>>
      tpu.enqueue_indirect_dma source(%dma_start3A_1415 : memref<50000xf32, #tpu.memory_space<vmem_shared>>) target(%dma_start3A_1411 : memref<80xf32, #tpu.memory_space<vmem>>) offsets(%dma_start3A_1413 : memref<80xi32, #tpu.memory_space<vmem>>) semaphore(%arg41 : memref<!tpu.dma_semaphore, #tpu.memory_space<semaphore_mem>>)
      %dma_start3A_1416 = arith.constant 1920 : i32
      %dma_start3A_1417 = tpu.memref_slice %arg21[%dma_start3A_1416] : memref<2000xf32, #tpu.memory_space<vmem>> -> memref<80xf32, #tpu.memory_space<vmem>>
      %dma_start3A_1418 = arith.constant 1920 : i32
      %dma_start3A_1419 = tpu.memref_slice %arg18[%dma_start3A_1418] : memref<2000xi32, #tpu.memory_space<vmem>> -> memref<80xi32, #tpu.memory_space<vmem>>
      %dma_start3A_1420 = arith.constant 0 : i32
      %dma_start3A_1421 = tpu.memref_slice %arg37[%dma_start3A_1420] : memref<50000xf32, #tpu.memory_space<vmem_shared>> -> memref<50000xf32, #tpu.memory_space<vmem_shared>>
      tpu.enqueue_indirect_dma source(%dma_start3A_1421 : memref<50000xf32, #tpu.memory_space<vmem_shared>>) target(%dma_start3A_1417 : memref<80xf32, #tpu.memory_space<vmem>>) offsets(%dma_start3A_1419 : memref<80xi32, #tpu.memory_space<vmem>>) semaphore(%arg41 : memref<!tpu.dma_semaphore, #tpu.memory_space<semaphore_mem>>)
      %dma_start3A_1422 = arith.constant 1920 : i32
      %dma_start3A_1423 = tpu.memref_slice %arg22[%dma_start3A_1422] : memref<2000xf32, #tpu.memory_space<vmem>> -> memref<80xf32, #tpu.memory_space<vmem>>
      %dma_start3A_1424 = arith.constant 1920 : i32
      %dma_start3A_1425 = tpu.memref_slice %arg18[%dma_start3A_1424] : memref<2000xi32, #tpu.memory_space<vmem>> -> memref<80xi32, #tpu.memory_space<vmem>>
      %dma_start3A_1426 = arith.constant 0 : i32
      %dma_start3A_1427 = tpu.memref_slice %arg38[%dma_start3A_1426] : memref<50000xf32, #tpu.memory_space<vmem_shared>> -> memref<50000xf32, #tpu.memory_space<vmem_shared>>
      tpu.enqueue_indirect_dma source(%dma_start3A_1427 : memref<50000xf32, #tpu.memory_space<vmem_shared>>) target(%dma_start3A_1423 : memref<80xf32, #tpu.memory_space<vmem>>) offsets(%dma_start3A_1425 : memref<80xi32, #tpu.memory_space<vmem>>) semaphore(%arg41 : memref<!tpu.dma_semaphore, #tpu.memory_space<semaphore_mem>>)
      %dma_start3A_1428 = arith.constant 1920 : i32
      %dma_start3A_1429 = tpu.memref_slice %arg23[%dma_start3A_1428] : memref<2000xf32, #tpu.memory_space<vmem>> -> memref<80xf32, #tpu.memory_space<vmem>>
      %dma_start3A_1430 = arith.constant 1920 : i32
      %dma_start3A_1431 = tpu.memref_slice %arg19[%dma_start3A_1430] : memref<2000xi32, #tpu.memory_space<vmem>> -> memref<80xi32, #tpu.memory_space<vmem>>
      %dma_start3A_1432 = arith.constant 0 : i32
      %dma_start3A_1433 = tpu.memref_slice %arg36[%dma_start3A_1432] : memref<50000xf32, #tpu.memory_space<vmem_shared>> -> memref<50000xf32, #tpu.memory_space<vmem_shared>>
      tpu.enqueue_indirect_dma source(%dma_start3A_1433 : memref<50000xf32, #tpu.memory_space<vmem_shared>>) target(%dma_start3A_1429 : memref<80xf32, #tpu.memory_space<vmem>>) offsets(%dma_start3A_1431 : memref<80xi32, #tpu.memory_space<vmem>>) semaphore(%arg41 : memref<!tpu.dma_semaphore, #tpu.memory_space<semaphore_mem>>)
      %dma_start3A_1434 = arith.constant 1920 : i32
      %dma_start3A_1435 = tpu.memref_slice %arg24[%dma_start3A_1434] : memref<2000xf32, #tpu.memory_space<vmem>> -> memref<80xf32, #tpu.memory_space<vmem>>
      %dma_start3A_1436 = arith.constant 1920 : i32
      %dma_start3A_1437 = tpu.memref_slice %arg19[%dma_start3A_1436] : memref<2000xi32, #tpu.memory_space<vmem>> -> memref<80xi32, #tpu.memory_space<vmem>>
      %dma_start3A_1438 = arith.constant 0 : i32
      %dma_start3A_1439 = tpu.memref_slice %arg37[%dma_start3A_1438] : memref<50000xf32, #tpu.memory_space<vmem_shared>> -> memref<50000xf32, #tpu.memory_space<vmem_shared>>
      tpu.enqueue_indirect_dma source(%dma_start3A_1439 : memref<50000xf32, #tpu.memory_space<vmem_shared>>) target(%dma_start3A_1435 : memref<80xf32, #tpu.memory_space<vmem>>) offsets(%dma_start3A_1437 : memref<80xi32, #tpu.memory_space<vmem>>) semaphore(%arg41 : memref<!tpu.dma_semaphore, #tpu.memory_space<semaphore_mem>>)
      %dma_start3A_1440 = arith.constant 1920 : i32
      %dma_start3A_1441 = tpu.memref_slice %arg25[%dma_start3A_1440] : memref<2000xf32, #tpu.memory_space<vmem>> -> memref<80xf32, #tpu.memory_space<vmem>>
      %dma_start3A_1442 = arith.constant 1920 : i32
      %dma_start3A_1443 = tpu.memref_slice %arg19[%dma_start3A_1442] : memref<2000xi32, #tpu.memory_space<vmem>> -> memref<80xi32, #tpu.memory_space<vmem>>
      %dma_start3A_1444 = arith.constant 0 : i32
      %dma_start3A_1445 = tpu.memref_slice %arg38[%dma_start3A_1444] : memref<50000xf32, #tpu.memory_space<vmem_shared>> -> memref<50000xf32, #tpu.memory_space<vmem_shared>>
      tpu.enqueue_indirect_dma source(%dma_start3A_1445 : memref<50000xf32, #tpu.memory_space<vmem_shared>>) target(%dma_start3A_1441 : memref<80xf32, #tpu.memory_space<vmem>>) offsets(%dma_start3A_1443 : memref<80xi32, #tpu.memory_space<vmem>>) semaphore(%arg41 : memref<!tpu.dma_semaphore, #tpu.memory_space<semaphore_mem>>)
      %dma_wait3A_1446 = arith.constant 0 : i32
      %dma_wait3A_1447 = tpu.memref_slice %arg20[%dma_wait3A_1446] : memref<2000xf32, #tpu.memory_space<vmem>> -> memref<128xf32, #tpu.memory_space<vmem>>
      %dma_wait3A_1448 = arith.constant 0 : i32
      %dma_wait3A_1449 = tpu.memref_slice %arg18[%dma_wait3A_1448] : memref<2000xi32, #tpu.memory_space<vmem>> -> memref<128xi32, #tpu.memory_space<vmem>>
      %dma_wait3A_1450 = arith.constant 0 : i32
      %dma_wait3A_1451 = tpu.memref_slice %arg36[%dma_wait3A_1450] : memref<50000xf32, #tpu.memory_space<vmem_shared>> -> memref<50000xf32, #tpu.memory_space<vmem_shared>>
      tpu.wait_indirect_dma semaphore(%arg40 : memref<!tpu.dma_semaphore, #tpu.memory_space<semaphore_mem>>) src(%dma_wait3A_1451 : memref<50000xf32, #tpu.memory_space<vmem_shared>>) dst(%dma_wait3A_1447 : memref<128xf32, #tpu.memory_space<vmem>>)
      %dma_wait3A_1452 = arith.constant 0 : i32
      %dma_wait3A_1453 = tpu.memref_slice %arg21[%dma_wait3A_1452] : memref<2000xf32, #tpu.memory_space<vmem>> -> memref<128xf32, #tpu.memory_space<vmem>>
      %dma_wait3A_1454 = arith.constant 0 : i32
      %dma_wait3A_1455 = tpu.memref_slice %arg18[%dma_wait3A_1454] : memref<2000xi32, #tpu.memory_space<vmem>> -> memref<128xi32, #tpu.memory_space<vmem>>
      %dma_wait3A_1456 = arith.constant 0 : i32
      %dma_wait3A_1457 = tpu.memref_slice %arg37[%dma_wait3A_1456] : memref<50000xf32, #tpu.memory_space<vmem_shared>> -> memref<50000xf32, #tpu.memory_space<vmem_shared>>
      tpu.wait_indirect_dma semaphore(%arg40 : memref<!tpu.dma_semaphore, #tpu.memory_space<semaphore_mem>>) src(%dma_wait3A_1457 : memref<50000xf32, #tpu.memory_space<vmem_shared>>) dst(%dma_wait3A_1453 : memref<128xf32, #tpu.memory_space<vmem>>)
      %dma_wait3A_1458 = arith.constant 0 : i32
      %dma_wait3A_1459 = tpu.memref_slice %arg22[%dma_wait3A_1458] : memref<2000xf32, #tpu.memory_space<vmem>> -> memref<128xf32, #tpu.memory_space<vmem>>
      %dma_wait3A_1460 = arith.constant 0 : i32
      %dma_wait3A_1461 = tpu.memref_slice %arg18[%dma_wait3A_1460] : memref<2000xi32, #tpu.memory_space<vmem>> -> memref<128xi32, #tpu.memory_space<vmem>>
      %dma_wait3A_1462 = arith.constant 0 : i32
      %dma_wait3A_1463 = tpu.memref_slice %arg38[%dma_wait3A_1462] : memref<50000xf32, #tpu.memory_space<vmem_shared>> -> memref<50000xf32, #tpu.memory_space<vmem_shared>>
      tpu.wait_indirect_dma semaphore(%arg40 : memref<!tpu.dma_semaphore, #tpu.memory_space<semaphore_mem>>) src(%dma_wait3A_1463 : memref<50000xf32, #tpu.memory_space<vmem_shared>>) dst(%dma_wait3A_1459 : memref<128xf32, #tpu.memory_space<vmem>>)
      %dma_wait3A_1464 = arith.constant 0 : i32
      %dma_wait3A_1465 = tpu.memref_slice %arg23[%dma_wait3A_1464] : memref<2000xf32, #tpu.memory_space<vmem>> -> memref<128xf32, #tpu.memory_space<vmem>>
      %dma_wait3A_1466 = arith.constant 0 : i32
      %dma_wait3A_1467 = tpu.memref_slice %arg19[%dma_wait3A_1466] : memref<2000xi32, #tpu.memory_space<vmem>> -> memref<128xi32, #tpu.memory_space<vmem>>
      %dma_wait3A_1468 = arith.constant 0 : i32
      %dma_wait3A_1469 = tpu.memref_slice %arg36[%dma_wait3A_1468] : memref<50000xf32, #tpu.memory_space<vmem_shared>> -> memref<50000xf32, #tpu.memory_space<vmem_shared>>
      tpu.wait_indirect_dma semaphore(%arg40 : memref<!tpu.dma_semaphore, #tpu.memory_space<semaphore_mem>>) src(%dma_wait3A_1469 : memref<50000xf32, #tpu.memory_space<vmem_shared>>) dst(%dma_wait3A_1465 : memref<128xf32, #tpu.memory_space<vmem>>)
      %dma_wait3A_1470 = arith.constant 0 : i32
      %dma_wait3A_1471 = tpu.memref_slice %arg24[%dma_wait3A_1470] : memref<2000xf32, #tpu.memory_space<vmem>> -> memref<128xf32, #tpu.memory_space<vmem>>
      %dma_wait3A_1472 = arith.constant 0 : i32
      %dma_wait3A_1473 = tpu.memref_slice %arg19[%dma_wait3A_1472] : memref<2000xi32, #tpu.memory_space<vmem>> -> memref<128xi32, #tpu.memory_space<vmem>>
      %dma_wait3A_1474 = arith.constant 0 : i32
      %dma_wait3A_1475 = tpu.memref_slice %arg37[%dma_wait3A_1474] : memref<50000xf32, #tpu.memory_space<vmem_shared>> -> memref<50000xf32, #tpu.memory_space<vmem_shared>>
      tpu.wait_indirect_dma semaphore(%arg40 : memref<!tpu.dma_semaphore, #tpu.memory_space<semaphore_mem>>) src(%dma_wait3A_1475 : memref<50000xf32, #tpu.memory_space<vmem_shared>>) dst(%dma_wait3A_1471 : memref<128xf32, #tpu.memory_space<vmem>>)
      %dma_wait3A_1476 = arith.constant 0 : i32
      %dma_wait3A_1477 = tpu.memref_slice %arg25[%dma_wait3A_1476] : memref<2000xf32, #tpu.memory_space<vmem>> -> memref<128xf32, #tpu.memory_space<vmem>>
      %dma_wait3A_1478 = arith.constant 0 : i32
      %dma_wait3A_1479 = tpu.memref_slice %arg19[%dma_wait3A_1478] : memref<2000xi32, #tpu.memory_space<vmem>> -> memref<128xi32, #tpu.memory_space<vmem>>
      %dma_wait3A_1480 = arith.constant 0 : i32
      %dma_wait3A_1481 = tpu.memref_slice %arg38[%dma_wait3A_1480] : memref<50000xf32, #tpu.memory_space<vmem_shared>> -> memref<50000xf32, #tpu.memory_space<vmem_shared>>
      tpu.wait_indirect_dma semaphore(%arg40 : memref<!tpu.dma_semaphore, #tpu.memory_space<semaphore_mem>>) src(%dma_wait3A_1481 : memref<50000xf32, #tpu.memory_space<vmem_shared>>) dst(%dma_wait3A_1477 : memref<128xf32, #tpu.memory_space<vmem>>)
      %dma_wait3A_1482 = arith.constant 128 : i32
      %dma_wait3A_1483 = tpu.memref_slice %arg20[%dma_wait3A_1482] : memref<2000xf32, #tpu.memory_space<vmem>> -> memref<128xf32, #tpu.memory_space<vmem>>
      %dma_wait3A_1484 = arith.constant 128 : i32
      %dma_wait3A_1485 = tpu.memref_slice %arg18[%dma_wait3A_1484] : memref<2000xi32, #tpu.memory_space<vmem>> -> memref<128xi32, #tpu.memory_space<vmem>>
      %dma_wait3A_1486 = arith.constant 0 : i32
      %dma_wait3A_1487 = tpu.memref_slice %arg36[%dma_wait3A_1486] : memref<50000xf32, #tpu.memory_space<vmem_shared>> -> memref<50000xf32, #tpu.memory_space<vmem_shared>>
      tpu.wait_indirect_dma semaphore(%arg40 : memref<!tpu.dma_semaphore, #tpu.memory_space<semaphore_mem>>) src(%dma_wait3A_1487 : memref<50000xf32, #tpu.memory_space<vmem_shared>>) dst(%dma_wait3A_1483 : memref<128xf32, #tpu.memory_space<vmem>>)
      %dma_wait3A_1488 = arith.constant 128 : i32
      %dma_wait3A_1489 = tpu.memref_slice %arg21[%dma_wait3A_1488] : memref<2000xf32, #tpu.memory_space<vmem>> -> memref<128xf32, #tpu.memory_space<vmem>>
      %dma_wait3A_1490 = arith.constant 128 : i32
      %dma_wait3A_1491 = tpu.memref_slice %arg18[%dma_wait3A_1490] : memref<2000xi32, #tpu.memory_space<vmem>> -> memref<128xi32, #tpu.memory_space<vmem>>
      %dma_wait3A_1492 = arith.constant 0 : i32
      %dma_wait3A_1493 = tpu.memref_slice %arg37[%dma_wait3A_1492] : memref<50000xf32, #tpu.memory_space<vmem_shared>> -> memref<50000xf32, #tpu.memory_space<vmem_shared>>
      tpu.wait_indirect_dma semaphore(%arg40 : memref<!tpu.dma_semaphore, #tpu.memory_space<semaphore_mem>>) src(%dma_wait3A_1493 : memref<50000xf32, #tpu.memory_space<vmem_shared>>) dst(%dma_wait3A_1489 : memref<128xf32, #tpu.memory_space<vmem>>)
      %dma_wait3A_1494 = arith.constant 128 : i32
      %dma_wait3A_1495 = tpu.memref_slice %arg22[%dma_wait3A_1494] : memref<2000xf32, #tpu.memory_space<vmem>> -> memref<128xf32, #tpu.memory_space<vmem>>
      %dma_wait3A_1496 = arith.constant 128 : i32
      %dma_wait3A_1497 = tpu.memref_slice %arg18[%dma_wait3A_1496] : memref<2000xi32, #tpu.memory_space<vmem>> -> memref<128xi32, #tpu.memory_space<vmem>>
      %dma_wait3A_1498 = arith.constant 0 : i32
      %dma_wait3A_1499 = tpu.memref_slice %arg38[%dma_wait3A_1498] : memref<50000xf32, #tpu.memory_space<vmem_shared>> -> memref<50000xf32, #tpu.memory_space<vmem_shared>>
      tpu.wait_indirect_dma semaphore(%arg40 : memref<!tpu.dma_semaphore, #tpu.memory_space<semaphore_mem>>) src(%dma_wait3A_1499 : memref<50000xf32, #tpu.memory_space<vmem_shared>>) dst(%dma_wait3A_1495 : memref<128xf32, #tpu.memory_space<vmem>>)
      %dma_wait3A_1500 = arith.constant 128 : i32
      %dma_wait3A_1501 = tpu.memref_slice %arg23[%dma_wait3A_1500] : memref<2000xf32, #tpu.memory_space<vmem>> -> memref<128xf32, #tpu.memory_space<vmem>>
      %dma_wait3A_1502 = arith.constant 128 : i32
      %dma_wait3A_1503 = tpu.memref_slice %arg19[%dma_wait3A_1502] : memref<2000xi32, #tpu.memory_space<vmem>> -> memref<128xi32, #tpu.memory_space<vmem>>
      %dma_wait3A_1504 = arith.constant 0 : i32
      %dma_wait3A_1505 = tpu.memref_slice %arg36[%dma_wait3A_1504] : memref<50000xf32, #tpu.memory_space<vmem_shared>> -> memref<50000xf32, #tpu.memory_space<vmem_shared>>
      tpu.wait_indirect_dma semaphore(%arg40 : memref<!tpu.dma_semaphore, #tpu.memory_space<semaphore_mem>>) src(%dma_wait3A_1505 : memref<50000xf32, #tpu.memory_space<vmem_shared>>) dst(%dma_wait3A_1501 : memref<128xf32, #tpu.memory_space<vmem>>)
      %dma_wait3A_1506 = arith.constant 128 : i32
      %dma_wait3A_1507 = tpu.memref_slice %arg24[%dma_wait3A_1506] : memref<2000xf32, #tpu.memory_space<vmem>> -> memref<128xf32, #tpu.memory_space<vmem>>
      %dma_wait3A_1508 = arith.constant 128 : i32
      %dma_wait3A_1509 = tpu.memref_slice %arg19[%dma_wait3A_1508] : memref<2000xi32, #tpu.memory_space<vmem>> -> memref<128xi32, #tpu.memory_space<vmem>>
      %dma_wait3A_1510 = arith.constant 0 : i32
      %dma_wait3A_1511 = tpu.memref_slice %arg37[%dma_wait3A_1510] : memref<50000xf32, #tpu.memory_space<vmem_shared>> -> memref<50000xf32, #tpu.memory_space<vmem_shared>>
      tpu.wait_indirect_dma semaphore(%arg40 : memref<!tpu.dma_semaphore, #tpu.memory_space<semaphore_mem>>) src(%dma_wait3A_1511 : memref<50000xf32, #tpu.memory_space<vmem_shared>>) dst(%dma_wait3A_1507 : memref<128xf32, #tpu.memory_space<vmem>>)
      %dma_wait3A_1512 = arith.constant 128 : i32
      %dma_wait3A_1513 = tpu.memref_slice %arg25[%dma_wait3A_1512] : memref<2000xf32, #tpu.memory_space<vmem>> -> memref<128xf32, #tpu.memory_space<vmem>>
      %dma_wait3A_1514 = arith.constant 128 : i32
      %dma_wait3A_1515 = tpu.memref_slice %arg19[%dma_wait3A_1514] : memref<2000xi32, #tpu.memory_space<vmem>> -> memref<128xi32, #tpu.memory_space<vmem>>
      %dma_wait3A_1516 = arith.constant 0 : i32
      %dma_wait3A_1517 = tpu.memref_slice %arg38[%dma_wait3A_1516] : memref<50000xf32, #tpu.memory_space<vmem_shared>> -> memref<50000xf32, #tpu.memory_space<vmem_shared>>
      tpu.wait_indirect_dma semaphore(%arg40 : memref<!tpu.dma_semaphore, #tpu.memory_space<semaphore_mem>>) src(%dma_wait3A_1517 : memref<50000xf32, #tpu.memory_space<vmem_shared>>) dst(%dma_wait3A_1513 : memref<128xf32, #tpu.memory_space<vmem>>)
      %dma_wait3A_1518 = arith.constant 256 : i32
      %dma_wait3A_1519 = tpu.memref_slice %arg20[%dma_wait3A_1518] : memref<2000xf32, #tpu.memory_space<vmem>> -> memref<128xf32, #tpu.memory_space<vmem>>
      %dma_wait3A_1520 = arith.constant 256 : i32
      %dma_wait3A_1521 = tpu.memref_slice %arg18[%dma_wait3A_1520] : memref<2000xi32, #tpu.memory_space<vmem>> -> memref<128xi32, #tpu.memory_space<vmem>>
      %dma_wait3A_1522 = arith.constant 0 : i32
      %dma_wait3A_1523 = tpu.memref_slice %arg36[%dma_wait3A_1522] : memref<50000xf32, #tpu.memory_space<vmem_shared>> -> memref<50000xf32, #tpu.memory_space<vmem_shared>>
      tpu.wait_indirect_dma semaphore(%arg40 : memref<!tpu.dma_semaphore, #tpu.memory_space<semaphore_mem>>) src(%dma_wait3A_1523 : memref<50000xf32, #tpu.memory_space<vmem_shared>>) dst(%dma_wait3A_1519 : memref<128xf32, #tpu.memory_space<vmem>>)
      %dma_wait3A_1524 = arith.constant 256 : i32
      %dma_wait3A_1525 = tpu.memref_slice %arg21[%dma_wait3A_1524] : memref<2000xf32, #tpu.memory_space<vmem>> -> memref<128xf32, #tpu.memory_space<vmem>>
      %dma_wait3A_1526 = arith.constant 256 : i32
      %dma_wait3A_1527 = tpu.memref_slice %arg18[%dma_wait3A_1526] : memref<2000xi32, #tpu.memory_space<vmem>> -> memref<128xi32, #tpu.memory_space<vmem>>
      %dma_wait3A_1528 = arith.constant 0 : i32
      %dma_wait3A_1529 = tpu.memref_slice %arg37[%dma_wait3A_1528] : memref<50000xf32, #tpu.memory_space<vmem_shared>> -> memref<50000xf32, #tpu.memory_space<vmem_shared>>
      tpu.wait_indirect_dma semaphore(%arg40 : memref<!tpu.dma_semaphore, #tpu.memory_space<semaphore_mem>>) src(%dma_wait3A_1529 : memref<50000xf32, #tpu.memory_space<vmem_shared>>) dst(%dma_wait3A_1525 : memref<128xf32, #tpu.memory_space<vmem>>)
      %dma_wait3A_1530 = arith.constant 256 : i32
      %dma_wait3A_1531 = tpu.memref_slice %arg22[%dma_wait3A_1530] : memref<2000xf32, #tpu.memory_space<vmem>> -> memref<128xf32, #tpu.memory_space<vmem>>
      %dma_wait3A_1532 = arith.constant 256 : i32
      %dma_wait3A_1533 = tpu.memref_slice %arg18[%dma_wait3A_1532] : memref<2000xi32, #tpu.memory_space<vmem>> -> memref<128xi32, #tpu.memory_space<vmem>>
      %dma_wait3A_1534 = arith.constant 0 : i32
      %dma_wait3A_1535 = tpu.memref_slice %arg38[%dma_wait3A_1534] : memref<50000xf32, #tpu.memory_space<vmem_shared>> -> memref<50000xf32, #tpu.memory_space<vmem_shared>>
      tpu.wait_indirect_dma semaphore(%arg40 : memref<!tpu.dma_semaphore, #tpu.memory_space<semaphore_mem>>) src(%dma_wait3A_1535 : memref<50000xf32, #tpu.memory_space<vmem_shared>>) dst(%dma_wait3A_1531 : memref<128xf32, #tpu.memory_space<vmem>>)
      %dma_wait3A_1536 = arith.constant 256 : i32
      %dma_wait3A_1537 = tpu.memref_slice %arg23[%dma_wait3A_1536] : memref<2000xf32, #tpu.memory_space<vmem>> -> memref<128xf32, #tpu.memory_space<vmem>>
      %dma_wait3A_1538 = arith.constant 256 : i32
      %dma_wait3A_1539 = tpu.memref_slice %arg19[%dma_wait3A_1538] : memref<2000xi32, #tpu.memory_space<vmem>> -> memref<128xi32, #tpu.memory_space<vmem>>
      %dma_wait3A_1540 = arith.constant 0 : i32
      %dma_wait3A_1541 = tpu.memref_slice %arg36[%dma_wait3A_1540] : memref<50000xf32, #tpu.memory_space<vmem_shared>> -> memref<50000xf32, #tpu.memory_space<vmem_shared>>
      tpu.wait_indirect_dma semaphore(%arg40 : memref<!tpu.dma_semaphore, #tpu.memory_space<semaphore_mem>>) src(%dma_wait3A_1541 : memref<50000xf32, #tpu.memory_space<vmem_shared>>) dst(%dma_wait3A_1537 : memref<128xf32, #tpu.memory_space<vmem>>)
      %dma_wait3A_1542 = arith.constant 256 : i32
      %dma_wait3A_1543 = tpu.memref_slice %arg24[%dma_wait3A_1542] : memref<2000xf32, #tpu.memory_space<vmem>> -> memref<128xf32, #tpu.memory_space<vmem>>
      %dma_wait3A_1544 = arith.constant 256 : i32
      %dma_wait3A_1545 = tpu.memref_slice %arg19[%dma_wait3A_1544] : memref<2000xi32, #tpu.memory_space<vmem>> -> memref<128xi32, #tpu.memory_space<vmem>>
      %dma_wait3A_1546 = arith.constant 0 : i32
      %dma_wait3A_1547 = tpu.memref_slice %arg37[%dma_wait3A_1546] : memref<50000xf32, #tpu.memory_space<vmem_shared>> -> memref<50000xf32, #tpu.memory_space<vmem_shared>>
      tpu.wait_indirect_dma semaphore(%arg40 : memref<!tpu.dma_semaphore, #tpu.memory_space<semaphore_mem>>) src(%dma_wait3A_1547 : memref<50000xf32, #tpu.memory_space<vmem_shared>>) dst(%dma_wait3A_1543 : memref<128xf32, #tpu.memory_space<vmem>>)
      %dma_wait3A_1548 = arith.constant 256 : i32
      %dma_wait3A_1549 = tpu.memref_slice %arg25[%dma_wait3A_1548] : memref<2000xf32, #tpu.memory_space<vmem>> -> memref<128xf32, #tpu.memory_space<vmem>>
      %dma_wait3A_1550 = arith.constant 256 : i32
      %dma_wait3A_1551 = tpu.memref_slice %arg19[%dma_wait3A_1550] : memref<2000xi32, #tpu.memory_space<vmem>> -> memref<128xi32, #tpu.memory_space<vmem>>
      %dma_wait3A_1552 = arith.constant 0 : i32
      %dma_wait3A_1553 = tpu.memref_slice %arg38[%dma_wait3A_1552] : memref<50000xf32, #tpu.memory_space<vmem_shared>> -> memref<50000xf32, #tpu.memory_space<vmem_shared>>
      tpu.wait_indirect_dma semaphore(%arg40 : memref<!tpu.dma_semaphore, #tpu.memory_space<semaphore_mem>>) src(%dma_wait3A_1553 : memref<50000xf32, #tpu.memory_space<vmem_shared>>) dst(%dma_wait3A_1549 : memref<128xf32, #tpu.memory_space<vmem>>)
      %dma_wait3A_1554 = arith.constant 384 : i32
      %dma_wait3A_1555 = tpu.memref_slice %arg20[%dma_wait3A_1554] : memref<2000xf32, #tpu.memory_space<vmem>> -> memref<128xf32, #tpu.memory_space<vmem>>
      %dma_wait3A_1556 = arith.constant 384 : i32
      %dma_wait3A_1557 = tpu.memref_slice %arg18[%dma_wait3A_1556] : memref<2000xi32, #tpu.memory_space<vmem>> -> memref<128xi32, #tpu.memory_space<vmem>>
      %dma_wait3A_1558 = arith.constant 0 : i32
      %dma_wait3A_1559 = tpu.memref_slice %arg36[%dma_wait3A_1558] : memref<50000xf32, #tpu.memory_space<vmem_shared>> -> memref<50000xf32, #tpu.memory_space<vmem_shared>>
      tpu.wait_indirect_dma semaphore(%arg40 : memref<!tpu.dma_semaphore, #tpu.memory_space<semaphore_mem>>) src(%dma_wait3A_1559 : memref<50000xf32, #tpu.memory_space<vmem_shared>>) dst(%dma_wait3A_1555 : memref<128xf32, #tpu.memory_space<vmem>>)
      %dma_wait3A_1560 = arith.constant 384 : i32
      %dma_wait3A_1561 = tpu.memref_slice %arg21[%dma_wait3A_1560] : memref<2000xf32, #tpu.memory_space<vmem>> -> memref<128xf32, #tpu.memory_space<vmem>>
      %dma_wait3A_1562 = arith.constant 384 : i32
      %dma_wait3A_1563 = tpu.memref_slice %arg18[%dma_wait3A_1562] : memref<2000xi32, #tpu.memory_space<vmem>> -> memref<128xi32, #tpu.memory_space<vmem>>
      %dma_wait3A_1564 = arith.constant 0 : i32
      %dma_wait3A_1565 = tpu.memref_slice %arg37[%dma_wait3A_1564] : memref<50000xf32, #tpu.memory_space<vmem_shared>> -> memref<50000xf32, #tpu.memory_space<vmem_shared>>
      tpu.wait_indirect_dma semaphore(%arg40 : memref<!tpu.dma_semaphore, #tpu.memory_space<semaphore_mem>>) src(%dma_wait3A_1565 : memref<50000xf32, #tpu.memory_space<vmem_shared>>) dst(%dma_wait3A_1561 : memref<128xf32, #tpu.memory_space<vmem>>)
      %dma_wait3A_1566 = arith.constant 384 : i32
      %dma_wait3A_1567 = tpu.memref_slice %arg22[%dma_wait3A_1566] : memref<2000xf32, #tpu.memory_space<vmem>> -> memref<128xf32, #tpu.memory_space<vmem>>
      %dma_wait3A_1568 = arith.constant 384 : i32
      %dma_wait3A_1569 = tpu.memref_slice %arg18[%dma_wait3A_1568] : memref<2000xi32, #tpu.memory_space<vmem>> -> memref<128xi32, #tpu.memory_space<vmem>>
      %dma_wait3A_1570 = arith.constant 0 : i32
      %dma_wait3A_1571 = tpu.memref_slice %arg38[%dma_wait3A_1570] : memref<50000xf32, #tpu.memory_space<vmem_shared>> -> memref<50000xf32, #tpu.memory_space<vmem_shared>>
      tpu.wait_indirect_dma semaphore(%arg40 : memref<!tpu.dma_semaphore, #tpu.memory_space<semaphore_mem>>) src(%dma_wait3A_1571 : memref<50000xf32, #tpu.memory_space<vmem_shared>>) dst(%dma_wait3A_1567 : memref<128xf32, #tpu.memory_space<vmem>>)
      %dma_wait3A_1572 = arith.constant 384 : i32
      %dma_wait3A_1573 = tpu.memref_slice %arg23[%dma_wait3A_1572] : memref<2000xf32, #tpu.memory_space<vmem>> -> memref<128xf32, #tpu.memory_space<vmem>>
      %dma_wait3A_1574 = arith.constant 384 : i32
      %dma_wait3A_1575 = tpu.memref_slice %arg19[%dma_wait3A_1574] : memref<2000xi32, #tpu.memory_space<vmem>> -> memref<128xi32, #tpu.memory_space<vmem>>
      %dma_wait3A_1576 = arith.constant 0 : i32
      %dma_wait3A_1577 = tpu.memref_slice %arg36[%dma_wait3A_1576] : memref<50000xf32, #tpu.memory_space<vmem_shared>> -> memref<50000xf32, #tpu.memory_space<vmem_shared>>
      tpu.wait_indirect_dma semaphore(%arg40 : memref<!tpu.dma_semaphore, #tpu.memory_space<semaphore_mem>>) src(%dma_wait3A_1577 : memref<50000xf32, #tpu.memory_space<vmem_shared>>) dst(%dma_wait3A_1573 : memref<128xf32, #tpu.memory_space<vmem>>)
      %dma_wait3A_1578 = arith.constant 384 : i32
      %dma_wait3A_1579 = tpu.memref_slice %arg24[%dma_wait3A_1578] : memref<2000xf32, #tpu.memory_space<vmem>> -> memref<128xf32, #tpu.memory_space<vmem>>
      %dma_wait3A_1580 = arith.constant 384 : i32
      %dma_wait3A_1581 = tpu.memref_slice %arg19[%dma_wait3A_1580] : memref<2000xi32, #tpu.memory_space<vmem>> -> memref<128xi32, #tpu.memory_space<vmem>>
      %dma_wait3A_1582 = arith.constant 0 : i32
      %dma_wait3A_1583 = tpu.memref_slice %arg37[%dma_wait3A_1582] : memref<50000xf32, #tpu.memory_space<vmem_shared>> -> memref<50000xf32, #tpu.memory_space<vmem_shared>>
      tpu.wait_indirect_dma semaphore(%arg40 : memref<!tpu.dma_semaphore, #tpu.memory_space<semaphore_mem>>) src(%dma_wait3A_1583 : memref<50000xf32, #tpu.memory_space<vmem_shared>>) dst(%dma_wait3A_1579 : memref<128xf32, #tpu.memory_space<vmem>>)
      %dma_wait3A_1584 = arith.constant 384 : i32
      %dma_wait3A_1585 = tpu.memref_slice %arg25[%dma_wait3A_1584] : memref<2000xf32, #tpu.memory_space<vmem>> -> memref<128xf32, #tpu.memory_space<vmem>>
      %dma_wait3A_1586 = arith.constant 384 : i32
      %dma_wait3A_1587 = tpu.memref_slice %arg19[%dma_wait3A_1586] : memref<2000xi32, #tpu.memory_space<vmem>> -> memref<128xi32, #tpu.memory_space<vmem>>
      %dma_wait3A_1588 = arith.constant 0 : i32
      %dma_wait3A_1589 = tpu.memref_slice %arg38[%dma_wait3A_1588] : memref<50000xf32, #tpu.memory_space<vmem_shared>> -> memref<50000xf32, #tpu.memory_space<vmem_shared>>
      tpu.wait_indirect_dma semaphore(%arg40 : memref<!tpu.dma_semaphore, #tpu.memory_space<semaphore_mem>>) src(%dma_wait3A_1589 : memref<50000xf32, #tpu.memory_space<vmem_shared>>) dst(%dma_wait3A_1585 : memref<128xf32, #tpu.memory_space<vmem>>)
      %dma_wait3A_1590 = arith.constant 512 : i32
      %dma_wait3A_1591 = tpu.memref_slice %arg20[%dma_wait3A_1590] : memref<2000xf32, #tpu.memory_space<vmem>> -> memref<128xf32, #tpu.memory_space<vmem>>
      %dma_wait3A_1592 = arith.constant 512 : i32
      %dma_wait3A_1593 = tpu.memref_slice %arg18[%dma_wait3A_1592] : memref<2000xi32, #tpu.memory_space<vmem>> -> memref<128xi32, #tpu.memory_space<vmem>>
      %dma_wait3A_1594 = arith.constant 0 : i32
      %dma_wait3A_1595 = tpu.memref_slice %arg36[%dma_wait3A_1594] : memref<50000xf32, #tpu.memory_space<vmem_shared>> -> memref<50000xf32, #tpu.memory_space<vmem_shared>>
      tpu.wait_indirect_dma semaphore(%arg40 : memref<!tpu.dma_semaphore, #tpu.memory_space<semaphore_mem>>) src(%dma_wait3A_1595 : memref<50000xf32, #tpu.memory_space<vmem_shared>>) dst(%dma_wait3A_1591 : memref<128xf32, #tpu.memory_space<vmem>>)
      %dma_wait3A_1596 = arith.constant 512 : i32
      %dma_wait3A_1597 = tpu.memref_slice %arg21[%dma_wait3A_1596] : memref<2000xf32, #tpu.memory_space<vmem>> -> memref<128xf32, #tpu.memory_space<vmem>>
      %dma_wait3A_1598 = arith.constant 512 : i32
      %dma_wait3A_1599 = tpu.memref_slice %arg18[%dma_wait3A_1598] : memref<2000xi32, #tpu.memory_space<vmem>> -> memref<128xi32, #tpu.memory_space<vmem>>
      %dma_wait3A_1600 = arith.constant 0 : i32
      %dma_wait3A_1601 = tpu.memref_slice %arg37[%dma_wait3A_1600] : memref<50000xf32, #tpu.memory_space<vmem_shared>> -> memref<50000xf32, #tpu.memory_space<vmem_shared>>
      tpu.wait_indirect_dma semaphore(%arg40 : memref<!tpu.dma_semaphore, #tpu.memory_space<semaphore_mem>>) src(%dma_wait3A_1601 : memref<50000xf32, #tpu.memory_space<vmem_shared>>) dst(%dma_wait3A_1597 : memref<128xf32, #tpu.memory_space<vmem>>)
      %dma_wait3A_1602 = arith.constant 512 : i32
      %dma_wait3A_1603 = tpu.memref_slice %arg22[%dma_wait3A_1602] : memref<2000xf32, #tpu.memory_space<vmem>> -> memref<128xf32, #tpu.memory_space<vmem>>
      %dma_wait3A_1604 = arith.constant 512 : i32
      %dma_wait3A_1605 = tpu.memref_slice %arg18[%dma_wait3A_1604] : memref<2000xi32, #tpu.memory_space<vmem>> -> memref<128xi32, #tpu.memory_space<vmem>>
      %dma_wait3A_1606 = arith.constant 0 : i32
      %dma_wait3A_1607 = tpu.memref_slice %arg38[%dma_wait3A_1606] : memref<50000xf32, #tpu.memory_space<vmem_shared>> -> memref<50000xf32, #tpu.memory_space<vmem_shared>>
      tpu.wait_indirect_dma semaphore(%arg40 : memref<!tpu.dma_semaphore, #tpu.memory_space<semaphore_mem>>) src(%dma_wait3A_1607 : memref<50000xf32, #tpu.memory_space<vmem_shared>>) dst(%dma_wait3A_1603 : memref<128xf32, #tpu.memory_space<vmem>>)
      %dma_wait3A_1608 = arith.constant 512 : i32
      %dma_wait3A_1609 = tpu.memref_slice %arg23[%dma_wait3A_1608] : memref<2000xf32, #tpu.memory_space<vmem>> -> memref<128xf32, #tpu.memory_space<vmem>>
      %dma_wait3A_1610 = arith.constant 512 : i32
      %dma_wait3A_1611 = tpu.memref_slice %arg19[%dma_wait3A_1610] : memref<2000xi32, #tpu.memory_space<vmem>> -> memref<128xi32, #tpu.memory_space<vmem>>
      %dma_wait3A_1612 = arith.constant 0 : i32
      %dma_wait3A_1613 = tpu.memref_slice %arg36[%dma_wait3A_1612] : memref<50000xf32, #tpu.memory_space<vmem_shared>> -> memref<50000xf32, #tpu.memory_space<vmem_shared>>
      tpu.wait_indirect_dma semaphore(%arg40 : memref<!tpu.dma_semaphore, #tpu.memory_space<semaphore_mem>>) src(%dma_wait3A_1613 : memref<50000xf32, #tpu.memory_space<vmem_shared>>) dst(%dma_wait3A_1609 : memref<128xf32, #tpu.memory_space<vmem>>)
      %dma_wait3A_1614 = arith.constant 512 : i32
      %dma_wait3A_1615 = tpu.memref_slice %arg24[%dma_wait3A_1614] : memref<2000xf32, #tpu.memory_space<vmem>> -> memref<128xf32, #tpu.memory_space<vmem>>
      %dma_wait3A_1616 = arith.constant 512 : i32
      %dma_wait3A_1617 = tpu.memref_slice %arg19[%dma_wait3A_1616] : memref<2000xi32, #tpu.memory_space<vmem>> -> memref<128xi32, #tpu.memory_space<vmem>>
      %dma_wait3A_1618 = arith.constant 0 : i32
      %dma_wait3A_1619 = tpu.memref_slice %arg37[%dma_wait3A_1618] : memref<50000xf32, #tpu.memory_space<vmem_shared>> -> memref<50000xf32, #tpu.memory_space<vmem_shared>>
      tpu.wait_indirect_dma semaphore(%arg40 : memref<!tpu.dma_semaphore, #tpu.memory_space<semaphore_mem>>) src(%dma_wait3A_1619 : memref<50000xf32, #tpu.memory_space<vmem_shared>>) dst(%dma_wait3A_1615 : memref<128xf32, #tpu.memory_space<vmem>>)
      %dma_wait3A_1620 = arith.constant 512 : i32
      %dma_wait3A_1621 = tpu.memref_slice %arg25[%dma_wait3A_1620] : memref<2000xf32, #tpu.memory_space<vmem>> -> memref<128xf32, #tpu.memory_space<vmem>>
      %dma_wait3A_1622 = arith.constant 512 : i32
      %dma_wait3A_1623 = tpu.memref_slice %arg19[%dma_wait3A_1622] : memref<2000xi32, #tpu.memory_space<vmem>> -> memref<128xi32, #tpu.memory_space<vmem>>
      %dma_wait3A_1624 = arith.constant 0 : i32
      %dma_wait3A_1625 = tpu.memref_slice %arg38[%dma_wait3A_1624] : memref<50000xf32, #tpu.memory_space<vmem_shared>> -> memref<50000xf32, #tpu.memory_space<vmem_shared>>
      tpu.wait_indirect_dma semaphore(%arg40 : memref<!tpu.dma_semaphore, #tpu.memory_space<semaphore_mem>>) src(%dma_wait3A_1625 : memref<50000xf32, #tpu.memory_space<vmem_shared>>) dst(%dma_wait3A_1621 : memref<128xf32, #tpu.memory_space<vmem>>)
      %dma_wait3A_1626 = arith.constant 640 : i32
      %dma_wait3A_1627 = tpu.memref_slice %arg20[%dma_wait3A_1626] : memref<2000xf32, #tpu.memory_space<vmem>> -> memref<128xf32, #tpu.memory_space<vmem>>
      %dma_wait3A_1628 = arith.constant 640 : i32
      %dma_wait3A_1629 = tpu.memref_slice %arg18[%dma_wait3A_1628] : memref<2000xi32, #tpu.memory_space<vmem>> -> memref<128xi32, #tpu.memory_space<vmem>>
      %dma_wait3A_1630 = arith.constant 0 : i32
      %dma_wait3A_1631 = tpu.memref_slice %arg36[%dma_wait3A_1630] : memref<50000xf32, #tpu.memory_space<vmem_shared>> -> memref<50000xf32, #tpu.memory_space<vmem_shared>>
      tpu.wait_indirect_dma semaphore(%arg40 : memref<!tpu.dma_semaphore, #tpu.memory_space<semaphore_mem>>) src(%dma_wait3A_1631 : memref<50000xf32, #tpu.memory_space<vmem_shared>>) dst(%dma_wait3A_1627 : memref<128xf32, #tpu.memory_space<vmem>>)
      %dma_wait3A_1632 = arith.constant 640 : i32
      %dma_wait3A_1633 = tpu.memref_slice %arg21[%dma_wait3A_1632] : memref<2000xf32, #tpu.memory_space<vmem>> -> memref<128xf32, #tpu.memory_space<vmem>>
      %dma_wait3A_1634 = arith.constant 640 : i32
      %dma_wait3A_1635 = tpu.memref_slice %arg18[%dma_wait3A_1634] : memref<2000xi32, #tpu.memory_space<vmem>> -> memref<128xi32, #tpu.memory_space<vmem>>
      %dma_wait3A_1636 = arith.constant 0 : i32
      %dma_wait3A_1637 = tpu.memref_slice %arg37[%dma_wait3A_1636] : memref<50000xf32, #tpu.memory_space<vmem_shared>> -> memref<50000xf32, #tpu.memory_space<vmem_shared>>
      tpu.wait_indirect_dma semaphore(%arg40 : memref<!tpu.dma_semaphore, #tpu.memory_space<semaphore_mem>>) src(%dma_wait3A_1637 : memref<50000xf32, #tpu.memory_space<vmem_shared>>) dst(%dma_wait3A_1633 : memref<128xf32, #tpu.memory_space<vmem>>)
      %dma_wait3A_1638 = arith.constant 640 : i32
      %dma_wait3A_1639 = tpu.memref_slice %arg22[%dma_wait3A_1638] : memref<2000xf32, #tpu.memory_space<vmem>> -> memref<128xf32, #tpu.memory_space<vmem>>
      %dma_wait3A_1640 = arith.constant 640 : i32
      %dma_wait3A_1641 = tpu.memref_slice %arg18[%dma_wait3A_1640] : memref<2000xi32, #tpu.memory_space<vmem>> -> memref<128xi32, #tpu.memory_space<vmem>>
      %dma_wait3A_1642 = arith.constant 0 : i32
      %dma_wait3A_1643 = tpu.memref_slice %arg38[%dma_wait3A_1642] : memref<50000xf32, #tpu.memory_space<vmem_shared>> -> memref<50000xf32, #tpu.memory_space<vmem_shared>>
      tpu.wait_indirect_dma semaphore(%arg40 : memref<!tpu.dma_semaphore, #tpu.memory_space<semaphore_mem>>) src(%dma_wait3A_1643 : memref<50000xf32, #tpu.memory_space<vmem_shared>>) dst(%dma_wait3A_1639 : memref<128xf32, #tpu.memory_space<vmem>>)
      %dma_wait3A_1644 = arith.constant 640 : i32
      %dma_wait3A_1645 = tpu.memref_slice %arg23[%dma_wait3A_1644] : memref<2000xf32, #tpu.memory_space<vmem>> -> memref<128xf32, #tpu.memory_space<vmem>>
      %dma_wait3A_1646 = arith.constant 640 : i32
      %dma_wait3A_1647 = tpu.memref_slice %arg19[%dma_wait3A_1646] : memref<2000xi32, #tpu.memory_space<vmem>> -> memref<128xi32, #tpu.memory_space<vmem>>
      %dma_wait3A_1648 = arith.constant 0 : i32
      %dma_wait3A_1649 = tpu.memref_slice %arg36[%dma_wait3A_1648] : memref<50000xf32, #tpu.memory_space<vmem_shared>> -> memref<50000xf32, #tpu.memory_space<vmem_shared>>
      tpu.wait_indirect_dma semaphore(%arg40 : memref<!tpu.dma_semaphore, #tpu.memory_space<semaphore_mem>>) src(%dma_wait3A_1649 : memref<50000xf32, #tpu.memory_space<vmem_shared>>) dst(%dma_wait3A_1645 : memref<128xf32, #tpu.memory_space<vmem>>)
      %dma_wait3A_1650 = arith.constant 640 : i32
      %dma_wait3A_1651 = tpu.memref_slice %arg24[%dma_wait3A_1650] : memref<2000xf32, #tpu.memory_space<vmem>> -> memref<128xf32, #tpu.memory_space<vmem>>
      %dma_wait3A_1652 = arith.constant 640 : i32
      %dma_wait3A_1653 = tpu.memref_slice %arg19[%dma_wait3A_1652] : memref<2000xi32, #tpu.memory_space<vmem>> -> memref<128xi32, #tpu.memory_space<vmem>>
      %dma_wait3A_1654 = arith.constant 0 : i32
      %dma_wait3A_1655 = tpu.memref_slice %arg37[%dma_wait3A_1654] : memref<50000xf32, #tpu.memory_space<vmem_shared>> -> memref<50000xf32, #tpu.memory_space<vmem_shared>>
      tpu.wait_indirect_dma semaphore(%arg40 : memref<!tpu.dma_semaphore, #tpu.memory_space<semaphore_mem>>) src(%dma_wait3A_1655 : memref<50000xf32, #tpu.memory_space<vmem_shared>>) dst(%dma_wait3A_1651 : memref<128xf32, #tpu.memory_space<vmem>>)
      %dma_wait3A_1656 = arith.constant 640 : i32
      %dma_wait3A_1657 = tpu.memref_slice %arg25[%dma_wait3A_1656] : memref<2000xf32, #tpu.memory_space<vmem>> -> memref<128xf32, #tpu.memory_space<vmem>>
      %dma_wait3A_1658 = arith.constant 640 : i32
      %dma_wait3A_1659 = tpu.memref_slice %arg19[%dma_wait3A_1658] : memref<2000xi32, #tpu.memory_space<vmem>> -> memref<128xi32, #tpu.memory_space<vmem>>
      %dma_wait3A_1660 = arith.constant 0 : i32
      %dma_wait3A_1661 = tpu.memref_slice %arg38[%dma_wait3A_1660] : memref<50000xf32, #tpu.memory_space<vmem_shared>> -> memref<50000xf32, #tpu.memory_space<vmem_shared>>
      tpu.wait_indirect_dma semaphore(%arg40 : memref<!tpu.dma_semaphore, #tpu.memory_space<semaphore_mem>>) src(%dma_wait3A_1661 : memref<50000xf32, #tpu.memory_space<vmem_shared>>) dst(%dma_wait3A_1657 : memref<128xf32, #tpu.memory_space<vmem>>)
      %dma_wait3A_1662 = arith.constant 768 : i32
      %dma_wait3A_1663 = tpu.memref_slice %arg20[%dma_wait3A_1662] : memref<2000xf32, #tpu.memory_space<vmem>> -> memref<128xf32, #tpu.memory_space<vmem>>
      %dma_wait3A_1664 = arith.constant 768 : i32
      %dma_wait3A_1665 = tpu.memref_slice %arg18[%dma_wait3A_1664] : memref<2000xi32, #tpu.memory_space<vmem>> -> memref<128xi32, #tpu.memory_space<vmem>>
      %dma_wait3A_1666 = arith.constant 0 : i32
      %dma_wait3A_1667 = tpu.memref_slice %arg36[%dma_wait3A_1666] : memref<50000xf32, #tpu.memory_space<vmem_shared>> -> memref<50000xf32, #tpu.memory_space<vmem_shared>>
      tpu.wait_indirect_dma semaphore(%arg40 : memref<!tpu.dma_semaphore, #tpu.memory_space<semaphore_mem>>) src(%dma_wait3A_1667 : memref<50000xf32, #tpu.memory_space<vmem_shared>>) dst(%dma_wait3A_1663 : memref<128xf32, #tpu.memory_space<vmem>>)
      %dma_wait3A_1668 = arith.constant 768 : i32
      %dma_wait3A_1669 = tpu.memref_slice %arg21[%dma_wait3A_1668] : memref<2000xf32, #tpu.memory_space<vmem>> -> memref<128xf32, #tpu.memory_space<vmem>>
      %dma_wait3A_1670 = arith.constant 768 : i32
      %dma_wait3A_1671 = tpu.memref_slice %arg18[%dma_wait3A_1670] : memref<2000xi32, #tpu.memory_space<vmem>> -> memref<128xi32, #tpu.memory_space<vmem>>
      %dma_wait3A_1672 = arith.constant 0 : i32
      %dma_wait3A_1673 = tpu.memref_slice %arg37[%dma_wait3A_1672] : memref<50000xf32, #tpu.memory_space<vmem_shared>> -> memref<50000xf32, #tpu.memory_space<vmem_shared>>
      tpu.wait_indirect_dma semaphore(%arg40 : memref<!tpu.dma_semaphore, #tpu.memory_space<semaphore_mem>>) src(%dma_wait3A_1673 : memref<50000xf32, #tpu.memory_space<vmem_shared>>) dst(%dma_wait3A_1669 : memref<128xf32, #tpu.memory_space<vmem>>)
      %dma_wait3A_1674 = arith.constant 768 : i32
      %dma_wait3A_1675 = tpu.memref_slice %arg22[%dma_wait3A_1674] : memref<2000xf32, #tpu.memory_space<vmem>> -> memref<128xf32, #tpu.memory_space<vmem>>
      %dma_wait3A_1676 = arith.constant 768 : i32
      %dma_wait3A_1677 = tpu.memref_slice %arg18[%dma_wait3A_1676] : memref<2000xi32, #tpu.memory_space<vmem>> -> memref<128xi32, #tpu.memory_space<vmem>>
      %dma_wait3A_1678 = arith.constant 0 : i32
      %dma_wait3A_1679 = tpu.memref_slice %arg38[%dma_wait3A_1678] : memref<50000xf32, #tpu.memory_space<vmem_shared>> -> memref<50000xf32, #tpu.memory_space<vmem_shared>>
      tpu.wait_indirect_dma semaphore(%arg40 : memref<!tpu.dma_semaphore, #tpu.memory_space<semaphore_mem>>) src(%dma_wait3A_1679 : memref<50000xf32, #tpu.memory_space<vmem_shared>>) dst(%dma_wait3A_1675 : memref<128xf32, #tpu.memory_space<vmem>>)
      %dma_wait3A_1680 = arith.constant 768 : i32
      %dma_wait3A_1681 = tpu.memref_slice %arg23[%dma_wait3A_1680] : memref<2000xf32, #tpu.memory_space<vmem>> -> memref<128xf32, #tpu.memory_space<vmem>>
      %dma_wait3A_1682 = arith.constant 768 : i32
      %dma_wait3A_1683 = tpu.memref_slice %arg19[%dma_wait3A_1682] : memref<2000xi32, #tpu.memory_space<vmem>> -> memref<128xi32, #tpu.memory_space<vmem>>
      %dma_wait3A_1684 = arith.constant 0 : i32
      %dma_wait3A_1685 = tpu.memref_slice %arg36[%dma_wait3A_1684] : memref<50000xf32, #tpu.memory_space<vmem_shared>> -> memref<50000xf32, #tpu.memory_space<vmem_shared>>
      tpu.wait_indirect_dma semaphore(%arg40 : memref<!tpu.dma_semaphore, #tpu.memory_space<semaphore_mem>>) src(%dma_wait3A_1685 : memref<50000xf32, #tpu.memory_space<vmem_shared>>) dst(%dma_wait3A_1681 : memref<128xf32, #tpu.memory_space<vmem>>)
      %dma_wait3A_1686 = arith.constant 768 : i32
      %dma_wait3A_1687 = tpu.memref_slice %arg24[%dma_wait3A_1686] : memref<2000xf32, #tpu.memory_space<vmem>> -> memref<128xf32, #tpu.memory_space<vmem>>
      %dma_wait3A_1688 = arith.constant 768 : i32
      %dma_wait3A_1689 = tpu.memref_slice %arg19[%dma_wait3A_1688] : memref<2000xi32, #tpu.memory_space<vmem>> -> memref<128xi32, #tpu.memory_space<vmem>>
      %dma_wait3A_1690 = arith.constant 0 : i32
      %dma_wait3A_1691 = tpu.memref_slice %arg37[%dma_wait3A_1690] : memref<50000xf32, #tpu.memory_space<vmem_shared>> -> memref<50000xf32, #tpu.memory_space<vmem_shared>>
      tpu.wait_indirect_dma semaphore(%arg40 : memref<!tpu.dma_semaphore, #tpu.memory_space<semaphore_mem>>) src(%dma_wait3A_1691 : memref<50000xf32, #tpu.memory_space<vmem_shared>>) dst(%dma_wait3A_1687 : memref<128xf32, #tpu.memory_space<vmem>>)
      %dma_wait3A_1692 = arith.constant 768 : i32
      %dma_wait3A_1693 = tpu.memref_slice %arg25[%dma_wait3A_1692] : memref<2000xf32, #tpu.memory_space<vmem>> -> memref<128xf32, #tpu.memory_space<vmem>>
      %dma_wait3A_1694 = arith.constant 768 : i32
      %dma_wait3A_1695 = tpu.memref_slice %arg19[%dma_wait3A_1694] : memref<2000xi32, #tpu.memory_space<vmem>> -> memref<128xi32, #tpu.memory_space<vmem>>
      %dma_wait3A_1696 = arith.constant 0 : i32
      %dma_wait3A_1697 = tpu.memref_slice %arg38[%dma_wait3A_1696] : memref<50000xf32, #tpu.memory_space<vmem_shared>> -> memref<50000xf32, #tpu.memory_space<vmem_shared>>
      tpu.wait_indirect_dma semaphore(%arg40 : memref<!tpu.dma_semaphore, #tpu.memory_space<semaphore_mem>>) src(%dma_wait3A_1697 : memref<50000xf32, #tpu.memory_space<vmem_shared>>) dst(%dma_wait3A_1693 : memref<128xf32, #tpu.memory_space<vmem>>)
      %scan3A_1698 = arith.constant 0 : i32
      %scan3A_1699 = arith.constant 0 : i32
      %scan3A_1700 = arith.constant 56 : i32
      %scan3A_1701 = arith.addi %scan3A_1699, %scan3A_1700 : i32
      %scan3A_1702 = arith.constant 1 : i32
      scf.for %scan3A_2070 = %scan3A_1699 to %scan3A_1701 step %scan3A_1702  : i32 {
        %mul3A_2071 = arith.constant 16 : i32
        %mul3A_2072 = arith.muli %scan3A_2070, %mul3A_2071 : i32
        %get3A_2073 = arith.index_cast %mul3A_2072 : i32 to index
        %get3A_2074 = tpu.vector_load %arg20[%get3A_2073] {strides = array<i32>} : memref<2000xf32, #tpu.memory_space<vmem>>, vector<16xf32>,
        %get3A_2075 = arith.index_cast %mul3A_2072 : i32 to index
        %get3A_2076 = tpu.vector_load %arg21[%get3A_2075] {strides = array<i32>} : memref<2000xf32, #tpu.memory_space<vmem>>, vector<16xf32>,
        %get3A_2077 = arith.index_cast %mul3A_2072 : i32 to index
        %get3A_2078 = tpu.vector_load %arg22[%get3A_2077] {strides = array<i32>} : memref<2000xf32, #tpu.memory_space<vmem>>, vector<16xf32>,
        %get3A_2079 = arith.index_cast %mul3A_2072 : i32 to index
        %get3A_2080 = tpu.vector_load %arg23[%get3A_2079] {strides = array<i32>} : memref<2000xf32, #tpu.memory_space<vmem>>, vector<16xf32>,
        %get3A_2081 = arith.index_cast %mul3A_2072 : i32 to index
        %get3A_2082 = tpu.vector_load %arg24[%get3A_2081] {strides = array<i32>} : memref<2000xf32, #tpu.memory_space<vmem>>, vector<16xf32>,
        %get3A_2083 = arith.index_cast %mul3A_2072 : i32 to index
        %get3A_2084 = tpu.vector_load %arg25[%get3A_2083] {strides = array<i32>} : memref<2000xf32, #tpu.memory_space<vmem>>, vector<16xf32>,
        %get3A_2085 = arith.index_cast %mul3A_2072 : i32 to index
        %get3A_2086 = tpu.vector_load %arg29[%get3A_2085] {strides = array<i32>} : memref<2000xi32, #tpu.memory_space<vmem>>, vector<16xi32>,
        %mul3A_2087 = arith.constant 9 : i32
        %mul3A_2088 = vector.broadcast %mul3A_2087 : i32 to vector<16xi32>
        %mul3A_2089 = arith.muli %get3A_2086, %mul3A_2088 : vector<16xi32>
        %get3A_2090 = arith.index_cast %mul3A_2072 : i32 to index
        %get3A_2091 = tpu.vector_load %arg26[%get3A_2090] {strides = array<i32>} : memref<2000xi32, #tpu.memory_space<vmem>>, vector<16xi32>,
        %convert_element_type3A_2092 = arith.sitofp %get3A_2091 : vector<16xi32> to vector<16xf32>
        %get3A_2093 = arith.index_cast %mul3A_2072 : i32 to index
        %get3A_2094 = tpu.vector_load %arg27[%get3A_2093] {strides = array<i32>} : memref<2000xi32, #tpu.memory_space<vmem>>, vector<16xi32>,
        %convert_element_type3A_2095 = arith.sitofp %get3A_2094 : vector<16xi32> to vector<16xf32>
        %get3A_2096 = arith.index_cast %mul3A_2072 : i32 to index
        %get3A_2097 = tpu.vector_load %arg28[%get3A_2096] {strides = array<i32>} : memref<2000xi32, #tpu.memory_space<vmem>>, vector<16xi32>,
        %convert_element_type3A_2098 = arith.sitofp %get3A_2097 : vector<16xi32> to vector<16xf32>
        %gather3A_2099 = tpu.vector_load_idx %arg30[%mul3A_2089] : memref<1152xf32, #tpu.memory_space<vmem>>[vector<16xi32>], vector<16xf32>,
        %add3A_2100 = arith.constant 1 : i32
        %add3A_2101 = vector.broadcast %add3A_2100 : i32 to vector<16xi32>
        %add3A_2102 = arith.addi %mul3A_2089, %add3A_2101 : vector<16xi32>
        %gather3A_2103 = tpu.vector_load_idx %arg30[%add3A_2102] : memref<1152xf32, #tpu.memory_space<vmem>>[vector<16xi32>], vector<16xf32>,
        %add3A_2104 = arith.constant 2 : i32
        %add3A_2105 = vector.broadcast %add3A_2104 : i32 to vector<16xi32>
        %add3A_2106 = arith.addi %mul3A_2089, %add3A_2105 : vector<16xi32>
        %gather3A_2107 = tpu.vector_load_idx %arg30[%add3A_2106] : memref<1152xf32, #tpu.memory_space<vmem>>[vector<16xi32>], vector<16xf32>,
        %add3A_2108 = arith.constant 3 : i32
        %add3A_2109 = vector.broadcast %add3A_2108 : i32 to vector<16xi32>
        %add3A_2110 = arith.addi %mul3A_2089, %add3A_2109 : vector<16xi32>
        %gather3A_2111 = tpu.vector_load_idx %arg30[%add3A_2110] : memref<1152xf32, #tpu.memory_space<vmem>>[vector<16xi32>], vector<16xf32>,
        %add3A_2112 = arith.constant 4 : i32
        %add3A_2113 = vector.broadcast %add3A_2112 : i32 to vector<16xi32>
        %add3A_2114 = arith.addi %mul3A_2089, %add3A_2113 : vector<16xi32>
        %gather3A_2115 = tpu.vector_load_idx %arg30[%add3A_2114] : memref<1152xf32, #tpu.memory_space<vmem>>[vector<16xi32>], vector<16xf32>,
        %add3A_2116 = arith.constant 5 : i32
        %add3A_2117 = vector.broadcast %add3A_2116 : i32 to vector<16xi32>
        %add3A_2118 = arith.addi %mul3A_2089, %add3A_2117 : vector<16xi32>
        %gather3A_2119 = tpu.vector_load_idx %arg30[%add3A_2118] : memref<1152xf32, #tpu.memory_space<vmem>>[vector<16xi32>], vector<16xf32>,
        %add3A_2120 = arith.constant 6 : i32
        %add3A_2121 = vector.broadcast %add3A_2120 : i32 to vector<16xi32>
        %add3A_2122 = arith.addi %mul3A_2089, %add3A_2121 : vector<16xi32>
        %gather3A_2123 = tpu.vector_load_idx %arg30[%add3A_2122] : memref<1152xf32, #tpu.memory_space<vmem>>[vector<16xi32>], vector<16xf32>,
        %add3A_2124 = arith.constant 7 : i32
        %add3A_2125 = vector.broadcast %add3A_2124 : i32 to vector<16xi32>
        %add3A_2126 = arith.addi %mul3A_2089, %add3A_2125 : vector<16xi32>
        %gather3A_2127 = tpu.vector_load_idx %arg30[%add3A_2126] : memref<1152xf32, #tpu.memory_space<vmem>>[vector<16xi32>], vector<16xf32>,
        %add3A_2128 = arith.constant 8 : i32
        %add3A_2129 = vector.broadcast %add3A_2128 : i32 to vector<16xi32>
        %add3A_2130 = arith.addi %mul3A_2089, %add3A_2129 : vector<16xi32>
        %gather3A_2131 = tpu.vector_load_idx %arg30[%add3A_2130] : memref<1152xf32, #tpu.memory_space<vmem>>[vector<16xi32>], vector<16xf32>,
        %mul3A_2132 = arith.mulf %gather3A_2099, %convert_element_type3A_2092 : vector<16xf32>
        %mul3A_2133 = arith.mulf %gather3A_2111, %convert_element_type3A_2095 : vector<16xf32>
        %add3A_2134 = arith.addf %mul3A_2132, %mul3A_2133 : vector<16xf32>
        %mul3A_2135 = arith.mulf %gather3A_2123, %convert_element_type3A_2098 : vector<16xf32>
        %add3A_2136 = arith.addf %add3A_2134, %mul3A_2135 : vector<16xf32>
        %add3A_2137 = arith.addf %get3A_2080, %add3A_2136 : vector<16xf32>
        %sub3A_2138 = arith.subf %add3A_2137, %get3A_2074 : vector<16xf32>
        %swap3A_2139 = arith.index_cast %mul3A_2072 : i32 to index
        %swap3A_2140 = tpu.vector_load %arg31[%swap3A_2139] {strides = array<i32>} : memref<2000xf32, #tpu.memory_space<vmem>>, vector<16xf32>,
        tpu.vector_store %arg31[%swap3A_2139], %sub3A_2138 {strides = array<i32>} : memref<2000xf32, #tpu.memory_space<vmem>>, vector<16xf32>,
        %mul3A_2141 = arith.mulf %gather3A_2103, %convert_element_type3A_2092 : vector<16xf32>
        %mul3A_2142 = arith.mulf %gather3A_2115, %convert_element_type3A_2095 : vector<16xf32>
        %add3A_2143 = arith.addf %mul3A_2141, %mul3A_2142 : vector<16xf32>
        %mul3A_2144 = arith.mulf %gather3A_2127, %convert_element_type3A_2098 : vector<16xf32>
        %add3A_2145 = arith.addf %add3A_2143, %mul3A_2144 : vector<16xf32>
        %add3A_2146 = arith.addf %get3A_2082, %add3A_2145 : vector<16xf32>
        %sub3A_2147 = arith.subf %add3A_2146, %get3A_2076 : vector<16xf32>
        %swap3A_2148 = arith.index_cast %mul3A_2072 : i32 to index
        %swap3A_2149 = tpu.vector_load %arg32[%swap3A_2148] {strides = array<i32>} : memref<2000xf32, #tpu.memory_space<vmem>>, vector<16xf32>,
        tpu.vector_store %arg32[%swap3A_2148], %sub3A_2147 {strides = array<i32>} : memref<2000xf32, #tpu.memory_space<vmem>>, vector<16xf32>,
        %mul3A_2150 = arith.mulf %gather3A_2107, %convert_element_type3A_2092 : vector<16xf32>
        %mul3A_2151 = arith.mulf %gather3A_2119, %convert_element_type3A_2095 : vector<16xf32>
        %add3A_2152 = arith.addf %mul3A_2150, %mul3A_2151 : vector<16xf32>
        %mul3A_2153 = arith.mulf %gather3A_2131, %convert_element_type3A_2098 : vector<16xf32>
        %add3A_2154 = arith.addf %add3A_2152, %mul3A_2153 : vector<16xf32>
        %add3A_2155 = arith.addf %get3A_2084, %add3A_2154 : vector<16xf32>
        %sub3A_2156 = arith.subf %add3A_2155, %get3A_2078 : vector<16xf32>
        %swap3A_2157 = arith.index_cast %mul3A_2072 : i32 to index
        %swap3A_2158 = tpu.vector_load %arg33[%swap3A_2157] {strides = array<i32>} : memref<2000xf32, #tpu.memory_space<vmem>>, vector<16xf32>,
        tpu.vector_store %arg33[%swap3A_2157], %sub3A_2156 {strides = array<i32>} : memref<2000xf32, #tpu.memory_space<vmem>>, vector<16xf32>,
      }
      %scan3A_1703 = arith.constant 56 : i32
      %dma_wait3A_1704 = arith.constant 896 : i32
      %dma_wait3A_1705 = tpu.memref_slice %arg20[%dma_wait3A_1704] : memref<2000xf32, #tpu.memory_space<vmem>> -> memref<128xf32, #tpu.memory_space<vmem>>
      %dma_wait3A_1706 = arith.constant 896 : i32
      %dma_wait3A_1707 = tpu.memref_slice %arg18[%dma_wait3A_1706] : memref<2000xi32, #tpu.memory_space<vmem>> -> memref<128xi32, #tpu.memory_space<vmem>>
      %dma_wait3A_1708 = arith.constant 0 : i32
      %dma_wait3A_1709 = tpu.memref_slice %arg36[%dma_wait3A_1708] : memref<50000xf32, #tpu.memory_space<vmem_shared>> -> memref<50000xf32, #tpu.memory_space<vmem_shared>>
      tpu.wait_indirect_dma semaphore(%arg41 : memref<!tpu.dma_semaphore, #tpu.memory_space<semaphore_mem>>) src(%dma_wait3A_1709 : memref<50000xf32, #tpu.memory_space<vmem_shared>>) dst(%dma_wait3A_1705 : memref<128xf32, #tpu.memory_space<vmem>>)
      %dma_wait3A_1710 = arith.constant 896 : i32
      %dma_wait3A_1711 = tpu.memref_slice %arg21[%dma_wait3A_1710] : memref<2000xf32, #tpu.memory_space<vmem>> -> memref<128xf32, #tpu.memory_space<vmem>>
      %dma_wait3A_1712 = arith.constant 896 : i32
      %dma_wait3A_1713 = tpu.memref_slice %arg18[%dma_wait3A_1712] : memref<2000xi32, #tpu.memory_space<vmem>> -> memref<128xi32, #tpu.memory_space<vmem>>
      %dma_wait3A_1714 = arith.constant 0 : i32
      %dma_wait3A_1715 = tpu.memref_slice %arg37[%dma_wait3A_1714] : memref<50000xf32, #tpu.memory_space<vmem_shared>> -> memref<50000xf32, #tpu.memory_space<vmem_shared>>
      tpu.wait_indirect_dma semaphore(%arg41 : memref<!tpu.dma_semaphore, #tpu.memory_space<semaphore_mem>>) src(%dma_wait3A_1715 : memref<50000xf32, #tpu.memory_space<vmem_shared>>) dst(%dma_wait3A_1711 : memref<128xf32, #tpu.memory_space<vmem>>)
      %dma_wait3A_1716 = arith.constant 896 : i32
      %dma_wait3A_1717 = tpu.memref_slice %arg22[%dma_wait3A_1716] : memref<2000xf32, #tpu.memory_space<vmem>> -> memref<128xf32, #tpu.memory_space<vmem>>
      %dma_wait3A_1718 = arith.constant 896 : i32
      %dma_wait3A_1719 = tpu.memref_slice %arg18[%dma_wait3A_1718] : memref<2000xi32, #tpu.memory_space<vmem>> -> memref<128xi32, #tpu.memory_space<vmem>>
      %dma_wait3A_1720 = arith.constant 0 : i32
      %dma_wait3A_1721 = tpu.memref_slice %arg38[%dma_wait3A_1720] : memref<50000xf32, #tpu.memory_space<vmem_shared>> -> memref<50000xf32, #tpu.memory_space<vmem_shared>>
      tpu.wait_indirect_dma semaphore(%arg41 : memref<!tpu.dma_semaphore, #tpu.memory_space<semaphore_mem>>) src(%dma_wait3A_1721 : memref<50000xf32, #tpu.memory_space<vmem_shared>>) dst(%dma_wait3A_1717 : memref<128xf32, #tpu.memory_space<vmem>>)
      %dma_wait3A_1722 = arith.constant 896 : i32
      %dma_wait3A_1723 = tpu.memref_slice %arg23[%dma_wait3A_1722] : memref<2000xf32, #tpu.memory_space<vmem>> -> memref<128xf32, #tpu.memory_space<vmem>>
      %dma_wait3A_1724 = arith.constant 896 : i32
      %dma_wait3A_1725 = tpu.memref_slice %arg19[%dma_wait3A_1724] : memref<2000xi32, #tpu.memory_space<vmem>> -> memref<128xi32, #tpu.memory_space<vmem>>
      %dma_wait3A_1726 = arith.constant 0 : i32
      %dma_wait3A_1727 = tpu.memref_slice %arg36[%dma_wait3A_1726] : memref<50000xf32, #tpu.memory_space<vmem_shared>> -> memref<50000xf32, #tpu.memory_space<vmem_shared>>
      tpu.wait_indirect_dma semaphore(%arg41 : memref<!tpu.dma_semaphore, #tpu.memory_space<semaphore_mem>>) src(%dma_wait3A_1727 : memref<50000xf32, #tpu.memory_space<vmem_shared>>) dst(%dma_wait3A_1723 : memref<128xf32, #tpu.memory_space<vmem>>)
      %dma_wait3A_1728 = arith.constant 896 : i32
      %dma_wait3A_1729 = tpu.memref_slice %arg24[%dma_wait3A_1728] : memref<2000xf32, #tpu.memory_space<vmem>> -> memref<128xf32, #tpu.memory_space<vmem>>
      %dma_wait3A_1730 = arith.constant 896 : i32
      %dma_wait3A_1731 = tpu.memref_slice %arg19[%dma_wait3A_1730] : memref<2000xi32, #tpu.memory_space<vmem>> -> memref<128xi32, #tpu.memory_space<vmem>>
      %dma_wait3A_1732 = arith.constant 0 : i32
      %dma_wait3A_1733 = tpu.memref_slice %arg37[%dma_wait3A_1732] : memref<50000xf32, #tpu.memory_space<vmem_shared>> -> memref<50000xf32, #tpu.memory_space<vmem_shared>>
      tpu.wait_indirect_dma semaphore(%arg41 : memref<!tpu.dma_semaphore, #tpu.memory_space<semaphore_mem>>) src(%dma_wait3A_1733 : memref<50000xf32, #tpu.memory_space<vmem_shared>>) dst(%dma_wait3A_1729 : memref<128xf32, #tpu.memory_space<vmem>>)
      %dma_wait3A_1734 = arith.constant 896 : i32
      %dma_wait3A_1735 = tpu.memref_slice %arg25[%dma_wait3A_1734] : memref<2000xf32, #tpu.memory_space<vmem>> -> memref<128xf32, #tpu.memory_space<vmem>>
      %dma_wait3A_1736 = arith.constant 896 : i32
      %dma_wait3A_1737 = tpu.memref_slice %arg19[%dma_wait3A_1736] : memref<2000xi32, #tpu.memory_space<vmem>> -> memref<128xi32, #tpu.memory_space<vmem>>
      %dma_wait3A_1738 = arith.constant 0 : i32
      %dma_wait3A_1739 = tpu.memref_slice %arg38[%dma_wait3A_1738] : memref<50000xf32, #tpu.memory_space<vmem_shared>> -> memref<50000xf32, #tpu.memory_space<vmem_shared>>
      tpu.wait_indirect_dma semaphore(%arg41 : memref<!tpu.dma_semaphore, #tpu.memory_space<semaphore_mem>>) src(%dma_wait3A_1739 : memref<50000xf32, #tpu.memory_space<vmem_shared>>) dst(%dma_wait3A_1735 : memref<128xf32, #tpu.memory_space<vmem>>)
      %dma_wait3A_1740 = arith.constant 1024 : i32
      %dma_wait3A_1741 = tpu.memref_slice %arg20[%dma_wait3A_1740] : memref<2000xf32, #tpu.memory_space<vmem>> -> memref<128xf32, #tpu.memory_space<vmem>>
      %dma_wait3A_1742 = arith.constant 1024 : i32
      %dma_wait3A_1743 = tpu.memref_slice %arg18[%dma_wait3A_1742] : memref<2000xi32, #tpu.memory_space<vmem>> -> memref<128xi32, #tpu.memory_space<vmem>>
      %dma_wait3A_1744 = arith.constant 0 : i32
      %dma_wait3A_1745 = tpu.memref_slice %arg36[%dma_wait3A_1744] : memref<50000xf32, #tpu.memory_space<vmem_shared>> -> memref<50000xf32, #tpu.memory_space<vmem_shared>>
      tpu.wait_indirect_dma semaphore(%arg41 : memref<!tpu.dma_semaphore, #tpu.memory_space<semaphore_mem>>) src(%dma_wait3A_1745 : memref<50000xf32, #tpu.memory_space<vmem_shared>>) dst(%dma_wait3A_1741 : memref<128xf32, #tpu.memory_space<vmem>>)
      %dma_wait3A_1746 = arith.constant 1024 : i32
      %dma_wait3A_1747 = tpu.memref_slice %arg21[%dma_wait3A_1746] : memref<2000xf32, #tpu.memory_space<vmem>> -> memref<128xf32, #tpu.memory_space<vmem>>
      %dma_wait3A_1748 = arith.constant 1024 : i32
      %dma_wait3A_1749 = tpu.memref_slice %arg18[%dma_wait3A_1748] : memref<2000xi32, #tpu.memory_space<vmem>> -> memref<128xi32, #tpu.memory_space<vmem>>
      %dma_wait3A_1750 = arith.constant 0 : i32
      %dma_wait3A_1751 = tpu.memref_slice %arg37[%dma_wait3A_1750] : memref<50000xf32, #tpu.memory_space<vmem_shared>> -> memref<50000xf32, #tpu.memory_space<vmem_shared>>
      tpu.wait_indirect_dma semaphore(%arg41 : memref<!tpu.dma_semaphore, #tpu.memory_space<semaphore_mem>>) src(%dma_wait3A_1751 : memref<50000xf32, #tpu.memory_space<vmem_shared>>) dst(%dma_wait3A_1747 : memref<128xf32, #tpu.memory_space<vmem>>)
      %dma_wait3A_1752 = arith.constant 1024 : i32
      %dma_wait3A_1753 = tpu.memref_slice %arg22[%dma_wait3A_1752] : memref<2000xf32, #tpu.memory_space<vmem>> -> memref<128xf32, #tpu.memory_space<vmem>>
      %dma_wait3A_1754 = arith.constant 1024 : i32
      %dma_wait3A_1755 = tpu.memref_slice %arg18[%dma_wait3A_1754] : memref<2000xi32, #tpu.memory_space<vmem>> -> memref<128xi32, #tpu.memory_space<vmem>>
      %dma_wait3A_1756 = arith.constant 0 : i32
      %dma_wait3A_1757 = tpu.memref_slice %arg38[%dma_wait3A_1756] : memref<50000xf32, #tpu.memory_space<vmem_shared>> -> memref<50000xf32, #tpu.memory_space<vmem_shared>>
      tpu.wait_indirect_dma semaphore(%arg41 : memref<!tpu.dma_semaphore, #tpu.memory_space<semaphore_mem>>) src(%dma_wait3A_1757 : memref<50000xf32, #tpu.memory_space<vmem_shared>>) dst(%dma_wait3A_1753 : memref<128xf32, #tpu.memory_space<vmem>>)
      %dma_wait3A_1758 = arith.constant 1024 : i32
      %dma_wait3A_1759 = tpu.memref_slice %arg23[%dma_wait3A_1758] : memref<2000xf32, #tpu.memory_space<vmem>> -> memref<128xf32, #tpu.memory_space<vmem>>
      %dma_wait3A_1760 = arith.constant 1024 : i32
      %dma_wait3A_1761 = tpu.memref_slice %arg19[%dma_wait3A_1760] : memref<2000xi32, #tpu.memory_space<vmem>> -> memref<128xi32, #tpu.memory_space<vmem>>
      %dma_wait3A_1762 = arith.constant 0 : i32
      %dma_wait3A_1763 = tpu.memref_slice %arg36[%dma_wait3A_1762] : memref<50000xf32, #tpu.memory_space<vmem_shared>> -> memref<50000xf32, #tpu.memory_space<vmem_shared>>
      tpu.wait_indirect_dma semaphore(%arg41 : memref<!tpu.dma_semaphore, #tpu.memory_space<semaphore_mem>>) src(%dma_wait3A_1763 : memref<50000xf32, #tpu.memory_space<vmem_shared>>) dst(%dma_wait3A_1759 : memref<128xf32, #tpu.memory_space<vmem>>)
      %dma_wait3A_1764 = arith.constant 1024 : i32
      %dma_wait3A_1765 = tpu.memref_slice %arg24[%dma_wait3A_1764] : memref<2000xf32, #tpu.memory_space<vmem>> -> memref<128xf32, #tpu.memory_space<vmem>>
      %dma_wait3A_1766 = arith.constant 1024 : i32
      %dma_wait3A_1767 = tpu.memref_slice %arg19[%dma_wait3A_1766] : memref<2000xi32, #tpu.memory_space<vmem>> -> memref<128xi32, #tpu.memory_space<vmem>>
      %dma_wait3A_1768 = arith.constant 0 : i32
      %dma_wait3A_1769 = tpu.memref_slice %arg37[%dma_wait3A_1768] : memref<50000xf32, #tpu.memory_space<vmem_shared>> -> memref<50000xf32, #tpu.memory_space<vmem_shared>>
      tpu.wait_indirect_dma semaphore(%arg41 : memref<!tpu.dma_semaphore, #tpu.memory_space<semaphore_mem>>) src(%dma_wait3A_1769 : memref<50000xf32, #tpu.memory_space<vmem_shared>>) dst(%dma_wait3A_1765 : memref<128xf32, #tpu.memory_space<vmem>>)
      %dma_wait3A_1770 = arith.constant 1024 : i32
      %dma_wait3A_1771 = tpu.memref_slice %arg25[%dma_wait3A_1770] : memref<2000xf32, #tpu.memory_space<vmem>> -> memref<128xf32, #tpu.memory_space<vmem>>
      %dma_wait3A_1772 = arith.constant 1024 : i32
      %dma_wait3A_1773 = tpu.memref_slice %arg19[%dma_wait3A_1772] : memref<2000xi32, #tpu.memory_space<vmem>> -> memref<128xi32, #tpu.memory_space<vmem>>
      %dma_wait3A_1774 = arith.constant 0 : i32
      %dma_wait3A_1775 = tpu.memref_slice %arg38[%dma_wait3A_1774] : memref<50000xf32, #tpu.memory_space<vmem_shared>> -> memref<50000xf32, #tpu.memory_space<vmem_shared>>
      tpu.wait_indirect_dma semaphore(%arg41 : memref<!tpu.dma_semaphore, #tpu.memory_space<semaphore_mem>>) src(%dma_wait3A_1775 : memref<50000xf32, #tpu.memory_space<vmem_shared>>) dst(%dma_wait3A_1771 : memref<128xf32, #tpu.memory_space<vmem>>)
      %dma_wait3A_1776 = arith.constant 1152 : i32
      %dma_wait3A_1777 = tpu.memref_slice %arg20[%dma_wait3A_1776] : memref<2000xf32, #tpu.memory_space<vmem>> -> memref<128xf32, #tpu.memory_space<vmem>>
      %dma_wait3A_1778 = arith.constant 1152 : i32
      %dma_wait3A_1779 = tpu.memref_slice %arg18[%dma_wait3A_1778] : memref<2000xi32, #tpu.memory_space<vmem>> -> memref<128xi32, #tpu.memory_space<vmem>>
      %dma_wait3A_1780 = arith.constant 0 : i32
      %dma_wait3A_1781 = tpu.memref_slice %arg36[%dma_wait3A_1780] : memref<50000xf32, #tpu.memory_space<vmem_shared>> -> memref<50000xf32, #tpu.memory_space<vmem_shared>>
      tpu.wait_indirect_dma semaphore(%arg41 : memref<!tpu.dma_semaphore, #tpu.memory_space<semaphore_mem>>) src(%dma_wait3A_1781 : memref<50000xf32, #tpu.memory_space<vmem_shared>>) dst(%dma_wait3A_1777 : memref<128xf32, #tpu.memory_space<vmem>>)
      %dma_wait3A_1782 = arith.constant 1152 : i32
      %dma_wait3A_1783 = tpu.memref_slice %arg21[%dma_wait3A_1782] : memref<2000xf32, #tpu.memory_space<vmem>> -> memref<128xf32, #tpu.memory_space<vmem>>
      %dma_wait3A_1784 = arith.constant 1152 : i32
      %dma_wait3A_1785 = tpu.memref_slice %arg18[%dma_wait3A_1784] : memref<2000xi32, #tpu.memory_space<vmem>> -> memref<128xi32, #tpu.memory_space<vmem>>
      %dma_wait3A_1786 = arith.constant 0 : i32
      %dma_wait3A_1787 = tpu.memref_slice %arg37[%dma_wait3A_1786] : memref<50000xf32, #tpu.memory_space<vmem_shared>> -> memref<50000xf32, #tpu.memory_space<vmem_shared>>
      tpu.wait_indirect_dma semaphore(%arg41 : memref<!tpu.dma_semaphore, #tpu.memory_space<semaphore_mem>>) src(%dma_wait3A_1787 : memref<50000xf32, #tpu.memory_space<vmem_shared>>) dst(%dma_wait3A_1783 : memref<128xf32, #tpu.memory_space<vmem>>)
      %dma_wait3A_1788 = arith.constant 1152 : i32
      %dma_wait3A_1789 = tpu.memref_slice %arg22[%dma_wait3A_1788] : memref<2000xf32, #tpu.memory_space<vmem>> -> memref<128xf32, #tpu.memory_space<vmem>>
      %dma_wait3A_1790 = arith.constant 1152 : i32
      %dma_wait3A_1791 = tpu.memref_slice %arg18[%dma_wait3A_1790] : memref<2000xi32, #tpu.memory_space<vmem>> -> memref<128xi32, #tpu.memory_space<vmem>>
      %dma_wait3A_1792 = arith.constant 0 : i32
      %dma_wait3A_1793 = tpu.memref_slice %arg38[%dma_wait3A_1792] : memref<50000xf32, #tpu.memory_space<vmem_shared>> -> memref<50000xf32, #tpu.memory_space<vmem_shared>>
      tpu.wait_indirect_dma semaphore(%arg41 : memref<!tpu.dma_semaphore, #tpu.memory_space<semaphore_mem>>) src(%dma_wait3A_1793 : memref<50000xf32, #tpu.memory_space<vmem_shared>>) dst(%dma_wait3A_1789 : memref<128xf32, #tpu.memory_space<vmem>>)
      %dma_wait3A_1794 = arith.constant 1152 : i32
      %dma_wait3A_1795 = tpu.memref_slice %arg23[%dma_wait3A_1794] : memref<2000xf32, #tpu.memory_space<vmem>> -> memref<128xf32, #tpu.memory_space<vmem>>
      %dma_wait3A_1796 = arith.constant 1152 : i32
      %dma_wait3A_1797 = tpu.memref_slice %arg19[%dma_wait3A_1796] : memref<2000xi32, #tpu.memory_space<vmem>> -> memref<128xi32, #tpu.memory_space<vmem>>
      %dma_wait3A_1798 = arith.constant 0 : i32
      %dma_wait3A_1799 = tpu.memref_slice %arg36[%dma_wait3A_1798] : memref<50000xf32, #tpu.memory_space<vmem_shared>> -> memref<50000xf32, #tpu.memory_space<vmem_shared>>
      tpu.wait_indirect_dma semaphore(%arg41 : memref<!tpu.dma_semaphore, #tpu.memory_space<semaphore_mem>>) src(%dma_wait3A_1799 : memref<50000xf32, #tpu.memory_space<vmem_shared>>) dst(%dma_wait3A_1795 : memref<128xf32, #tpu.memory_space<vmem>>)
      %dma_wait3A_1800 = arith.constant 1152 : i32
      %dma_wait3A_1801 = tpu.memref_slice %arg24[%dma_wait3A_1800] : memref<2000xf32, #tpu.memory_space<vmem>> -> memref<128xf32, #tpu.memory_space<vmem>>
      %dma_wait3A_1802 = arith.constant 1152 : i32
      %dma_wait3A_1803 = tpu.memref_slice %arg19[%dma_wait3A_1802] : memref<2000xi32, #tpu.memory_space<vmem>> -> memref<128xi32, #tpu.memory_space<vmem>>
      %dma_wait3A_1804 = arith.constant 0 : i32
      %dma_wait3A_1805 = tpu.memref_slice %arg37[%dma_wait3A_1804] : memref<50000xf32, #tpu.memory_space<vmem_shared>> -> memref<50000xf32, #tpu.memory_space<vmem_shared>>
      tpu.wait_indirect_dma semaphore(%arg41 : memref<!tpu.dma_semaphore, #tpu.memory_space<semaphore_mem>>) src(%dma_wait3A_1805 : memref<50000xf32, #tpu.memory_space<vmem_shared>>) dst(%dma_wait3A_1801 : memref<128xf32, #tpu.memory_space<vmem>>)
      %dma_wait3A_1806 = arith.constant 1152 : i32
      %dma_wait3A_1807 = tpu.memref_slice %arg25[%dma_wait3A_1806] : memref<2000xf32, #tpu.memory_space<vmem>> -> memref<128xf32, #tpu.memory_space<vmem>>
      %dma_wait3A_1808 = arith.constant 1152 : i32
      %dma_wait3A_1809 = tpu.memref_slice %arg19[%dma_wait3A_1808] : memref<2000xi32, #tpu.memory_space<vmem>> -> memref<128xi32, #tpu.memory_space<vmem>>
      %dma_wait3A_1810 = arith.constant 0 : i32
      %dma_wait3A_1811 = tpu.memref_slice %arg38[%dma_wait3A_1810] : memref<50000xf32, #tpu.memory_space<vmem_shared>> -> memref<50000xf32, #tpu.memory_space<vmem_shared>>
      tpu.wait_indirect_dma semaphore(%arg41 : memref<!tpu.dma_semaphore, #tpu.memory_space<semaphore_mem>>) src(%dma_wait3A_1811 : memref<50000xf32, #tpu.memory_space<vmem_shared>>) dst(%dma_wait3A_1807 : memref<128xf32, #tpu.memory_space<vmem>>)
      %dma_wait3A_1812 = arith.constant 1280 : i32
      %dma_wait3A_1813 = tpu.memref_slice %arg20[%dma_wait3A_1812] : memref<2000xf32, #tpu.memory_space<vmem>> -> memref<128xf32, #tpu.memory_space<vmem>>
      %dma_wait3A_1814 = arith.constant 1280 : i32
      %dma_wait3A_1815 = tpu.memref_slice %arg18[%dma_wait3A_1814] : memref<2000xi32, #tpu.memory_space<vmem>> -> memref<128xi32, #tpu.memory_space<vmem>>
      %dma_wait3A_1816 = arith.constant 0 : i32
      %dma_wait3A_1817 = tpu.memref_slice %arg36[%dma_wait3A_1816] : memref<50000xf32, #tpu.memory_space<vmem_shared>> -> memref<50000xf32, #tpu.memory_space<vmem_shared>>
      tpu.wait_indirect_dma semaphore(%arg41 : memref<!tpu.dma_semaphore, #tpu.memory_space<semaphore_mem>>) src(%dma_wait3A_1817 : memref<50000xf32, #tpu.memory_space<vmem_shared>>) dst(%dma_wait3A_1813 : memref<128xf32, #tpu.memory_space<vmem>>)
      %dma_wait3A_1818 = arith.constant 1280 : i32
      %dma_wait3A_1819 = tpu.memref_slice %arg21[%dma_wait3A_1818] : memref<2000xf32, #tpu.memory_space<vmem>> -> memref<128xf32, #tpu.memory_space<vmem>>
      %dma_wait3A_1820 = arith.constant 1280 : i32
      %dma_wait3A_1821 = tpu.memref_slice %arg18[%dma_wait3A_1820] : memref<2000xi32, #tpu.memory_space<vmem>> -> memref<128xi32, #tpu.memory_space<vmem>>
      %dma_wait3A_1822 = arith.constant 0 : i32
      %dma_wait3A_1823 = tpu.memref_slice %arg37[%dma_wait3A_1822] : memref<50000xf32, #tpu.memory_space<vmem_shared>> -> memref<50000xf32, #tpu.memory_space<vmem_shared>>
      tpu.wait_indirect_dma semaphore(%arg41 : memref<!tpu.dma_semaphore, #tpu.memory_space<semaphore_mem>>) src(%dma_wait3A_1823 : memref<50000xf32, #tpu.memory_space<vmem_shared>>) dst(%dma_wait3A_1819 : memref<128xf32, #tpu.memory_space<vmem>>)
      %dma_wait3A_1824 = arith.constant 1280 : i32
      %dma_wait3A_1825 = tpu.memref_slice %arg22[%dma_wait3A_1824] : memref<2000xf32, #tpu.memory_space<vmem>> -> memref<128xf32, #tpu.memory_space<vmem>>
      %dma_wait3A_1826 = arith.constant 1280 : i32
      %dma_wait3A_1827 = tpu.memref_slice %arg18[%dma_wait3A_1826] : memref<2000xi32, #tpu.memory_space<vmem>> -> memref<128xi32, #tpu.memory_space<vmem>>
      %dma_wait3A_1828 = arith.constant 0 : i32
      %dma_wait3A_1829 = tpu.memref_slice %arg38[%dma_wait3A_1828] : memref<50000xf32, #tpu.memory_space<vmem_shared>> -> memref<50000xf32, #tpu.memory_space<vmem_shared>>
      tpu.wait_indirect_dma semaphore(%arg41 : memref<!tpu.dma_semaphore, #tpu.memory_space<semaphore_mem>>) src(%dma_wait3A_1829 : memref<50000xf32, #tpu.memory_space<vmem_shared>>) dst(%dma_wait3A_1825 : memref<128xf32, #tpu.memory_space<vmem>>)
      %dma_wait3A_1830 = arith.constant 1280 : i32
      %dma_wait3A_1831 = tpu.memref_slice %arg23[%dma_wait3A_1830] : memref<2000xf32, #tpu.memory_space<vmem>> -> memref<128xf32, #tpu.memory_space<vmem>>
      %dma_wait3A_1832 = arith.constant 1280 : i32
      %dma_wait3A_1833 = tpu.memref_slice %arg19[%dma_wait3A_1832] : memref<2000xi32, #tpu.memory_space<vmem>> -> memref<128xi32, #tpu.memory_space<vmem>>
      %dma_wait3A_1834 = arith.constant 0 : i32
      %dma_wait3A_1835 = tpu.memref_slice %arg36[%dma_wait3A_1834] : memref<50000xf32, #tpu.memory_space<vmem_shared>> -> memref<50000xf32, #tpu.memory_space<vmem_shared>>
      tpu.wait_indirect_dma semaphore(%arg41 : memref<!tpu.dma_semaphore, #tpu.memory_space<semaphore_mem>>) src(%dma_wait3A_1835 : memref<50000xf32, #tpu.memory_space<vmem_shared>>) dst(%dma_wait3A_1831 : memref<128xf32, #tpu.memory_space<vmem>>)
      %dma_wait3A_1836 = arith.constant 1280 : i32
      %dma_wait3A_1837 = tpu.memref_slice %arg24[%dma_wait3A_1836] : memref<2000xf32, #tpu.memory_space<vmem>> -> memref<128xf32, #tpu.memory_space<vmem>>
      %dma_wait3A_1838 = arith.constant 1280 : i32
      %dma_wait3A_1839 = tpu.memref_slice %arg19[%dma_wait3A_1838] : memref<2000xi32, #tpu.memory_space<vmem>> -> memref<128xi32, #tpu.memory_space<vmem>>
      %dma_wait3A_1840 = arith.constant 0 : i32
      %dma_wait3A_1841 = tpu.memref_slice %arg37[%dma_wait3A_1840] : memref<50000xf32, #tpu.memory_space<vmem_shared>> -> memref<50000xf32, #tpu.memory_space<vmem_shared>>
      tpu.wait_indirect_dma semaphore(%arg41 : memref<!tpu.dma_semaphore, #tpu.memory_space<semaphore_mem>>) src(%dma_wait3A_1841 : memref<50000xf32, #tpu.memory_space<vmem_shared>>) dst(%dma_wait3A_1837 : memref<128xf32, #tpu.memory_space<vmem>>)
      %dma_wait3A_1842 = arith.constant 1280 : i32
      %dma_wait3A_1843 = tpu.memref_slice %arg25[%dma_wait3A_1842] : memref<2000xf32, #tpu.memory_space<vmem>> -> memref<128xf32, #tpu.memory_space<vmem>>
      %dma_wait3A_1844 = arith.constant 1280 : i32
      %dma_wait3A_1845 = tpu.memref_slice %arg19[%dma_wait3A_1844] : memref<2000xi32, #tpu.memory_space<vmem>> -> memref<128xi32, #tpu.memory_space<vmem>>
      %dma_wait3A_1846 = arith.constant 0 : i32
      %dma_wait3A_1847 = tpu.memref_slice %arg38[%dma_wait3A_1846] : memref<50000xf32, #tpu.memory_space<vmem_shared>> -> memref<50000xf32, #tpu.memory_space<vmem_shared>>
      tpu.wait_indirect_dma semaphore(%arg41 : memref<!tpu.dma_semaphore, #tpu.memory_space<semaphore_mem>>) src(%dma_wait3A_1847 : memref<50000xf32, #tpu.memory_space<vmem_shared>>) dst(%dma_wait3A_1843 : memref<128xf32, #tpu.memory_space<vmem>>)
      %dma_wait3A_1848 = arith.constant 1408 : i32
      %dma_wait3A_1849 = tpu.memref_slice %arg20[%dma_wait3A_1848] : memref<2000xf32, #tpu.memory_space<vmem>> -> memref<128xf32, #tpu.memory_space<vmem>>
      %dma_wait3A_1850 = arith.constant 1408 : i32
      %dma_wait3A_1851 = tpu.memref_slice %arg18[%dma_wait3A_1850] : memref<2000xi32, #tpu.memory_space<vmem>> -> memref<128xi32, #tpu.memory_space<vmem>>
      %dma_wait3A_1852 = arith.constant 0 : i32
      %dma_wait3A_1853 = tpu.memref_slice %arg36[%dma_wait3A_1852] : memref<50000xf32, #tpu.memory_space<vmem_shared>> -> memref<50000xf32, #tpu.memory_space<vmem_shared>>
      tpu.wait_indirect_dma semaphore(%arg41 : memref<!tpu.dma_semaphore, #tpu.memory_space<semaphore_mem>>) src(%dma_wait3A_1853 : memref<50000xf32, #tpu.memory_space<vmem_shared>>) dst(%dma_wait3A_1849 : memref<128xf32, #tpu.memory_space<vmem>>)
      %dma_wait3A_1854 = arith.constant 1408 : i32
      %dma_wait3A_1855 = tpu.memref_slice %arg21[%dma_wait3A_1854] : memref<2000xf32, #tpu.memory_space<vmem>> -> memref<128xf32, #tpu.memory_space<vmem>>
      %dma_wait3A_1856 = arith.constant 1408 : i32
      %dma_wait3A_1857 = tpu.memref_slice %arg18[%dma_wait3A_1856] : memref<2000xi32, #tpu.memory_space<vmem>> -> memref<128xi32, #tpu.memory_space<vmem>>
      %dma_wait3A_1858 = arith.constant 0 : i32
      %dma_wait3A_1859 = tpu.memref_slice %arg37[%dma_wait3A_1858] : memref<50000xf32, #tpu.memory_space<vmem_shared>> -> memref<50000xf32, #tpu.memory_space<vmem_shared>>
      tpu.wait_indirect_dma semaphore(%arg41 : memref<!tpu.dma_semaphore, #tpu.memory_space<semaphore_mem>>) src(%dma_wait3A_1859 : memref<50000xf32, #tpu.memory_space<vmem_shared>>) dst(%dma_wait3A_1855 : memref<128xf32, #tpu.memory_space<vmem>>)
      %dma_wait3A_1860 = arith.constant 1408 : i32
      %dma_wait3A_1861 = tpu.memref_slice %arg22[%dma_wait3A_1860] : memref<2000xf32, #tpu.memory_space<vmem>> -> memref<128xf32, #tpu.memory_space<vmem>>
      %dma_wait3A_1862 = arith.constant 1408 : i32
      %dma_wait3A_1863 = tpu.memref_slice %arg18[%dma_wait3A_1862] : memref<2000xi32, #tpu.memory_space<vmem>> -> memref<128xi32, #tpu.memory_space<vmem>>
      %dma_wait3A_1864 = arith.constant 0 : i32
      %dma_wait3A_1865 = tpu.memref_slice %arg38[%dma_wait3A_1864] : memref<50000xf32, #tpu.memory_space<vmem_shared>> -> memref<50000xf32, #tpu.memory_space<vmem_shared>>
      tpu.wait_indirect_dma semaphore(%arg41 : memref<!tpu.dma_semaphore, #tpu.memory_space<semaphore_mem>>) src(%dma_wait3A_1865 : memref<50000xf32, #tpu.memory_space<vmem_shared>>) dst(%dma_wait3A_1861 : memref<128xf32, #tpu.memory_space<vmem>>)
      %dma_wait3A_1866 = arith.constant 1408 : i32
      %dma_wait3A_1867 = tpu.memref_slice %arg23[%dma_wait3A_1866] : memref<2000xf32, #tpu.memory_space<vmem>> -> memref<128xf32, #tpu.memory_space<vmem>>
      %dma_wait3A_1868 = arith.constant 1408 : i32
      %dma_wait3A_1869 = tpu.memref_slice %arg19[%dma_wait3A_1868] : memref<2000xi32, #tpu.memory_space<vmem>> -> memref<128xi32, #tpu.memory_space<vmem>>
      %dma_wait3A_1870 = arith.constant 0 : i32
      %dma_wait3A_1871 = tpu.memref_slice %arg36[%dma_wait3A_1870] : memref<50000xf32, #tpu.memory_space<vmem_shared>> -> memref<50000xf32, #tpu.memory_space<vmem_shared>>
      tpu.wait_indirect_dma semaphore(%arg41 : memref<!tpu.dma_semaphore, #tpu.memory_space<semaphore_mem>>) src(%dma_wait3A_1871 : memref<50000xf32, #tpu.memory_space<vmem_shared>>) dst(%dma_wait3A_1867 : memref<128xf32, #tpu.memory_space<vmem>>)
      %dma_wait3A_1872 = arith.constant 1408 : i32
      %dma_wait3A_1873 = tpu.memref_slice %arg24[%dma_wait3A_1872] : memref<2000xf32, #tpu.memory_space<vmem>> -> memref<128xf32, #tpu.memory_space<vmem>>
      %dma_wait3A_1874 = arith.constant 1408 : i32
      %dma_wait3A_1875 = tpu.memref_slice %arg19[%dma_wait3A_1874] : memref<2000xi32, #tpu.memory_space<vmem>> -> memref<128xi32, #tpu.memory_space<vmem>>
      %dma_wait3A_1876 = arith.constant 0 : i32
      %dma_wait3A_1877 = tpu.memref_slice %arg37[%dma_wait3A_1876] : memref<50000xf32, #tpu.memory_space<vmem_shared>> -> memref<50000xf32, #tpu.memory_space<vmem_shared>>
      tpu.wait_indirect_dma semaphore(%arg41 : memref<!tpu.dma_semaphore, #tpu.memory_space<semaphore_mem>>) src(%dma_wait3A_1877 : memref<50000xf32, #tpu.memory_space<vmem_shared>>) dst(%dma_wait3A_1873 : memref<128xf32, #tpu.memory_space<vmem>>)
      %dma_wait3A_1878 = arith.constant 1408 : i32
      %dma_wait3A_1879 = tpu.memref_slice %arg25[%dma_wait3A_1878] : memref<2000xf32, #tpu.memory_space<vmem>> -> memref<128xf32, #tpu.memory_space<vmem>>
      %dma_wait3A_1880 = arith.constant 1408 : i32
      %dma_wait3A_1881 = tpu.memref_slice %arg19[%dma_wait3A_1880] : memref<2000xi32, #tpu.memory_space<vmem>> -> memref<128xi32, #tpu.memory_space<vmem>>
      %dma_wait3A_1882 = arith.constant 0 : i32
      %dma_wait3A_1883 = tpu.memref_slice %arg38[%dma_wait3A_1882] : memref<50000xf32, #tpu.memory_space<vmem_shared>> -> memref<50000xf32, #tpu.memory_space<vmem_shared>>
      tpu.wait_indirect_dma semaphore(%arg41 : memref<!tpu.dma_semaphore, #tpu.memory_space<semaphore_mem>>) src(%dma_wait3A_1883 : memref<50000xf32, #tpu.memory_space<vmem_shared>>) dst(%dma_wait3A_1879 : memref<128xf32, #tpu.memory_space<vmem>>)
      %dma_wait3A_1884 = arith.constant 1536 : i32
      %dma_wait3A_1885 = tpu.memref_slice %arg20[%dma_wait3A_1884] : memref<2000xf32, #tpu.memory_space<vmem>> -> memref<128xf32, #tpu.memory_space<vmem>>
      %dma_wait3A_1886 = arith.constant 1536 : i32
      %dma_wait3A_1887 = tpu.memref_slice %arg18[%dma_wait3A_1886] : memref<2000xi32, #tpu.memory_space<vmem>> -> memref<128xi32, #tpu.memory_space<vmem>>
      %dma_wait3A_1888 = arith.constant 0 : i32
      %dma_wait3A_1889 = tpu.memref_slice %arg36[%dma_wait3A_1888] : memref<50000xf32, #tpu.memory_space<vmem_shared>> -> memref<50000xf32, #tpu.memory_space<vmem_shared>>
      tpu.wait_indirect_dma semaphore(%arg41 : memref<!tpu.dma_semaphore, #tpu.memory_space<semaphore_mem>>) src(%dma_wait3A_1889 : memref<50000xf32, #tpu.memory_space<vmem_shared>>) dst(%dma_wait3A_1885 : memref<128xf32, #tpu.memory_space<vmem>>)
      %dma_wait3A_1890 = arith.constant 1536 : i32
      %dma_wait3A_1891 = tpu.memref_slice %arg21[%dma_wait3A_1890] : memref<2000xf32, #tpu.memory_space<vmem>> -> memref<128xf32, #tpu.memory_space<vmem>>
      %dma_wait3A_1892 = arith.constant 1536 : i32
      %dma_wait3A_1893 = tpu.memref_slice %arg18[%dma_wait3A_1892] : memref<2000xi32, #tpu.memory_space<vmem>> -> memref<128xi32, #tpu.memory_space<vmem>>
      %dma_wait3A_1894 = arith.constant 0 : i32
      %dma_wait3A_1895 = tpu.memref_slice %arg37[%dma_wait3A_1894] : memref<50000xf32, #tpu.memory_space<vmem_shared>> -> memref<50000xf32, #tpu.memory_space<vmem_shared>>
      tpu.wait_indirect_dma semaphore(%arg41 : memref<!tpu.dma_semaphore, #tpu.memory_space<semaphore_mem>>) src(%dma_wait3A_1895 : memref<50000xf32, #tpu.memory_space<vmem_shared>>) dst(%dma_wait3A_1891 : memref<128xf32, #tpu.memory_space<vmem>>)
      %dma_wait3A_1896 = arith.constant 1536 : i32
      %dma_wait3A_1897 = tpu.memref_slice %arg22[%dma_wait3A_1896] : memref<2000xf32, #tpu.memory_space<vmem>> -> memref<128xf32, #tpu.memory_space<vmem>>
      %dma_wait3A_1898 = arith.constant 1536 : i32
      %dma_wait3A_1899 = tpu.memref_slice %arg18[%dma_wait3A_1898] : memref<2000xi32, #tpu.memory_space<vmem>> -> memref<128xi32, #tpu.memory_space<vmem>>
      %dma_wait3A_1900 = arith.constant 0 : i32
      %dma_wait3A_1901 = tpu.memref_slice %arg38[%dma_wait3A_1900] : memref<50000xf32, #tpu.memory_space<vmem_shared>> -> memref<50000xf32, #tpu.memory_space<vmem_shared>>
      tpu.wait_indirect_dma semaphore(%arg41 : memref<!tpu.dma_semaphore, #tpu.memory_space<semaphore_mem>>) src(%dma_wait3A_1901 : memref<50000xf32, #tpu.memory_space<vmem_shared>>) dst(%dma_wait3A_1897 : memref<128xf32, #tpu.memory_space<vmem>>)
      %dma_wait3A_1902 = arith.constant 1536 : i32
      %dma_wait3A_1903 = tpu.memref_slice %arg23[%dma_wait3A_1902] : memref<2000xf32, #tpu.memory_space<vmem>> -> memref<128xf32, #tpu.memory_space<vmem>>
      %dma_wait3A_1904 = arith.constant 1536 : i32
      %dma_wait3A_1905 = tpu.memref_slice %arg19[%dma_wait3A_1904] : memref<2000xi32, #tpu.memory_space<vmem>> -> memref<128xi32, #tpu.memory_space<vmem>>
      %dma_wait3A_1906 = arith.constant 0 : i32
      %dma_wait3A_1907 = tpu.memref_slice %arg36[%dma_wait3A_1906] : memref<50000xf32, #tpu.memory_space<vmem_shared>> -> memref<50000xf32, #tpu.memory_space<vmem_shared>>
      tpu.wait_indirect_dma semaphore(%arg41 : memref<!tpu.dma_semaphore, #tpu.memory_space<semaphore_mem>>) src(%dma_wait3A_1907 : memref<50000xf32, #tpu.memory_space<vmem_shared>>) dst(%dma_wait3A_1903 : memref<128xf32, #tpu.memory_space<vmem>>)
      %dma_wait3A_1908 = arith.constant 1536 : i32
      %dma_wait3A_1909 = tpu.memref_slice %arg24[%dma_wait3A_1908] : memref<2000xf32, #tpu.memory_space<vmem>> -> memref<128xf32, #tpu.memory_space<vmem>>
      %dma_wait3A_1910 = arith.constant 1536 : i32
      %dma_wait3A_1911 = tpu.memref_slice %arg19[%dma_wait3A_1910] : memref<2000xi32, #tpu.memory_space<vmem>> -> memref<128xi32, #tpu.memory_space<vmem>>
      %dma_wait3A_1912 = arith.constant 0 : i32
      %dma_wait3A_1913 = tpu.memref_slice %arg37[%dma_wait3A_1912] : memref<50000xf32, #tpu.memory_space<vmem_shared>> -> memref<50000xf32, #tpu.memory_space<vmem_shared>>
      tpu.wait_indirect_dma semaphore(%arg41 : memref<!tpu.dma_semaphore, #tpu.memory_space<semaphore_mem>>) src(%dma_wait3A_1913 : memref<50000xf32, #tpu.memory_space<vmem_shared>>) dst(%dma_wait3A_1909 : memref<128xf32, #tpu.memory_space<vmem>>)
      %dma_wait3A_1914 = arith.constant 1536 : i32
      %dma_wait3A_1915 = tpu.memref_slice %arg25[%dma_wait3A_1914] : memref<2000xf32, #tpu.memory_space<vmem>> -> memref<128xf32, #tpu.memory_space<vmem>>
      %dma_wait3A_1916 = arith.constant 1536 : i32
      %dma_wait3A_1917 = tpu.memref_slice %arg19[%dma_wait3A_1916] : memref<2000xi32, #tpu.memory_space<vmem>> -> memref<128xi32, #tpu.memory_space<vmem>>
      %dma_wait3A_1918 = arith.constant 0 : i32
      %dma_wait3A_1919 = tpu.memref_slice %arg38[%dma_wait3A_1918] : memref<50000xf32, #tpu.memory_space<vmem_shared>> -> memref<50000xf32, #tpu.memory_space<vmem_shared>>
      tpu.wait_indirect_dma semaphore(%arg41 : memref<!tpu.dma_semaphore, #tpu.memory_space<semaphore_mem>>) src(%dma_wait3A_1919 : memref<50000xf32, #tpu.memory_space<vmem_shared>>) dst(%dma_wait3A_1915 : memref<128xf32, #tpu.memory_space<vmem>>)
      %dma_wait3A_1920 = arith.constant 1664 : i32
      %dma_wait3A_1921 = tpu.memref_slice %arg20[%dma_wait3A_1920] : memref<2000xf32, #tpu.memory_space<vmem>> -> memref<128xf32, #tpu.memory_space<vmem>>
      %dma_wait3A_1922 = arith.constant 1664 : i32
      %dma_wait3A_1923 = tpu.memref_slice %arg18[%dma_wait3A_1922] : memref<2000xi32, #tpu.memory_space<vmem>> -> memref<128xi32, #tpu.memory_space<vmem>>
      %dma_wait3A_1924 = arith.constant 0 : i32
      %dma_wait3A_1925 = tpu.memref_slice %arg36[%dma_wait3A_1924] : memref<50000xf32, #tpu.memory_space<vmem_shared>> -> memref<50000xf32, #tpu.memory_space<vmem_shared>>
      tpu.wait_indirect_dma semaphore(%arg41 : memref<!tpu.dma_semaphore, #tpu.memory_space<semaphore_mem>>) src(%dma_wait3A_1925 : memref<50000xf32, #tpu.memory_space<vmem_shared>>) dst(%dma_wait3A_1921 : memref<128xf32, #tpu.memory_space<vmem>>)
      %dma_wait3A_1926 = arith.constant 1664 : i32
      %dma_wait3A_1927 = tpu.memref_slice %arg21[%dma_wait3A_1926] : memref<2000xf32, #tpu.memory_space<vmem>> -> memref<128xf32, #tpu.memory_space<vmem>>
      %dma_wait3A_1928 = arith.constant 1664 : i32
      %dma_wait3A_1929 = tpu.memref_slice %arg18[%dma_wait3A_1928] : memref<2000xi32, #tpu.memory_space<vmem>> -> memref<128xi32, #tpu.memory_space<vmem>>
      %dma_wait3A_1930 = arith.constant 0 : i32
      %dma_wait3A_1931 = tpu.memref_slice %arg37[%dma_wait3A_1930] : memref<50000xf32, #tpu.memory_space<vmem_shared>> -> memref<50000xf32, #tpu.memory_space<vmem_shared>>
      tpu.wait_indirect_dma semaphore(%arg41 : memref<!tpu.dma_semaphore, #tpu.memory_space<semaphore_mem>>) src(%dma_wait3A_1931 : memref<50000xf32, #tpu.memory_space<vmem_shared>>) dst(%dma_wait3A_1927 : memref<128xf32, #tpu.memory_space<vmem>>)
      %dma_wait3A_1932 = arith.constant 1664 : i32
      %dma_wait3A_1933 = tpu.memref_slice %arg22[%dma_wait3A_1932] : memref<2000xf32, #tpu.memory_space<vmem>> -> memref<128xf32, #tpu.memory_space<vmem>>
      %dma_wait3A_1934 = arith.constant 1664 : i32
      %dma_wait3A_1935 = tpu.memref_slice %arg18[%dma_wait3A_1934] : memref<2000xi32, #tpu.memory_space<vmem>> -> memref<128xi32, #tpu.memory_space<vmem>>
      %dma_wait3A_1936 = arith.constant 0 : i32
      %dma_wait3A_1937 = tpu.memref_slice %arg38[%dma_wait3A_1936] : memref<50000xf32, #tpu.memory_space<vmem_shared>> -> memref<50000xf32, #tpu.memory_space<vmem_shared>>
      tpu.wait_indirect_dma semaphore(%arg41 : memref<!tpu.dma_semaphore, #tpu.memory_space<semaphore_mem>>) src(%dma_wait3A_1937 : memref<50000xf32, #tpu.memory_space<vmem_shared>>) dst(%dma_wait3A_1933 : memref<128xf32, #tpu.memory_space<vmem>>)
      %dma_wait3A_1938 = arith.constant 1664 : i32
      %dma_wait3A_1939 = tpu.memref_slice %arg23[%dma_wait3A_1938] : memref<2000xf32, #tpu.memory_space<vmem>> -> memref<128xf32, #tpu.memory_space<vmem>>
      %dma_wait3A_1940 = arith.constant 1664 : i32
      %dma_wait3A_1941 = tpu.memref_slice %arg19[%dma_wait3A_1940] : memref<2000xi32, #tpu.memory_space<vmem>> -> memref<128xi32, #tpu.memory_space<vmem>>
      %dma_wait3A_1942 = arith.constant 0 : i32
      %dma_wait3A_1943 = tpu.memref_slice %arg36[%dma_wait3A_1942] : memref<50000xf32, #tpu.memory_space<vmem_shared>> -> memref<50000xf32, #tpu.memory_space<vmem_shared>>
      tpu.wait_indirect_dma semaphore(%arg41 : memref<!tpu.dma_semaphore, #tpu.memory_space<semaphore_mem>>) src(%dma_wait3A_1943 : memref<50000xf32, #tpu.memory_space<vmem_shared>>) dst(%dma_wait3A_1939 : memref<128xf32, #tpu.memory_space<vmem>>)
      %dma_wait3A_1944 = arith.constant 1664 : i32
      %dma_wait3A_1945 = tpu.memref_slice %arg24[%dma_wait3A_1944] : memref<2000xf32, #tpu.memory_space<vmem>> -> memref<128xf32, #tpu.memory_space<vmem>>
      %dma_wait3A_1946 = arith.constant 1664 : i32
      %dma_wait3A_1947 = tpu.memref_slice %arg19[%dma_wait3A_1946] : memref<2000xi32, #tpu.memory_space<vmem>> -> memref<128xi32, #tpu.memory_space<vmem>>
      %dma_wait3A_1948 = arith.constant 0 : i32
      %dma_wait3A_1949 = tpu.memref_slice %arg37[%dma_wait3A_1948] : memref<50000xf32, #tpu.memory_space<vmem_shared>> -> memref<50000xf32, #tpu.memory_space<vmem_shared>>
      tpu.wait_indirect_dma semaphore(%arg41 : memref<!tpu.dma_semaphore, #tpu.memory_space<semaphore_mem>>) src(%dma_wait3A_1949 : memref<50000xf32, #tpu.memory_space<vmem_shared>>) dst(%dma_wait3A_1945 : memref<128xf32, #tpu.memory_space<vmem>>)
      %dma_wait3A_1950 = arith.constant 1664 : i32
      %dma_wait3A_1951 = tpu.memref_slice %arg25[%dma_wait3A_1950] : memref<2000xf32, #tpu.memory_space<vmem>> -> memref<128xf32, #tpu.memory_space<vmem>>
      %dma_wait3A_1952 = arith.constant 1664 : i32
      %dma_wait3A_1953 = tpu.memref_slice %arg19[%dma_wait3A_1952] : memref<2000xi32, #tpu.memory_space<vmem>> -> memref<128xi32, #tpu.memory_space<vmem>>
      %dma_wait3A_1954 = arith.constant 0 : i32
      %dma_wait3A_1955 = tpu.memref_slice %arg38[%dma_wait3A_1954] : memref<50000xf32, #tpu.memory_space<vmem_shared>> -> memref<50000xf32, #tpu.memory_space<vmem_shared>>
      tpu.wait_indirect_dma semaphore(%arg41 : memref<!tpu.dma_semaphore, #tpu.memory_space<semaphore_mem>>) src(%dma_wait3A_1955 : memref<50000xf32, #tpu.memory_space<vmem_shared>>) dst(%dma_wait3A_1951 : memref<128xf32, #tpu.memory_space<vmem>>)
      %dma_wait3A_1956 = arith.constant 1792 : i32
      %dma_wait3A_1957 = tpu.memref_slice %arg20[%dma_wait3A_1956] : memref<2000xf32, #tpu.memory_space<vmem>> -> memref<128xf32, #tpu.memory_space<vmem>>
      %dma_wait3A_1958 = arith.constant 1792 : i32
      %dma_wait3A_1959 = tpu.memref_slice %arg18[%dma_wait3A_1958] : memref<2000xi32, #tpu.memory_space<vmem>> -> memref<128xi32, #tpu.memory_space<vmem>>
      %dma_wait3A_1960 = arith.constant 0 : i32
      %dma_wait3A_1961 = tpu.memref_slice %arg36[%dma_wait3A_1960] : memref<50000xf32, #tpu.memory_space<vmem_shared>> -> memref<50000xf32, #tpu.memory_space<vmem_shared>>
      tpu.wait_indirect_dma semaphore(%arg41 : memref<!tpu.dma_semaphore, #tpu.memory_space<semaphore_mem>>) src(%dma_wait3A_1961 : memref<50000xf32, #tpu.memory_space<vmem_shared>>) dst(%dma_wait3A_1957 : memref<128xf32, #tpu.memory_space<vmem>>)
      %dma_wait3A_1962 = arith.constant 1792 : i32
      %dma_wait3A_1963 = tpu.memref_slice %arg21[%dma_wait3A_1962] : memref<2000xf32, #tpu.memory_space<vmem>> -> memref<128xf32, #tpu.memory_space<vmem>>
      %dma_wait3A_1964 = arith.constant 1792 : i32
      %dma_wait3A_1965 = tpu.memref_slice %arg18[%dma_wait3A_1964] : memref<2000xi32, #tpu.memory_space<vmem>> -> memref<128xi32, #tpu.memory_space<vmem>>
      %dma_wait3A_1966 = arith.constant 0 : i32
      %dma_wait3A_1967 = tpu.memref_slice %arg37[%dma_wait3A_1966] : memref<50000xf32, #tpu.memory_space<vmem_shared>> -> memref<50000xf32, #tpu.memory_space<vmem_shared>>
      tpu.wait_indirect_dma semaphore(%arg41 : memref<!tpu.dma_semaphore, #tpu.memory_space<semaphore_mem>>) src(%dma_wait3A_1967 : memref<50000xf32, #tpu.memory_space<vmem_shared>>) dst(%dma_wait3A_1963 : memref<128xf32, #tpu.memory_space<vmem>>)
      %dma_wait3A_1968 = arith.constant 1792 : i32
      %dma_wait3A_1969 = tpu.memref_slice %arg22[%dma_wait3A_1968] : memref<2000xf32, #tpu.memory_space<vmem>> -> memref<128xf32, #tpu.memory_space<vmem>>
      %dma_wait3A_1970 = arith.constant 1792 : i32
      %dma_wait3A_1971 = tpu.memref_slice %arg18[%dma_wait3A_1970] : memref<2000xi32, #tpu.memory_space<vmem>> -> memref<128xi32, #tpu.memory_space<vmem>>
      %dma_wait3A_1972 = arith.constant 0 : i32
      %dma_wait3A_1973 = tpu.memref_slice %arg38[%dma_wait3A_1972] : memref<50000xf32, #tpu.memory_space<vmem_shared>> -> memref<50000xf32, #tpu.memory_space<vmem_shared>>
      tpu.wait_indirect_dma semaphore(%arg41 : memref<!tpu.dma_semaphore, #tpu.memory_space<semaphore_mem>>) src(%dma_wait3A_1973 : memref<50000xf32, #tpu.memory_space<vmem_shared>>) dst(%dma_wait3A_1969 : memref<128xf32, #tpu.memory_space<vmem>>)
      %dma_wait3A_1974 = arith.constant 1792 : i32
      %dma_wait3A_1975 = tpu.memref_slice %arg23[%dma_wait3A_1974] : memref<2000xf32, #tpu.memory_space<vmem>> -> memref<128xf32, #tpu.memory_space<vmem>>
      %dma_wait3A_1976 = arith.constant 1792 : i32
      %dma_wait3A_1977 = tpu.memref_slice %arg19[%dma_wait3A_1976] : memref<2000xi32, #tpu.memory_space<vmem>> -> memref<128xi32, #tpu.memory_space<vmem>>
      %dma_wait3A_1978 = arith.constant 0 : i32
      %dma_wait3A_1979 = tpu.memref_slice %arg36[%dma_wait3A_1978] : memref<50000xf32, #tpu.memory_space<vmem_shared>> -> memref<50000xf32, #tpu.memory_space<vmem_shared>>
      tpu.wait_indirect_dma semaphore(%arg41 : memref<!tpu.dma_semaphore, #tpu.memory_space<semaphore_mem>>) src(%dma_wait3A_1979 : memref<50000xf32, #tpu.memory_space<vmem_shared>>) dst(%dma_wait3A_1975 : memref<128xf32, #tpu.memory_space<vmem>>)
      %dma_wait3A_1980 = arith.constant 1792 : i32
      %dma_wait3A_1981 = tpu.memref_slice %arg24[%dma_wait3A_1980] : memref<2000xf32, #tpu.memory_space<vmem>> -> memref<128xf32, #tpu.memory_space<vmem>>
      %dma_wait3A_1982 = arith.constant 1792 : i32
      %dma_wait3A_1983 = tpu.memref_slice %arg19[%dma_wait3A_1982] : memref<2000xi32, #tpu.memory_space<vmem>> -> memref<128xi32, #tpu.memory_space<vmem>>
      %dma_wait3A_1984 = arith.constant 0 : i32
      %dma_wait3A_1985 = tpu.memref_slice %arg37[%dma_wait3A_1984] : memref<50000xf32, #tpu.memory_space<vmem_shared>> -> memref<50000xf32, #tpu.memory_space<vmem_shared>>
      tpu.wait_indirect_dma semaphore(%arg41 : memref<!tpu.dma_semaphore, #tpu.memory_space<semaphore_mem>>) src(%dma_wait3A_1985 : memref<50000xf32, #tpu.memory_space<vmem_shared>>) dst(%dma_wait3A_1981 : memref<128xf32, #tpu.memory_space<vmem>>)
      %dma_wait3A_1986 = arith.constant 1792 : i32
      %dma_wait3A_1987 = tpu.memref_slice %arg25[%dma_wait3A_1986] : memref<2000xf32, #tpu.memory_space<vmem>> -> memref<128xf32, #tpu.memory_space<vmem>>
      %dma_wait3A_1988 = arith.constant 1792 : i32
      %dma_wait3A_1989 = tpu.memref_slice %arg19[%dma_wait3A_1988] : memref<2000xi32, #tpu.memory_space<vmem>> -> memref<128xi32, #tpu.memory_space<vmem>>
      %dma_wait3A_1990 = arith.constant 0 : i32
      %dma_wait3A_1991 = tpu.memref_slice %arg38[%dma_wait3A_1990] : memref<50000xf32, #tpu.memory_space<vmem_shared>> -> memref<50000xf32, #tpu.memory_space<vmem_shared>>
      tpu.wait_indirect_dma semaphore(%arg41 : memref<!tpu.dma_semaphore, #tpu.memory_space<semaphore_mem>>) src(%dma_wait3A_1991 : memref<50000xf32, #tpu.memory_space<vmem_shared>>) dst(%dma_wait3A_1987 : memref<128xf32, #tpu.memory_space<vmem>>)
      %dma_wait3A_1992 = arith.constant 1920 : i32
      %dma_wait3A_1993 = tpu.memref_slice %arg20[%dma_wait3A_1992] : memref<2000xf32, #tpu.memory_space<vmem>> -> memref<80xf32, #tpu.memory_space<vmem>>
      %dma_wait3A_1994 = arith.constant 1920 : i32
      %dma_wait3A_1995 = tpu.memref_slice %arg18[%dma_wait3A_1994] : memref<2000xi32, #tpu.memory_space<vmem>> -> memref<80xi32, #tpu.memory_space<vmem>>
      %dma_wait3A_1996 = arith.constant 0 : i32
      %dma_wait3A_1997 = tpu.memref_slice %arg36[%dma_wait3A_1996] : memref<50000xf32, #tpu.memory_space<vmem_shared>> -> memref<50000xf32, #tpu.memory_space<vmem_shared>>
      tpu.wait_indirect_dma semaphore(%arg41 : memref<!tpu.dma_semaphore, #tpu.memory_space<semaphore_mem>>) src(%dma_wait3A_1997 : memref<50000xf32, #tpu.memory_space<vmem_shared>>) dst(%dma_wait3A_1993 : memref<80xf32, #tpu.memory_space<vmem>>)
      %dma_wait3A_1998 = arith.constant 1920 : i32
      %dma_wait3A_1999 = tpu.memref_slice %arg21[%dma_wait3A_1998] : memref<2000xf32, #tpu.memory_space<vmem>> -> memref<80xf32, #tpu.memory_space<vmem>>
      %dma_wait3A_2000 = arith.constant 1920 : i32
      %dma_wait3A_2001 = tpu.memref_slice %arg18[%dma_wait3A_2000] : memref<2000xi32, #tpu.memory_space<vmem>> -> memref<80xi32, #tpu.memory_space<vmem>>
      %dma_wait3A_2002 = arith.constant 0 : i32
      %dma_wait3A_2003 = tpu.memref_slice %arg37[%dma_wait3A_2002] : memref<50000xf32, #tpu.memory_space<vmem_shared>> -> memref<50000xf32, #tpu.memory_space<vmem_shared>>
      tpu.wait_indirect_dma semaphore(%arg41 : memref<!tpu.dma_semaphore, #tpu.memory_space<semaphore_mem>>) src(%dma_wait3A_2003 : memref<50000xf32, #tpu.memory_space<vmem_shared>>) dst(%dma_wait3A_1999 : memref<80xf32, #tpu.memory_space<vmem>>)
      %dma_wait3A_2004 = arith.constant 1920 : i32
      %dma_wait3A_2005 = tpu.memref_slice %arg22[%dma_wait3A_2004] : memref<2000xf32, #tpu.memory_space<vmem>> -> memref<80xf32, #tpu.memory_space<vmem>>
      %dma_wait3A_2006 = arith.constant 1920 : i32
      %dma_wait3A_2007 = tpu.memref_slice %arg18[%dma_wait3A_2006] : memref<2000xi32, #tpu.memory_space<vmem>> -> memref<80xi32, #tpu.memory_space<vmem>>
      %dma_wait3A_2008 = arith.constant 0 : i32
      %dma_wait3A_2009 = tpu.memref_slice %arg38[%dma_wait3A_2008] : memref<50000xf32, #tpu.memory_space<vmem_shared>> -> memref<50000xf32, #tpu.memory_space<vmem_shared>>
      tpu.wait_indirect_dma semaphore(%arg41 : memref<!tpu.dma_semaphore, #tpu.memory_space<semaphore_mem>>) src(%dma_wait3A_2009 : memref<50000xf32, #tpu.memory_space<vmem_shared>>) dst(%dma_wait3A_2005 : memref<80xf32, #tpu.memory_space<vmem>>)
      %dma_wait3A_2010 = arith.constant 1920 : i32
      %dma_wait3A_2011 = tpu.memref_slice %arg23[%dma_wait3A_2010] : memref<2000xf32, #tpu.memory_space<vmem>> -> memref<80xf32, #tpu.memory_space<vmem>>
      %dma_wait3A_2012 = arith.constant 1920 : i32
      %dma_wait3A_2013 = tpu.memref_slice %arg19[%dma_wait3A_2012] : memref<2000xi32, #tpu.memory_space<vmem>> -> memref<80xi32, #tpu.memory_space<vmem>>
      %dma_wait3A_2014 = arith.constant 0 : i32
      %dma_wait3A_2015 = tpu.memref_slice %arg36[%dma_wait3A_2014] : memref<50000xf32, #tpu.memory_space<vmem_shared>> -> memref<50000xf32, #tpu.memory_space<vmem_shared>>
      tpu.wait_indirect_dma semaphore(%arg41 : memref<!tpu.dma_semaphore, #tpu.memory_space<semaphore_mem>>) src(%dma_wait3A_2015 : memref<50000xf32, #tpu.memory_space<vmem_shared>>) dst(%dma_wait3A_2011 : memref<80xf32, #tpu.memory_space<vmem>>)
      %dma_wait3A_2016 = arith.constant 1920 : i32
      %dma_wait3A_2017 = tpu.memref_slice %arg24[%dma_wait3A_2016] : memref<2000xf32, #tpu.memory_space<vmem>> -> memref<80xf32, #tpu.memory_space<vmem>>
      %dma_wait3A_2018 = arith.constant 1920 : i32
      %dma_wait3A_2019 = tpu.memref_slice %arg19[%dma_wait3A_2018] : memref<2000xi32, #tpu.memory_space<vmem>> -> memref<80xi32, #tpu.memory_space<vmem>>
      %dma_wait3A_2020 = arith.constant 0 : i32
      %dma_wait3A_2021 = tpu.memref_slice %arg37[%dma_wait3A_2020] : memref<50000xf32, #tpu.memory_space<vmem_shared>> -> memref<50000xf32, #tpu.memory_space<vmem_shared>>
      tpu.wait_indirect_dma semaphore(%arg41 : memref<!tpu.dma_semaphore, #tpu.memory_space<semaphore_mem>>) src(%dma_wait3A_2021 : memref<50000xf32, #tpu.memory_space<vmem_shared>>) dst(%dma_wait3A_2017 : memref<80xf32, #tpu.memory_space<vmem>>)
      %dma_wait3A_2022 = arith.constant 1920 : i32
      %dma_wait3A_2023 = tpu.memref_slice %arg25[%dma_wait3A_2022] : memref<2000xf32, #tpu.memory_space<vmem>> -> memref<80xf32, #tpu.memory_space<vmem>>
      %dma_wait3A_2024 = arith.constant 1920 : i32
      %dma_wait3A_2025 = tpu.memref_slice %arg19[%dma_wait3A_2024] : memref<2000xi32, #tpu.memory_space<vmem>> -> memref<80xi32, #tpu.memory_space<vmem>>
      %dma_wait3A_2026 = arith.constant 0 : i32
      %dma_wait3A_2027 = tpu.memref_slice %arg38[%dma_wait3A_2026] : memref<50000xf32, #tpu.memory_space<vmem_shared>> -> memref<50000xf32, #tpu.memory_space<vmem_shared>>
      tpu.wait_indirect_dma semaphore(%arg41 : memref<!tpu.dma_semaphore, #tpu.memory_space<semaphore_mem>>) src(%dma_wait3A_2027 : memref<50000xf32, #tpu.memory_space<vmem_shared>>) dst(%dma_wait3A_2023 : memref<80xf32, #tpu.memory_space<vmem>>)
      %scan3A_2028 = arith.constant 0 : i32
      %scan3A_2029 = arith.constant 56 : i32
      %scan3A_2030 = arith.constant 69 : i32
      %scan3A_2031 = arith.addi %scan3A_2029, %scan3A_2030 : i32
      %scan3A_2032 = arith.constant 1 : i32
      scf.for %scan3A_2070 = %scan3A_2029 to %scan3A_2031 step %scan3A_2032  : i32 {
        %mul3A_2071 = arith.constant 16 : i32
        %mul3A_2072 = arith.muli %scan3A_2070, %mul3A_2071 : i32
        %get3A_2073 = arith.index_cast %mul3A_2072 : i32 to index
        %get3A_2074 = tpu.vector_load %arg20[%get3A_2073] {strides = array<i32>} : memref<2000xf32, #tpu.memory_space<vmem>>, vector<16xf32>,
        %get3A_2075 = arith.index_cast %mul3A_2072 : i32 to index
        %get3A_2076 = tpu.vector_load %arg21[%get3A_2075] {strides = array<i32>} : memref<2000xf32, #tpu.memory_space<vmem>>, vector<16xf32>,
        %get3A_2077 = arith.index_cast %mul3A_2072 : i32 to index
        %get3A_2078 = tpu.vector_load %arg22[%get3A_2077] {strides = array<i32>} : memref<2000xf32, #tpu.memory_space<vmem>>, vector<16xf32>,
        %get3A_2079 = arith.index_cast %mul3A_2072 : i32 to index
        %get3A_2080 = tpu.vector_load %arg23[%get3A_2079] {strides = array<i32>} : memref<2000xf32, #tpu.memory_space<vmem>>, vector<16xf32>,
        %get3A_2081 = arith.index_cast %mul3A_2072 : i32 to index
        %get3A_2082 = tpu.vector_load %arg24[%get3A_2081] {strides = array<i32>} : memref<2000xf32, #tpu.memory_space<vmem>>, vector<16xf32>,
        %get3A_2083 = arith.index_cast %mul3A_2072 : i32 to index
        %get3A_2084 = tpu.vector_load %arg25[%get3A_2083] {strides = array<i32>} : memref<2000xf32, #tpu.memory_space<vmem>>, vector<16xf32>,
        %get3A_2085 = arith.index_cast %mul3A_2072 : i32 to index
        %get3A_2086 = tpu.vector_load %arg29[%get3A_2085] {strides = array<i32>} : memref<2000xi32, #tpu.memory_space<vmem>>, vector<16xi32>,
        %mul3A_2087 = arith.constant 9 : i32
        %mul3A_2088 = vector.broadcast %mul3A_2087 : i32 to vector<16xi32>
        %mul3A_2089 = arith.muli %get3A_2086, %mul3A_2088 : vector<16xi32>
        %get3A_2090 = arith.index_cast %mul3A_2072 : i32 to index
        %get3A_2091 = tpu.vector_load %arg26[%get3A_2090] {strides = array<i32>} : memref<2000xi32, #tpu.memory_space<vmem>>, vector<16xi32>,
        %convert_element_type3A_2092 = arith.sitofp %get3A_2091 : vector<16xi32> to vector<16xf32>
        %get3A_2093 = arith.index_cast %mul3A_2072 : i32 to index
        %get3A_2094 = tpu.vector_load %arg27[%get3A_2093] {strides = array<i32>} : memref<2000xi32, #tpu.memory_space<vmem>>, vector<16xi32>,
        %convert_element_type3A_2095 = arith.sitofp %get3A_2094 : vector<16xi32> to vector<16xf32>
        %get3A_2096 = arith.index_cast %mul3A_2072 : i32 to index
        %get3A_2097 = tpu.vector_load %arg28[%get3A_2096] {strides = array<i32>} : memref<2000xi32, #tpu.memory_space<vmem>>, vector<16xi32>,
        %convert_element_type3A_2098 = arith.sitofp %get3A_2097 : vector<16xi32> to vector<16xf32>
        %gather3A_2099 = tpu.vector_load_idx %arg30[%mul3A_2089] : memref<1152xf32, #tpu.memory_space<vmem>>[vector<16xi32>], vector<16xf32>,
        %add3A_2100 = arith.constant 1 : i32
        %add3A_2101 = vector.broadcast %add3A_2100 : i32 to vector<16xi32>
        %add3A_2102 = arith.addi %mul3A_2089, %add3A_2101 : vector<16xi32>
        %gather3A_2103 = tpu.vector_load_idx %arg30[%add3A_2102] : memref<1152xf32, #tpu.memory_space<vmem>>[vector<16xi32>], vector<16xf32>,
        %add3A_2104 = arith.constant 2 : i32
        %add3A_2105 = vector.broadcast %add3A_2104 : i32 to vector<16xi32>
        %add3A_2106 = arith.addi %mul3A_2089, %add3A_2105 : vector<16xi32>
        %gather3A_2107 = tpu.vector_load_idx %arg30[%add3A_2106] : memref<1152xf32, #tpu.memory_space<vmem>>[vector<16xi32>], vector<16xf32>,
        %add3A_2108 = arith.constant 3 : i32
        %add3A_2109 = vector.broadcast %add3A_2108 : i32 to vector<16xi32>
        %add3A_2110 = arith.addi %mul3A_2089, %add3A_2109 : vector<16xi32>
        %gather3A_2111 = tpu.vector_load_idx %arg30[%add3A_2110] : memref<1152xf32, #tpu.memory_space<vmem>>[vector<16xi32>], vector<16xf32>,
        %add3A_2112 = arith.constant 4 : i32
        %add3A_2113 = vector.broadcast %add3A_2112 : i32 to vector<16xi32>
        %add3A_2114 = arith.addi %mul3A_2089, %add3A_2113 : vector<16xi32>
        %gather3A_2115 = tpu.vector_load_idx %arg30[%add3A_2114] : memref<1152xf32, #tpu.memory_space<vmem>>[vector<16xi32>], vector<16xf32>,
        %add3A_2116 = arith.constant 5 : i32
        %add3A_2117 = vector.broadcast %add3A_2116 : i32 to vector<16xi32>
        %add3A_2118 = arith.addi %mul3A_2089, %add3A_2117 : vector<16xi32>
        %gather3A_2119 = tpu.vector_load_idx %arg30[%add3A_2118] : memref<1152xf32, #tpu.memory_space<vmem>>[vector<16xi32>], vector<16xf32>,
        %add3A_2120 = arith.constant 6 : i32
        %add3A_2121 = vector.broadcast %add3A_2120 : i32 to vector<16xi32>
        %add3A_2122 = arith.addi %mul3A_2089, %add3A_2121 : vector<16xi32>
        %gather3A_2123 = tpu.vector_load_idx %arg30[%add3A_2122] : memref<1152xf32, #tpu.memory_space<vmem>>[vector<16xi32>], vector<16xf32>,
        %add3A_2124 = arith.constant 7 : i32
        %add3A_2125 = vector.broadcast %add3A_2124 : i32 to vector<16xi32>
        %add3A_2126 = arith.addi %mul3A_2089, %add3A_2125 : vector<16xi32>
        %gather3A_2127 = tpu.vector_load_idx %arg30[%add3A_2126] : memref<1152xf32, #tpu.memory_space<vmem>>[vector<16xi32>], vector<16xf32>,
        %add3A_2128 = arith.constant 8 : i32
        %add3A_2129 = vector.broadcast %add3A_2128 : i32 to vector<16xi32>
        %add3A_2130 = arith.addi %mul3A_2089, %add3A_2129 : vector<16xi32>
        %gather3A_2131 = tpu.vector_load_idx %arg30[%add3A_2130] : memref<1152xf32, #tpu.memory_space<vmem>>[vector<16xi32>], vector<16xf32>,
        %mul3A_2132 = arith.mulf %gather3A_2099, %convert_element_type3A_2092 : vector<16xf32>
        %mul3A_2133 = arith.mulf %gather3A_2111, %convert_element_type3A_2095 : vector<16xf32>
        %add3A_2134 = arith.addf %mul3A_2132, %mul3A_2133 : vector<16xf32>
        %mul3A_2135 = arith.mulf %gather3A_2123, %convert_element_type3A_2098 : vector<16xf32>
        %add3A_2136 = arith.addf %add3A_2134, %mul3A_2135 : vector<16xf32>
        %add3A_2137 = arith.addf %get3A_2080, %add3A_2136 : vector<16xf32>
        %sub3A_2138 = arith.subf %add3A_2137, %get3A_2074 : vector<16xf32>
        %swap3A_2139 = arith.index_cast %mul3A_2072 : i32 to index
        %swap3A_2140 = tpu.vector_load %arg31[%swap3A_2139] {strides = array<i32>} : memref<2000xf32, #tpu.memory_space<vmem>>, vector<16xf32>,
        tpu.vector_store %arg31[%swap3A_2139], %sub3A_2138 {strides = array<i32>} : memref<2000xf32, #tpu.memory_space<vmem>>, vector<16xf32>,
        %mul3A_2141 = arith.mulf %gather3A_2103, %convert_element_type3A_2092 : vector<16xf32>
        %mul3A_2142 = arith.mulf %gather3A_2115, %convert_element_type3A_2095 : vector<16xf32>
        %add3A_2143 = arith.addf %mul3A_2141, %mul3A_2142 : vector<16xf32>
        %mul3A_2144 = arith.mulf %gather3A_2127, %convert_element_type3A_2098 : vector<16xf32>
        %add3A_2145 = arith.addf %add3A_2143, %mul3A_2144 : vector<16xf32>
        %add3A_2146 = arith.addf %get3A_2082, %add3A_2145 : vector<16xf32>
        %sub3A_2147 = arith.subf %add3A_2146, %get3A_2076 : vector<16xf32>
        %swap3A_2148 = arith.index_cast %mul3A_2072 : i32 to index
        %swap3A_2149 = tpu.vector_load %arg32[%swap3A_2148] {strides = array<i32>} : memref<2000xf32, #tpu.memory_space<vmem>>, vector<16xf32>,
        tpu.vector_store %arg32[%swap3A_2148], %sub3A_2147 {strides = array<i32>} : memref<2000xf32, #tpu.memory_space<vmem>>, vector<16xf32>,
        %mul3A_2150 = arith.mulf %gather3A_2107, %convert_element_type3A_2092 : vector<16xf32>
        %mul3A_2151 = arith.mulf %gather3A_2119, %convert_element_type3A_2095 : vector<16xf32>
        %add3A_2152 = arith.addf %mul3A_2150, %mul3A_2151 : vector<16xf32>
        %mul3A_2153 = arith.mulf %gather3A_2131, %convert_element_type3A_2098 : vector<16xf32>
        %add3A_2154 = arith.addf %add3A_2152, %mul3A_2153 : vector<16xf32>
        %add3A_2155 = arith.addf %get3A_2084, %add3A_2154 : vector<16xf32>
        %sub3A_2156 = arith.subf %add3A_2155, %get3A_2078 : vector<16xf32>
        %swap3A_2157 = arith.index_cast %mul3A_2072 : i32 to index
        %swap3A_2158 = tpu.vector_load %arg33[%swap3A_2157] {strides = array<i32>} : memref<2000xf32, #tpu.memory_space<vmem>>, vector<16xf32>,
        tpu.vector_store %arg33[%swap3A_2157], %sub3A_2156 {strides = array<i32>} : memref<2000xf32, #tpu.memory_space<vmem>>, vector<16xf32>,
      }
      %scan3A_2033 = arith.constant 69 : i32
      %dma_start3A_2034 = arith.constant 0 : i32
      %dma_start3A_2035 = tpu.memref_slice %arg31[%dma_start3A_2034] : memref<2000xf32, #tpu.memory_space<vmem>> -> memref<2000xf32, #tpu.memory_space<vmem>>
      %dma_start3A_2036 = tpu.memref_slice %arg14[%add3A_797] : memref<800000xf32, #tpu.memory_space<hbm>> -> memref<2000xf32, #tpu.memory_space<hbm>>
      %dma_start3A_2037 = tpu.memref_slice %arg14[%add3A_797] : memref<800000xf32, #tpu.memory_space<hbm>> -> memref<2000xf32, #tpu.memory_space<hbm>>
      %dma_start3A_2038 = arith.constant 0 : i32
      %dma_start3A_2039 = tpu.memref_slice %arg31[%dma_start3A_2038] : memref<2000xf32, #tpu.memory_space<vmem>> -> memref<2000xf32, #tpu.memory_space<vmem>>
      tpu.enqueue_dma source(%dma_start3A_2039 : memref<2000xf32, #tpu.memory_space<vmem>>) target(%dma_start3A_2037 : memref<2000xf32, #tpu.memory_space<hbm>>) target_semaphore(%arg39 : memref<!tpu.dma_semaphore, #tpu.memory_space<semaphore_mem>>)
      %dma_start3A_2040 = arith.constant 0 : i32
      %dma_start3A_2041 = tpu.memref_slice %arg32[%dma_start3A_2040] : memref<2000xf32, #tpu.memory_space<vmem>> -> memref<2000xf32, #tpu.memory_space<vmem>>
      %dma_start3A_2042 = tpu.memref_slice %arg15[%add3A_797] : memref<800000xf32, #tpu.memory_space<hbm>> -> memref<2000xf32, #tpu.memory_space<hbm>>
      %dma_start3A_2043 = tpu.memref_slice %arg15[%add3A_797] : memref<800000xf32, #tpu.memory_space<hbm>> -> memref<2000xf32, #tpu.memory_space<hbm>>
      %dma_start3A_2044 = arith.constant 0 : i32
      %dma_start3A_2045 = tpu.memref_slice %arg32[%dma_start3A_2044] : memref<2000xf32, #tpu.memory_space<vmem>> -> memref<2000xf32, #tpu.memory_space<vmem>>
      tpu.enqueue_dma source(%dma_start3A_2045 : memref<2000xf32, #tpu.memory_space<vmem>>) target(%dma_start3A_2043 : memref<2000xf32, #tpu.memory_space<hbm>>) target_semaphore(%arg39 : memref<!tpu.dma_semaphore, #tpu.memory_space<semaphore_mem>>)
      %dma_start3A_2046 = arith.constant 0 : i32
      %dma_start3A_2047 = tpu.memref_slice %arg33[%dma_start3A_2046] : memref<2000xf32, #tpu.memory_space<vmem>> -> memref<2000xf32, #tpu.memory_space<vmem>>
      %dma_start3A_2048 = tpu.memref_slice %arg16[%add3A_797] : memref<800000xf32, #tpu.memory_space<hbm>> -> memref<2000xf32, #tpu.memory_space<hbm>>
      %dma_start3A_2049 = tpu.memref_slice %arg16[%add3A_797] : memref<800000xf32, #tpu.memory_space<hbm>> -> memref<2000xf32, #tpu.memory_space<hbm>>
      %dma_start3A_2050 = arith.constant 0 : i32
      %dma_start3A_2051 = tpu.memref_slice %arg33[%dma_start3A_2050] : memref<2000xf32, #tpu.memory_space<vmem>> -> memref<2000xf32, #tpu.memory_space<vmem>>
      tpu.enqueue_dma source(%dma_start3A_2051 : memref<2000xf32, #tpu.memory_space<vmem>>) target(%dma_start3A_2049 : memref<2000xf32, #tpu.memory_space<hbm>>) target_semaphore(%arg39 : memref<!tpu.dma_semaphore, #tpu.memory_space<semaphore_mem>>)
      %dma_wait3A_2052 = arith.constant 0 : i32
      %dma_wait3A_2053 = tpu.memref_slice %arg31[%dma_wait3A_2052] : memref<2000xf32, #tpu.memory_space<vmem>> -> memref<2000xf32, #tpu.memory_space<vmem>>
      %dma_wait3A_2054 = tpu.memref_slice %arg14[%add3A_797] : memref<800000xf32, #tpu.memory_space<hbm>> -> memref<2000xf32, #tpu.memory_space<hbm>>
      %dma_wait3A_2055 = tpu.memref_slice %arg14[%add3A_797] : memref<800000xf32, #tpu.memory_space<hbm>> -> memref<2000xf32, #tpu.memory_space<hbm>>
      %dma_wait3A_2056 = arith.constant 0 : i32
      %dma_wait3A_2057 = tpu.memref_slice %arg31[%dma_wait3A_2056] : memref<2000xf32, #tpu.memory_space<vmem>> -> memref<2000xf32, #tpu.memory_space<vmem>>
      tpu.wait_dma2 semaphore(%arg39 : memref<!tpu.dma_semaphore, #tpu.memory_space<semaphore_mem>>) src(%dma_wait3A_2057 : memref<2000xf32, #tpu.memory_space<vmem>>) dst(%dma_wait3A_2055 : memref<2000xf32, #tpu.memory_space<hbm>>)
      %dma_wait3A_2058 = arith.constant 0 : i32
      %dma_wait3A_2059 = tpu.memref_slice %arg32[%dma_wait3A_2058] : memref<2000xf32, #tpu.memory_space<vmem>> -> memref<2000xf32, #tpu.memory_space<vmem>>
      %dma_wait3A_2060 = tpu.memref_slice %arg15[%add3A_797] : memref<800000xf32, #tpu.memory_space<hbm>> -> memref<2000xf32, #tpu.memory_space<hbm>>
      %dma_wait3A_2061 = tpu.memref_slice %arg15[%add3A_797] : memref<800000xf32, #tpu.memory_space<hbm>> -> memref<2000xf32, #tpu.memory_space<hbm>>
      %dma_wait3A_2062 = arith.constant 0 : i32
      %dma_wait3A_2063 = tpu.memref_slice %arg32[%dma_wait3A_2062] : memref<2000xf32, #tpu.memory_space<vmem>> -> memref<2000xf32, #tpu.memory_space<vmem>>
      tpu.wait_dma2 semaphore(%arg39 : memref<!tpu.dma_semaphore, #tpu.memory_space<semaphore_mem>>) src(%dma_wait3A_2063 : memref<2000xf32, #tpu.memory_space<vmem>>) dst(%dma_wait3A_2061 : memref<2000xf32, #tpu.memory_space<hbm>>)
      %dma_wait3A_2064 = arith.constant 0 : i32
      %dma_wait3A_2065 = tpu.memref_slice %arg33[%dma_wait3A_2064] : memref<2000xf32, #tpu.memory_space<vmem>> -> memref<2000xf32, #tpu.memory_space<vmem>>
      %dma_wait3A_2066 = tpu.memref_slice %arg16[%add3A_797] : memref<800000xf32, #tpu.memory_space<hbm>> -> memref<2000xf32, #tpu.memory_space<hbm>>
      %dma_wait3A_2067 = tpu.memref_slice %arg16[%add3A_797] : memref<800000xf32, #tpu.memory_space<hbm>> -> memref<2000xf32, #tpu.memory_space<hbm>>
      %dma_wait3A_2068 = arith.constant 0 : i32
      %dma_wait3A_2069 = tpu.memref_slice %arg33[%dma_wait3A_2068] : memref<2000xf32, #tpu.memory_space<vmem>> -> memref<2000xf32, #tpu.memory_space<vmem>>
      tpu.wait_dma2 semaphore(%arg39 : memref<!tpu.dma_semaphore, #tpu.memory_space<semaphore_mem>>) src(%dma_wait3A_2069 : memref<2000xf32, #tpu.memory_space<vmem>>) dst(%dma_wait3A_2067 : memref<2000xf32, #tpu.memory_space<hbm>>)
    }
    %scan3A_7 = arith.constant 12 : i32
    %mul3A_8 = arith.constant 25000 : i32
    %mul3A_9 = arith.muli %add3A, %mul3A_8 : i32
    %add3A_10 = arith.constant 24000 : i32
    %add3A_11 = arith.addi %mul3A_9, %add3A_10 : i32
    %dma_start3A = arith.constant 0 : i32
    %dma_start3A_12 = tpu.memref_slice %arg18[%dma_start3A] : memref<2000xi32, #tpu.memory_space<vmem>> -> memref<1000xi32, #tpu.memory_space<vmem>>
    %dma_start3A_13 = tpu.memref_slice %arg5[%add3A_11] : memref<800000xi32, #tpu.memory_space<hbm>> -> memref<1000xi32, #tpu.memory_space<hbm>>
    %dma_start3A_14 = arith.constant 0 : i32
    %dma_start3A_15 = tpu.memref_slice %arg18[%dma_start3A_14] : memref<2000xi32, #tpu.memory_space<vmem>> -> memref<1000xi32, #tpu.memory_space<vmem>>
    %dma_start3A_16 = tpu.memref_slice %arg5[%add3A_11] : memref<800000xi32, #tpu.memory_space<hbm>> -> memref<1000xi32, #tpu.memory_space<hbm>>
    tpu.enqueue_dma source(%dma_start3A_16 : memref<1000xi32, #tpu.memory_space<hbm>>) target(%dma_start3A_15 : memref<1000xi32, #tpu.memory_space<vmem>>) target_semaphore(%arg39 : memref<!tpu.dma_semaphore, #tpu.memory_space<semaphore_mem>>)
    %dma_start3A_17 = arith.constant 0 : i32
    %dma_start3A_18 = tpu.memref_slice %arg19[%dma_start3A_17] : memref<2000xi32, #tpu.memory_space<vmem>> -> memref<1000xi32, #tpu.memory_space<vmem>>
    %dma_start3A_19 = tpu.memref_slice %arg6[%add3A_11] : memref<800000xi32, #tpu.memory_space<hbm>> -> memref<1000xi32, #tpu.memory_space<hbm>>
    %dma_start3A_20 = arith.constant 0 : i32
    %dma_start3A_21 = tpu.memref_slice %arg19[%dma_start3A_20] : memref<2000xi32, #tpu.memory_space<vmem>> -> memref<1000xi32, #tpu.memory_space<vmem>>
    %dma_start3A_22 = tpu.memref_slice %arg6[%add3A_11] : memref<800000xi32, #tpu.memory_space<hbm>> -> memref<1000xi32, #tpu.memory_space<hbm>>
    tpu.enqueue_dma source(%dma_start3A_22 : memref<1000xi32, #tpu.memory_space<hbm>>) target(%dma_start3A_21 : memref<1000xi32, #tpu.memory_space<vmem>>) target_semaphore(%arg39 : memref<!tpu.dma_semaphore, #tpu.memory_space<semaphore_mem>>)
    %dma_start3A_23 = arith.constant 0 : i32
    %dma_start3A_24 = tpu.memref_slice %arg29[%dma_start3A_23] : memref<2000xi32, #tpu.memory_space<vmem>> -> memref<1000xi32, #tpu.memory_space<vmem>>
    %dma_start3A_25 = tpu.memref_slice %arg10[%add3A_11] : memref<800000xi32, #tpu.memory_space<hbm>> -> memref<1000xi32, #tpu.memory_space<hbm>>
    %dma_start3A_26 = arith.constant 0 : i32
    %dma_start3A_27 = tpu.memref_slice %arg29[%dma_start3A_26] : memref<2000xi32, #tpu.memory_space<vmem>> -> memref<1000xi32, #tpu.memory_space<vmem>>
    %dma_start3A_28 = tpu.memref_slice %arg10[%add3A_11] : memref<800000xi32, #tpu.memory_space<hbm>> -> memref<1000xi32, #tpu.memory_space<hbm>>
    tpu.enqueue_dma source(%dma_start3A_28 : memref<1000xi32, #tpu.memory_space<hbm>>) target(%dma_start3A_27 : memref<1000xi32, #tpu.memory_space<vmem>>) target_semaphore(%arg39 : memref<!tpu.dma_semaphore, #tpu.memory_space<semaphore_mem>>)
    %dma_start3A_29 = arith.constant 0 : i32
    %dma_start3A_30 = tpu.memref_slice %arg26[%dma_start3A_29] : memref<2000xi32, #tpu.memory_space<vmem>> -> memref<1000xi32, #tpu.memory_space<vmem>>
    %dma_start3A_31 = tpu.memref_slice %arg7[%add3A_11] : memref<800000xi32, #tpu.memory_space<hbm>> -> memref<1000xi32, #tpu.memory_space<hbm>>
    %dma_start3A_32 = arith.constant 0 : i32
    %dma_start3A_33 = tpu.memref_slice %arg26[%dma_start3A_32] : memref<2000xi32, #tpu.memory_space<vmem>> -> memref<1000xi32, #tpu.memory_space<vmem>>
    %dma_start3A_34 = tpu.memref_slice %arg7[%add3A_11] : memref<800000xi32, #tpu.memory_space<hbm>> -> memref<1000xi32, #tpu.memory_space<hbm>>
    tpu.enqueue_dma source(%dma_start3A_34 : memref<1000xi32, #tpu.memory_space<hbm>>) target(%dma_start3A_33 : memref<1000xi32, #tpu.memory_space<vmem>>) target_semaphore(%arg39 : memref<!tpu.dma_semaphore, #tpu.memory_space<semaphore_mem>>)
    %dma_start3A_35 = arith.constant 0 : i32
    %dma_start3A_36 = tpu.memref_slice %arg27[%dma_start3A_35] : memref<2000xi32, #tpu.memory_space<vmem>> -> memref<1000xi32, #tpu.memory_space<vmem>>
    %dma_start3A_37 = tpu.memref_slice %arg8[%add3A_11] : memref<800000xi32, #tpu.memory_space<hbm>> -> memref<1000xi32, #tpu.memory_space<hbm>>
    %dma_start3A_38 = arith.constant 0 : i32
    %dma_start3A_39 = tpu.memref_slice %arg27[%dma_start3A_38] : memref<2000xi32, #tpu.memory_space<vmem>> -> memref<1000xi32, #tpu.memory_space<vmem>>
    %dma_start3A_40 = tpu.memref_slice %arg8[%add3A_11] : memref<800000xi32, #tpu.memory_space<hbm>> -> memref<1000xi32, #tpu.memory_space<hbm>>
    tpu.enqueue_dma source(%dma_start3A_40 : memref<1000xi32, #tpu.memory_space<hbm>>) target(%dma_start3A_39 : memref<1000xi32, #tpu.memory_space<vmem>>) target_semaphore(%arg39 : memref<!tpu.dma_semaphore, #tpu.memory_space<semaphore_mem>>)
    %dma_start3A_41 = arith.constant 0 : i32
    %dma_start3A_42 = tpu.memref_slice %arg28[%dma_start3A_41] : memref<2000xi32, #tpu.memory_space<vmem>> -> memref<1000xi32, #tpu.memory_space<vmem>>
    %dma_start3A_43 = tpu.memref_slice %arg9[%add3A_11] : memref<800000xi32, #tpu.memory_space<hbm>> -> memref<1000xi32, #tpu.memory_space<hbm>>
    %dma_start3A_44 = arith.constant 0 : i32
    %dma_start3A_45 = tpu.memref_slice %arg28[%dma_start3A_44] : memref<2000xi32, #tpu.memory_space<vmem>> -> memref<1000xi32, #tpu.memory_space<vmem>>
    %dma_start3A_46 = tpu.memref_slice %arg9[%add3A_11] : memref<800000xi32, #tpu.memory_space<hbm>> -> memref<1000xi32, #tpu.memory_space<hbm>>
    tpu.enqueue_dma source(%dma_start3A_46 : memref<1000xi32, #tpu.memory_space<hbm>>) target(%dma_start3A_45 : memref<1000xi32, #tpu.memory_space<vmem>>) target_semaphore(%arg39 : memref<!tpu.dma_semaphore, #tpu.memory_space<semaphore_mem>>)
    %dma_wait3A = arith.constant 0 : i32
    %dma_wait3A_47 = tpu.memref_slice %arg18[%dma_wait3A] : memref<2000xi32, #tpu.memory_space<vmem>> -> memref<1000xi32, #tpu.memory_space<vmem>>
    %dma_wait3A_48 = tpu.memref_slice %arg5[%add3A_11] : memref<800000xi32, #tpu.memory_space<hbm>> -> memref<1000xi32, #tpu.memory_space<hbm>>
    %dma_wait3A_49 = arith.constant 0 : i32
    %dma_wait3A_50 = tpu.memref_slice %arg18[%dma_wait3A_49] : memref<2000xi32, #tpu.memory_space<vmem>> -> memref<1000xi32, #tpu.memory_space<vmem>>
    %dma_wait3A_51 = tpu.memref_slice %arg5[%add3A_11] : memref<800000xi32, #tpu.memory_space<hbm>> -> memref<1000xi32, #tpu.memory_space<hbm>>
    tpu.wait_dma2 semaphore(%arg39 : memref<!tpu.dma_semaphore, #tpu.memory_space<semaphore_mem>>) src(%dma_wait3A_51 : memref<1000xi32, #tpu.memory_space<hbm>>) dst(%dma_wait3A_50 : memref<1000xi32, #tpu.memory_space<vmem>>)
    %dma_wait3A_52 = arith.constant 0 : i32
    %dma_wait3A_53 = tpu.memref_slice %arg19[%dma_wait3A_52] : memref<2000xi32, #tpu.memory_space<vmem>> -> memref<1000xi32, #tpu.memory_space<vmem>>
    %dma_wait3A_54 = tpu.memref_slice %arg6[%add3A_11] : memref<800000xi32, #tpu.memory_space<hbm>> -> memref<1000xi32, #tpu.memory_space<hbm>>
    %dma_wait3A_55 = arith.constant 0 : i32
    %dma_wait3A_56 = tpu.memref_slice %arg19[%dma_wait3A_55] : memref<2000xi32, #tpu.memory_space<vmem>> -> memref<1000xi32, #tpu.memory_space<vmem>>
    %dma_wait3A_57 = tpu.memref_slice %arg6[%add3A_11] : memref<800000xi32, #tpu.memory_space<hbm>> -> memref<1000xi32, #tpu.memory_space<hbm>>
    tpu.wait_dma2 semaphore(%arg39 : memref<!tpu.dma_semaphore, #tpu.memory_space<semaphore_mem>>) src(%dma_wait3A_57 : memref<1000xi32, #tpu.memory_space<hbm>>) dst(%dma_wait3A_56 : memref<1000xi32, #tpu.memory_space<vmem>>)
    %dma_wait3A_58 = arith.constant 0 : i32
    %dma_wait3A_59 = tpu.memref_slice %arg29[%dma_wait3A_58] : memref<2000xi32, #tpu.memory_space<vmem>> -> memref<1000xi32, #tpu.memory_space<vmem>>
    %dma_wait3A_60 = tpu.memref_slice %arg10[%add3A_11] : memref<800000xi32, #tpu.memory_space<hbm>> -> memref<1000xi32, #tpu.memory_space<hbm>>
    %dma_wait3A_61 = arith.constant 0 : i32
    %dma_wait3A_62 = tpu.memref_slice %arg29[%dma_wait3A_61] : memref<2000xi32, #tpu.memory_space<vmem>> -> memref<1000xi32, #tpu.memory_space<vmem>>
    %dma_wait3A_63 = tpu.memref_slice %arg10[%add3A_11] : memref<800000xi32, #tpu.memory_space<hbm>> -> memref<1000xi32, #tpu.memory_space<hbm>>
    tpu.wait_dma2 semaphore(%arg39 : memref<!tpu.dma_semaphore, #tpu.memory_space<semaphore_mem>>) src(%dma_wait3A_63 : memref<1000xi32, #tpu.memory_space<hbm>>) dst(%dma_wait3A_62 : memref<1000xi32, #tpu.memory_space<vmem>>)
    %dma_wait3A_64 = arith.constant 0 : i32
    %dma_wait3A_65 = tpu.memref_slice %arg26[%dma_wait3A_64] : memref<2000xi32, #tpu.memory_space<vmem>> -> memref<1000xi32, #tpu.memory_space<vmem>>
    %dma_wait3A_66 = tpu.memref_slice %arg7[%add3A_11] : memref<800000xi32, #tpu.memory_space<hbm>> -> memref<1000xi32, #tpu.memory_space<hbm>>
    %dma_wait3A_67 = arith.constant 0 : i32
    %dma_wait3A_68 = tpu.memref_slice %arg26[%dma_wait3A_67] : memref<2000xi32, #tpu.memory_space<vmem>> -> memref<1000xi32, #tpu.memory_space<vmem>>
    %dma_wait3A_69 = tpu.memref_slice %arg7[%add3A_11] : memref<800000xi32, #tpu.memory_space<hbm>> -> memref<1000xi32, #tpu.memory_space<hbm>>
    tpu.wait_dma2 semaphore(%arg39 : memref<!tpu.dma_semaphore, #tpu.memory_space<semaphore_mem>>) src(%dma_wait3A_69 : memref<1000xi32, #tpu.memory_space<hbm>>) dst(%dma_wait3A_68 : memref<1000xi32, #tpu.memory_space<vmem>>)
    %dma_wait3A_70 = arith.constant 0 : i32
    %dma_wait3A_71 = tpu.memref_slice %arg27[%dma_wait3A_70] : memref<2000xi32, #tpu.memory_space<vmem>> -> memref<1000xi32, #tpu.memory_space<vmem>>
    %dma_wait3A_72 = tpu.memref_slice %arg8[%add3A_11] : memref<800000xi32, #tpu.memory_space<hbm>> -> memref<1000xi32, #tpu.memory_space<hbm>>
    %dma_wait3A_73 = arith.constant 0 : i32
    %dma_wait3A_74 = tpu.memref_slice %arg27[%dma_wait3A_73] : memref<2000xi32, #tpu.memory_space<vmem>> -> memref<1000xi32, #tpu.memory_space<vmem>>
    %dma_wait3A_75 = tpu.memref_slice %arg8[%add3A_11] : memref<800000xi32, #tpu.memory_space<hbm>> -> memref<1000xi32, #tpu.memory_space<hbm>>
    tpu.wait_dma2 semaphore(%arg39 : memref<!tpu.dma_semaphore, #tpu.memory_space<semaphore_mem>>) src(%dma_wait3A_75 : memref<1000xi32, #tpu.memory_space<hbm>>) dst(%dma_wait3A_74 : memref<1000xi32, #tpu.memory_space<vmem>>)
    %dma_wait3A_76 = arith.constant 0 : i32
    %dma_wait3A_77 = tpu.memref_slice %arg28[%dma_wait3A_76] : memref<2000xi32, #tpu.memory_space<vmem>> -> memref<1000xi32, #tpu.memory_space<vmem>>
    %dma_wait3A_78 = tpu.memref_slice %arg9[%add3A_11] : memref<800000xi32, #tpu.memory_space<hbm>> -> memref<1000xi32, #tpu.memory_space<hbm>>
    %dma_wait3A_79 = arith.constant 0 : i32
    %dma_wait3A_80 = tpu.memref_slice %arg28[%dma_wait3A_79] : memref<2000xi32, #tpu.memory_space<vmem>> -> memref<1000xi32, #tpu.memory_space<vmem>>
    %dma_wait3A_81 = tpu.memref_slice %arg9[%add3A_11] : memref<800000xi32, #tpu.memory_space<hbm>> -> memref<1000xi32, #tpu.memory_space<hbm>>
    tpu.wait_dma2 semaphore(%arg39 : memref<!tpu.dma_semaphore, #tpu.memory_space<semaphore_mem>>) src(%dma_wait3A_81 : memref<1000xi32, #tpu.memory_space<hbm>>) dst(%dma_wait3A_80 : memref<1000xi32, #tpu.memory_space<vmem>>)
    %dma_start3A_82 = arith.constant 0 : i32
    %dma_start3A_83 = tpu.memref_slice %arg20[%dma_start3A_82] : memref<2000xf32, #tpu.memory_space<vmem>> -> memref<128xf32, #tpu.memory_space<vmem>>
    %dma_start3A_84 = arith.constant 0 : i32
    %dma_start3A_85 = tpu.memref_slice %arg18[%dma_start3A_84] : memref<2000xi32, #tpu.memory_space<vmem>> -> memref<128xi32, #tpu.memory_space<vmem>>
    %dma_start3A_86 = arith.constant 0 : i32
    %dma_start3A_87 = tpu.memref_slice %arg36[%dma_start3A_86] : memref<50000xf32, #tpu.memory_space<vmem_shared>> -> memref<50000xf32, #tpu.memory_space<vmem_shared>>
    tpu.enqueue_indirect_dma source(%dma_start3A_87 : memref<50000xf32, #tpu.memory_space<vmem_shared>>) target(%dma_start3A_83 : memref<128xf32, #tpu.memory_space<vmem>>) offsets(%dma_start3A_85 : memref<128xi32, #tpu.memory_space<vmem>>) semaphore(%arg40 : memref<!tpu.dma_semaphore, #tpu.memory_space<semaphore_mem>>)
    %dma_start3A_88 = arith.constant 0 : i32
    %dma_start3A_89 = tpu.memref_slice %arg21[%dma_start3A_88] : memref<2000xf32, #tpu.memory_space<vmem>> -> memref<128xf32, #tpu.memory_space<vmem>>
    %dma_start3A_90 = arith.constant 0 : i32
    %dma_start3A_91 = tpu.memref_slice %arg18[%dma_start3A_90] : memref<2000xi32, #tpu.memory_space<vmem>> -> memref<128xi32, #tpu.memory_space<vmem>>
    %dma_start3A_92 = arith.constant 0 : i32
    %dma_start3A_93 = tpu.memref_slice %arg37[%dma_start3A_92] : memref<50000xf32, #tpu.memory_space<vmem_shared>> -> memref<50000xf32, #tpu.memory_space<vmem_shared>>
    tpu.enqueue_indirect_dma source(%dma_start3A_93 : memref<50000xf32, #tpu.memory_space<vmem_shared>>) target(%dma_start3A_89 : memref<128xf32, #tpu.memory_space<vmem>>) offsets(%dma_start3A_91 : memref<128xi32, #tpu.memory_space<vmem>>) semaphore(%arg40 : memref<!tpu.dma_semaphore, #tpu.memory_space<semaphore_mem>>)
    %dma_start3A_94 = arith.constant 0 : i32
    %dma_start3A_95 = tpu.memref_slice %arg22[%dma_start3A_94] : memref<2000xf32, #tpu.memory_space<vmem>> -> memref<128xf32, #tpu.memory_space<vmem>>
    %dma_start3A_96 = arith.constant 0 : i32
    %dma_start3A_97 = tpu.memref_slice %arg18[%dma_start3A_96] : memref<2000xi32, #tpu.memory_space<vmem>> -> memref<128xi32, #tpu.memory_space<vmem>>
    %dma_start3A_98 = arith.constant 0 : i32
    %dma_start3A_99 = tpu.memref_slice %arg38[%dma_start3A_98] : memref<50000xf32, #tpu.memory_space<vmem_shared>> -> memref<50000xf32, #tpu.memory_space<vmem_shared>>
    tpu.enqueue_indirect_dma source(%dma_start3A_99 : memref<50000xf32, #tpu.memory_space<vmem_shared>>) target(%dma_start3A_95 : memref<128xf32, #tpu.memory_space<vmem>>) offsets(%dma_start3A_97 : memref<128xi32, #tpu.memory_space<vmem>>) semaphore(%arg40 : memref<!tpu.dma_semaphore, #tpu.memory_space<semaphore_mem>>)
    %dma_start3A_100 = arith.constant 0 : i32
    %dma_start3A_101 = tpu.memref_slice %arg23[%dma_start3A_100] : memref<2000xf32, #tpu.memory_space<vmem>> -> memref<128xf32, #tpu.memory_space<vmem>>
    %dma_start3A_102 = arith.constant 0 : i32
    %dma_start3A_103 = tpu.memref_slice %arg19[%dma_start3A_102] : memref<2000xi32, #tpu.memory_space<vmem>> -> memref<128xi32, #tpu.memory_space<vmem>>
    %dma_start3A_104 = arith.constant 0 : i32
    %dma_start3A_105 = tpu.memref_slice %arg36[%dma_start3A_104] : memref<50000xf32, #tpu.memory_space<vmem_shared>> -> memref<50000xf32, #tpu.memory_space<vmem_shared>>
    tpu.enqueue_indirect_dma source(%dma_start3A_105 : memref<50000xf32, #tpu.memory_space<vmem_shared>>) target(%dma_start3A_101 : memref<128xf32, #tpu.memory_space<vmem>>) offsets(%dma_start3A_103 : memref<128xi32, #tpu.memory_space<vmem>>) semaphore(%arg40 : memref<!tpu.dma_semaphore, #tpu.memory_space<semaphore_mem>>)
    %dma_start3A_106 = arith.constant 0 : i32
    %dma_start3A_107 = tpu.memref_slice %arg24[%dma_start3A_106] : memref<2000xf32, #tpu.memory_space<vmem>> -> memref<128xf32, #tpu.memory_space<vmem>>
    %dma_start3A_108 = arith.constant 0 : i32
    %dma_start3A_109 = tpu.memref_slice %arg19[%dma_start3A_108] : memref<2000xi32, #tpu.memory_space<vmem>> -> memref<128xi32, #tpu.memory_space<vmem>>
    %dma_start3A_110 = arith.constant 0 : i32
    %dma_start3A_111 = tpu.memref_slice %arg37[%dma_start3A_110] : memref<50000xf32, #tpu.memory_space<vmem_shared>> -> memref<50000xf32, #tpu.memory_space<vmem_shared>>
    tpu.enqueue_indirect_dma source(%dma_start3A_111 : memref<50000xf32, #tpu.memory_space<vmem_shared>>) target(%dma_start3A_107 : memref<128xf32, #tpu.memory_space<vmem>>) offsets(%dma_start3A_109 : memref<128xi32, #tpu.memory_space<vmem>>) semaphore(%arg40 : memref<!tpu.dma_semaphore, #tpu.memory_space<semaphore_mem>>)
    %dma_start3A_112 = arith.constant 0 : i32
    %dma_start3A_113 = tpu.memref_slice %arg25[%dma_start3A_112] : memref<2000xf32, #tpu.memory_space<vmem>> -> memref<128xf32, #tpu.memory_space<vmem>>
    %dma_start3A_114 = arith.constant 0 : i32
    %dma_start3A_115 = tpu.memref_slice %arg19[%dma_start3A_114] : memref<2000xi32, #tpu.memory_space<vmem>> -> memref<128xi32, #tpu.memory_space<vmem>>
    %dma_start3A_116 = arith.constant 0 : i32
    %dma_start3A_117 = tpu.memref_slice %arg38[%dma_start3A_116] : memref<50000xf32, #tpu.memory_space<vmem_shared>> -> memref<50000xf32, #tpu.memory_space<vmem_shared>>
    tpu.enqueue_indirect_dma source(%dma_start3A_117 : memref<50000xf32, #tpu.memory_space<vmem_shared>>) target(%dma_start3A_113 : memref<128xf32, #tpu.memory_space<vmem>>) offsets(%dma_start3A_115 : memref<128xi32, #tpu.memory_space<vmem>>) semaphore(%arg40 : memref<!tpu.dma_semaphore, #tpu.memory_space<semaphore_mem>>)
    %dma_start3A_118 = arith.constant 128 : i32
    %dma_start3A_119 = tpu.memref_slice %arg20[%dma_start3A_118] : memref<2000xf32, #tpu.memory_space<vmem>> -> memref<128xf32, #tpu.memory_space<vmem>>
    %dma_start3A_120 = arith.constant 128 : i32
    %dma_start3A_121 = tpu.memref_slice %arg18[%dma_start3A_120] : memref<2000xi32, #tpu.memory_space<vmem>> -> memref<128xi32, #tpu.memory_space<vmem>>
    %dma_start3A_122 = arith.constant 0 : i32
    %dma_start3A_123 = tpu.memref_slice %arg36[%dma_start3A_122] : memref<50000xf32, #tpu.memory_space<vmem_shared>> -> memref<50000xf32, #tpu.memory_space<vmem_shared>>
    tpu.enqueue_indirect_dma source(%dma_start3A_123 : memref<50000xf32, #tpu.memory_space<vmem_shared>>) target(%dma_start3A_119 : memref<128xf32, #tpu.memory_space<vmem>>) offsets(%dma_start3A_121 : memref<128xi32, #tpu.memory_space<vmem>>) semaphore(%arg40 : memref<!tpu.dma_semaphore, #tpu.memory_space<semaphore_mem>>)
    %dma_start3A_124 = arith.constant 128 : i32
    %dma_start3A_125 = tpu.memref_slice %arg21[%dma_start3A_124] : memref<2000xf32, #tpu.memory_space<vmem>> -> memref<128xf32, #tpu.memory_space<vmem>>
    %dma_start3A_126 = arith.constant 128 : i32
    %dma_start3A_127 = tpu.memref_slice %arg18[%dma_start3A_126] : memref<2000xi32, #tpu.memory_space<vmem>> -> memref<128xi32, #tpu.memory_space<vmem>>
    %dma_start3A_128 = arith.constant 0 : i32
    %dma_start3A_129 = tpu.memref_slice %arg37[%dma_start3A_128] : memref<50000xf32, #tpu.memory_space<vmem_shared>> -> memref<50000xf32, #tpu.memory_space<vmem_shared>>
    tpu.enqueue_indirect_dma source(%dma_start3A_129 : memref<50000xf32, #tpu.memory_space<vmem_shared>>) target(%dma_start3A_125 : memref<128xf32, #tpu.memory_space<vmem>>) offsets(%dma_start3A_127 : memref<128xi32, #tpu.memory_space<vmem>>) semaphore(%arg40 : memref<!tpu.dma_semaphore, #tpu.memory_space<semaphore_mem>>)
    %dma_start3A_130 = arith.constant 128 : i32
    %dma_start3A_131 = tpu.memref_slice %arg22[%dma_start3A_130] : memref<2000xf32, #tpu.memory_space<vmem>> -> memref<128xf32, #tpu.memory_space<vmem>>
    %dma_start3A_132 = arith.constant 128 : i32
    %dma_start3A_133 = tpu.memref_slice %arg18[%dma_start3A_132] : memref<2000xi32, #tpu.memory_space<vmem>> -> memref<128xi32, #tpu.memory_space<vmem>>
    %dma_start3A_134 = arith.constant 0 : i32
    %dma_start3A_135 = tpu.memref_slice %arg38[%dma_start3A_134] : memref<50000xf32, #tpu.memory_space<vmem_shared>> -> memref<50000xf32, #tpu.memory_space<vmem_shared>>
    tpu.enqueue_indirect_dma source(%dma_start3A_135 : memref<50000xf32, #tpu.memory_space<vmem_shared>>) target(%dma_start3A_131 : memref<128xf32, #tpu.memory_space<vmem>>) offsets(%dma_start3A_133 : memref<128xi32, #tpu.memory_space<vmem>>) semaphore(%arg40 : memref<!tpu.dma_semaphore, #tpu.memory_space<semaphore_mem>>)
    %dma_start3A_136 = arith.constant 128 : i32
    %dma_start3A_137 = tpu.memref_slice %arg23[%dma_start3A_136] : memref<2000xf32, #tpu.memory_space<vmem>> -> memref<128xf32, #tpu.memory_space<vmem>>
    %dma_start3A_138 = arith.constant 128 : i32
    %dma_start3A_139 = tpu.memref_slice %arg19[%dma_start3A_138] : memref<2000xi32, #tpu.memory_space<vmem>> -> memref<128xi32, #tpu.memory_space<vmem>>
    %dma_start3A_140 = arith.constant 0 : i32
    %dma_start3A_141 = tpu.memref_slice %arg36[%dma_start3A_140] : memref<50000xf32, #tpu.memory_space<vmem_shared>> -> memref<50000xf32, #tpu.memory_space<vmem_shared>>
    tpu.enqueue_indirect_dma source(%dma_start3A_141 : memref<50000xf32, #tpu.memory_space<vmem_shared>>) target(%dma_start3A_137 : memref<128xf32, #tpu.memory_space<vmem>>) offsets(%dma_start3A_139 : memref<128xi32, #tpu.memory_space<vmem>>) semaphore(%arg40 : memref<!tpu.dma_semaphore, #tpu.memory_space<semaphore_mem>>)
    %dma_start3A_142 = arith.constant 128 : i32
    %dma_start3A_143 = tpu.memref_slice %arg24[%dma_start3A_142] : memref<2000xf32, #tpu.memory_space<vmem>> -> memref<128xf32, #tpu.memory_space<vmem>>
    %dma_start3A_144 = arith.constant 128 : i32
    %dma_start3A_145 = tpu.memref_slice %arg19[%dma_start3A_144] : memref<2000xi32, #tpu.memory_space<vmem>> -> memref<128xi32, #tpu.memory_space<vmem>>
    %dma_start3A_146 = arith.constant 0 : i32
    %dma_start3A_147 = tpu.memref_slice %arg37[%dma_start3A_146] : memref<50000xf32, #tpu.memory_space<vmem_shared>> -> memref<50000xf32, #tpu.memory_space<vmem_shared>>
    tpu.enqueue_indirect_dma source(%dma_start3A_147 : memref<50000xf32, #tpu.memory_space<vmem_shared>>) target(%dma_start3A_143 : memref<128xf32, #tpu.memory_space<vmem>>) offsets(%dma_start3A_145 : memref<128xi32, #tpu.memory_space<vmem>>) semaphore(%arg40 : memref<!tpu.dma_semaphore, #tpu.memory_space<semaphore_mem>>)
    %dma_start3A_148 = arith.constant 128 : i32
    %dma_start3A_149 = tpu.memref_slice %arg25[%dma_start3A_148] : memref<2000xf32, #tpu.memory_space<vmem>> -> memref<128xf32, #tpu.memory_space<vmem>>
    %dma_start3A_150 = arith.constant 128 : i32
    %dma_start3A_151 = tpu.memref_slice %arg19[%dma_start3A_150] : memref<2000xi32, #tpu.memory_space<vmem>> -> memref<128xi32, #tpu.memory_space<vmem>>
    %dma_start3A_152 = arith.constant 0 : i32
    %dma_start3A_153 = tpu.memref_slice %arg38[%dma_start3A_152] : memref<50000xf32, #tpu.memory_space<vmem_shared>> -> memref<50000xf32, #tpu.memory_space<vmem_shared>>
    tpu.enqueue_indirect_dma source(%dma_start3A_153 : memref<50000xf32, #tpu.memory_space<vmem_shared>>) target(%dma_start3A_149 : memref<128xf32, #tpu.memory_space<vmem>>) offsets(%dma_start3A_151 : memref<128xi32, #tpu.memory_space<vmem>>) semaphore(%arg40 : memref<!tpu.dma_semaphore, #tpu.memory_space<semaphore_mem>>)
    %dma_start3A_154 = arith.constant 256 : i32
    %dma_start3A_155 = tpu.memref_slice %arg20[%dma_start3A_154] : memref<2000xf32, #tpu.memory_space<vmem>> -> memref<128xf32, #tpu.memory_space<vmem>>
    %dma_start3A_156 = arith.constant 256 : i32
    %dma_start3A_157 = tpu.memref_slice %arg18[%dma_start3A_156] : memref<2000xi32, #tpu.memory_space<vmem>> -> memref<128xi32, #tpu.memory_space<vmem>>
    %dma_start3A_158 = arith.constant 0 : i32
    %dma_start3A_159 = tpu.memref_slice %arg36[%dma_start3A_158] : memref<50000xf32, #tpu.memory_space<vmem_shared>> -> memref<50000xf32, #tpu.memory_space<vmem_shared>>
    tpu.enqueue_indirect_dma source(%dma_start3A_159 : memref<50000xf32, #tpu.memory_space<vmem_shared>>) target(%dma_start3A_155 : memref<128xf32, #tpu.memory_space<vmem>>) offsets(%dma_start3A_157 : memref<128xi32, #tpu.memory_space<vmem>>) semaphore(%arg40 : memref<!tpu.dma_semaphore, #tpu.memory_space<semaphore_mem>>)
    %dma_start3A_160 = arith.constant 256 : i32
    %dma_start3A_161 = tpu.memref_slice %arg21[%dma_start3A_160] : memref<2000xf32, #tpu.memory_space<vmem>> -> memref<128xf32, #tpu.memory_space<vmem>>
    %dma_start3A_162 = arith.constant 256 : i32
    %dma_start3A_163 = tpu.memref_slice %arg18[%dma_start3A_162] : memref<2000xi32, #tpu.memory_space<vmem>> -> memref<128xi32, #tpu.memory_space<vmem>>
    %dma_start3A_164 = arith.constant 0 : i32
    %dma_start3A_165 = tpu.memref_slice %arg37[%dma_start3A_164] : memref<50000xf32, #tpu.memory_space<vmem_shared>> -> memref<50000xf32, #tpu.memory_space<vmem_shared>>
    tpu.enqueue_indirect_dma source(%dma_start3A_165 : memref<50000xf32, #tpu.memory_space<vmem_shared>>) target(%dma_start3A_161 : memref<128xf32, #tpu.memory_space<vmem>>) offsets(%dma_start3A_163 : memref<128xi32, #tpu.memory_space<vmem>>) semaphore(%arg40 : memref<!tpu.dma_semaphore, #tpu.memory_space<semaphore_mem>>)
    %dma_start3A_166 = arith.constant 256 : i32
    %dma_start3A_167 = tpu.memref_slice %arg22[%dma_start3A_166] : memref<2000xf32, #tpu.memory_space<vmem>> -> memref<128xf32, #tpu.memory_space<vmem>>
    %dma_start3A_168 = arith.constant 256 : i32
    %dma_start3A_169 = tpu.memref_slice %arg18[%dma_start3A_168] : memref<2000xi32, #tpu.memory_space<vmem>> -> memref<128xi32, #tpu.memory_space<vmem>>
    %dma_start3A_170 = arith.constant 0 : i32
    %dma_start3A_171 = tpu.memref_slice %arg38[%dma_start3A_170] : memref<50000xf32, #tpu.memory_space<vmem_shared>> -> memref<50000xf32, #tpu.memory_space<vmem_shared>>
    tpu.enqueue_indirect_dma source(%dma_start3A_171 : memref<50000xf32, #tpu.memory_space<vmem_shared>>) target(%dma_start3A_167 : memref<128xf32, #tpu.memory_space<vmem>>) offsets(%dma_start3A_169 : memref<128xi32, #tpu.memory_space<vmem>>) semaphore(%arg40 : memref<!tpu.dma_semaphore, #tpu.memory_space<semaphore_mem>>)
    %dma_start3A_172 = arith.constant 256 : i32
    %dma_start3A_173 = tpu.memref_slice %arg23[%dma_start3A_172] : memref<2000xf32, #tpu.memory_space<vmem>> -> memref<128xf32, #tpu.memory_space<vmem>>
    %dma_start3A_174 = arith.constant 256 : i32
    %dma_start3A_175 = tpu.memref_slice %arg19[%dma_start3A_174] : memref<2000xi32, #tpu.memory_space<vmem>> -> memref<128xi32, #tpu.memory_space<vmem>>
    %dma_start3A_176 = arith.constant 0 : i32
    %dma_start3A_177 = tpu.memref_slice %arg36[%dma_start3A_176] : memref<50000xf32, #tpu.memory_space<vmem_shared>> -> memref<50000xf32, #tpu.memory_space<vmem_shared>>
    tpu.enqueue_indirect_dma source(%dma_start3A_177 : memref<50000xf32, #tpu.memory_space<vmem_shared>>) target(%dma_start3A_173 : memref<128xf32, #tpu.memory_space<vmem>>) offsets(%dma_start3A_175 : memref<128xi32, #tpu.memory_space<vmem>>) semaphore(%arg40 : memref<!tpu.dma_semaphore, #tpu.memory_space<semaphore_mem>>)
    %dma_start3A_178 = arith.constant 256 : i32
    %dma_start3A_179 = tpu.memref_slice %arg24[%dma_start3A_178] : memref<2000xf32, #tpu.memory_space<vmem>> -> memref<128xf32, #tpu.memory_space<vmem>>
    %dma_start3A_180 = arith.constant 256 : i32
    %dma_start3A_181 = tpu.memref_slice %arg19[%dma_start3A_180] : memref<2000xi32, #tpu.memory_space<vmem>> -> memref<128xi32, #tpu.memory_space<vmem>>
    %dma_start3A_182 = arith.constant 0 : i32
    %dma_start3A_183 = tpu.memref_slice %arg37[%dma_start3A_182] : memref<50000xf32, #tpu.memory_space<vmem_shared>> -> memref<50000xf32, #tpu.memory_space<vmem_shared>>
    tpu.enqueue_indirect_dma source(%dma_start3A_183 : memref<50000xf32, #tpu.memory_space<vmem_shared>>) target(%dma_start3A_179 : memref<128xf32, #tpu.memory_space<vmem>>) offsets(%dma_start3A_181 : memref<128xi32, #tpu.memory_space<vmem>>) semaphore(%arg40 : memref<!tpu.dma_semaphore, #tpu.memory_space<semaphore_mem>>)
    %dma_start3A_184 = arith.constant 256 : i32
    %dma_start3A_185 = tpu.memref_slice %arg25[%dma_start3A_184] : memref<2000xf32, #tpu.memory_space<vmem>> -> memref<128xf32, #tpu.memory_space<vmem>>
    %dma_start3A_186 = arith.constant 256 : i32
    %dma_start3A_187 = tpu.memref_slice %arg19[%dma_start3A_186] : memref<2000xi32, #tpu.memory_space<vmem>> -> memref<128xi32, #tpu.memory_space<vmem>>
    %dma_start3A_188 = arith.constant 0 : i32
    %dma_start3A_189 = tpu.memref_slice %arg38[%dma_start3A_188] : memref<50000xf32, #tpu.memory_space<vmem_shared>> -> memref<50000xf32, #tpu.memory_space<vmem_shared>>
    tpu.enqueue_indirect_dma source(%dma_start3A_189 : memref<50000xf32, #tpu.memory_space<vmem_shared>>) target(%dma_start3A_185 : memref<128xf32, #tpu.memory_space<vmem>>) offsets(%dma_start3A_187 : memref<128xi32, #tpu.memory_space<vmem>>) semaphore(%arg40 : memref<!tpu.dma_semaphore, #tpu.memory_space<semaphore_mem>>)
    %dma_start3A_190 = arith.constant 384 : i32
    %dma_start3A_191 = tpu.memref_slice %arg20[%dma_start3A_190] : memref<2000xf32, #tpu.memory_space<vmem>> -> memref<128xf32, #tpu.memory_space<vmem>>
    %dma_start3A_192 = arith.constant 384 : i32
    %dma_start3A_193 = tpu.memref_slice %arg18[%dma_start3A_192] : memref<2000xi32, #tpu.memory_space<vmem>> -> memref<128xi32, #tpu.memory_space<vmem>>
    %dma_start3A_194 = arith.constant 0 : i32
    %dma_start3A_195 = tpu.memref_slice %arg36[%dma_start3A_194] : memref<50000xf32, #tpu.memory_space<vmem_shared>> -> memref<50000xf32, #tpu.memory_space<vmem_shared>>
    tpu.enqueue_indirect_dma source(%dma_start3A_195 : memref<50000xf32, #tpu.memory_space<vmem_shared>>) target(%dma_start3A_191 : memref<128xf32, #tpu.memory_space<vmem>>) offsets(%dma_start3A_193 : memref<128xi32, #tpu.memory_space<vmem>>) semaphore(%arg41 : memref<!tpu.dma_semaphore, #tpu.memory_space<semaphore_mem>>)
    %dma_start3A_196 = arith.constant 384 : i32
    %dma_start3A_197 = tpu.memref_slice %arg21[%dma_start3A_196] : memref<2000xf32, #tpu.memory_space<vmem>> -> memref<128xf32, #tpu.memory_space<vmem>>
    %dma_start3A_198 = arith.constant 384 : i32
    %dma_start3A_199 = tpu.memref_slice %arg18[%dma_start3A_198] : memref<2000xi32, #tpu.memory_space<vmem>> -> memref<128xi32, #tpu.memory_space<vmem>>
    %dma_start3A_200 = arith.constant 0 : i32
    %dma_start3A_201 = tpu.memref_slice %arg37[%dma_start3A_200] : memref<50000xf32, #tpu.memory_space<vmem_shared>> -> memref<50000xf32, #tpu.memory_space<vmem_shared>>
    tpu.enqueue_indirect_dma source(%dma_start3A_201 : memref<50000xf32, #tpu.memory_space<vmem_shared>>) target(%dma_start3A_197 : memref<128xf32, #tpu.memory_space<vmem>>) offsets(%dma_start3A_199 : memref<128xi32, #tpu.memory_space<vmem>>) semaphore(%arg41 : memref<!tpu.dma_semaphore, #tpu.memory_space<semaphore_mem>>)
    %dma_start3A_202 = arith.constant 384 : i32
    %dma_start3A_203 = tpu.memref_slice %arg22[%dma_start3A_202] : memref<2000xf32, #tpu.memory_space<vmem>> -> memref<128xf32, #tpu.memory_space<vmem>>
    %dma_start3A_204 = arith.constant 384 : i32
    %dma_start3A_205 = tpu.memref_slice %arg18[%dma_start3A_204] : memref<2000xi32, #tpu.memory_space<vmem>> -> memref<128xi32, #tpu.memory_space<vmem>>
    %dma_start3A_206 = arith.constant 0 : i32
    %dma_start3A_207 = tpu.memref_slice %arg38[%dma_start3A_206] : memref<50000xf32, #tpu.memory_space<vmem_shared>> -> memref<50000xf32, #tpu.memory_space<vmem_shared>>
    tpu.enqueue_indirect_dma source(%dma_start3A_207 : memref<50000xf32, #tpu.memory_space<vmem_shared>>) target(%dma_start3A_203 : memref<128xf32, #tpu.memory_space<vmem>>) offsets(%dma_start3A_205 : memref<128xi32, #tpu.memory_space<vmem>>) semaphore(%arg41 : memref<!tpu.dma_semaphore, #tpu.memory_space<semaphore_mem>>)
    %dma_start3A_208 = arith.constant 384 : i32
    %dma_start3A_209 = tpu.memref_slice %arg23[%dma_start3A_208] : memref<2000xf32, #tpu.memory_space<vmem>> -> memref<128xf32, #tpu.memory_space<vmem>>
    %dma_start3A_210 = arith.constant 384 : i32
    %dma_start3A_211 = tpu.memref_slice %arg19[%dma_start3A_210] : memref<2000xi32, #tpu.memory_space<vmem>> -> memref<128xi32, #tpu.memory_space<vmem>>
    %dma_start3A_212 = arith.constant 0 : i32
    %dma_start3A_213 = tpu.memref_slice %arg36[%dma_start3A_212] : memref<50000xf32, #tpu.memory_space<vmem_shared>> -> memref<50000xf32, #tpu.memory_space<vmem_shared>>
    tpu.enqueue_indirect_dma source(%dma_start3A_213 : memref<50000xf32, #tpu.memory_space<vmem_shared>>) target(%dma_start3A_209 : memref<128xf32, #tpu.memory_space<vmem>>) offsets(%dma_start3A_211 : memref<128xi32, #tpu.memory_space<vmem>>) semaphore(%arg41 : memref<!tpu.dma_semaphore, #tpu.memory_space<semaphore_mem>>)
    %dma_start3A_214 = arith.constant 384 : i32
    %dma_start3A_215 = tpu.memref_slice %arg24[%dma_start3A_214] : memref<2000xf32, #tpu.memory_space<vmem>> -> memref<128xf32, #tpu.memory_space<vmem>>
    %dma_start3A_216 = arith.constant 384 : i32
    %dma_start3A_217 = tpu.memref_slice %arg19[%dma_start3A_216] : memref<2000xi32, #tpu.memory_space<vmem>> -> memref<128xi32, #tpu.memory_space<vmem>>
    %dma_start3A_218 = arith.constant 0 : i32
    %dma_start3A_219 = tpu.memref_slice %arg37[%dma_start3A_218] : memref<50000xf32, #tpu.memory_space<vmem_shared>> -> memref<50000xf32, #tpu.memory_space<vmem_shared>>
    tpu.enqueue_indirect_dma source(%dma_start3A_219 : memref<50000xf32, #tpu.memory_space<vmem_shared>>) target(%dma_start3A_215 : memref<128xf32, #tpu.memory_space<vmem>>) offsets(%dma_start3A_217 : memref<128xi32, #tpu.memory_space<vmem>>) semaphore(%arg41 : memref<!tpu.dma_semaphore, #tpu.memory_space<semaphore_mem>>)
    %dma_start3A_220 = arith.constant 384 : i32
    %dma_start3A_221 = tpu.memref_slice %arg25[%dma_start3A_220] : memref<2000xf32, #tpu.memory_space<vmem>> -> memref<128xf32, #tpu.memory_space<vmem>>
    %dma_start3A_222 = arith.constant 384 : i32
    %dma_start3A_223 = tpu.memref_slice %arg19[%dma_start3A_222] : memref<2000xi32, #tpu.memory_space<vmem>> -> memref<128xi32, #tpu.memory_space<vmem>>
    %dma_start3A_224 = arith.constant 0 : i32
    %dma_start3A_225 = tpu.memref_slice %arg38[%dma_start3A_224] : memref<50000xf32, #tpu.memory_space<vmem_shared>> -> memref<50000xf32, #tpu.memory_space<vmem_shared>>
    tpu.enqueue_indirect_dma source(%dma_start3A_225 : memref<50000xf32, #tpu.memory_space<vmem_shared>>) target(%dma_start3A_221 : memref<128xf32, #tpu.memory_space<vmem>>) offsets(%dma_start3A_223 : memref<128xi32, #tpu.memory_space<vmem>>) semaphore(%arg41 : memref<!tpu.dma_semaphore, #tpu.memory_space<semaphore_mem>>)
    %dma_start3A_226 = arith.constant 512 : i32
    %dma_start3A_227 = tpu.memref_slice %arg20[%dma_start3A_226] : memref<2000xf32, #tpu.memory_space<vmem>> -> memref<128xf32, #tpu.memory_space<vmem>>
    %dma_start3A_228 = arith.constant 512 : i32
    %dma_start3A_229 = tpu.memref_slice %arg18[%dma_start3A_228] : memref<2000xi32, #tpu.memory_space<vmem>> -> memref<128xi32, #tpu.memory_space<vmem>>
    %dma_start3A_230 = arith.constant 0 : i32
    %dma_start3A_231 = tpu.memref_slice %arg36[%dma_start3A_230] : memref<50000xf32, #tpu.memory_space<vmem_shared>> -> memref<50000xf32, #tpu.memory_space<vmem_shared>>
    tpu.enqueue_indirect_dma source(%dma_start3A_231 : memref<50000xf32, #tpu.memory_space<vmem_shared>>) target(%dma_start3A_227 : memref<128xf32, #tpu.memory_space<vmem>>) offsets(%dma_start3A_229 : memref<128xi32, #tpu.memory_space<vmem>>) semaphore(%arg41 : memref<!tpu.dma_semaphore, #tpu.memory_space<semaphore_mem>>)
    %dma_start3A_232 = arith.constant 512 : i32
    %dma_start3A_233 = tpu.memref_slice %arg21[%dma_start3A_232] : memref<2000xf32, #tpu.memory_space<vmem>> -> memref<128xf32, #tpu.memory_space<vmem>>
    %dma_start3A_234 = arith.constant 512 : i32
    %dma_start3A_235 = tpu.memref_slice %arg18[%dma_start3A_234] : memref<2000xi32, #tpu.memory_space<vmem>> -> memref<128xi32, #tpu.memory_space<vmem>>
    %dma_start3A_236 = arith.constant 0 : i32
    %dma_start3A_237 = tpu.memref_slice %arg37[%dma_start3A_236] : memref<50000xf32, #tpu.memory_space<vmem_shared>> -> memref<50000xf32, #tpu.memory_space<vmem_shared>>
    tpu.enqueue_indirect_dma source(%dma_start3A_237 : memref<50000xf32, #tpu.memory_space<vmem_shared>>) target(%dma_start3A_233 : memref<128xf32, #tpu.memory_space<vmem>>) offsets(%dma_start3A_235 : memref<128xi32, #tpu.memory_space<vmem>>) semaphore(%arg41 : memref<!tpu.dma_semaphore, #tpu.memory_space<semaphore_mem>>)
    %dma_start3A_238 = arith.constant 512 : i32
    %dma_start3A_239 = tpu.memref_slice %arg22[%dma_start3A_238] : memref<2000xf32, #tpu.memory_space<vmem>> -> memref<128xf32, #tpu.memory_space<vmem>>
    %dma_start3A_240 = arith.constant 512 : i32
    %dma_start3A_241 = tpu.memref_slice %arg18[%dma_start3A_240] : memref<2000xi32, #tpu.memory_space<vmem>> -> memref<128xi32, #tpu.memory_space<vmem>>
    %dma_start3A_242 = arith.constant 0 : i32
    %dma_start3A_243 = tpu.memref_slice %arg38[%dma_start3A_242] : memref<50000xf32, #tpu.memory_space<vmem_shared>> -> memref<50000xf32, #tpu.memory_space<vmem_shared>>
    tpu.enqueue_indirect_dma source(%dma_start3A_243 : memref<50000xf32, #tpu.memory_space<vmem_shared>>) target(%dma_start3A_239 : memref<128xf32, #tpu.memory_space<vmem>>) offsets(%dma_start3A_241 : memref<128xi32, #tpu.memory_space<vmem>>) semaphore(%arg41 : memref<!tpu.dma_semaphore, #tpu.memory_space<semaphore_mem>>)
    %dma_start3A_244 = arith.constant 512 : i32
    %dma_start3A_245 = tpu.memref_slice %arg23[%dma_start3A_244] : memref<2000xf32, #tpu.memory_space<vmem>> -> memref<128xf32, #tpu.memory_space<vmem>>
    %dma_start3A_246 = arith.constant 512 : i32
    %dma_start3A_247 = tpu.memref_slice %arg19[%dma_start3A_246] : memref<2000xi32, #tpu.memory_space<vmem>> -> memref<128xi32, #tpu.memory_space<vmem>>
    %dma_start3A_248 = arith.constant 0 : i32
    %dma_start3A_249 = tpu.memref_slice %arg36[%dma_start3A_248] : memref<50000xf32, #tpu.memory_space<vmem_shared>> -> memref<50000xf32, #tpu.memory_space<vmem_shared>>
    tpu.enqueue_indirect_dma source(%dma_start3A_249 : memref<50000xf32, #tpu.memory_space<vmem_shared>>) target(%dma_start3A_245 : memref<128xf32, #tpu.memory_space<vmem>>) offsets(%dma_start3A_247 : memref<128xi32, #tpu.memory_space<vmem>>) semaphore(%arg41 : memref<!tpu.dma_semaphore, #tpu.memory_space<semaphore_mem>>)
    %dma_start3A_250 = arith.constant 512 : i32
    %dma_start3A_251 = tpu.memref_slice %arg24[%dma_start3A_250] : memref<2000xf32, #tpu.memory_space<vmem>> -> memref<128xf32, #tpu.memory_space<vmem>>
    %dma_start3A_252 = arith.constant 512 : i32
    %dma_start3A_253 = tpu.memref_slice %arg19[%dma_start3A_252] : memref<2000xi32, #tpu.memory_space<vmem>> -> memref<128xi32, #tpu.memory_space<vmem>>
    %dma_start3A_254 = arith.constant 0 : i32
    %dma_start3A_255 = tpu.memref_slice %arg37[%dma_start3A_254] : memref<50000xf32, #tpu.memory_space<vmem_shared>> -> memref<50000xf32, #tpu.memory_space<vmem_shared>>
    tpu.enqueue_indirect_dma source(%dma_start3A_255 : memref<50000xf32, #tpu.memory_space<vmem_shared>>) target(%dma_start3A_251 : memref<128xf32, #tpu.memory_space<vmem>>) offsets(%dma_start3A_253 : memref<128xi32, #tpu.memory_space<vmem>>) semaphore(%arg41 : memref<!tpu.dma_semaphore, #tpu.memory_space<semaphore_mem>>)
    %dma_start3A_256 = arith.constant 512 : i32
    %dma_start3A_257 = tpu.memref_slice %arg25[%dma_start3A_256] : memref<2000xf32, #tpu.memory_space<vmem>> -> memref<128xf32, #tpu.memory_space<vmem>>
    %dma_start3A_258 = arith.constant 512 : i32
    %dma_start3A_259 = tpu.memref_slice %arg19[%dma_start3A_258] : memref<2000xi32, #tpu.memory_space<vmem>> -> memref<128xi32, #tpu.memory_space<vmem>>
    %dma_start3A_260 = arith.constant 0 : i32
    %dma_start3A_261 = tpu.memref_slice %arg38[%dma_start3A_260] : memref<50000xf32, #tpu.memory_space<vmem_shared>> -> memref<50000xf32, #tpu.memory_space<vmem_shared>>
    tpu.enqueue_indirect_dma source(%dma_start3A_261 : memref<50000xf32, #tpu.memory_space<vmem_shared>>) target(%dma_start3A_257 : memref<128xf32, #tpu.memory_space<vmem>>) offsets(%dma_start3A_259 : memref<128xi32, #tpu.memory_space<vmem>>) semaphore(%arg41 : memref<!tpu.dma_semaphore, #tpu.memory_space<semaphore_mem>>)
    %dma_start3A_262 = arith.constant 640 : i32
    %dma_start3A_263 = tpu.memref_slice %arg20[%dma_start3A_262] : memref<2000xf32, #tpu.memory_space<vmem>> -> memref<128xf32, #tpu.memory_space<vmem>>
    %dma_start3A_264 = arith.constant 640 : i32
    %dma_start3A_265 = tpu.memref_slice %arg18[%dma_start3A_264] : memref<2000xi32, #tpu.memory_space<vmem>> -> memref<128xi32, #tpu.memory_space<vmem>>
    %dma_start3A_266 = arith.constant 0 : i32
    %dma_start3A_267 = tpu.memref_slice %arg36[%dma_start3A_266] : memref<50000xf32, #tpu.memory_space<vmem_shared>> -> memref<50000xf32, #tpu.memory_space<vmem_shared>>
    tpu.enqueue_indirect_dma source(%dma_start3A_267 : memref<50000xf32, #tpu.memory_space<vmem_shared>>) target(%dma_start3A_263 : memref<128xf32, #tpu.memory_space<vmem>>) offsets(%dma_start3A_265 : memref<128xi32, #tpu.memory_space<vmem>>) semaphore(%arg41 : memref<!tpu.dma_semaphore, #tpu.memory_space<semaphore_mem>>)
    %dma_start3A_268 = arith.constant 640 : i32
    %dma_start3A_269 = tpu.memref_slice %arg21[%dma_start3A_268] : memref<2000xf32, #tpu.memory_space<vmem>> -> memref<128xf32, #tpu.memory_space<vmem>>
    %dma_start3A_270 = arith.constant 640 : i32
    %dma_start3A_271 = tpu.memref_slice %arg18[%dma_start3A_270] : memref<2000xi32, #tpu.memory_space<vmem>> -> memref<128xi32, #tpu.memory_space<vmem>>
    %dma_start3A_272 = arith.constant 0 : i32
    %dma_start3A_273 = tpu.memref_slice %arg37[%dma_start3A_272] : memref<50000xf32, #tpu.memory_space<vmem_shared>> -> memref<50000xf32, #tpu.memory_space<vmem_shared>>
    tpu.enqueue_indirect_dma source(%dma_start3A_273 : memref<50000xf32, #tpu.memory_space<vmem_shared>>) target(%dma_start3A_269 : memref<128xf32, #tpu.memory_space<vmem>>) offsets(%dma_start3A_271 : memref<128xi32, #tpu.memory_space<vmem>>) semaphore(%arg41 : memref<!tpu.dma_semaphore, #tpu.memory_space<semaphore_mem>>)
    %dma_start3A_274 = arith.constant 640 : i32
    %dma_start3A_275 = tpu.memref_slice %arg22[%dma_start3A_274] : memref<2000xf32, #tpu.memory_space<vmem>> -> memref<128xf32, #tpu.memory_space<vmem>>
    %dma_start3A_276 = arith.constant 640 : i32
    %dma_start3A_277 = tpu.memref_slice %arg18[%dma_start3A_276] : memref<2000xi32, #tpu.memory_space<vmem>> -> memref<128xi32, #tpu.memory_space<vmem>>
    %dma_start3A_278 = arith.constant 0 : i32
    %dma_start3A_279 = tpu.memref_slice %arg38[%dma_start3A_278] : memref<50000xf32, #tpu.memory_space<vmem_shared>> -> memref<50000xf32, #tpu.memory_space<vmem_shared>>
    tpu.enqueue_indirect_dma source(%dma_start3A_279 : memref<50000xf32, #tpu.memory_space<vmem_shared>>) target(%dma_start3A_275 : memref<128xf32, #tpu.memory_space<vmem>>) offsets(%dma_start3A_277 : memref<128xi32, #tpu.memory_space<vmem>>) semaphore(%arg41 : memref<!tpu.dma_semaphore, #tpu.memory_space<semaphore_mem>>)
    %dma_start3A_280 = arith.constant 640 : i32
    %dma_start3A_281 = tpu.memref_slice %arg23[%dma_start3A_280] : memref<2000xf32, #tpu.memory_space<vmem>> -> memref<128xf32, #tpu.memory_space<vmem>>
    %dma_start3A_282 = arith.constant 640 : i32
    %dma_start3A_283 = tpu.memref_slice %arg19[%dma_start3A_282] : memref<2000xi32, #tpu.memory_space<vmem>> -> memref<128xi32, #tpu.memory_space<vmem>>
    %dma_start3A_284 = arith.constant 0 : i32
    %dma_start3A_285 = tpu.memref_slice %arg36[%dma_start3A_284] : memref<50000xf32, #tpu.memory_space<vmem_shared>> -> memref<50000xf32, #tpu.memory_space<vmem_shared>>
    tpu.enqueue_indirect_dma source(%dma_start3A_285 : memref<50000xf32, #tpu.memory_space<vmem_shared>>) target(%dma_start3A_281 : memref<128xf32, #tpu.memory_space<vmem>>) offsets(%dma_start3A_283 : memref<128xi32, #tpu.memory_space<vmem>>) semaphore(%arg41 : memref<!tpu.dma_semaphore, #tpu.memory_space<semaphore_mem>>)
    %dma_start3A_286 = arith.constant 640 : i32
    %dma_start3A_287 = tpu.memref_slice %arg24[%dma_start3A_286] : memref<2000xf32, #tpu.memory_space<vmem>> -> memref<128xf32, #tpu.memory_space<vmem>>
    %dma_start3A_288 = arith.constant 640 : i32
    %dma_start3A_289 = tpu.memref_slice %arg19[%dma_start3A_288] : memref<2000xi32, #tpu.memory_space<vmem>> -> memref<128xi32, #tpu.memory_space<vmem>>
    %dma_start3A_290 = arith.constant 0 : i32
    %dma_start3A_291 = tpu.memref_slice %arg37[%dma_start3A_290] : memref<50000xf32, #tpu.memory_space<vmem_shared>> -> memref<50000xf32, #tpu.memory_space<vmem_shared>>
    tpu.enqueue_indirect_dma source(%dma_start3A_291 : memref<50000xf32, #tpu.memory_space<vmem_shared>>) target(%dma_start3A_287 : memref<128xf32, #tpu.memory_space<vmem>>) offsets(%dma_start3A_289 : memref<128xi32, #tpu.memory_space<vmem>>) semaphore(%arg41 : memref<!tpu.dma_semaphore, #tpu.memory_space<semaphore_mem>>)
    %dma_start3A_292 = arith.constant 640 : i32
    %dma_start3A_293 = tpu.memref_slice %arg25[%dma_start3A_292] : memref<2000xf32, #tpu.memory_space<vmem>> -> memref<128xf32, #tpu.memory_space<vmem>>
    %dma_start3A_294 = arith.constant 640 : i32
    %dma_start3A_295 = tpu.memref_slice %arg19[%dma_start3A_294] : memref<2000xi32, #tpu.memory_space<vmem>> -> memref<128xi32, #tpu.memory_space<vmem>>
    %dma_start3A_296 = arith.constant 0 : i32
    %dma_start3A_297 = tpu.memref_slice %arg38[%dma_start3A_296] : memref<50000xf32, #tpu.memory_space<vmem_shared>> -> memref<50000xf32, #tpu.memory_space<vmem_shared>>
    tpu.enqueue_indirect_dma source(%dma_start3A_297 : memref<50000xf32, #tpu.memory_space<vmem_shared>>) target(%dma_start3A_293 : memref<128xf32, #tpu.memory_space<vmem>>) offsets(%dma_start3A_295 : memref<128xi32, #tpu.memory_space<vmem>>) semaphore(%arg41 : memref<!tpu.dma_semaphore, #tpu.memory_space<semaphore_mem>>)
    %dma_start3A_298 = arith.constant 768 : i32
    %dma_start3A_299 = tpu.memref_slice %arg20[%dma_start3A_298] : memref<2000xf32, #tpu.memory_space<vmem>> -> memref<128xf32, #tpu.memory_space<vmem>>
    %dma_start3A_300 = arith.constant 768 : i32
    %dma_start3A_301 = tpu.memref_slice %arg18[%dma_start3A_300] : memref<2000xi32, #tpu.memory_space<vmem>> -> memref<128xi32, #tpu.memory_space<vmem>>
    %dma_start3A_302 = arith.constant 0 : i32
    %dma_start3A_303 = tpu.memref_slice %arg36[%dma_start3A_302] : memref<50000xf32, #tpu.memory_space<vmem_shared>> -> memref<50000xf32, #tpu.memory_space<vmem_shared>>
    tpu.enqueue_indirect_dma source(%dma_start3A_303 : memref<50000xf32, #tpu.memory_space<vmem_shared>>) target(%dma_start3A_299 : memref<128xf32, #tpu.memory_space<vmem>>) offsets(%dma_start3A_301 : memref<128xi32, #tpu.memory_space<vmem>>) semaphore(%arg41 : memref<!tpu.dma_semaphore, #tpu.memory_space<semaphore_mem>>)
    %dma_start3A_304 = arith.constant 768 : i32
    %dma_start3A_305 = tpu.memref_slice %arg21[%dma_start3A_304] : memref<2000xf32, #tpu.memory_space<vmem>> -> memref<128xf32, #tpu.memory_space<vmem>>
    %dma_start3A_306 = arith.constant 768 : i32
    %dma_start3A_307 = tpu.memref_slice %arg18[%dma_start3A_306] : memref<2000xi32, #tpu.memory_space<vmem>> -> memref<128xi32, #tpu.memory_space<vmem>>
    %dma_start3A_308 = arith.constant 0 : i32
    %dma_start3A_309 = tpu.memref_slice %arg37[%dma_start3A_308] : memref<50000xf32, #tpu.memory_space<vmem_shared>> -> memref<50000xf32, #tpu.memory_space<vmem_shared>>
    tpu.enqueue_indirect_dma source(%dma_start3A_309 : memref<50000xf32, #tpu.memory_space<vmem_shared>>) target(%dma_start3A_305 : memref<128xf32, #tpu.memory_space<vmem>>) offsets(%dma_start3A_307 : memref<128xi32, #tpu.memory_space<vmem>>) semaphore(%arg41 : memref<!tpu.dma_semaphore, #tpu.memory_space<semaphore_mem>>)
    %dma_start3A_310 = arith.constant 768 : i32
    %dma_start3A_311 = tpu.memref_slice %arg22[%dma_start3A_310] : memref<2000xf32, #tpu.memory_space<vmem>> -> memref<128xf32, #tpu.memory_space<vmem>>
    %dma_start3A_312 = arith.constant 768 : i32
    %dma_start3A_313 = tpu.memref_slice %arg18[%dma_start3A_312] : memref<2000xi32, #tpu.memory_space<vmem>> -> memref<128xi32, #tpu.memory_space<vmem>>
    %dma_start3A_314 = arith.constant 0 : i32
    %dma_start3A_315 = tpu.memref_slice %arg38[%dma_start3A_314] : memref<50000xf32, #tpu.memory_space<vmem_shared>> -> memref<50000xf32, #tpu.memory_space<vmem_shared>>
    tpu.enqueue_indirect_dma source(%dma_start3A_315 : memref<50000xf32, #tpu.memory_space<vmem_shared>>) target(%dma_start3A_311 : memref<128xf32, #tpu.memory_space<vmem>>) offsets(%dma_start3A_313 : memref<128xi32, #tpu.memory_space<vmem>>) semaphore(%arg41 : memref<!tpu.dma_semaphore, #tpu.memory_space<semaphore_mem>>)
    %dma_start3A_316 = arith.constant 768 : i32
    %dma_start3A_317 = tpu.memref_slice %arg23[%dma_start3A_316] : memref<2000xf32, #tpu.memory_space<vmem>> -> memref<128xf32, #tpu.memory_space<vmem>>
    %dma_start3A_318 = arith.constant 768 : i32
    %dma_start3A_319 = tpu.memref_slice %arg19[%dma_start3A_318] : memref<2000xi32, #tpu.memory_space<vmem>> -> memref<128xi32, #tpu.memory_space<vmem>>
    %dma_start3A_320 = arith.constant 0 : i32
    %dma_start3A_321 = tpu.memref_slice %arg36[%dma_start3A_320] : memref<50000xf32, #tpu.memory_space<vmem_shared>> -> memref<50000xf32, #tpu.memory_space<vmem_shared>>
    tpu.enqueue_indirect_dma source(%dma_start3A_321 : memref<50000xf32, #tpu.memory_space<vmem_shared>>) target(%dma_start3A_317 : memref<128xf32, #tpu.memory_space<vmem>>) offsets(%dma_start3A_319 : memref<128xi32, #tpu.memory_space<vmem>>) semaphore(%arg41 : memref<!tpu.dma_semaphore, #tpu.memory_space<semaphore_mem>>)
    %dma_start3A_322 = arith.constant 768 : i32
    %dma_start3A_323 = tpu.memref_slice %arg24[%dma_start3A_322] : memref<2000xf32, #tpu.memory_space<vmem>> -> memref<128xf32, #tpu.memory_space<vmem>>
    %dma_start3A_324 = arith.constant 768 : i32
    %dma_start3A_325 = tpu.memref_slice %arg19[%dma_start3A_324] : memref<2000xi32, #tpu.memory_space<vmem>> -> memref<128xi32, #tpu.memory_space<vmem>>
    %dma_start3A_326 = arith.constant 0 : i32
    %dma_start3A_327 = tpu.memref_slice %arg37[%dma_start3A_326] : memref<50000xf32, #tpu.memory_space<vmem_shared>> -> memref<50000xf32, #tpu.memory_space<vmem_shared>>
    tpu.enqueue_indirect_dma source(%dma_start3A_327 : memref<50000xf32, #tpu.memory_space<vmem_shared>>) target(%dma_start3A_323 : memref<128xf32, #tpu.memory_space<vmem>>) offsets(%dma_start3A_325 : memref<128xi32, #tpu.memory_space<vmem>>) semaphore(%arg41 : memref<!tpu.dma_semaphore, #tpu.memory_space<semaphore_mem>>)
    %dma_start3A_328 = arith.constant 768 : i32
    %dma_start3A_329 = tpu.memref_slice %arg25[%dma_start3A_328] : memref<2000xf32, #tpu.memory_space<vmem>> -> memref<128xf32, #tpu.memory_space<vmem>>
    %dma_start3A_330 = arith.constant 768 : i32
    %dma_start3A_331 = tpu.memref_slice %arg19[%dma_start3A_330] : memref<2000xi32, #tpu.memory_space<vmem>> -> memref<128xi32, #tpu.memory_space<vmem>>
    %dma_start3A_332 = arith.constant 0 : i32
    %dma_start3A_333 = tpu.memref_slice %arg38[%dma_start3A_332] : memref<50000xf32, #tpu.memory_space<vmem_shared>> -> memref<50000xf32, #tpu.memory_space<vmem_shared>>
    tpu.enqueue_indirect_dma source(%dma_start3A_333 : memref<50000xf32, #tpu.memory_space<vmem_shared>>) target(%dma_start3A_329 : memref<128xf32, #tpu.memory_space<vmem>>) offsets(%dma_start3A_331 : memref<128xi32, #tpu.memory_space<vmem>>) semaphore(%arg41 : memref<!tpu.dma_semaphore, #tpu.memory_space<semaphore_mem>>)
    %dma_start3A_334 = arith.constant 896 : i32
    %dma_start3A_335 = tpu.memref_slice %arg20[%dma_start3A_334] : memref<2000xf32, #tpu.memory_space<vmem>> -> memref<104xf32, #tpu.memory_space<vmem>>
    %dma_start3A_336 = arith.constant 896 : i32
    %dma_start3A_337 = tpu.memref_slice %arg18[%dma_start3A_336] : memref<2000xi32, #tpu.memory_space<vmem>> -> memref<104xi32, #tpu.memory_space<vmem>>
    %dma_start3A_338 = arith.constant 0 : i32
    %dma_start3A_339 = tpu.memref_slice %arg36[%dma_start3A_338] : memref<50000xf32, #tpu.memory_space<vmem_shared>> -> memref<50000xf32, #tpu.memory_space<vmem_shared>>
    tpu.enqueue_indirect_dma source(%dma_start3A_339 : memref<50000xf32, #tpu.memory_space<vmem_shared>>) target(%dma_start3A_335 : memref<104xf32, #tpu.memory_space<vmem>>) offsets(%dma_start3A_337 : memref<104xi32, #tpu.memory_space<vmem>>) semaphore(%arg41 : memref<!tpu.dma_semaphore, #tpu.memory_space<semaphore_mem>>)
    %dma_start3A_340 = arith.constant 896 : i32
    %dma_start3A_341 = tpu.memref_slice %arg21[%dma_start3A_340] : memref<2000xf32, #tpu.memory_space<vmem>> -> memref<104xf32, #tpu.memory_space<vmem>>
    %dma_start3A_342 = arith.constant 896 : i32
    %dma_start3A_343 = tpu.memref_slice %arg18[%dma_start3A_342] : memref<2000xi32, #tpu.memory_space<vmem>> -> memref<104xi32, #tpu.memory_space<vmem>>
    %dma_start3A_344 = arith.constant 0 : i32
    %dma_start3A_345 = tpu.memref_slice %arg37[%dma_start3A_344] : memref<50000xf32, #tpu.memory_space<vmem_shared>> -> memref<50000xf32, #tpu.memory_space<vmem_shared>>
    tpu.enqueue_indirect_dma source(%dma_start3A_345 : memref<50000xf32, #tpu.memory_space<vmem_shared>>) target(%dma_start3A_341 : memref<104xf32, #tpu.memory_space<vmem>>) offsets(%dma_start3A_343 : memref<104xi32, #tpu.memory_space<vmem>>) semaphore(%arg41 : memref<!tpu.dma_semaphore, #tpu.memory_space<semaphore_mem>>)
    %dma_start3A_346 = arith.constant 896 : i32
    %dma_start3A_347 = tpu.memref_slice %arg22[%dma_start3A_346] : memref<2000xf32, #tpu.memory_space<vmem>> -> memref<104xf32, #tpu.memory_space<vmem>>
    %dma_start3A_348 = arith.constant 896 : i32
    %dma_start3A_349 = tpu.memref_slice %arg18[%dma_start3A_348] : memref<2000xi32, #tpu.memory_space<vmem>> -> memref<104xi32, #tpu.memory_space<vmem>>
    %dma_start3A_350 = arith.constant 0 : i32
    %dma_start3A_351 = tpu.memref_slice %arg38[%dma_start3A_350] : memref<50000xf32, #tpu.memory_space<vmem_shared>> -> memref<50000xf32, #tpu.memory_space<vmem_shared>>
    tpu.enqueue_indirect_dma source(%dma_start3A_351 : memref<50000xf32, #tpu.memory_space<vmem_shared>>) target(%dma_start3A_347 : memref<104xf32, #tpu.memory_space<vmem>>) offsets(%dma_start3A_349 : memref<104xi32, #tpu.memory_space<vmem>>) semaphore(%arg41 : memref<!tpu.dma_semaphore, #tpu.memory_space<semaphore_mem>>)
    %dma_start3A_352 = arith.constant 896 : i32
    %dma_start3A_353 = tpu.memref_slice %arg23[%dma_start3A_352] : memref<2000xf32, #tpu.memory_space<vmem>> -> memref<104xf32, #tpu.memory_space<vmem>>
    %dma_start3A_354 = arith.constant 896 : i32
    %dma_start3A_355 = tpu.memref_slice %arg19[%dma_start3A_354] : memref<2000xi32, #tpu.memory_space<vmem>> -> memref<104xi32, #tpu.memory_space<vmem>>
    %dma_start3A_356 = arith.constant 0 : i32
    %dma_start3A_357 = tpu.memref_slice %arg36[%dma_start3A_356] : memref<50000xf32, #tpu.memory_space<vmem_shared>> -> memref<50000xf32, #tpu.memory_space<vmem_shared>>
    tpu.enqueue_indirect_dma source(%dma_start3A_357 : memref<50000xf32, #tpu.memory_space<vmem_shared>>) target(%dma_start3A_353 : memref<104xf32, #tpu.memory_space<vmem>>) offsets(%dma_start3A_355 : memref<104xi32, #tpu.memory_space<vmem>>) semaphore(%arg41 : memref<!tpu.dma_semaphore, #tpu.memory_space<semaphore_mem>>)
    %dma_start3A_358 = arith.constant 896 : i32
    %dma_start3A_359 = tpu.memref_slice %arg24[%dma_start3A_358] : memref<2000xf32, #tpu.memory_space<vmem>> -> memref<104xf32, #tpu.memory_space<vmem>>
    %dma_start3A_360 = arith.constant 896 : i32
    %dma_start3A_361 = tpu.memref_slice %arg19[%dma_start3A_360] : memref<2000xi32, #tpu.memory_space<vmem>> -> memref<104xi32, #tpu.memory_space<vmem>>
    %dma_start3A_362 = arith.constant 0 : i32
    %dma_start3A_363 = tpu.memref_slice %arg37[%dma_start3A_362] : memref<50000xf32, #tpu.memory_space<vmem_shared>> -> memref<50000xf32, #tpu.memory_space<vmem_shared>>
    tpu.enqueue_indirect_dma source(%dma_start3A_363 : memref<50000xf32, #tpu.memory_space<vmem_shared>>) target(%dma_start3A_359 : memref<104xf32, #tpu.memory_space<vmem>>) offsets(%dma_start3A_361 : memref<104xi32, #tpu.memory_space<vmem>>) semaphore(%arg41 : memref<!tpu.dma_semaphore, #tpu.memory_space<semaphore_mem>>)
    %dma_start3A_364 = arith.constant 896 : i32
    %dma_start3A_365 = tpu.memref_slice %arg25[%dma_start3A_364] : memref<2000xf32, #tpu.memory_space<vmem>> -> memref<104xf32, #tpu.memory_space<vmem>>
    %dma_start3A_366 = arith.constant 896 : i32
    %dma_start3A_367 = tpu.memref_slice %arg19[%dma_start3A_366] : memref<2000xi32, #tpu.memory_space<vmem>> -> memref<104xi32, #tpu.memory_space<vmem>>
    %dma_start3A_368 = arith.constant 0 : i32
    %dma_start3A_369 = tpu.memref_slice %arg38[%dma_start3A_368] : memref<50000xf32, #tpu.memory_space<vmem_shared>> -> memref<50000xf32, #tpu.memory_space<vmem_shared>>
    tpu.enqueue_indirect_dma source(%dma_start3A_369 : memref<50000xf32, #tpu.memory_space<vmem_shared>>) target(%dma_start3A_365 : memref<104xf32, #tpu.memory_space<vmem>>) offsets(%dma_start3A_367 : memref<104xi32, #tpu.memory_space<vmem>>) semaphore(%arg41 : memref<!tpu.dma_semaphore, #tpu.memory_space<semaphore_mem>>)
    %dma_wait3A_370 = arith.constant 0 : i32
    %dma_wait3A_371 = tpu.memref_slice %arg20[%dma_wait3A_370] : memref<2000xf32, #tpu.memory_space<vmem>> -> memref<128xf32, #tpu.memory_space<vmem>>
    %dma_wait3A_372 = arith.constant 0 : i32
    %dma_wait3A_373 = tpu.memref_slice %arg18[%dma_wait3A_372] : memref<2000xi32, #tpu.memory_space<vmem>> -> memref<128xi32, #tpu.memory_space<vmem>>
    %dma_wait3A_374 = arith.constant 0 : i32
    %dma_wait3A_375 = tpu.memref_slice %arg36[%dma_wait3A_374] : memref<50000xf32, #tpu.memory_space<vmem_shared>> -> memref<50000xf32, #tpu.memory_space<vmem_shared>>
    tpu.wait_indirect_dma semaphore(%arg40 : memref<!tpu.dma_semaphore, #tpu.memory_space<semaphore_mem>>) src(%dma_wait3A_375 : memref<50000xf32, #tpu.memory_space<vmem_shared>>) dst(%dma_wait3A_371 : memref<128xf32, #tpu.memory_space<vmem>>)
    %dma_wait3A_376 = arith.constant 0 : i32
    %dma_wait3A_377 = tpu.memref_slice %arg21[%dma_wait3A_376] : memref<2000xf32, #tpu.memory_space<vmem>> -> memref<128xf32, #tpu.memory_space<vmem>>
    %dma_wait3A_378 = arith.constant 0 : i32
    %dma_wait3A_379 = tpu.memref_slice %arg18[%dma_wait3A_378] : memref<2000xi32, #tpu.memory_space<vmem>> -> memref<128xi32, #tpu.memory_space<vmem>>
    %dma_wait3A_380 = arith.constant 0 : i32
    %dma_wait3A_381 = tpu.memref_slice %arg37[%dma_wait3A_380] : memref<50000xf32, #tpu.memory_space<vmem_shared>> -> memref<50000xf32, #tpu.memory_space<vmem_shared>>
    tpu.wait_indirect_dma semaphore(%arg40 : memref<!tpu.dma_semaphore, #tpu.memory_space<semaphore_mem>>) src(%dma_wait3A_381 : memref<50000xf32, #tpu.memory_space<vmem_shared>>) dst(%dma_wait3A_377 : memref<128xf32, #tpu.memory_space<vmem>>)
    %dma_wait3A_382 = arith.constant 0 : i32
    %dma_wait3A_383 = tpu.memref_slice %arg22[%dma_wait3A_382] : memref<2000xf32, #tpu.memory_space<vmem>> -> memref<128xf32, #tpu.memory_space<vmem>>
    %dma_wait3A_384 = arith.constant 0 : i32
    %dma_wait3A_385 = tpu.memref_slice %arg18[%dma_wait3A_384] : memref<2000xi32, #tpu.memory_space<vmem>> -> memref<128xi32, #tpu.memory_space<vmem>>
    %dma_wait3A_386 = arith.constant 0 : i32
    %dma_wait3A_387 = tpu.memref_slice %arg38[%dma_wait3A_386] : memref<50000xf32, #tpu.memory_space<vmem_shared>> -> memref<50000xf32, #tpu.memory_space<vmem_shared>>
    tpu.wait_indirect_dma semaphore(%arg40 : memref<!tpu.dma_semaphore, #tpu.memory_space<semaphore_mem>>) src(%dma_wait3A_387 : memref<50000xf32, #tpu.memory_space<vmem_shared>>) dst(%dma_wait3A_383 : memref<128xf32, #tpu.memory_space<vmem>>)
    %dma_wait3A_388 = arith.constant 0 : i32
    %dma_wait3A_389 = tpu.memref_slice %arg23[%dma_wait3A_388] : memref<2000xf32, #tpu.memory_space<vmem>> -> memref<128xf32, #tpu.memory_space<vmem>>
    %dma_wait3A_390 = arith.constant 0 : i32
    %dma_wait3A_391 = tpu.memref_slice %arg19[%dma_wait3A_390] : memref<2000xi32, #tpu.memory_space<vmem>> -> memref<128xi32, #tpu.memory_space<vmem>>
    %dma_wait3A_392 = arith.constant 0 : i32
    %dma_wait3A_393 = tpu.memref_slice %arg36[%dma_wait3A_392] : memref<50000xf32, #tpu.memory_space<vmem_shared>> -> memref<50000xf32, #tpu.memory_space<vmem_shared>>
    tpu.wait_indirect_dma semaphore(%arg40 : memref<!tpu.dma_semaphore, #tpu.memory_space<semaphore_mem>>) src(%dma_wait3A_393 : memref<50000xf32, #tpu.memory_space<vmem_shared>>) dst(%dma_wait3A_389 : memref<128xf32, #tpu.memory_space<vmem>>)
    %dma_wait3A_394 = arith.constant 0 : i32
    %dma_wait3A_395 = tpu.memref_slice %arg24[%dma_wait3A_394] : memref<2000xf32, #tpu.memory_space<vmem>> -> memref<128xf32, #tpu.memory_space<vmem>>
    %dma_wait3A_396 = arith.constant 0 : i32
    %dma_wait3A_397 = tpu.memref_slice %arg19[%dma_wait3A_396] : memref<2000xi32, #tpu.memory_space<vmem>> -> memref<128xi32, #tpu.memory_space<vmem>>
    %dma_wait3A_398 = arith.constant 0 : i32
    %dma_wait3A_399 = tpu.memref_slice %arg37[%dma_wait3A_398] : memref<50000xf32, #tpu.memory_space<vmem_shared>> -> memref<50000xf32, #tpu.memory_space<vmem_shared>>
    tpu.wait_indirect_dma semaphore(%arg40 : memref<!tpu.dma_semaphore, #tpu.memory_space<semaphore_mem>>) src(%dma_wait3A_399 : memref<50000xf32, #tpu.memory_space<vmem_shared>>) dst(%dma_wait3A_395 : memref<128xf32, #tpu.memory_space<vmem>>)
    %dma_wait3A_400 = arith.constant 0 : i32
    %dma_wait3A_401 = tpu.memref_slice %arg25[%dma_wait3A_400] : memref<2000xf32, #tpu.memory_space<vmem>> -> memref<128xf32, #tpu.memory_space<vmem>>
    %dma_wait3A_402 = arith.constant 0 : i32
    %dma_wait3A_403 = tpu.memref_slice %arg19[%dma_wait3A_402] : memref<2000xi32, #tpu.memory_space<vmem>> -> memref<128xi32, #tpu.memory_space<vmem>>
    %dma_wait3A_404 = arith.constant 0 : i32
    %dma_wait3A_405 = tpu.memref_slice %arg38[%dma_wait3A_404] : memref<50000xf32, #tpu.memory_space<vmem_shared>> -> memref<50000xf32, #tpu.memory_space<vmem_shared>>
    tpu.wait_indirect_dma semaphore(%arg40 : memref<!tpu.dma_semaphore, #tpu.memory_space<semaphore_mem>>) src(%dma_wait3A_405 : memref<50000xf32, #tpu.memory_space<vmem_shared>>) dst(%dma_wait3A_401 : memref<128xf32, #tpu.memory_space<vmem>>)
    %dma_wait3A_406 = arith.constant 128 : i32
    %dma_wait3A_407 = tpu.memref_slice %arg20[%dma_wait3A_406] : memref<2000xf32, #tpu.memory_space<vmem>> -> memref<128xf32, #tpu.memory_space<vmem>>
    %dma_wait3A_408 = arith.constant 128 : i32
    %dma_wait3A_409 = tpu.memref_slice %arg18[%dma_wait3A_408] : memref<2000xi32, #tpu.memory_space<vmem>> -> memref<128xi32, #tpu.memory_space<vmem>>
    %dma_wait3A_410 = arith.constant 0 : i32
    %dma_wait3A_411 = tpu.memref_slice %arg36[%dma_wait3A_410] : memref<50000xf32, #tpu.memory_space<vmem_shared>> -> memref<50000xf32, #tpu.memory_space<vmem_shared>>
    tpu.wait_indirect_dma semaphore(%arg40 : memref<!tpu.dma_semaphore, #tpu.memory_space<semaphore_mem>>) src(%dma_wait3A_411 : memref<50000xf32, #tpu.memory_space<vmem_shared>>) dst(%dma_wait3A_407 : memref<128xf32, #tpu.memory_space<vmem>>)
    %dma_wait3A_412 = arith.constant 128 : i32
    %dma_wait3A_413 = tpu.memref_slice %arg21[%dma_wait3A_412] : memref<2000xf32, #tpu.memory_space<vmem>> -> memref<128xf32, #tpu.memory_space<vmem>>
    %dma_wait3A_414 = arith.constant 128 : i32
    %dma_wait3A_415 = tpu.memref_slice %arg18[%dma_wait3A_414] : memref<2000xi32, #tpu.memory_space<vmem>> -> memref<128xi32, #tpu.memory_space<vmem>>
    %dma_wait3A_416 = arith.constant 0 : i32
    %dma_wait3A_417 = tpu.memref_slice %arg37[%dma_wait3A_416] : memref<50000xf32, #tpu.memory_space<vmem_shared>> -> memref<50000xf32, #tpu.memory_space<vmem_shared>>
    tpu.wait_indirect_dma semaphore(%arg40 : memref<!tpu.dma_semaphore, #tpu.memory_space<semaphore_mem>>) src(%dma_wait3A_417 : memref<50000xf32, #tpu.memory_space<vmem_shared>>) dst(%dma_wait3A_413 : memref<128xf32, #tpu.memory_space<vmem>>)
    %dma_wait3A_418 = arith.constant 128 : i32
    %dma_wait3A_419 = tpu.memref_slice %arg22[%dma_wait3A_418] : memref<2000xf32, #tpu.memory_space<vmem>> -> memref<128xf32, #tpu.memory_space<vmem>>
    %dma_wait3A_420 = arith.constant 128 : i32
    %dma_wait3A_421 = tpu.memref_slice %arg18[%dma_wait3A_420] : memref<2000xi32, #tpu.memory_space<vmem>> -> memref<128xi32, #tpu.memory_space<vmem>>
    %dma_wait3A_422 = arith.constant 0 : i32
    %dma_wait3A_423 = tpu.memref_slice %arg38[%dma_wait3A_422] : memref<50000xf32, #tpu.memory_space<vmem_shared>> -> memref<50000xf32, #tpu.memory_space<vmem_shared>>
    tpu.wait_indirect_dma semaphore(%arg40 : memref<!tpu.dma_semaphore, #tpu.memory_space<semaphore_mem>>) src(%dma_wait3A_423 : memref<50000xf32, #tpu.memory_space<vmem_shared>>) dst(%dma_wait3A_419 : memref<128xf32, #tpu.memory_space<vmem>>)
    %dma_wait3A_424 = arith.constant 128 : i32
    %dma_wait3A_425 = tpu.memref_slice %arg23[%dma_wait3A_424] : memref<2000xf32, #tpu.memory_space<vmem>> -> memref<128xf32, #tpu.memory_space<vmem>>
    %dma_wait3A_426 = arith.constant 128 : i32
    %dma_wait3A_427 = tpu.memref_slice %arg19[%dma_wait3A_426] : memref<2000xi32, #tpu.memory_space<vmem>> -> memref<128xi32, #tpu.memory_space<vmem>>
    %dma_wait3A_428 = arith.constant 0 : i32
    %dma_wait3A_429 = tpu.memref_slice %arg36[%dma_wait3A_428] : memref<50000xf32, #tpu.memory_space<vmem_shared>> -> memref<50000xf32, #tpu.memory_space<vmem_shared>>
    tpu.wait_indirect_dma semaphore(%arg40 : memref<!tpu.dma_semaphore, #tpu.memory_space<semaphore_mem>>) src(%dma_wait3A_429 : memref<50000xf32, #tpu.memory_space<vmem_shared>>) dst(%dma_wait3A_425 : memref<128xf32, #tpu.memory_space<vmem>>)
    %dma_wait3A_430 = arith.constant 128 : i32
    %dma_wait3A_431 = tpu.memref_slice %arg24[%dma_wait3A_430] : memref<2000xf32, #tpu.memory_space<vmem>> -> memref<128xf32, #tpu.memory_space<vmem>>
    %dma_wait3A_432 = arith.constant 128 : i32
    %dma_wait3A_433 = tpu.memref_slice %arg19[%dma_wait3A_432] : memref<2000xi32, #tpu.memory_space<vmem>> -> memref<128xi32, #tpu.memory_space<vmem>>
    %dma_wait3A_434 = arith.constant 0 : i32
    %dma_wait3A_435 = tpu.memref_slice %arg37[%dma_wait3A_434] : memref<50000xf32, #tpu.memory_space<vmem_shared>> -> memref<50000xf32, #tpu.memory_space<vmem_shared>>
    tpu.wait_indirect_dma semaphore(%arg40 : memref<!tpu.dma_semaphore, #tpu.memory_space<semaphore_mem>>) src(%dma_wait3A_435 : memref<50000xf32, #tpu.memory_space<vmem_shared>>) dst(%dma_wait3A_431 : memref<128xf32, #tpu.memory_space<vmem>>)
    %dma_wait3A_436 = arith.constant 128 : i32
    %dma_wait3A_437 = tpu.memref_slice %arg25[%dma_wait3A_436] : memref<2000xf32, #tpu.memory_space<vmem>> -> memref<128xf32, #tpu.memory_space<vmem>>
    %dma_wait3A_438 = arith.constant 128 : i32
    %dma_wait3A_439 = tpu.memref_slice %arg19[%dma_wait3A_438] : memref<2000xi32, #tpu.memory_space<vmem>> -> memref<128xi32, #tpu.memory_space<vmem>>
    %dma_wait3A_440 = arith.constant 0 : i32
    %dma_wait3A_441 = tpu.memref_slice %arg38[%dma_wait3A_440] : memref<50000xf32, #tpu.memory_space<vmem_shared>> -> memref<50000xf32, #tpu.memory_space<vmem_shared>>
    tpu.wait_indirect_dma semaphore(%arg40 : memref<!tpu.dma_semaphore, #tpu.memory_space<semaphore_mem>>) src(%dma_wait3A_441 : memref<50000xf32, #tpu.memory_space<vmem_shared>>) dst(%dma_wait3A_437 : memref<128xf32, #tpu.memory_space<vmem>>)
    %dma_wait3A_442 = arith.constant 256 : i32
    %dma_wait3A_443 = tpu.memref_slice %arg20[%dma_wait3A_442] : memref<2000xf32, #tpu.memory_space<vmem>> -> memref<128xf32, #tpu.memory_space<vmem>>
    %dma_wait3A_444 = arith.constant 256 : i32
    %dma_wait3A_445 = tpu.memref_slice %arg18[%dma_wait3A_444] : memref<2000xi32, #tpu.memory_space<vmem>> -> memref<128xi32, #tpu.memory_space<vmem>>
    %dma_wait3A_446 = arith.constant 0 : i32
    %dma_wait3A_447 = tpu.memref_slice %arg36[%dma_wait3A_446] : memref<50000xf32, #tpu.memory_space<vmem_shared>> -> memref<50000xf32, #tpu.memory_space<vmem_shared>>
    tpu.wait_indirect_dma semaphore(%arg40 : memref<!tpu.dma_semaphore, #tpu.memory_space<semaphore_mem>>) src(%dma_wait3A_447 : memref<50000xf32, #tpu.memory_space<vmem_shared>>) dst(%dma_wait3A_443 : memref<128xf32, #tpu.memory_space<vmem>>)
    %dma_wait3A_448 = arith.constant 256 : i32
    %dma_wait3A_449 = tpu.memref_slice %arg21[%dma_wait3A_448] : memref<2000xf32, #tpu.memory_space<vmem>> -> memref<128xf32, #tpu.memory_space<vmem>>
    %dma_wait3A_450 = arith.constant 256 : i32
    %dma_wait3A_451 = tpu.memref_slice %arg18[%dma_wait3A_450] : memref<2000xi32, #tpu.memory_space<vmem>> -> memref<128xi32, #tpu.memory_space<vmem>>
    %dma_wait3A_452 = arith.constant 0 : i32
    %dma_wait3A_453 = tpu.memref_slice %arg37[%dma_wait3A_452] : memref<50000xf32, #tpu.memory_space<vmem_shared>> -> memref<50000xf32, #tpu.memory_space<vmem_shared>>
    tpu.wait_indirect_dma semaphore(%arg40 : memref<!tpu.dma_semaphore, #tpu.memory_space<semaphore_mem>>) src(%dma_wait3A_453 : memref<50000xf32, #tpu.memory_space<vmem_shared>>) dst(%dma_wait3A_449 : memref<128xf32, #tpu.memory_space<vmem>>)
    %dma_wait3A_454 = arith.constant 256 : i32
    %dma_wait3A_455 = tpu.memref_slice %arg22[%dma_wait3A_454] : memref<2000xf32, #tpu.memory_space<vmem>> -> memref<128xf32, #tpu.memory_space<vmem>>
    %dma_wait3A_456 = arith.constant 256 : i32
    %dma_wait3A_457 = tpu.memref_slice %arg18[%dma_wait3A_456] : memref<2000xi32, #tpu.memory_space<vmem>> -> memref<128xi32, #tpu.memory_space<vmem>>
    %dma_wait3A_458 = arith.constant 0 : i32
    %dma_wait3A_459 = tpu.memref_slice %arg38[%dma_wait3A_458] : memref<50000xf32, #tpu.memory_space<vmem_shared>> -> memref<50000xf32, #tpu.memory_space<vmem_shared>>
    tpu.wait_indirect_dma semaphore(%arg40 : memref<!tpu.dma_semaphore, #tpu.memory_space<semaphore_mem>>) src(%dma_wait3A_459 : memref<50000xf32, #tpu.memory_space<vmem_shared>>) dst(%dma_wait3A_455 : memref<128xf32, #tpu.memory_space<vmem>>)
    %dma_wait3A_460 = arith.constant 256 : i32
    %dma_wait3A_461 = tpu.memref_slice %arg23[%dma_wait3A_460] : memref<2000xf32, #tpu.memory_space<vmem>> -> memref<128xf32, #tpu.memory_space<vmem>>
    %dma_wait3A_462 = arith.constant 256 : i32
    %dma_wait3A_463 = tpu.memref_slice %arg19[%dma_wait3A_462] : memref<2000xi32, #tpu.memory_space<vmem>> -> memref<128xi32, #tpu.memory_space<vmem>>
    %dma_wait3A_464 = arith.constant 0 : i32
    %dma_wait3A_465 = tpu.memref_slice %arg36[%dma_wait3A_464] : memref<50000xf32, #tpu.memory_space<vmem_shared>> -> memref<50000xf32, #tpu.memory_space<vmem_shared>>
    tpu.wait_indirect_dma semaphore(%arg40 : memref<!tpu.dma_semaphore, #tpu.memory_space<semaphore_mem>>) src(%dma_wait3A_465 : memref<50000xf32, #tpu.memory_space<vmem_shared>>) dst(%dma_wait3A_461 : memref<128xf32, #tpu.memory_space<vmem>>)
    %dma_wait3A_466 = arith.constant 256 : i32
    %dma_wait3A_467 = tpu.memref_slice %arg24[%dma_wait3A_466] : memref<2000xf32, #tpu.memory_space<vmem>> -> memref<128xf32, #tpu.memory_space<vmem>>
    %dma_wait3A_468 = arith.constant 256 : i32
    %dma_wait3A_469 = tpu.memref_slice %arg19[%dma_wait3A_468] : memref<2000xi32, #tpu.memory_space<vmem>> -> memref<128xi32, #tpu.memory_space<vmem>>
    %dma_wait3A_470 = arith.constant 0 : i32
    %dma_wait3A_471 = tpu.memref_slice %arg37[%dma_wait3A_470] : memref<50000xf32, #tpu.memory_space<vmem_shared>> -> memref<50000xf32, #tpu.memory_space<vmem_shared>>
    tpu.wait_indirect_dma semaphore(%arg40 : memref<!tpu.dma_semaphore, #tpu.memory_space<semaphore_mem>>) src(%dma_wait3A_471 : memref<50000xf32, #tpu.memory_space<vmem_shared>>) dst(%dma_wait3A_467 : memref<128xf32, #tpu.memory_space<vmem>>)
    %dma_wait3A_472 = arith.constant 256 : i32
    %dma_wait3A_473 = tpu.memref_slice %arg25[%dma_wait3A_472] : memref<2000xf32, #tpu.memory_space<vmem>> -> memref<128xf32, #tpu.memory_space<vmem>>
    %dma_wait3A_474 = arith.constant 256 : i32
    %dma_wait3A_475 = tpu.memref_slice %arg19[%dma_wait3A_474] : memref<2000xi32, #tpu.memory_space<vmem>> -> memref<128xi32, #tpu.memory_space<vmem>>
    %dma_wait3A_476 = arith.constant 0 : i32
    %dma_wait3A_477 = tpu.memref_slice %arg38[%dma_wait3A_476] : memref<50000xf32, #tpu.memory_space<vmem_shared>> -> memref<50000xf32, #tpu.memory_space<vmem_shared>>
    tpu.wait_indirect_dma semaphore(%arg40 : memref<!tpu.dma_semaphore, #tpu.memory_space<semaphore_mem>>) src(%dma_wait3A_477 : memref<50000xf32, #tpu.memory_space<vmem_shared>>) dst(%dma_wait3A_473 : memref<128xf32, #tpu.memory_space<vmem>>)
    %scan3A_478 = arith.constant 0 : i32
    %scan3A_479 = arith.constant 0 : i32
    %scan3A_480 = arith.constant 24 : i32
    %scan3A_481 = arith.addi %scan3A_479, %scan3A_480 : i32
    %scan3A_482 = arith.constant 1 : i32
    scf.for %scan3A_792 = %scan3A_479 to %scan3A_481 step %scan3A_482  : i32 {
      %mul3A_793 = arith.constant 16 : i32
      %mul3A_794 = arith.muli %scan3A_792, %mul3A_793 : i32
      %get3A_795 = arith.index_cast %mul3A_794 : i32 to index
      %get3A_796 = tpu.vector_load %arg20[%get3A_795] {strides = array<i32>} : memref<2000xf32, #tpu.memory_space<vmem>>, vector<16xf32>,
      %get3A_797 = arith.index_cast %mul3A_794 : i32 to index
      %get3A_798 = tpu.vector_load %arg21[%get3A_797] {strides = array<i32>} : memref<2000xf32, #tpu.memory_space<vmem>>, vector<16xf32>,
      %get3A_799 = arith.index_cast %mul3A_794 : i32 to index
      %get3A_800 = tpu.vector_load %arg22[%get3A_799] {strides = array<i32>} : memref<2000xf32, #tpu.memory_space<vmem>>, vector<16xf32>,
      %get3A_801 = arith.index_cast %mul3A_794 : i32 to index
      %get3A_802 = tpu.vector_load %arg23[%get3A_801] {strides = array<i32>} : memref<2000xf32, #tpu.memory_space<vmem>>, vector<16xf32>,
      %get3A_803 = arith.index_cast %mul3A_794 : i32 to index
      %get3A_804 = tpu.vector_load %arg24[%get3A_803] {strides = array<i32>} : memref<2000xf32, #tpu.memory_space<vmem>>, vector<16xf32>,
      %get3A_805 = arith.index_cast %mul3A_794 : i32 to index
      %get3A_806 = tpu.vector_load %arg25[%get3A_805] {strides = array<i32>} : memref<2000xf32, #tpu.memory_space<vmem>>, vector<16xf32>,
      %get3A_807 = arith.index_cast %mul3A_794 : i32 to index
      %get3A_808 = tpu.vector_load %arg29[%get3A_807] {strides = array<i32>} : memref<2000xi32, #tpu.memory_space<vmem>>, vector<16xi32>,
      %mul3A_809 = arith.constant 9 : i32
      %mul3A_810 = vector.broadcast %mul3A_809 : i32 to vector<16xi32>
      %mul3A_811 = arith.muli %get3A_808, %mul3A_810 : vector<16xi32>
      %get3A_812 = arith.index_cast %mul3A_794 : i32 to index
      %get3A_813 = tpu.vector_load %arg26[%get3A_812] {strides = array<i32>} : memref<2000xi32, #tpu.memory_space<vmem>>, vector<16xi32>,
      %convert_element_type3A_814 = arith.sitofp %get3A_813 : vector<16xi32> to vector<16xf32>
      %get3A_815 = arith.index_cast %mul3A_794 : i32 to index
      %get3A_816 = tpu.vector_load %arg27[%get3A_815] {strides = array<i32>} : memref<2000xi32, #tpu.memory_space<vmem>>, vector<16xi32>,
      %convert_element_type3A_817 = arith.sitofp %get3A_816 : vector<16xi32> to vector<16xf32>
      %get3A_818 = arith.index_cast %mul3A_794 : i32 to index
      %get3A_819 = tpu.vector_load %arg28[%get3A_818] {strides = array<i32>} : memref<2000xi32, #tpu.memory_space<vmem>>, vector<16xi32>,
      %convert_element_type3A_820 = arith.sitofp %get3A_819 : vector<16xi32> to vector<16xf32>
      %gather3A_821 = tpu.vector_load_idx %arg30[%mul3A_811] : memref<1152xf32, #tpu.memory_space<vmem>>[vector<16xi32>], vector<16xf32>,
      %add3A_822 = arith.constant 1 : i32
      %add3A_823 = vector.broadcast %add3A_822 : i32 to vector<16xi32>
      %add3A_824 = arith.addi %mul3A_811, %add3A_823 : vector<16xi32>
      %gather3A_825 = tpu.vector_load_idx %arg30[%add3A_824] : memref<1152xf32, #tpu.memory_space<vmem>>[vector<16xi32>], vector<16xf32>,
      %add3A_826 = arith.constant 2 : i32
      %add3A_827 = vector.broadcast %add3A_826 : i32 to vector<16xi32>
      %add3A_828 = arith.addi %mul3A_811, %add3A_827 : vector<16xi32>
      %gather3A_829 = tpu.vector_load_idx %arg30[%add3A_828] : memref<1152xf32, #tpu.memory_space<vmem>>[vector<16xi32>], vector<16xf32>,
      %add3A_830 = arith.constant 3 : i32
      %add3A_831 = vector.broadcast %add3A_830 : i32 to vector<16xi32>
      %add3A_832 = arith.addi %mul3A_811, %add3A_831 : vector<16xi32>
      %gather3A_833 = tpu.vector_load_idx %arg30[%add3A_832] : memref<1152xf32, #tpu.memory_space<vmem>>[vector<16xi32>], vector<16xf32>,
      %add3A_834 = arith.constant 4 : i32
      %add3A_835 = vector.broadcast %add3A_834 : i32 to vector<16xi32>
      %add3A_836 = arith.addi %mul3A_811, %add3A_835 : vector<16xi32>
      %gather3A_837 = tpu.vector_load_idx %arg30[%add3A_836] : memref<1152xf32, #tpu.memory_space<vmem>>[vector<16xi32>], vector<16xf32>,
      %add3A_838 = arith.constant 5 : i32
      %add3A_839 = vector.broadcast %add3A_838 : i32 to vector<16xi32>
      %add3A_840 = arith.addi %mul3A_811, %add3A_839 : vector<16xi32>
      %gather3A_841 = tpu.vector_load_idx %arg30[%add3A_840] : memref<1152xf32, #tpu.memory_space<vmem>>[vector<16xi32>], vector<16xf32>,
      %add3A_842 = arith.constant 6 : i32
      %add3A_843 = vector.broadcast %add3A_842 : i32 to vector<16xi32>
      %add3A_844 = arith.addi %mul3A_811, %add3A_843 : vector<16xi32>
      %gather3A_845 = tpu.vector_load_idx %arg30[%add3A_844] : memref<1152xf32, #tpu.memory_space<vmem>>[vector<16xi32>], vector<16xf32>,
      %add3A_846 = arith.constant 7 : i32
      %add3A_847 = vector.broadcast %add3A_846 : i32 to vector<16xi32>
      %add3A_848 = arith.addi %mul3A_811, %add3A_847 : vector<16xi32>
      %gather3A_849 = tpu.vector_load_idx %arg30[%add3A_848] : memref<1152xf32, #tpu.memory_space<vmem>>[vector<16xi32>], vector<16xf32>,
      %add3A_850 = arith.constant 8 : i32
      %add3A_851 = vector.broadcast %add3A_850 : i32 to vector<16xi32>
      %add3A_852 = arith.addi %mul3A_811, %add3A_851 : vector<16xi32>
      %gather3A_853 = tpu.vector_load_idx %arg30[%add3A_852] : memref<1152xf32, #tpu.memory_space<vmem>>[vector<16xi32>], vector<16xf32>,
      %mul3A_854 = arith.mulf %gather3A_821, %convert_element_type3A_814 : vector<16xf32>
      %mul3A_855 = arith.mulf %gather3A_833, %convert_element_type3A_817 : vector<16xf32>
      %add3A_856 = arith.addf %mul3A_854, %mul3A_855 : vector<16xf32>
      %mul3A_857 = arith.mulf %gather3A_845, %convert_element_type3A_820 : vector<16xf32>
      %add3A_858 = arith.addf %add3A_856, %mul3A_857 : vector<16xf32>
      %add3A_859 = arith.addf %get3A_802, %add3A_858 : vector<16xf32>
      %sub3A_860 = arith.subf %add3A_859, %get3A_796 : vector<16xf32>
      %swap3A_861 = arith.index_cast %mul3A_794 : i32 to index
      %swap3A_862 = tpu.vector_load %arg31[%swap3A_861] {strides = array<i32>} : memref<2000xf32, #tpu.memory_space<vmem>>, vector<16xf32>,
      tpu.vector_store %arg31[%swap3A_861], %sub3A_860 {strides = array<i32>} : memref<2000xf32, #tpu.memory_space<vmem>>, vector<16xf32>,
      %mul3A_863 = arith.mulf %gather3A_825, %convert_element_type3A_814 : vector<16xf32>
      %mul3A_864 = arith.mulf %gather3A_837, %convert_element_type3A_817 : vector<16xf32>
      %add3A_865 = arith.addf %mul3A_863, %mul3A_864 : vector<16xf32>
      %mul3A_866 = arith.mulf %gather3A_849, %convert_element_type3A_820 : vector<16xf32>
      %add3A_867 = arith.addf %add3A_865, %mul3A_866 : vector<16xf32>
      %add3A_868 = arith.addf %get3A_804, %add3A_867 : vector<16xf32>
      %sub3A_869 = arith.subf %add3A_868, %get3A_798 : vector<16xf32>
      %swap3A_870 = arith.index_cast %mul3A_794 : i32 to index
      %swap3A_871 = tpu.vector_load %arg32[%swap3A_870] {strides = array<i32>} : memref<2000xf32, #tpu.memory_space<vmem>>, vector<16xf32>,
      tpu.vector_store %arg32[%swap3A_870], %sub3A_869 {strides = array<i32>} : memref<2000xf32, #tpu.memory_space<vmem>>, vector<16xf32>,
      %mul3A_872 = arith.mulf %gather3A_829, %convert_element_type3A_814 : vector<16xf32>
      %mul3A_873 = arith.mulf %gather3A_841, %convert_element_type3A_817 : vector<16xf32>
      %add3A_874 = arith.addf %mul3A_872, %mul3A_873 : vector<16xf32>
      %mul3A_875 = arith.mulf %gather3A_853, %convert_element_type3A_820 : vector<16xf32>
      %add3A_876 = arith.addf %add3A_874, %mul3A_875 : vector<16xf32>
      %add3A_877 = arith.addf %get3A_806, %add3A_876 : vector<16xf32>
      %sub3A_878 = arith.subf %add3A_877, %get3A_800 : vector<16xf32>
      %swap3A_879 = arith.index_cast %mul3A_794 : i32 to index
      %swap3A_880 = tpu.vector_load %arg33[%swap3A_879] {strides = array<i32>} : memref<2000xf32, #tpu.memory_space<vmem>>, vector<16xf32>,
      tpu.vector_store %arg33[%swap3A_879], %sub3A_878 {strides = array<i32>} : memref<2000xf32, #tpu.memory_space<vmem>>, vector<16xf32>,
    }
    %scan3A_483 = arith.constant 24 : i32
    %dma_wait3A_484 = arith.constant 384 : i32
    %dma_wait3A_485 = tpu.memref_slice %arg20[%dma_wait3A_484] : memref<2000xf32, #tpu.memory_space<vmem>> -> memref<128xf32, #tpu.memory_space<vmem>>
    %dma_wait3A_486 = arith.constant 384 : i32
    %dma_wait3A_487 = tpu.memref_slice %arg18[%dma_wait3A_486] : memref<2000xi32, #tpu.memory_space<vmem>> -> memref<128xi32, #tpu.memory_space<vmem>>
    %dma_wait3A_488 = arith.constant 0 : i32
    %dma_wait3A_489 = tpu.memref_slice %arg36[%dma_wait3A_488] : memref<50000xf32, #tpu.memory_space<vmem_shared>> -> memref<50000xf32, #tpu.memory_space<vmem_shared>>
    tpu.wait_indirect_dma semaphore(%arg41 : memref<!tpu.dma_semaphore, #tpu.memory_space<semaphore_mem>>) src(%dma_wait3A_489 : memref<50000xf32, #tpu.memory_space<vmem_shared>>) dst(%dma_wait3A_485 : memref<128xf32, #tpu.memory_space<vmem>>)
    %dma_wait3A_490 = arith.constant 384 : i32
    %dma_wait3A_491 = tpu.memref_slice %arg21[%dma_wait3A_490] : memref<2000xf32, #tpu.memory_space<vmem>> -> memref<128xf32, #tpu.memory_space<vmem>>
    %dma_wait3A_492 = arith.constant 384 : i32
    %dma_wait3A_493 = tpu.memref_slice %arg18[%dma_wait3A_492] : memref<2000xi32, #tpu.memory_space<vmem>> -> memref<128xi32, #tpu.memory_space<vmem>>
    %dma_wait3A_494 = arith.constant 0 : i32
    %dma_wait3A_495 = tpu.memref_slice %arg37[%dma_wait3A_494] : memref<50000xf32, #tpu.memory_space<vmem_shared>> -> memref<50000xf32, #tpu.memory_space<vmem_shared>>
    tpu.wait_indirect_dma semaphore(%arg41 : memref<!tpu.dma_semaphore, #tpu.memory_space<semaphore_mem>>) src(%dma_wait3A_495 : memref<50000xf32, #tpu.memory_space<vmem_shared>>) dst(%dma_wait3A_491 : memref<128xf32, #tpu.memory_space<vmem>>)
    %dma_wait3A_496 = arith.constant 384 : i32
    %dma_wait3A_497 = tpu.memref_slice %arg22[%dma_wait3A_496] : memref<2000xf32, #tpu.memory_space<vmem>> -> memref<128xf32, #tpu.memory_space<vmem>>
    %dma_wait3A_498 = arith.constant 384 : i32
    %dma_wait3A_499 = tpu.memref_slice %arg18[%dma_wait3A_498] : memref<2000xi32, #tpu.memory_space<vmem>> -> memref<128xi32, #tpu.memory_space<vmem>>
    %dma_wait3A_500 = arith.constant 0 : i32
    %dma_wait3A_501 = tpu.memref_slice %arg38[%dma_wait3A_500] : memref<50000xf32, #tpu.memory_space<vmem_shared>> -> memref<50000xf32, #tpu.memory_space<vmem_shared>>
    tpu.wait_indirect_dma semaphore(%arg41 : memref<!tpu.dma_semaphore, #tpu.memory_space<semaphore_mem>>) src(%dma_wait3A_501 : memref<50000xf32, #tpu.memory_space<vmem_shared>>) dst(%dma_wait3A_497 : memref<128xf32, #tpu.memory_space<vmem>>)
    %dma_wait3A_502 = arith.constant 384 : i32
    %dma_wait3A_503 = tpu.memref_slice %arg23[%dma_wait3A_502] : memref<2000xf32, #tpu.memory_space<vmem>> -> memref<128xf32, #tpu.memory_space<vmem>>
    %dma_wait3A_504 = arith.constant 384 : i32
    %dma_wait3A_505 = tpu.memref_slice %arg19[%dma_wait3A_504] : memref<2000xi32, #tpu.memory_space<vmem>> -> memref<128xi32, #tpu.memory_space<vmem>>
    %dma_wait3A_506 = arith.constant 0 : i32
    %dma_wait3A_507 = tpu.memref_slice %arg36[%dma_wait3A_506] : memref<50000xf32, #tpu.memory_space<vmem_shared>> -> memref<50000xf32, #tpu.memory_space<vmem_shared>>
    tpu.wait_indirect_dma semaphore(%arg41 : memref<!tpu.dma_semaphore, #tpu.memory_space<semaphore_mem>>) src(%dma_wait3A_507 : memref<50000xf32, #tpu.memory_space<vmem_shared>>) dst(%dma_wait3A_503 : memref<128xf32, #tpu.memory_space<vmem>>)
    %dma_wait3A_508 = arith.constant 384 : i32
    %dma_wait3A_509 = tpu.memref_slice %arg24[%dma_wait3A_508] : memref<2000xf32, #tpu.memory_space<vmem>> -> memref<128xf32, #tpu.memory_space<vmem>>
    %dma_wait3A_510 = arith.constant 384 : i32
    %dma_wait3A_511 = tpu.memref_slice %arg19[%dma_wait3A_510] : memref<2000xi32, #tpu.memory_space<vmem>> -> memref<128xi32, #tpu.memory_space<vmem>>
    %dma_wait3A_512 = arith.constant 0 : i32
    %dma_wait3A_513 = tpu.memref_slice %arg37[%dma_wait3A_512] : memref<50000xf32, #tpu.memory_space<vmem_shared>> -> memref<50000xf32, #tpu.memory_space<vmem_shared>>
    tpu.wait_indirect_dma semaphore(%arg41 : memref<!tpu.dma_semaphore, #tpu.memory_space<semaphore_mem>>) src(%dma_wait3A_513 : memref<50000xf32, #tpu.memory_space<vmem_shared>>) dst(%dma_wait3A_509 : memref<128xf32, #tpu.memory_space<vmem>>)
    %dma_wait3A_514 = arith.constant 384 : i32
    %dma_wait3A_515 = tpu.memref_slice %arg25[%dma_wait3A_514] : memref<2000xf32, #tpu.memory_space<vmem>> -> memref<128xf32, #tpu.memory_space<vmem>>
    %dma_wait3A_516 = arith.constant 384 : i32
    %dma_wait3A_517 = tpu.memref_slice %arg19[%dma_wait3A_516] : memref<2000xi32, #tpu.memory_space<vmem>> -> memref<128xi32, #tpu.memory_space<vmem>>
    %dma_wait3A_518 = arith.constant 0 : i32
    %dma_wait3A_519 = tpu.memref_slice %arg38[%dma_wait3A_518] : memref<50000xf32, #tpu.memory_space<vmem_shared>> -> memref<50000xf32, #tpu.memory_space<vmem_shared>>
    tpu.wait_indirect_dma semaphore(%arg41 : memref<!tpu.dma_semaphore, #tpu.memory_space<semaphore_mem>>) src(%dma_wait3A_519 : memref<50000xf32, #tpu.memory_space<vmem_shared>>) dst(%dma_wait3A_515 : memref<128xf32, #tpu.memory_space<vmem>>)
    %dma_wait3A_520 = arith.constant 512 : i32
    %dma_wait3A_521 = tpu.memref_slice %arg20[%dma_wait3A_520] : memref<2000xf32, #tpu.memory_space<vmem>> -> memref<128xf32, #tpu.memory_space<vmem>>
    %dma_wait3A_522 = arith.constant 512 : i32
    %dma_wait3A_523 = tpu.memref_slice %arg18[%dma_wait3A_522] : memref<2000xi32, #tpu.memory_space<vmem>> -> memref<128xi32, #tpu.memory_space<vmem>>
    %dma_wait3A_524 = arith.constant 0 : i32
    %dma_wait3A_525 = tpu.memref_slice %arg36[%dma_wait3A_524] : memref<50000xf32, #tpu.memory_space<vmem_shared>> -> memref<50000xf32, #tpu.memory_space<vmem_shared>>
    tpu.wait_indirect_dma semaphore(%arg41 : memref<!tpu.dma_semaphore, #tpu.memory_space<semaphore_mem>>) src(%dma_wait3A_525 : memref<50000xf32, #tpu.memory_space<vmem_shared>>) dst(%dma_wait3A_521 : memref<128xf32, #tpu.memory_space<vmem>>)
    %dma_wait3A_526 = arith.constant 512 : i32
    %dma_wait3A_527 = tpu.memref_slice %arg21[%dma_wait3A_526] : memref<2000xf32, #tpu.memory_space<vmem>> -> memref<128xf32, #tpu.memory_space<vmem>>
    %dma_wait3A_528 = arith.constant 512 : i32
    %dma_wait3A_529 = tpu.memref_slice %arg18[%dma_wait3A_528] : memref<2000xi32, #tpu.memory_space<vmem>> -> memref<128xi32, #tpu.memory_space<vmem>>
    %dma_wait3A_530 = arith.constant 0 : i32
    %dma_wait3A_531 = tpu.memref_slice %arg37[%dma_wait3A_530] : memref<50000xf32, #tpu.memory_space<vmem_shared>> -> memref<50000xf32, #tpu.memory_space<vmem_shared>>
    tpu.wait_indirect_dma semaphore(%arg41 : memref<!tpu.dma_semaphore, #tpu.memory_space<semaphore_mem>>) src(%dma_wait3A_531 : memref<50000xf32, #tpu.memory_space<vmem_shared>>) dst(%dma_wait3A_527 : memref<128xf32, #tpu.memory_space<vmem>>)
    %dma_wait3A_532 = arith.constant 512 : i32
    %dma_wait3A_533 = tpu.memref_slice %arg22[%dma_wait3A_532] : memref<2000xf32, #tpu.memory_space<vmem>> -> memref<128xf32, #tpu.memory_space<vmem>>
    %dma_wait3A_534 = arith.constant 512 : i32
    %dma_wait3A_535 = tpu.memref_slice %arg18[%dma_wait3A_534] : memref<2000xi32, #tpu.memory_space<vmem>> -> memref<128xi32, #tpu.memory_space<vmem>>
    %dma_wait3A_536 = arith.constant 0 : i32
    %dma_wait3A_537 = tpu.memref_slice %arg38[%dma_wait3A_536] : memref<50000xf32, #tpu.memory_space<vmem_shared>> -> memref<50000xf32, #tpu.memory_space<vmem_shared>>
    tpu.wait_indirect_dma semaphore(%arg41 : memref<!tpu.dma_semaphore, #tpu.memory_space<semaphore_mem>>) src(%dma_wait3A_537 : memref<50000xf32, #tpu.memory_space<vmem_shared>>) dst(%dma_wait3A_533 : memref<128xf32, #tpu.memory_space<vmem>>)
    %dma_wait3A_538 = arith.constant 512 : i32
    %dma_wait3A_539 = tpu.memref_slice %arg23[%dma_wait3A_538] : memref<2000xf32, #tpu.memory_space<vmem>> -> memref<128xf32, #tpu.memory_space<vmem>>
    %dma_wait3A_540 = arith.constant 512 : i32
    %dma_wait3A_541 = tpu.memref_slice %arg19[%dma_wait3A_540] : memref<2000xi32, #tpu.memory_space<vmem>> -> memref<128xi32, #tpu.memory_space<vmem>>
    %dma_wait3A_542 = arith.constant 0 : i32
    %dma_wait3A_543 = tpu.memref_slice %arg36[%dma_wait3A_542] : memref<50000xf32, #tpu.memory_space<vmem_shared>> -> memref<50000xf32, #tpu.memory_space<vmem_shared>>
    tpu.wait_indirect_dma semaphore(%arg41 : memref<!tpu.dma_semaphore, #tpu.memory_space<semaphore_mem>>) src(%dma_wait3A_543 : memref<50000xf32, #tpu.memory_space<vmem_shared>>) dst(%dma_wait3A_539 : memref<128xf32, #tpu.memory_space<vmem>>)
    %dma_wait3A_544 = arith.constant 512 : i32
    %dma_wait3A_545 = tpu.memref_slice %arg24[%dma_wait3A_544] : memref<2000xf32, #tpu.memory_space<vmem>> -> memref<128xf32, #tpu.memory_space<vmem>>
    %dma_wait3A_546 = arith.constant 512 : i32
    %dma_wait3A_547 = tpu.memref_slice %arg19[%dma_wait3A_546] : memref<2000xi32, #tpu.memory_space<vmem>> -> memref<128xi32, #tpu.memory_space<vmem>>
    %dma_wait3A_548 = arith.constant 0 : i32
    %dma_wait3A_549 = tpu.memref_slice %arg37[%dma_wait3A_548] : memref<50000xf32, #tpu.memory_space<vmem_shared>> -> memref<50000xf32, #tpu.memory_space<vmem_shared>>
    tpu.wait_indirect_dma semaphore(%arg41 : memref<!tpu.dma_semaphore, #tpu.memory_space<semaphore_mem>>) src(%dma_wait3A_549 : memref<50000xf32, #tpu.memory_space<vmem_shared>>) dst(%dma_wait3A_545 : memref<128xf32, #tpu.memory_space<vmem>>)
    %dma_wait3A_550 = arith.constant 512 : i32
    %dma_wait3A_551 = tpu.memref_slice %arg25[%dma_wait3A_550] : memref<2000xf32, #tpu.memory_space<vmem>> -> memref<128xf32, #tpu.memory_space<vmem>>
    %dma_wait3A_552 = arith.constant 512 : i32
    %dma_wait3A_553 = tpu.memref_slice %arg19[%dma_wait3A_552] : memref<2000xi32, #tpu.memory_space<vmem>> -> memref<128xi32, #tpu.memory_space<vmem>>
    %dma_wait3A_554 = arith.constant 0 : i32
    %dma_wait3A_555 = tpu.memref_slice %arg38[%dma_wait3A_554] : memref<50000xf32, #tpu.memory_space<vmem_shared>> -> memref<50000xf32, #tpu.memory_space<vmem_shared>>
    tpu.wait_indirect_dma semaphore(%arg41 : memref<!tpu.dma_semaphore, #tpu.memory_space<semaphore_mem>>) src(%dma_wait3A_555 : memref<50000xf32, #tpu.memory_space<vmem_shared>>) dst(%dma_wait3A_551 : memref<128xf32, #tpu.memory_space<vmem>>)
    %dma_wait3A_556 = arith.constant 640 : i32
    %dma_wait3A_557 = tpu.memref_slice %arg20[%dma_wait3A_556] : memref<2000xf32, #tpu.memory_space<vmem>> -> memref<128xf32, #tpu.memory_space<vmem>>
    %dma_wait3A_558 = arith.constant 640 : i32
    %dma_wait3A_559 = tpu.memref_slice %arg18[%dma_wait3A_558] : memref<2000xi32, #tpu.memory_space<vmem>> -> memref<128xi32, #tpu.memory_space<vmem>>
    %dma_wait3A_560 = arith.constant 0 : i32
    %dma_wait3A_561 = tpu.memref_slice %arg36[%dma_wait3A_560] : memref<50000xf32, #tpu.memory_space<vmem_shared>> -> memref<50000xf32, #tpu.memory_space<vmem_shared>>
    tpu.wait_indirect_dma semaphore(%arg41 : memref<!tpu.dma_semaphore, #tpu.memory_space<semaphore_mem>>) src(%dma_wait3A_561 : memref<50000xf32, #tpu.memory_space<vmem_shared>>) dst(%dma_wait3A_557 : memref<128xf32, #tpu.memory_space<vmem>>)
    %dma_wait3A_562 = arith.constant 640 : i32
    %dma_wait3A_563 = tpu.memref_slice %arg21[%dma_wait3A_562] : memref<2000xf32, #tpu.memory_space<vmem>> -> memref<128xf32, #tpu.memory_space<vmem>>
    %dma_wait3A_564 = arith.constant 640 : i32
    %dma_wait3A_565 = tpu.memref_slice %arg18[%dma_wait3A_564] : memref<2000xi32, #tpu.memory_space<vmem>> -> memref<128xi32, #tpu.memory_space<vmem>>
    %dma_wait3A_566 = arith.constant 0 : i32
    %dma_wait3A_567 = tpu.memref_slice %arg37[%dma_wait3A_566] : memref<50000xf32, #tpu.memory_space<vmem_shared>> -> memref<50000xf32, #tpu.memory_space<vmem_shared>>
    tpu.wait_indirect_dma semaphore(%arg41 : memref<!tpu.dma_semaphore, #tpu.memory_space<semaphore_mem>>) src(%dma_wait3A_567 : memref<50000xf32, #tpu.memory_space<vmem_shared>>) dst(%dma_wait3A_563 : memref<128xf32, #tpu.memory_space<vmem>>)
    %dma_wait3A_568 = arith.constant 640 : i32
    %dma_wait3A_569 = tpu.memref_slice %arg22[%dma_wait3A_568] : memref<2000xf32, #tpu.memory_space<vmem>> -> memref<128xf32, #tpu.memory_space<vmem>>
    %dma_wait3A_570 = arith.constant 640 : i32
    %dma_wait3A_571 = tpu.memref_slice %arg18[%dma_wait3A_570] : memref<2000xi32, #tpu.memory_space<vmem>> -> memref<128xi32, #tpu.memory_space<vmem>>
    %dma_wait3A_572 = arith.constant 0 : i32
    %dma_wait3A_573 = tpu.memref_slice %arg38[%dma_wait3A_572] : memref<50000xf32, #tpu.memory_space<vmem_shared>> -> memref<50000xf32, #tpu.memory_space<vmem_shared>>
    tpu.wait_indirect_dma semaphore(%arg41 : memref<!tpu.dma_semaphore, #tpu.memory_space<semaphore_mem>>) src(%dma_wait3A_573 : memref<50000xf32, #tpu.memory_space<vmem_shared>>) dst(%dma_wait3A_569 : memref<128xf32, #tpu.memory_space<vmem>>)
    %dma_wait3A_574 = arith.constant 640 : i32
    %dma_wait3A_575 = tpu.memref_slice %arg23[%dma_wait3A_574] : memref<2000xf32, #tpu.memory_space<vmem>> -> memref<128xf32, #tpu.memory_space<vmem>>
    %dma_wait3A_576 = arith.constant 640 : i32
    %dma_wait3A_577 = tpu.memref_slice %arg19[%dma_wait3A_576] : memref<2000xi32, #tpu.memory_space<vmem>> -> memref<128xi32, #tpu.memory_space<vmem>>
    %dma_wait3A_578 = arith.constant 0 : i32
    %dma_wait3A_579 = tpu.memref_slice %arg36[%dma_wait3A_578] : memref<50000xf32, #tpu.memory_space<vmem_shared>> -> memref<50000xf32, #tpu.memory_space<vmem_shared>>
    tpu.wait_indirect_dma semaphore(%arg41 : memref<!tpu.dma_semaphore, #tpu.memory_space<semaphore_mem>>) src(%dma_wait3A_579 : memref<50000xf32, #tpu.memory_space<vmem_shared>>) dst(%dma_wait3A_575 : memref<128xf32, #tpu.memory_space<vmem>>)
    %dma_wait3A_580 = arith.constant 640 : i32
    %dma_wait3A_581 = tpu.memref_slice %arg24[%dma_wait3A_580] : memref<2000xf32, #tpu.memory_space<vmem>> -> memref<128xf32, #tpu.memory_space<vmem>>
    %dma_wait3A_582 = arith.constant 640 : i32
    %dma_wait3A_583 = tpu.memref_slice %arg19[%dma_wait3A_582] : memref<2000xi32, #tpu.memory_space<vmem>> -> memref<128xi32, #tpu.memory_space<vmem>>
    %dma_wait3A_584 = arith.constant 0 : i32
    %dma_wait3A_585 = tpu.memref_slice %arg37[%dma_wait3A_584] : memref<50000xf32, #tpu.memory_space<vmem_shared>> -> memref<50000xf32, #tpu.memory_space<vmem_shared>>
    tpu.wait_indirect_dma semaphore(%arg41 : memref<!tpu.dma_semaphore, #tpu.memory_space<semaphore_mem>>) src(%dma_wait3A_585 : memref<50000xf32, #tpu.memory_space<vmem_shared>>) dst(%dma_wait3A_581 : memref<128xf32, #tpu.memory_space<vmem>>)
    %dma_wait3A_586 = arith.constant 640 : i32
    %dma_wait3A_587 = tpu.memref_slice %arg25[%dma_wait3A_586] : memref<2000xf32, #tpu.memory_space<vmem>> -> memref<128xf32, #tpu.memory_space<vmem>>
    %dma_wait3A_588 = arith.constant 640 : i32
    %dma_wait3A_589 = tpu.memref_slice %arg19[%dma_wait3A_588] : memref<2000xi32, #tpu.memory_space<vmem>> -> memref<128xi32, #tpu.memory_space<vmem>>
    %dma_wait3A_590 = arith.constant 0 : i32
    %dma_wait3A_591 = tpu.memref_slice %arg38[%dma_wait3A_590] : memref<50000xf32, #tpu.memory_space<vmem_shared>> -> memref<50000xf32, #tpu.memory_space<vmem_shared>>
    tpu.wait_indirect_dma semaphore(%arg41 : memref<!tpu.dma_semaphore, #tpu.memory_space<semaphore_mem>>) src(%dma_wait3A_591 : memref<50000xf32, #tpu.memory_space<vmem_shared>>) dst(%dma_wait3A_587 : memref<128xf32, #tpu.memory_space<vmem>>)
    %dma_wait3A_592 = arith.constant 768 : i32
    %dma_wait3A_593 = tpu.memref_slice %arg20[%dma_wait3A_592] : memref<2000xf32, #tpu.memory_space<vmem>> -> memref<128xf32, #tpu.memory_space<vmem>>
    %dma_wait3A_594 = arith.constant 768 : i32
    %dma_wait3A_595 = tpu.memref_slice %arg18[%dma_wait3A_594] : memref<2000xi32, #tpu.memory_space<vmem>> -> memref<128xi32, #tpu.memory_space<vmem>>
    %dma_wait3A_596 = arith.constant 0 : i32
    %dma_wait3A_597 = tpu.memref_slice %arg36[%dma_wait3A_596] : memref<50000xf32, #tpu.memory_space<vmem_shared>> -> memref<50000xf32, #tpu.memory_space<vmem_shared>>
    tpu.wait_indirect_dma semaphore(%arg41 : memref<!tpu.dma_semaphore, #tpu.memory_space<semaphore_mem>>) src(%dma_wait3A_597 : memref<50000xf32, #tpu.memory_space<vmem_shared>>) dst(%dma_wait3A_593 : memref<128xf32, #tpu.memory_space<vmem>>)
    %dma_wait3A_598 = arith.constant 768 : i32
    %dma_wait3A_599 = tpu.memref_slice %arg21[%dma_wait3A_598] : memref<2000xf32, #tpu.memory_space<vmem>> -> memref<128xf32, #tpu.memory_space<vmem>>
    %dma_wait3A_600 = arith.constant 768 : i32
    %dma_wait3A_601 = tpu.memref_slice %arg18[%dma_wait3A_600] : memref<2000xi32, #tpu.memory_space<vmem>> -> memref<128xi32, #tpu.memory_space<vmem>>
    %dma_wait3A_602 = arith.constant 0 : i32
    %dma_wait3A_603 = tpu.memref_slice %arg37[%dma_wait3A_602] : memref<50000xf32, #tpu.memory_space<vmem_shared>> -> memref<50000xf32, #tpu.memory_space<vmem_shared>>
    tpu.wait_indirect_dma semaphore(%arg41 : memref<!tpu.dma_semaphore, #tpu.memory_space<semaphore_mem>>) src(%dma_wait3A_603 : memref<50000xf32, #tpu.memory_space<vmem_shared>>) dst(%dma_wait3A_599 : memref<128xf32, #tpu.memory_space<vmem>>)
    %dma_wait3A_604 = arith.constant 768 : i32
    %dma_wait3A_605 = tpu.memref_slice %arg22[%dma_wait3A_604] : memref<2000xf32, #tpu.memory_space<vmem>> -> memref<128xf32, #tpu.memory_space<vmem>>
    %dma_wait3A_606 = arith.constant 768 : i32
    %dma_wait3A_607 = tpu.memref_slice %arg18[%dma_wait3A_606] : memref<2000xi32, #tpu.memory_space<vmem>> -> memref<128xi32, #tpu.memory_space<vmem>>
    %dma_wait3A_608 = arith.constant 0 : i32
    %dma_wait3A_609 = tpu.memref_slice %arg38[%dma_wait3A_608] : memref<50000xf32, #tpu.memory_space<vmem_shared>> -> memref<50000xf32, #tpu.memory_space<vmem_shared>>
    tpu.wait_indirect_dma semaphore(%arg41 : memref<!tpu.dma_semaphore, #tpu.memory_space<semaphore_mem>>) src(%dma_wait3A_609 : memref<50000xf32, #tpu.memory_space<vmem_shared>>) dst(%dma_wait3A_605 : memref<128xf32, #tpu.memory_space<vmem>>)
    %dma_wait3A_610 = arith.constant 768 : i32
    %dma_wait3A_611 = tpu.memref_slice %arg23[%dma_wait3A_610] : memref<2000xf32, #tpu.memory_space<vmem>> -> memref<128xf32, #tpu.memory_space<vmem>>
    %dma_wait3A_612 = arith.constant 768 : i32
    %dma_wait3A_613 = tpu.memref_slice %arg19[%dma_wait3A_612] : memref<2000xi32, #tpu.memory_space<vmem>> -> memref<128xi32, #tpu.memory_space<vmem>>
    %dma_wait3A_614 = arith.constant 0 : i32
    %dma_wait3A_615 = tpu.memref_slice %arg36[%dma_wait3A_614] : memref<50000xf32, #tpu.memory_space<vmem_shared>> -> memref<50000xf32, #tpu.memory_space<vmem_shared>>
    tpu.wait_indirect_dma semaphore(%arg41 : memref<!tpu.dma_semaphore, #tpu.memory_space<semaphore_mem>>) src(%dma_wait3A_615 : memref<50000xf32, #tpu.memory_space<vmem_shared>>) dst(%dma_wait3A_611 : memref<128xf32, #tpu.memory_space<vmem>>)
    %dma_wait3A_616 = arith.constant 768 : i32
    %dma_wait3A_617 = tpu.memref_slice %arg24[%dma_wait3A_616] : memref<2000xf32, #tpu.memory_space<vmem>> -> memref<128xf32, #tpu.memory_space<vmem>>
    %dma_wait3A_618 = arith.constant 768 : i32
    %dma_wait3A_619 = tpu.memref_slice %arg19[%dma_wait3A_618] : memref<2000xi32, #tpu.memory_space<vmem>> -> memref<128xi32, #tpu.memory_space<vmem>>
    %dma_wait3A_620 = arith.constant 0 : i32
    %dma_wait3A_621 = tpu.memref_slice %arg37[%dma_wait3A_620] : memref<50000xf32, #tpu.memory_space<vmem_shared>> -> memref<50000xf32, #tpu.memory_space<vmem_shared>>
    tpu.wait_indirect_dma semaphore(%arg41 : memref<!tpu.dma_semaphore, #tpu.memory_space<semaphore_mem>>) src(%dma_wait3A_621 : memref<50000xf32, #tpu.memory_space<vmem_shared>>) dst(%dma_wait3A_617 : memref<128xf32, #tpu.memory_space<vmem>>)
    %dma_wait3A_622 = arith.constant 768 : i32
    %dma_wait3A_623 = tpu.memref_slice %arg25[%dma_wait3A_622] : memref<2000xf32, #tpu.memory_space<vmem>> -> memref<128xf32, #tpu.memory_space<vmem>>
    %dma_wait3A_624 = arith.constant 768 : i32
    %dma_wait3A_625 = tpu.memref_slice %arg19[%dma_wait3A_624] : memref<2000xi32, #tpu.memory_space<vmem>> -> memref<128xi32, #tpu.memory_space<vmem>>
    %dma_wait3A_626 = arith.constant 0 : i32
    %dma_wait3A_627 = tpu.memref_slice %arg38[%dma_wait3A_626] : memref<50000xf32, #tpu.memory_space<vmem_shared>> -> memref<50000xf32, #tpu.memory_space<vmem_shared>>
    tpu.wait_indirect_dma semaphore(%arg41 : memref<!tpu.dma_semaphore, #tpu.memory_space<semaphore_mem>>) src(%dma_wait3A_627 : memref<50000xf32, #tpu.memory_space<vmem_shared>>) dst(%dma_wait3A_623 : memref<128xf32, #tpu.memory_space<vmem>>)
    %dma_wait3A_628 = arith.constant 896 : i32
    %dma_wait3A_629 = tpu.memref_slice %arg20[%dma_wait3A_628] : memref<2000xf32, #tpu.memory_space<vmem>> -> memref<104xf32, #tpu.memory_space<vmem>>
    %dma_wait3A_630 = arith.constant 896 : i32
    %dma_wait3A_631 = tpu.memref_slice %arg18[%dma_wait3A_630] : memref<2000xi32, #tpu.memory_space<vmem>> -> memref<104xi32, #tpu.memory_space<vmem>>
    %dma_wait3A_632 = arith.constant 0 : i32
    %dma_wait3A_633 = tpu.memref_slice %arg36[%dma_wait3A_632] : memref<50000xf32, #tpu.memory_space<vmem_shared>> -> memref<50000xf32, #tpu.memory_space<vmem_shared>>
    tpu.wait_indirect_dma semaphore(%arg41 : memref<!tpu.dma_semaphore, #tpu.memory_space<semaphore_mem>>) src(%dma_wait3A_633 : memref<50000xf32, #tpu.memory_space<vmem_shared>>) dst(%dma_wait3A_629 : memref<104xf32, #tpu.memory_space<vmem>>)
    %dma_wait3A_634 = arith.constant 896 : i32
    %dma_wait3A_635 = tpu.memref_slice %arg21[%dma_wait3A_634] : memref<2000xf32, #tpu.memory_space<vmem>> -> memref<104xf32, #tpu.memory_space<vmem>>
    %dma_wait3A_636 = arith.constant 896 : i32
    %dma_wait3A_637 = tpu.memref_slice %arg18[%dma_wait3A_636] : memref<2000xi32, #tpu.memory_space<vmem>> -> memref<104xi32, #tpu.memory_space<vmem>>
    %dma_wait3A_638 = arith.constant 0 : i32
    %dma_wait3A_639 = tpu.memref_slice %arg37[%dma_wait3A_638] : memref<50000xf32, #tpu.memory_space<vmem_shared>> -> memref<50000xf32, #tpu.memory_space<vmem_shared>>
    tpu.wait_indirect_dma semaphore(%arg41 : memref<!tpu.dma_semaphore, #tpu.memory_space<semaphore_mem>>) src(%dma_wait3A_639 : memref<50000xf32, #tpu.memory_space<vmem_shared>>) dst(%dma_wait3A_635 : memref<104xf32, #tpu.memory_space<vmem>>)
    %dma_wait3A_640 = arith.constant 896 : i32
    %dma_wait3A_641 = tpu.memref_slice %arg22[%dma_wait3A_640] : memref<2000xf32, #tpu.memory_space<vmem>> -> memref<104xf32, #tpu.memory_space<vmem>>
    %dma_wait3A_642 = arith.constant 896 : i32
    %dma_wait3A_643 = tpu.memref_slice %arg18[%dma_wait3A_642] : memref<2000xi32, #tpu.memory_space<vmem>> -> memref<104xi32, #tpu.memory_space<vmem>>
    %dma_wait3A_644 = arith.constant 0 : i32
    %dma_wait3A_645 = tpu.memref_slice %arg38[%dma_wait3A_644] : memref<50000xf32, #tpu.memory_space<vmem_shared>> -> memref<50000xf32, #tpu.memory_space<vmem_shared>>
    tpu.wait_indirect_dma semaphore(%arg41 : memref<!tpu.dma_semaphore, #tpu.memory_space<semaphore_mem>>) src(%dma_wait3A_645 : memref<50000xf32, #tpu.memory_space<vmem_shared>>) dst(%dma_wait3A_641 : memref<104xf32, #tpu.memory_space<vmem>>)
    %dma_wait3A_646 = arith.constant 896 : i32
    %dma_wait3A_647 = tpu.memref_slice %arg23[%dma_wait3A_646] : memref<2000xf32, #tpu.memory_space<vmem>> -> memref<104xf32, #tpu.memory_space<vmem>>
    %dma_wait3A_648 = arith.constant 896 : i32
    %dma_wait3A_649 = tpu.memref_slice %arg19[%dma_wait3A_648] : memref<2000xi32, #tpu.memory_space<vmem>> -> memref<104xi32, #tpu.memory_space<vmem>>
    %dma_wait3A_650 = arith.constant 0 : i32
    %dma_wait3A_651 = tpu.memref_slice %arg36[%dma_wait3A_650] : memref<50000xf32, #tpu.memory_space<vmem_shared>> -> memref<50000xf32, #tpu.memory_space<vmem_shared>>
    tpu.wait_indirect_dma semaphore(%arg41 : memref<!tpu.dma_semaphore, #tpu.memory_space<semaphore_mem>>) src(%dma_wait3A_651 : memref<50000xf32, #tpu.memory_space<vmem_shared>>) dst(%dma_wait3A_647 : memref<104xf32, #tpu.memory_space<vmem>>)
    %dma_wait3A_652 = arith.constant 896 : i32
    %dma_wait3A_653 = tpu.memref_slice %arg24[%dma_wait3A_652] : memref<2000xf32, #tpu.memory_space<vmem>> -> memref<104xf32, #tpu.memory_space<vmem>>
    %dma_wait3A_654 = arith.constant 896 : i32
    %dma_wait3A_655 = tpu.memref_slice %arg19[%dma_wait3A_654] : memref<2000xi32, #tpu.memory_space<vmem>> -> memref<104xi32, #tpu.memory_space<vmem>>
    %dma_wait3A_656 = arith.constant 0 : i32
    %dma_wait3A_657 = tpu.memref_slice %arg37[%dma_wait3A_656] : memref<50000xf32, #tpu.memory_space<vmem_shared>> -> memref<50000xf32, #tpu.memory_space<vmem_shared>>
    tpu.wait_indirect_dma semaphore(%arg41 : memref<!tpu.dma_semaphore, #tpu.memory_space<semaphore_mem>>) src(%dma_wait3A_657 : memref<50000xf32, #tpu.memory_space<vmem_shared>>) dst(%dma_wait3A_653 : memref<104xf32, #tpu.memory_space<vmem>>)
    %dma_wait3A_658 = arith.constant 896 : i32
    %dma_wait3A_659 = tpu.memref_slice %arg25[%dma_wait3A_658] : memref<2000xf32, #tpu.memory_space<vmem>> -> memref<104xf32, #tpu.memory_space<vmem>>
    %dma_wait3A_660 = arith.constant 896 : i32
    %dma_wait3A_661 = tpu.memref_slice %arg19[%dma_wait3A_660] : memref<2000xi32, #tpu.memory_space<vmem>> -> memref<104xi32, #tpu.memory_space<vmem>>
    %dma_wait3A_662 = arith.constant 0 : i32
    %dma_wait3A_663 = tpu.memref_slice %arg38[%dma_wait3A_662] : memref<50000xf32, #tpu.memory_space<vmem_shared>> -> memref<50000xf32, #tpu.memory_space<vmem_shared>>
    tpu.wait_indirect_dma semaphore(%arg41 : memref<!tpu.dma_semaphore, #tpu.memory_space<semaphore_mem>>) src(%dma_wait3A_663 : memref<50000xf32, #tpu.memory_space<vmem_shared>>) dst(%dma_wait3A_659 : memref<104xf32, #tpu.memory_space<vmem>>)
    %scan3A_664 = arith.constant 0 : i32
    %scan3A_665 = arith.constant 24 : i32
    %scan3A_666 = arith.constant 38 : i32
    %scan3A_667 = arith.addi %scan3A_665, %scan3A_666 : i32
    %scan3A_668 = arith.constant 1 : i32
    scf.for %scan3A_792 = %scan3A_665 to %scan3A_667 step %scan3A_668  : i32 {
      %mul3A_793 = arith.constant 16 : i32
      %mul3A_794 = arith.muli %scan3A_792, %mul3A_793 : i32
      %get3A_795 = arith.index_cast %mul3A_794 : i32 to index
      %get3A_796 = tpu.vector_load %arg20[%get3A_795] {strides = array<i32>} : memref<2000xf32, #tpu.memory_space<vmem>>, vector<16xf32>,
      %get3A_797 = arith.index_cast %mul3A_794 : i32 to index
      %get3A_798 = tpu.vector_load %arg21[%get3A_797] {strides = array<i32>} : memref<2000xf32, #tpu.memory_space<vmem>>, vector<16xf32>,
      %get3A_799 = arith.index_cast %mul3A_794 : i32 to index
      %get3A_800 = tpu.vector_load %arg22[%get3A_799] {strides = array<i32>} : memref<2000xf32, #tpu.memory_space<vmem>>, vector<16xf32>,
      %get3A_801 = arith.index_cast %mul3A_794 : i32 to index
      %get3A_802 = tpu.vector_load %arg23[%get3A_801] {strides = array<i32>} : memref<2000xf32, #tpu.memory_space<vmem>>, vector<16xf32>,
      %get3A_803 = arith.index_cast %mul3A_794 : i32 to index
      %get3A_804 = tpu.vector_load %arg24[%get3A_803] {strides = array<i32>} : memref<2000xf32, #tpu.memory_space<vmem>>, vector<16xf32>,
      %get3A_805 = arith.index_cast %mul3A_794 : i32 to index
      %get3A_806 = tpu.vector_load %arg25[%get3A_805] {strides = array<i32>} : memref<2000xf32, #tpu.memory_space<vmem>>, vector<16xf32>,
      %get3A_807 = arith.index_cast %mul3A_794 : i32 to index
      %get3A_808 = tpu.vector_load %arg29[%get3A_807] {strides = array<i32>} : memref<2000xi32, #tpu.memory_space<vmem>>, vector<16xi32>,
      %mul3A_809 = arith.constant 9 : i32
      %mul3A_810 = vector.broadcast %mul3A_809 : i32 to vector<16xi32>
      %mul3A_811 = arith.muli %get3A_808, %mul3A_810 : vector<16xi32>
      %get3A_812 = arith.index_cast %mul3A_794 : i32 to index
      %get3A_813 = tpu.vector_load %arg26[%get3A_812] {strides = array<i32>} : memref<2000xi32, #tpu.memory_space<vmem>>, vector<16xi32>,
      %convert_element_type3A_814 = arith.sitofp %get3A_813 : vector<16xi32> to vector<16xf32>
      %get3A_815 = arith.index_cast %mul3A_794 : i32 to index
      %get3A_816 = tpu.vector_load %arg27[%get3A_815] {strides = array<i32>} : memref<2000xi32, #tpu.memory_space<vmem>>, vector<16xi32>,
      %convert_element_type3A_817 = arith.sitofp %get3A_816 : vector<16xi32> to vector<16xf32>
      %get3A_818 = arith.index_cast %mul3A_794 : i32 to index
      %get3A_819 = tpu.vector_load %arg28[%get3A_818] {strides = array<i32>} : memref<2000xi32, #tpu.memory_space<vmem>>, vector<16xi32>,
      %convert_element_type3A_820 = arith.sitofp %get3A_819 : vector<16xi32> to vector<16xf32>
      %gather3A_821 = tpu.vector_load_idx %arg30[%mul3A_811] : memref<1152xf32, #tpu.memory_space<vmem>>[vector<16xi32>], vector<16xf32>,
      %add3A_822 = arith.constant 1 : i32
      %add3A_823 = vector.broadcast %add3A_822 : i32 to vector<16xi32>
      %add3A_824 = arith.addi %mul3A_811, %add3A_823 : vector<16xi32>
      %gather3A_825 = tpu.vector_load_idx %arg30[%add3A_824] : memref<1152xf32, #tpu.memory_space<vmem>>[vector<16xi32>], vector<16xf32>,
      %add3A_826 = arith.constant 2 : i32
      %add3A_827 = vector.broadcast %add3A_826 : i32 to vector<16xi32>
      %add3A_828 = arith.addi %mul3A_811, %add3A_827 : vector<16xi32>
      %gather3A_829 = tpu.vector_load_idx %arg30[%add3A_828] : memref<1152xf32, #tpu.memory_space<vmem>>[vector<16xi32>], vector<16xf32>,
      %add3A_830 = arith.constant 3 : i32
      %add3A_831 = vector.broadcast %add3A_830 : i32 to vector<16xi32>
      %add3A_832 = arith.addi %mul3A_811, %add3A_831 : vector<16xi32>
      %gather3A_833 = tpu.vector_load_idx %arg30[%add3A_832] : memref<1152xf32, #tpu.memory_space<vmem>>[vector<16xi32>], vector<16xf32>,
      %add3A_834 = arith.constant 4 : i32
      %add3A_835 = vector.broadcast %add3A_834 : i32 to vector<16xi32>
      %add3A_836 = arith.addi %mul3A_811, %add3A_835 : vector<16xi32>
      %gather3A_837 = tpu.vector_load_idx %arg30[%add3A_836] : memref<1152xf32, #tpu.memory_space<vmem>>[vector<16xi32>], vector<16xf32>,
      %add3A_838 = arith.constant 5 : i32
      %add3A_839 = vector.broadcast %add3A_838 : i32 to vector<16xi32>
      %add3A_840 = arith.addi %mul3A_811, %add3A_839 : vector<16xi32>
      %gather3A_841 = tpu.vector_load_idx %arg30[%add3A_840] : memref<1152xf32, #tpu.memory_space<vmem>>[vector<16xi32>], vector<16xf32>,
      %add3A_842 = arith.constant 6 : i32
      %add3A_843 = vector.broadcast %add3A_842 : i32 to vector<16xi32>
      %add3A_844 = arith.addi %mul3A_811, %add3A_843 : vector<16xi32>
      %gather3A_845 = tpu.vector_load_idx %arg30[%add3A_844] : memref<1152xf32, #tpu.memory_space<vmem>>[vector<16xi32>], vector<16xf32>,
      %add3A_846 = arith.constant 7 : i32
      %add3A_847 = vector.broadcast %add3A_846 : i32 to vector<16xi32>
      %add3A_848 = arith.addi %mul3A_811, %add3A_847 : vector<16xi32>
      %gather3A_849 = tpu.vector_load_idx %arg30[%add3A_848] : memref<1152xf32, #tpu.memory_space<vmem>>[vector<16xi32>], vector<16xf32>,
      %add3A_850 = arith.constant 8 : i32
      %add3A_851 = vector.broadcast %add3A_850 : i32 to vector<16xi32>
      %add3A_852 = arith.addi %mul3A_811, %add3A_851 : vector<16xi32>
      %gather3A_853 = tpu.vector_load_idx %arg30[%add3A_852] : memref<1152xf32, #tpu.memory_space<vmem>>[vector<16xi32>], vector<16xf32>,
      %mul3A_854 = arith.mulf %gather3A_821, %convert_element_type3A_814 : vector<16xf32>
      %mul3A_855 = arith.mulf %gather3A_833, %convert_element_type3A_817 : vector<16xf32>
      %add3A_856 = arith.addf %mul3A_854, %mul3A_855 : vector<16xf32>
      %mul3A_857 = arith.mulf %gather3A_845, %convert_element_type3A_820 : vector<16xf32>
      %add3A_858 = arith.addf %add3A_856, %mul3A_857 : vector<16xf32>
      %add3A_859 = arith.addf %get3A_802, %add3A_858 : vector<16xf32>
      %sub3A_860 = arith.subf %add3A_859, %get3A_796 : vector<16xf32>
      %swap3A_861 = arith.index_cast %mul3A_794 : i32 to index
      %swap3A_862 = tpu.vector_load %arg31[%swap3A_861] {strides = array<i32>} : memref<2000xf32, #tpu.memory_space<vmem>>, vector<16xf32>,
      tpu.vector_store %arg31[%swap3A_861], %sub3A_860 {strides = array<i32>} : memref<2000xf32, #tpu.memory_space<vmem>>, vector<16xf32>,
      %mul3A_863 = arith.mulf %gather3A_825, %convert_element_type3A_814 : vector<16xf32>
      %mul3A_864 = arith.mulf %gather3A_837, %convert_element_type3A_817 : vector<16xf32>
      %add3A_865 = arith.addf %mul3A_863, %mul3A_864 : vector<16xf32>
      %mul3A_866 = arith.mulf %gather3A_849, %convert_element_type3A_820 : vector<16xf32>
      %add3A_867 = arith.addf %add3A_865, %mul3A_866 : vector<16xf32>
      %add3A_868 = arith.addf %get3A_804, %add3A_867 : vector<16xf32>
      %sub3A_869 = arith.subf %add3A_868, %get3A_798 : vector<16xf32>
      %swap3A_870 = arith.index_cast %mul3A_794 : i32 to index
      %swap3A_871 = tpu.vector_load %arg32[%swap3A_870] {strides = array<i32>} : memref<2000xf32, #tpu.memory_space<vmem>>, vector<16xf32>,
      tpu.vector_store %arg32[%swap3A_870], %sub3A_869 {strides = array<i32>} : memref<2000xf32, #tpu.memory_space<vmem>>, vector<16xf32>,
      %mul3A_872 = arith.mulf %gather3A_829, %convert_element_type3A_814 : vector<16xf32>
      %mul3A_873 = arith.mulf %gather3A_841, %convert_element_type3A_817 : vector<16xf32>
      %add3A_874 = arith.addf %mul3A_872, %mul3A_873 : vector<16xf32>
      %mul3A_875 = arith.mulf %gather3A_853, %convert_element_type3A_820 : vector<16xf32>
      %add3A_876 = arith.addf %add3A_874, %mul3A_875 : vector<16xf32>
      %add3A_877 = arith.addf %get3A_806, %add3A_876 : vector<16xf32>
      %sub3A_878 = arith.subf %add3A_877, %get3A_800 : vector<16xf32>
      %swap3A_879 = arith.index_cast %mul3A_794 : i32 to index
      %swap3A_880 = tpu.vector_load %arg33[%swap3A_879] {strides = array<i32>} : memref<2000xf32, #tpu.memory_space<vmem>>, vector<16xf32>,
      tpu.vector_store %arg33[%swap3A_879], %sub3A_878 {strides = array<i32>} : memref<2000xf32, #tpu.memory_space<vmem>>, vector<16xf32>,
    }
    %scan3A_669 = arith.constant 38 : i32
    %get3A = arith.constant 984 : index
    %get3A_670 = tpu.vector_load %arg20[%get3A] {strides = array<i32>} : memref<2000xf32, #tpu.memory_space<vmem>>, vector<16xf32>,
    %get3A_671 = arith.constant 984 : index
    %get3A_672 = tpu.vector_load %arg21[%get3A_671] {strides = array<i32>} : memref<2000xf32, #tpu.memory_space<vmem>>, vector<16xf32>,
    %get3A_673 = arith.constant 984 : index
    %get3A_674 = tpu.vector_load %arg22[%get3A_673] {strides = array<i32>} : memref<2000xf32, #tpu.memory_space<vmem>>, vector<16xf32>,
    %get3A_675 = arith.constant 984 : index
    %get3A_676 = tpu.vector_load %arg23[%get3A_675] {strides = array<i32>} : memref<2000xf32, #tpu.memory_space<vmem>>, vector<16xf32>,
    %get3A_677 = arith.constant 984 : index
    %get3A_678 = tpu.vector_load %arg24[%get3A_677] {strides = array<i32>} : memref<2000xf32, #tpu.memory_space<vmem>>, vector<16xf32>,
    %get3A_679 = arith.constant 984 : index
    %get3A_680 = tpu.vector_load %arg25[%get3A_679] {strides = array<i32>} : memref<2000xf32, #tpu.memory_space<vmem>>, vector<16xf32>,
    %get3A_681 = arith.constant 984 : index
    %get3A_682 = tpu.vector_load %arg29[%get3A_681] {strides = array<i32>} : memref<2000xi32, #tpu.memory_space<vmem>>, vector<16xi32>,
    %mul3A_683 = arith.constant 9 : i32
    %mul3A_684 = vector.broadcast %mul3A_683 : i32 to vector<16xi32>
    %mul3A_685 = arith.muli %get3A_682, %mul3A_684 : vector<16xi32>
    %get3A_686 = arith.constant 984 : index
    %get3A_687 = tpu.vector_load %arg26[%get3A_686] {strides = array<i32>} : memref<2000xi32, #tpu.memory_space<vmem>>, vector<16xi32>,
    %convert_element_type3A_688 = arith.sitofp %get3A_687 : vector<16xi32> to vector<16xf32>
    %get3A_689 = arith.constant 984 : index
    %get3A_690 = tpu.vector_load %arg27[%get3A_689] {strides = array<i32>} : memref<2000xi32, #tpu.memory_space<vmem>>, vector<16xi32>,
    %convert_element_type3A_691 = arith.sitofp %get3A_690 : vector<16xi32> to vector<16xf32>
    %get3A_692 = arith.constant 984 : index
    %get3A_693 = tpu.vector_load %arg28[%get3A_692] {strides = array<i32>} : memref<2000xi32, #tpu.memory_space<vmem>>, vector<16xi32>,
    %convert_element_type3A_694 = arith.sitofp %get3A_693 : vector<16xi32> to vector<16xf32>
    %gather3A = tpu.vector_load_idx %arg30[%mul3A_685] : memref<1152xf32, #tpu.memory_space<vmem>>[vector<16xi32>], vector<16xf32>,
    %add3A_695 = arith.constant 1 : i32
    %add3A_696 = vector.broadcast %add3A_695 : i32 to vector<16xi32>
    %add3A_697 = arith.addi %mul3A_685, %add3A_696 : vector<16xi32>
    %gather3A_698 = tpu.vector_load_idx %arg30[%add3A_697] : memref<1152xf32, #tpu.memory_space<vmem>>[vector<16xi32>], vector<16xf32>,
    %add3A_699 = arith.constant 2 : i32
    %add3A_700 = vector.broadcast %add3A_699 : i32 to vector<16xi32>
    %add3A_701 = arith.addi %mul3A_685, %add3A_700 : vector<16xi32>
    %gather3A_702 = tpu.vector_load_idx %arg30[%add3A_701] : memref<1152xf32, #tpu.memory_space<vmem>>[vector<16xi32>], vector<16xf32>,
    %add3A_703 = arith.constant 3 : i32
    %add3A_704 = vector.broadcast %add3A_703 : i32 to vector<16xi32>
    %add3A_705 = arith.addi %mul3A_685, %add3A_704 : vector<16xi32>
    %gather3A_706 = tpu.vector_load_idx %arg30[%add3A_705] : memref<1152xf32, #tpu.memory_space<vmem>>[vector<16xi32>], vector<16xf32>,
    %add3A_707 = arith.constant 4 : i32
    %add3A_708 = vector.broadcast %add3A_707 : i32 to vector<16xi32>
    %add3A_709 = arith.addi %mul3A_685, %add3A_708 : vector<16xi32>
    %gather3A_710 = tpu.vector_load_idx %arg30[%add3A_709] : memref<1152xf32, #tpu.memory_space<vmem>>[vector<16xi32>], vector<16xf32>,
    %add3A_711 = arith.constant 5 : i32
    %add3A_712 = vector.broadcast %add3A_711 : i32 to vector<16xi32>
    %add3A_713 = arith.addi %mul3A_685, %add3A_712 : vector<16xi32>
    %gather3A_714 = tpu.vector_load_idx %arg30[%add3A_713] : memref<1152xf32, #tpu.memory_space<vmem>>[vector<16xi32>], vector<16xf32>,
    %add3A_715 = arith.constant 6 : i32
    %add3A_716 = vector.broadcast %add3A_715 : i32 to vector<16xi32>
    %add3A_717 = arith.addi %mul3A_685, %add3A_716 : vector<16xi32>
    %gather3A_718 = tpu.vector_load_idx %arg30[%add3A_717] : memref<1152xf32, #tpu.memory_space<vmem>>[vector<16xi32>], vector<16xf32>,
    %add3A_719 = arith.constant 7 : i32
    %add3A_720 = vector.broadcast %add3A_719 : i32 to vector<16xi32>
    %add3A_721 = arith.addi %mul3A_685, %add3A_720 : vector<16xi32>
    %gather3A_722 = tpu.vector_load_idx %arg30[%add3A_721] : memref<1152xf32, #tpu.memory_space<vmem>>[vector<16xi32>], vector<16xf32>,
    %add3A_723 = arith.constant 8 : i32
    %add3A_724 = vector.broadcast %add3A_723 : i32 to vector<16xi32>
    %add3A_725 = arith.addi %mul3A_685, %add3A_724 : vector<16xi32>
    %gather3A_726 = tpu.vector_load_idx %arg30[%add3A_725] : memref<1152xf32, #tpu.memory_space<vmem>>[vector<16xi32>], vector<16xf32>,
    %mul3A_727 = arith.mulf %gather3A, %convert_element_type3A_688 : vector<16xf32>
    %mul3A_728 = arith.mulf %gather3A_706, %convert_element_type3A_691 : vector<16xf32>
    %add3A_729 = arith.addf %mul3A_727, %mul3A_728 : vector<16xf32>
    %mul3A_730 = arith.mulf %gather3A_718, %convert_element_type3A_694 : vector<16xf32>
    %add3A_731 = arith.addf %add3A_729, %mul3A_730 : vector<16xf32>
    %add3A_732 = arith.addf %get3A_676, %add3A_731 : vector<16xf32>
    %sub3A = arith.subf %add3A_732, %get3A_670 : vector<16xf32>
    %swap3A = arith.constant 984 : index
    %swap3A_733 = tpu.vector_load %arg31[%swap3A] {strides = array<i32>} : memref<2000xf32, #tpu.memory_space<vmem>>, vector<16xf32>,
    tpu.vector_store %arg31[%swap3A], %sub3A {strides = array<i32>} : memref<2000xf32, #tpu.memory_space<vmem>>, vector<16xf32>,
    %mul3A_734 = arith.mulf %gather3A_698, %convert_element_type3A_688 : vector<16xf32>
    %mul3A_735 = arith.mulf %gather3A_710, %convert_element_type3A_691 : vector<16xf32>
    %add3A_736 = arith.addf %mul3A_734, %mul3A_735 : vector<16xf32>
    %mul3A_737 = arith.mulf %gather3A_722, %convert_element_type3A_694 : vector<16xf32>
    %add3A_738 = arith.addf %add3A_736, %mul3A_737 : vector<16xf32>
    %add3A_739 = arith.addf %get3A_678, %add3A_738 : vector<16xf32>
    %sub3A_740 = arith.subf %add3A_739, %get3A_672 : vector<16xf32>
    %swap3A_741 = arith.constant 984 : index
    %swap3A_742 = tpu.vector_load %arg32[%swap3A_741] {strides = array<i32>} : memref<2000xf32, #tpu.memory_space<vmem>>, vector<16xf32>,
    tpu.vector_store %arg32[%swap3A_741], %sub3A_740 {strides = array<i32>} : memref<2000xf32, #tpu.memory_space<vmem>>, vector<16xf32>,
    %mul3A_743 = arith.mulf %gather3A_702, %convert_element_type3A_688 : vector<16xf32>
    %mul3A_744 = arith.mulf %gather3A_714, %convert_element_type3A_691 : vector<16xf32>
    %add3A_745 = arith.addf %mul3A_743, %mul3A_744 : vector<16xf32>
    %mul3A_746 = arith.mulf %gather3A_726, %convert_element_type3A_694 : vector<16xf32>
    %add3A_747 = arith.addf %add3A_745, %mul3A_746 : vector<16xf32>
    %add3A_748 = arith.addf %get3A_680, %add3A_747 : vector<16xf32>
    %sub3A_749 = arith.subf %add3A_748, %get3A_674 : vector<16xf32>
    %swap3A_750 = arith.constant 984 : index
    %swap3A_751 = tpu.vector_load %arg33[%swap3A_750] {strides = array<i32>} : memref<2000xf32, #tpu.memory_space<vmem>>, vector<16xf32>,
    tpu.vector_store %arg33[%swap3A_750], %sub3A_749 {strides = array<i32>} : memref<2000xf32, #tpu.memory_space<vmem>>, vector<16xf32>,
    %dma_start3A_752 = arith.constant 0 : i32
    %dma_start3A_753 = tpu.memref_slice %arg31[%dma_start3A_752] : memref<2000xf32, #tpu.memory_space<vmem>> -> memref<1000xf32, #tpu.memory_space<vmem>>
    %dma_start3A_754 = tpu.memref_slice %arg14[%add3A_11] : memref<800000xf32, #tpu.memory_space<hbm>> -> memref<1000xf32, #tpu.memory_space<hbm>>
    %dma_start3A_755 = tpu.memref_slice %arg14[%add3A_11] : memref<800000xf32, #tpu.memory_space<hbm>> -> memref<1000xf32, #tpu.memory_space<hbm>>
    %dma_start3A_756 = arith.constant 0 : i32
    %dma_start3A_757 = tpu.memref_slice %arg31[%dma_start3A_756] : memref<2000xf32, #tpu.memory_space<vmem>> -> memref<1000xf32, #tpu.memory_space<vmem>>
    tpu.enqueue_dma source(%dma_start3A_757 : memref<1000xf32, #tpu.memory_space<vmem>>) target(%dma_start3A_755 : memref<1000xf32, #tpu.memory_space<hbm>>) target_semaphore(%arg39 : memref<!tpu.dma_semaphore, #tpu.memory_space<semaphore_mem>>)
    %dma_start3A_758 = arith.constant 0 : i32
    %dma_start3A_759 = tpu.memref_slice %arg32[%dma_start3A_758] : memref<2000xf32, #tpu.memory_space<vmem>> -> memref<1000xf32, #tpu.memory_space<vmem>>
    %dma_start3A_760 = tpu.memref_slice %arg15[%add3A_11] : memref<800000xf32, #tpu.memory_space<hbm>> -> memref<1000xf32, #tpu.memory_space<hbm>>
    %dma_start3A_761 = tpu.memref_slice %arg15[%add3A_11] : memref<800000xf32, #tpu.memory_space<hbm>> -> memref<1000xf32, #tpu.memory_space<hbm>>
    %dma_start3A_762 = arith.constant 0 : i32
    %dma_start3A_763 = tpu.memref_slice %arg32[%dma_start3A_762] : memref<2000xf32, #tpu.memory_space<vmem>> -> memref<1000xf32, #tpu.memory_space<vmem>>
    tpu.enqueue_dma source(%dma_start3A_763 : memref<1000xf32, #tpu.memory_space<vmem>>) target(%dma_start3A_761 : memref<1000xf32, #tpu.memory_space<hbm>>) target_semaphore(%arg39 : memref<!tpu.dma_semaphore, #tpu.memory_space<semaphore_mem>>)
    %dma_start3A_764 = arith.constant 0 : i32
    %dma_start3A_765 = tpu.memref_slice %arg33[%dma_start3A_764] : memref<2000xf32, #tpu.memory_space<vmem>> -> memref<1000xf32, #tpu.memory_space<vmem>>
    %dma_start3A_766 = tpu.memref_slice %arg16[%add3A_11] : memref<800000xf32, #tpu.memory_space<hbm>> -> memref<1000xf32, #tpu.memory_space<hbm>>
    %dma_start3A_767 = tpu.memref_slice %arg16[%add3A_11] : memref<800000xf32, #tpu.memory_space<hbm>> -> memref<1000xf32, #tpu.memory_space<hbm>>
    %dma_start3A_768 = arith.constant 0 : i32
    %dma_start3A_769 = tpu.memref_slice %arg33[%dma_start3A_768] : memref<2000xf32, #tpu.memory_space<vmem>> -> memref<1000xf32, #tpu.memory_space<vmem>>
    tpu.enqueue_dma source(%dma_start3A_769 : memref<1000xf32, #tpu.memory_space<vmem>>) target(%dma_start3A_767 : memref<1000xf32, #tpu.memory_space<hbm>>) target_semaphore(%arg39 : memref<!tpu.dma_semaphore, #tpu.memory_space<semaphore_mem>>)
    %dma_wait3A_770 = arith.constant 0 : i32
    %dma_wait3A_771 = tpu.memref_slice %arg31[%dma_wait3A_770] : memref<2000xf32, #tpu.memory_space<vmem>> -> memref<1000xf32, #tpu.memory_space<vmem>>
    %dma_wait3A_772 = tpu.memref_slice %arg14[%add3A_11] : memref<800000xf32, #tpu.memory_space<hbm>> -> memref<1000xf32, #tpu.memory_space<hbm>>
    %dma_wait3A_773 = tpu.memref_slice %arg14[%add3A_11] : memref<800000xf32, #tpu.memory_space<hbm>> -> memref<1000xf32, #tpu.memory_space<hbm>>
    %dma_wait3A_774 = arith.constant 0 : i32
    %dma_wait3A_775 = tpu.memref_slice %arg31[%dma_wait3A_774] : memref<2000xf32, #tpu.memory_space<vmem>> -> memref<1000xf32, #tpu.memory_space<vmem>>
    tpu.wait_dma2 semaphore(%arg39 : memref<!tpu.dma_semaphore, #tpu.memory_space<semaphore_mem>>) src(%dma_wait3A_775 : memref<1000xf32, #tpu.memory_space<vmem>>) dst(%dma_wait3A_773 : memref<1000xf32, #tpu.memory_space<hbm>>)
    %dma_wait3A_776 = arith.constant 0 : i32
    %dma_wait3A_777 = tpu.memref_slice %arg32[%dma_wait3A_776] : memref<2000xf32, #tpu.memory_space<vmem>> -> memref<1000xf32, #tpu.memory_space<vmem>>
    %dma_wait3A_778 = tpu.memref_slice %arg15[%add3A_11] : memref<800000xf32, #tpu.memory_space<hbm>> -> memref<1000xf32, #tpu.memory_space<hbm>>
    %dma_wait3A_779 = tpu.memref_slice %arg15[%add3A_11] : memref<800000xf32, #tpu.memory_space<hbm>> -> memref<1000xf32, #tpu.memory_space<hbm>>
    %dma_wait3A_780 = arith.constant 0 : i32
    %dma_wait3A_781 = tpu.memref_slice %arg32[%dma_wait3A_780] : memref<2000xf32, #tpu.memory_space<vmem>> -> memref<1000xf32, #tpu.memory_space<vmem>>
    tpu.wait_dma2 semaphore(%arg39 : memref<!tpu.dma_semaphore, #tpu.memory_space<semaphore_mem>>) src(%dma_wait3A_781 : memref<1000xf32, #tpu.memory_space<vmem>>) dst(%dma_wait3A_779 : memref<1000xf32, #tpu.memory_space<hbm>>)
    %dma_wait3A_782 = arith.constant 0 : i32
    %dma_wait3A_783 = tpu.memref_slice %arg33[%dma_wait3A_782] : memref<2000xf32, #tpu.memory_space<vmem>> -> memref<1000xf32, #tpu.memory_space<vmem>>
    %dma_wait3A_784 = tpu.memref_slice %arg16[%add3A_11] : memref<800000xf32, #tpu.memory_space<hbm>> -> memref<1000xf32, #tpu.memory_space<hbm>>
    %dma_wait3A_785 = tpu.memref_slice %arg16[%add3A_11] : memref<800000xf32, #tpu.memory_space<hbm>> -> memref<1000xf32, #tpu.memory_space<hbm>>
    %dma_wait3A_786 = arith.constant 0 : i32
    %dma_wait3A_787 = tpu.memref_slice %arg33[%dma_wait3A_786] : memref<2000xf32, #tpu.memory_space<vmem>> -> memref<1000xf32, #tpu.memory_space<vmem>>
    tpu.wait_dma2 semaphore(%arg39 : memref<!tpu.dma_semaphore, #tpu.memory_space<semaphore_mem>>) src(%dma_wait3A_787 : memref<1000xf32, #tpu.memory_space<vmem>>) dst(%dma_wait3A_785 : memref<1000xf32, #tpu.memory_space<hbm>>)
    %lt3A = arith.constant 25 : i32
    %lt3A_788 = arith.cmpi slt, %add3A, %lt3A : i32
    %convert_element_type3A_789 = arith.extui %lt3A_788 : i1 to i32
    %cond3A_790 = arith.constant 0 : i32
    %cond3A_791 = arith.cmpi ne, %convert_element_type3A_789, %cond3A_790 : i32
    scf.if %cond3A_791 {
      %mul3A_792 = arith.constant 2000 : i32
      %mul3A_793 = arith.muli %add3A, %mul3A_792 : i32
      "tpu.region"() ({
        %run_scoped3A = tpu.sem_alloc : memref<!tpu.dma_semaphore, #tpu.memory_space<semaphore_mem>>
        %dma_start3A_1058 = tpu.memref_slice %arg12[%mul3A_793] : memref<50000xi32, #tpu.memory_space<hbm>> -> memref<2000xi32, #tpu.memory_space<hbm>>
        %dma_start3A_1059 = tpu.memref_slice %arg12[%mul3A_793] : memref<50000xi32, #tpu.memory_space<hbm>> -> memref<2000xi32, #tpu.memory_space<hbm>>
        tpu.enqueue_dma source(%dma_start3A_1059 : memref<2000xi32, #tpu.memory_space<hbm>>) target(%arg34 : memref<2000xi32, #tpu.memory_space<vmem>>) target_semaphore(%run_scoped3A : memref<!tpu.dma_semaphore, #tpu.memory_space<semaphore_mem>>)
        %dma_wait3A_1060 = tpu.memref_slice %arg12[%mul3A_793] : memref<50000xi32, #tpu.memory_space<hbm>> -> memref<2000xi32, #tpu.memory_space<hbm>>
        %dma_wait3A_1061 = tpu.memref_slice %arg12[%mul3A_793] : memref<50000xi32, #tpu.memory_space<hbm>> -> memref<2000xi32, #tpu.memory_space<hbm>>
        tpu.wait_dma2 semaphore(%run_scoped3A : memref<!tpu.dma_semaphore, #tpu.memory_space<semaphore_mem>>) src(%dma_wait3A_1061 : memref<2000xi32, #tpu.memory_space<hbm>>) dst(%arg34 : memref<2000xi32, #tpu.memory_space<vmem>>)
        tpu.yield
      }) : () -> ()
      %dma_start3A_794 = arith.constant 0 : i32
      %dma_start3A_795 = arith.constant 0 : i32
      %dma_start3A_796 = tpu.memref_slice %arg35[%dma_start3A_794, %dma_start3A_795] : memref<512x128xf32, #tpu.memory_space<vmem>> -> memref<128x128xf32, #tpu.memory_space<vmem>>
      %dma_start3A_797 = arith.constant 0 : i32
      %dma_start3A_798 = tpu.memref_slice %arg34[%dma_start3A_797] : memref<2000xi32, #tpu.memory_space<vmem>> -> memref<128xi32, #tpu.memory_space<vmem>>
      %dma_start3A_799 = arith.constant 0 : i32
      %dma_start3A_800 = arith.constant 0 : i32
      %dma_start3A_801 = tpu.memref_slice %arg13[%dma_start3A_799, %dma_start3A_800] : memref<100x128xf32, #tpu.memory_space<hbm>> -> memref<100x128xf32, #tpu.memory_space<hbm>>
      tpu.enqueue_indirect_dma source(%dma_start3A_801 : memref<100x128xf32, #tpu.memory_space<hbm>>) target(%dma_start3A_796 : memref<128x128xf32, #tpu.memory_space<vmem>>) offsets(%dma_start3A_798 : memref<128xi32, #tpu.memory_space<vmem>>) semaphore(%arg42 : memref<!tpu.dma_semaphore, #tpu.memory_space<semaphore_mem>>)
      %dma_start3A_802 = arith.constant 128 : i32
      %dma_start3A_803 = arith.constant 0 : i32
      %dma_start3A_804 = tpu.memref_slice %arg35[%dma_start3A_802, %dma_start3A_803] : memref<512x128xf32, #tpu.memory_space<vmem>> -> memref<128x128xf32, #tpu.memory_space<vmem>>
      %dma_start3A_805 = arith.constant 128 : i32
      %dma_start3A_806 = tpu.memref_slice %arg34[%dma_start3A_805] : memref<2000xi32, #tpu.memory_space<vmem>> -> memref<128xi32, #tpu.memory_space<vmem>>
      %dma_start3A_807 = arith.constant 0 : i32
      %dma_start3A_808 = arith.constant 0 : i32
      %dma_start3A_809 = tpu.memref_slice %arg13[%dma_start3A_807, %dma_start3A_808] : memref<100x128xf32, #tpu.memory_space<hbm>> -> memref<100x128xf32, #tpu.memory_space<hbm>>
      tpu.enqueue_indirect_dma source(%dma_start3A_809 : memref<100x128xf32, #tpu.memory_space<hbm>>) target(%dma_start3A_804 : memref<128x128xf32, #tpu.memory_space<vmem>>) offsets(%dma_start3A_806 : memref<128xi32, #tpu.memory_space<vmem>>) semaphore(%arg42 : memref<!tpu.dma_semaphore, #tpu.memory_space<semaphore_mem>>)
      %dma_start3A_810 = arith.constant 256 : i32
      %dma_start3A_811 = arith.constant 0 : i32
      %dma_start3A_812 = tpu.memref_slice %arg35[%dma_start3A_810, %dma_start3A_811] : memref<512x128xf32, #tpu.memory_space<vmem>> -> memref<128x128xf32, #tpu.memory_space<vmem>>
      %dma_start3A_813 = arith.constant 256 : i32
      %dma_start3A_814 = tpu.memref_slice %arg34[%dma_start3A_813] : memref<2000xi32, #tpu.memory_space<vmem>> -> memref<128xi32, #tpu.memory_space<vmem>>
      %dma_start3A_815 = arith.constant 0 : i32
      %dma_start3A_816 = arith.constant 0 : i32
      %dma_start3A_817 = tpu.memref_slice %arg13[%dma_start3A_815, %dma_start3A_816] : memref<100x128xf32, #tpu.memory_space<hbm>> -> memref<100x128xf32, #tpu.memory_space<hbm>>
      tpu.enqueue_indirect_dma source(%dma_start3A_817 : memref<100x128xf32, #tpu.memory_space<hbm>>) target(%dma_start3A_812 : memref<128x128xf32, #tpu.memory_space<vmem>>) offsets(%dma_start3A_814 : memref<128xi32, #tpu.memory_space<vmem>>) semaphore(%arg42 : memref<!tpu.dma_semaphore, #tpu.memory_space<semaphore_mem>>)
      %dma_start3A_818 = arith.constant 384 : i32
      %dma_start3A_819 = arith.constant 0 : i32
      %dma_start3A_820 = tpu.memref_slice %arg35[%dma_start3A_818, %dma_start3A_819] : memref<512x128xf32, #tpu.memory_space<vmem>> -> memref<128x128xf32, #tpu.memory_space<vmem>>
      %dma_start3A_821 = arith.constant 384 : i32
      %dma_start3A_822 = tpu.memref_slice %arg34[%dma_start3A_821] : memref<2000xi32, #tpu.memory_space<vmem>> -> memref<128xi32, #tpu.memory_space<vmem>>
      %dma_start3A_823 = arith.constant 0 : i32
      %dma_start3A_824 = arith.constant 0 : i32
      %dma_start3A_825 = tpu.memref_slice %arg13[%dma_start3A_823, %dma_start3A_824] : memref<100x128xf32, #tpu.memory_space<hbm>> -> memref<100x128xf32, #tpu.memory_space<hbm>>
      tpu.enqueue_indirect_dma source(%dma_start3A_825 : memref<100x128xf32, #tpu.memory_space<hbm>>) target(%dma_start3A_820 : memref<128x128xf32, #tpu.memory_space<vmem>>) offsets(%dma_start3A_822 : memref<128xi32, #tpu.memory_space<vmem>>) semaphore(%arg42 : memref<!tpu.dma_semaphore, #tpu.memory_space<semaphore_mem>>)
      %dma_wait3A_826 = arith.constant 0 : i32
      %dma_wait3A_827 = arith.constant 0 : i32
      %dma_wait3A_828 = tpu.memref_slice %arg35[%dma_wait3A_826, %dma_wait3A_827] : memref<512x128xf32, #tpu.memory_space<vmem>> -> memref<128x128xf32, #tpu.memory_space<vmem>>
      %dma_wait3A_829 = arith.constant 0 : i32
      %dma_wait3A_830 = tpu.memref_slice %arg34[%dma_wait3A_829] : memref<2000xi32, #tpu.memory_space<vmem>> -> memref<128xi32, #tpu.memory_space<vmem>>
      %dma_wait3A_831 = arith.constant 0 : i32
      %dma_wait3A_832 = arith.constant 0 : i32
      %dma_wait3A_833 = tpu.memref_slice %arg13[%dma_wait3A_831, %dma_wait3A_832] : memref<100x128xf32, #tpu.memory_space<hbm>> -> memref<100x128xf32, #tpu.memory_space<hbm>>
      tpu.wait_indirect_dma semaphore(%arg42 : memref<!tpu.dma_semaphore, #tpu.memory_space<semaphore_mem>>) src(%dma_wait3A_833 : memref<100x128xf32, #tpu.memory_space<hbm>>) dst(%dma_wait3A_828 : memref<128x128xf32, #tpu.memory_space<vmem>>)
      %dma_wait3A_834 = arith.constant 128 : i32
      %dma_wait3A_835 = arith.constant 0 : i32
      %dma_wait3A_836 = tpu.memref_slice %arg35[%dma_wait3A_834, %dma_wait3A_835] : memref<512x128xf32, #tpu.memory_space<vmem>> -> memref<128x128xf32, #tpu.memory_space<vmem>>
      %dma_wait3A_837 = arith.constant 128 : i32
      %dma_wait3A_838 = tpu.memref_slice %arg34[%dma_wait3A_837] : memref<2000xi32, #tpu.memory_space<vmem>> -> memref<128xi32, #tpu.memory_space<vmem>>
      %dma_wait3A_839 = arith.constant 0 : i32
      %dma_wait3A_840 = arith.constant 0 : i32
      %dma_wait3A_841 = tpu.memref_slice %arg13[%dma_wait3A_839, %dma_wait3A_840] : memref<100x128xf32, #tpu.memory_space<hbm>> -> memref<100x128xf32, #tpu.memory_space<hbm>>
      tpu.wait_indirect_dma semaphore(%arg42 : memref<!tpu.dma_semaphore, #tpu.memory_space<semaphore_mem>>) src(%dma_wait3A_841 : memref<100x128xf32, #tpu.memory_space<hbm>>) dst(%dma_wait3A_836 : memref<128x128xf32, #tpu.memory_space<vmem>>)
      %dma_wait3A_842 = arith.constant 256 : i32
      %dma_wait3A_843 = arith.constant 0 : i32
      %dma_wait3A_844 = tpu.memref_slice %arg35[%dma_wait3A_842, %dma_wait3A_843] : memref<512x128xf32, #tpu.memory_space<vmem>> -> memref<128x128xf32, #tpu.memory_space<vmem>>
      %dma_wait3A_845 = arith.constant 256 : i32
      %dma_wait3A_846 = tpu.memref_slice %arg34[%dma_wait3A_845] : memref<2000xi32, #tpu.memory_space<vmem>> -> memref<128xi32, #tpu.memory_space<vmem>>
      %dma_wait3A_847 = arith.constant 0 : i32
      %dma_wait3A_848 = arith.constant 0 : i32
      %dma_wait3A_849 = tpu.memref_slice %arg13[%dma_wait3A_847, %dma_wait3A_848] : memref<100x128xf32, #tpu.memory_space<hbm>> -> memref<100x128xf32, #tpu.memory_space<hbm>>
      tpu.wait_indirect_dma semaphore(%arg42 : memref<!tpu.dma_semaphore, #tpu.memory_space<semaphore_mem>>) src(%dma_wait3A_849 : memref<100x128xf32, #tpu.memory_space<hbm>>) dst(%dma_wait3A_844 : memref<128x128xf32, #tpu.memory_space<vmem>>)
      %dma_wait3A_850 = arith.constant 384 : i32
      %dma_wait3A_851 = arith.constant 0 : i32
      %dma_wait3A_852 = tpu.memref_slice %arg35[%dma_wait3A_850, %dma_wait3A_851] : memref<512x128xf32, #tpu.memory_space<vmem>> -> memref<128x128xf32, #tpu.memory_space<vmem>>
      %dma_wait3A_853 = arith.constant 384 : i32
      %dma_wait3A_854 = tpu.memref_slice %arg34[%dma_wait3A_853] : memref<2000xi32, #tpu.memory_space<vmem>> -> memref<128xi32, #tpu.memory_space<vmem>>
      %dma_wait3A_855 = arith.constant 0 : i32
      %dma_wait3A_856 = arith.constant 0 : i32
      %dma_wait3A_857 = tpu.memref_slice %arg13[%dma_wait3A_855, %dma_wait3A_856] : memref<100x128xf32, #tpu.memory_space<hbm>> -> memref<100x128xf32, #tpu.memory_space<hbm>>
      tpu.wait_indirect_dma semaphore(%arg42 : memref<!tpu.dma_semaphore, #tpu.memory_space<semaphore_mem>>) src(%dma_wait3A_857 : memref<100x128xf32, #tpu.memory_space<hbm>>) dst(%dma_wait3A_852 : memref<128x128xf32, #tpu.memory_space<vmem>>)
      %add3A_858 = arith.constant 0 : i32
      %add3A_859 = arith.addi %mul3A_793, %add3A_858 : i32
      "tpu.region"() ({
        %run_scoped3A = tpu.sem_alloc : memref<!tpu.dma_semaphore, #tpu.memory_space<semaphore_mem>>
        %dma_start3A_1058 = arith.constant 0 : i32
        %dma_start3A_1059 = arith.constant 0 : i32
        %dma_start3A_1060 = tpu.memref_slice %arg35[%dma_start3A_1058, %dma_start3A_1059] : memref<512x128xf32, #tpu.memory_space<vmem>> -> memref<512x128xf32, #tpu.memory_space<vmem>>
        %dma_start3A_1061 = arith.constant 0 : i32
        %dma_start3A_1062 = tpu.memref_slice %arg17[%add3A_859, %dma_start3A_1061] : memref<50000x128xf32, #tpu.memory_space<hbm>> -> memref<512x128xf32, #tpu.memory_space<hbm>>
        %dma_start3A_1063 = arith.constant 0 : i32
        %dma_start3A_1064 = tpu.memref_slice %arg17[%add3A_859, %dma_start3A_1063] : memref<50000x128xf32, #tpu.memory_space<hbm>> -> memref<512x128xf32, #tpu.memory_space<hbm>>
        %dma_start3A_1065 = arith.constant 0 : i32
        %dma_start3A_1066 = arith.constant 0 : i32
        %dma_start3A_1067 = tpu.memref_slice %arg35[%dma_start3A_1065, %dma_start3A_1066] : memref<512x128xf32, #tpu.memory_space<vmem>> -> memref<512x128xf32, #tpu.memory_space<vmem>>
        tpu.enqueue_dma source(%dma_start3A_1067 : memref<512x128xf32, #tpu.memory_space<vmem>>) target(%dma_start3A_1064 : memref<512x128xf32, #tpu.memory_space<hbm>>) target_semaphore(%run_scoped3A : memref<!tpu.dma_semaphore, #tpu.memory_space<semaphore_mem>>)
        %dma_wait3A_1068 = arith.constant 0 : i32
        %dma_wait3A_1069 = arith.constant 0 : i32
        %dma_wait3A_1070 = tpu.memref_slice %arg35[%dma_wait3A_1068, %dma_wait3A_1069] : memref<512x128xf32, #tpu.memory_space<vmem>> -> memref<512x128xf32, #tpu.memory_space<vmem>>
        %dma_wait3A_1071 = arith.constant 0 : i32
        %dma_wait3A_1072 = tpu.memref_slice %arg17[%add3A_859, %dma_wait3A_1071] : memref<50000x128xf32, #tpu.memory_space<hbm>> -> memref<512x128xf32, #tpu.memory_space<hbm>>
        %dma_wait3A_1073 = arith.constant 0 : i32
        %dma_wait3A_1074 = tpu.memref_slice %arg17[%add3A_859, %dma_wait3A_1073] : memref<50000x128xf32, #tpu.memory_space<hbm>> -> memref<512x128xf32, #tpu.memory_space<hbm>>
        %dma_wait3A_1075 = arith.constant 0 : i32
        %dma_wait3A_1076 = arith.constant 0 : i32
        %dma_wait3A_1077 = tpu.memref_slice %arg35[%dma_wait3A_1075, %dma_wait3A_1076] : memref<512x128xf32, #tpu.memory_space<vmem>> -> memref<512x128xf32, #tpu.memory_space<vmem>>
        tpu.wait_dma2 semaphore(%run_scoped3A : memref<!tpu.dma_semaphore, #tpu.memory_space<semaphore_mem>>) src(%dma_wait3A_1077 : memref<512x128xf32, #tpu.memory_space<vmem>>) dst(%dma_wait3A_1074 : memref<512x128xf32, #tpu.memory_space<hbm>>)
        tpu.yield
      }) : () -> ()
      %dma_start3A_860 = arith.constant 0 : i32
      %dma_start3A_861 = arith.constant 0 : i32
      %dma_start3A_862 = tpu.memref_slice %arg35[%dma_start3A_860, %dma_start3A_861] : memref<512x128xf32, #tpu.memory_space<vmem>> -> memref<128x128xf32, #tpu.memory_space<vmem>>
      %dma_start3A_863 = arith.constant 512 : i32
      %dma_start3A_864 = tpu.memref_slice %arg34[%dma_start3A_863] : memref<2000xi32, #tpu.memory_space<vmem>> -> memref<128xi32, #tpu.memory_space<vmem>>
      %dma_start3A_865 = arith.constant 0 : i32
      %dma_start3A_866 = arith.constant 0 : i32
      %dma_start3A_867 = tpu.memref_slice %arg13[%dma_start3A_865, %dma_start3A_866] : memref<100x128xf32, #tpu.memory_space<hbm>> -> memref<100x128xf32, #tpu.memory_space<hbm>>
      tpu.enqueue_indirect_dma source(%dma_start3A_867 : memref<100x128xf32, #tpu.memory_space<hbm>>) target(%dma_start3A_862 : memref<128x128xf32, #tpu.memory_space<vmem>>) offsets(%dma_start3A_864 : memref<128xi32, #tpu.memory_space<vmem>>) semaphore(%arg42 : memref<!tpu.dma_semaphore, #tpu.memory_space<semaphore_mem>>)
      %dma_start3A_868 = arith.constant 128 : i32
      %dma_start3A_869 = arith.constant 0 : i32
      %dma_start3A_870 = tpu.memref_slice %arg35[%dma_start3A_868, %dma_start3A_869] : memref<512x128xf32, #tpu.memory_space<vmem>> -> memref<128x128xf32, #tpu.memory_space<vmem>>
      %dma_start3A_871 = arith.constant 640 : i32
      %dma_start3A_872 = tpu.memref_slice %arg34[%dma_start3A_871] : memref<2000xi32, #tpu.memory_space<vmem>> -> memref<128xi32, #tpu.memory_space<vmem>>
      %dma_start3A_873 = arith.constant 0 : i32
      %dma_start3A_874 = arith.constant 0 : i32
      %dma_start3A_875 = tpu.memref_slice %arg13[%dma_start3A_873, %dma_start3A_874] : memref<100x128xf32, #tpu.memory_space<hbm>> -> memref<100x128xf32, #tpu.memory_space<hbm>>
      tpu.enqueue_indirect_dma source(%dma_start3A_875 : memref<100x128xf32, #tpu.memory_space<hbm>>) target(%dma_start3A_870 : memref<128x128xf32, #tpu.memory_space<vmem>>) offsets(%dma_start3A_872 : memref<128xi32, #tpu.memory_space<vmem>>) semaphore(%arg42 : memref<!tpu.dma_semaphore, #tpu.memory_space<semaphore_mem>>)
      %dma_start3A_876 = arith.constant 256 : i32
      %dma_start3A_877 = arith.constant 0 : i32
      %dma_start3A_878 = tpu.memref_slice %arg35[%dma_start3A_876, %dma_start3A_877] : memref<512x128xf32, #tpu.memory_space<vmem>> -> memref<128x128xf32, #tpu.memory_space<vmem>>
      %dma_start3A_879 = arith.constant 768 : i32
      %dma_start3A_880 = tpu.memref_slice %arg34[%dma_start3A_879] : memref<2000xi32, #tpu.memory_space<vmem>> -> memref<128xi32, #tpu.memory_space<vmem>>
      %dma_start3A_881 = arith.constant 0 : i32
      %dma_start3A_882 = arith.constant 0 : i32
      %dma_start3A_883 = tpu.memref_slice %arg13[%dma_start3A_881, %dma_start3A_882] : memref<100x128xf32, #tpu.memory_space<hbm>> -> memref<100x128xf32, #tpu.memory_space<hbm>>
      tpu.enqueue_indirect_dma source(%dma_start3A_883 : memref<100x128xf32, #tpu.memory_space<hbm>>) target(%dma_start3A_878 : memref<128x128xf32, #tpu.memory_space<vmem>>) offsets(%dma_start3A_880 : memref<128xi32, #tpu.memory_space<vmem>>) semaphore(%arg42 : memref<!tpu.dma_semaphore, #tpu.memory_space<semaphore_mem>>)
      %dma_start3A_884 = arith.constant 384 : i32
      %dma_start3A_885 = arith.constant 0 : i32
      %dma_start3A_886 = tpu.memref_slice %arg35[%dma_start3A_884, %dma_start3A_885] : memref<512x128xf32, #tpu.memory_space<vmem>> -> memref<128x128xf32, #tpu.memory_space<vmem>>
      %dma_start3A_887 = arith.constant 896 : i32
      %dma_start3A_888 = tpu.memref_slice %arg34[%dma_start3A_887] : memref<2000xi32, #tpu.memory_space<vmem>> -> memref<128xi32, #tpu.memory_space<vmem>>
      %dma_start3A_889 = arith.constant 0 : i32
      %dma_start3A_890 = arith.constant 0 : i32
      %dma_start3A_891 = tpu.memref_slice %arg13[%dma_start3A_889, %dma_start3A_890] : memref<100x128xf32, #tpu.memory_space<hbm>> -> memref<100x128xf32, #tpu.memory_space<hbm>>
      tpu.enqueue_indirect_dma source(%dma_start3A_891 : memref<100x128xf32, #tpu.memory_space<hbm>>) target(%dma_start3A_886 : memref<128x128xf32, #tpu.memory_space<vmem>>) offsets(%dma_start3A_888 : memref<128xi32, #tpu.memory_space<vmem>>) semaphore(%arg42 : memref<!tpu.dma_semaphore, #tpu.memory_space<semaphore_mem>>)
      %dma_wait3A_892 = arith.constant 0 : i32
      %dma_wait3A_893 = arith.constant 0 : i32
      %dma_wait3A_894 = tpu.memref_slice %arg35[%dma_wait3A_892, %dma_wait3A_893] : memref<512x128xf32, #tpu.memory_space<vmem>> -> memref<128x128xf32, #tpu.memory_space<vmem>>
      %dma_wait3A_895 = arith.constant 512 : i32
      %dma_wait3A_896 = tpu.memref_slice %arg34[%dma_wait3A_895] : memref<2000xi32, #tpu.memory_space<vmem>> -> memref<128xi32, #tpu.memory_space<vmem>>
      %dma_wait3A_897 = arith.constant 0 : i32
      %dma_wait3A_898 = arith.constant 0 : i32
      %dma_wait3A_899 = tpu.memref_slice %arg13[%dma_wait3A_897, %dma_wait3A_898] : memref<100x128xf32, #tpu.memory_space<hbm>> -> memref<100x128xf32, #tpu.memory_space<hbm>>
      tpu.wait_indirect_dma semaphore(%arg42 : memref<!tpu.dma_semaphore, #tpu.memory_space<semaphore_mem>>) src(%dma_wait3A_899 : memref<100x128xf32, #tpu.memory_space<hbm>>) dst(%dma_wait3A_894 : memref<128x128xf32, #tpu.memory_space<vmem>>)
      %dma_wait3A_900 = arith.constant 128 : i32
      %dma_wait3A_901 = arith.constant 0 : i32
      %dma_wait3A_902 = tpu.memref_slice %arg35[%dma_wait3A_900, %dma_wait3A_901] : memref<512x128xf32, #tpu.memory_space<vmem>> -> memref<128x128xf32, #tpu.memory_space<vmem>>
      %dma_wait3A_903 = arith.constant 640 : i32
      %dma_wait3A_904 = tpu.memref_slice %arg34[%dma_wait3A_903] : memref<2000xi32, #tpu.memory_space<vmem>> -> memref<128xi32, #tpu.memory_space<vmem>>
      %dma_wait3A_905 = arith.constant 0 : i32
      %dma_wait3A_906 = arith.constant 0 : i32
      %dma_wait3A_907 = tpu.memref_slice %arg13[%dma_wait3A_905, %dma_wait3A_906] : memref<100x128xf32, #tpu.memory_space<hbm>> -> memref<100x128xf32, #tpu.memory_space<hbm>>
      tpu.wait_indirect_dma semaphore(%arg42 : memref<!tpu.dma_semaphore, #tpu.memory_space<semaphore_mem>>) src(%dma_wait3A_907 : memref<100x128xf32, #tpu.memory_space<hbm>>) dst(%dma_wait3A_902 : memref<128x128xf32, #tpu.memory_space<vmem>>)
      %dma_wait3A_908 = arith.constant 256 : i32
      %dma_wait3A_909 = arith.constant 0 : i32
      %dma_wait3A_910 = tpu.memref_slice %arg35[%dma_wait3A_908, %dma_wait3A_909] : memref<512x128xf32, #tpu.memory_space<vmem>> -> memref<128x128xf32, #tpu.memory_space<vmem>>
      %dma_wait3A_911 = arith.constant 768 : i32
      %dma_wait3A_912 = tpu.memref_slice %arg34[%dma_wait3A_911] : memref<2000xi32, #tpu.memory_space<vmem>> -> memref<128xi32, #tpu.memory_space<vmem>>
      %dma_wait3A_913 = arith.constant 0 : i32
      %dma_wait3A_914 = arith.constant 0 : i32
      %dma_wait3A_915 = tpu.memref_slice %arg13[%dma_wait3A_913, %dma_wait3A_914] : memref<100x128xf32, #tpu.memory_space<hbm>> -> memref<100x128xf32, #tpu.memory_space<hbm>>
      tpu.wait_indirect_dma semaphore(%arg42 : memref<!tpu.dma_semaphore, #tpu.memory_space<semaphore_mem>>) src(%dma_wait3A_915 : memref<100x128xf32, #tpu.memory_space<hbm>>) dst(%dma_wait3A_910 : memref<128x128xf32, #tpu.memory_space<vmem>>)
      %dma_wait3A_916 = arith.constant 384 : i32
      %dma_wait3A_917 = arith.constant 0 : i32
      %dma_wait3A_918 = tpu.memref_slice %arg35[%dma_wait3A_916, %dma_wait3A_917] : memref<512x128xf32, #tpu.memory_space<vmem>> -> memref<128x128xf32, #tpu.memory_space<vmem>>
      %dma_wait3A_919 = arith.constant 896 : i32
      %dma_wait3A_920 = tpu.memref_slice %arg34[%dma_wait3A_919] : memref<2000xi32, #tpu.memory_space<vmem>> -> memref<128xi32, #tpu.memory_space<vmem>>
      %dma_wait3A_921 = arith.constant 0 : i32
      %dma_wait3A_922 = arith.constant 0 : i32
      %dma_wait3A_923 = tpu.memref_slice %arg13[%dma_wait3A_921, %dma_wait3A_922] : memref<100x128xf32, #tpu.memory_space<hbm>> -> memref<100x128xf32, #tpu.memory_space<hbm>>
      tpu.wait_indirect_dma semaphore(%arg42 : memref<!tpu.dma_semaphore, #tpu.memory_space<semaphore_mem>>) src(%dma_wait3A_923 : memref<100x128xf32, #tpu.memory_space<hbm>>) dst(%dma_wait3A_918 : memref<128x128xf32, #tpu.memory_space<vmem>>)
      %add3A_924 = arith.constant 512 : i32
      %add3A_925 = arith.addi %mul3A_793, %add3A_924 : i32
      "tpu.region"() ({
        %run_scoped3A = tpu.sem_alloc : memref<!tpu.dma_semaphore, #tpu.memory_space<semaphore_mem>>
        %dma_start3A_1058 = arith.constant 0 : i32
        %dma_start3A_1059 = arith.constant 0 : i32
        %dma_start3A_1060 = tpu.memref_slice %arg35[%dma_start3A_1058, %dma_start3A_1059] : memref<512x128xf32, #tpu.memory_space<vmem>> -> memref<512x128xf32, #tpu.memory_space<vmem>>
        %dma_start3A_1061 = arith.constant 0 : i32
        %dma_start3A_1062 = tpu.memref_slice %arg17[%add3A_925, %dma_start3A_1061] : memref<50000x128xf32, #tpu.memory_space<hbm>> -> memref<512x128xf32, #tpu.memory_space<hbm>>
        %dma_start3A_1063 = arith.constant 0 : i32
        %dma_start3A_1064 = tpu.memref_slice %arg17[%add3A_925, %dma_start3A_1063] : memref<50000x128xf32, #tpu.memory_space<hbm>> -> memref<512x128xf32, #tpu.memory_space<hbm>>
        %dma_start3A_1065 = arith.constant 0 : i32
        %dma_start3A_1066 = arith.constant 0 : i32
        %dma_start3A_1067 = tpu.memref_slice %arg35[%dma_start3A_1065, %dma_start3A_1066] : memref<512x128xf32, #tpu.memory_space<vmem>> -> memref<512x128xf32, #tpu.memory_space<vmem>>
        tpu.enqueue_dma source(%dma_start3A_1067 : memref<512x128xf32, #tpu.memory_space<vmem>>) target(%dma_start3A_1064 : memref<512x128xf32, #tpu.memory_space<hbm>>) target_semaphore(%run_scoped3A : memref<!tpu.dma_semaphore, #tpu.memory_space<semaphore_mem>>)
        %dma_wait3A_1068 = arith.constant 0 : i32
        %dma_wait3A_1069 = arith.constant 0 : i32
        %dma_wait3A_1070 = tpu.memref_slice %arg35[%dma_wait3A_1068, %dma_wait3A_1069] : memref<512x128xf32, #tpu.memory_space<vmem>> -> memref<512x128xf32, #tpu.memory_space<vmem>>
        %dma_wait3A_1071 = arith.constant 0 : i32
        %dma_wait3A_1072 = tpu.memref_slice %arg17[%add3A_925, %dma_wait3A_1071] : memref<50000x128xf32, #tpu.memory_space<hbm>> -> memref<512x128xf32, #tpu.memory_space<hbm>>
        %dma_wait3A_1073 = arith.constant 0 : i32
        %dma_wait3A_1074 = tpu.memref_slice %arg17[%add3A_925, %dma_wait3A_1073] : memref<50000x128xf32, #tpu.memory_space<hbm>> -> memref<512x128xf32, #tpu.memory_space<hbm>>
        %dma_wait3A_1075 = arith.constant 0 : i32
        %dma_wait3A_1076 = arith.constant 0 : i32
        %dma_wait3A_1077 = tpu.memref_slice %arg35[%dma_wait3A_1075, %dma_wait3A_1076] : memref<512x128xf32, #tpu.memory_space<vmem>> -> memref<512x128xf32, #tpu.memory_space<vmem>>
        tpu.wait_dma2 semaphore(%run_scoped3A : memref<!tpu.dma_semaphore, #tpu.memory_space<semaphore_mem>>) src(%dma_wait3A_1077 : memref<512x128xf32, #tpu.memory_space<vmem>>) dst(%dma_wait3A_1074 : memref<512x128xf32, #tpu.memory_space<hbm>>)
        tpu.yield
      }) : () -> ()
      %dma_start3A_926 = arith.constant 0 : i32
      %dma_start3A_927 = arith.constant 0 : i32
      %dma_start3A_928 = tpu.memref_slice %arg35[%dma_start3A_926, %dma_start3A_927] : memref<512x128xf32, #tpu.memory_space<vmem>> -> memref<128x128xf32, #tpu.memory_space<vmem>>
      %dma_start3A_929 = arith.constant 1024 : i32
      %dma_start3A_930 = tpu.memref_slice %arg34[%dma_start3A_929] : memref<2000xi32, #tpu.memory_space<vmem>> -> memref<128xi32, #tpu.memory_space<vmem>>
      %dma_start3A_931 = arith.constant 0 : i32
      %dma_start3A_932 = arith.constant 0 : i32
      %dma_start3A_933 = tpu.memref_slice %arg13[%dma_start3A_931, %dma_start3A_932] : memref<100x128xf32, #tpu.memory_space<hbm>> -> memref<100x128xf32, #tpu.memory_space<hbm>>
      tpu.enqueue_indirect_dma source(%dma_start3A_933 : memref<100x128xf32, #tpu.memory_space<hbm>>) target(%dma_start3A_928 : memref<128x128xf32, #tpu.memory_space<vmem>>) offsets(%dma_start3A_930 : memref<128xi32, #tpu.memory_space<vmem>>) semaphore(%arg42 : memref<!tpu.dma_semaphore, #tpu.memory_space<semaphore_mem>>)
      %dma_start3A_934 = arith.constant 128 : i32
      %dma_start3A_935 = arith.constant 0 : i32
      %dma_start3A_936 = tpu.memref_slice %arg35[%dma_start3A_934, %dma_start3A_935] : memref<512x128xf32, #tpu.memory_space<vmem>> -> memref<128x128xf32, #tpu.memory_space<vmem>>
      %dma_start3A_937 = arith.constant 1152 : i32
      %dma_start3A_938 = tpu.memref_slice %arg34[%dma_start3A_937] : memref<2000xi32, #tpu.memory_space<vmem>> -> memref<128xi32, #tpu.memory_space<vmem>>
      %dma_start3A_939 = arith.constant 0 : i32
      %dma_start3A_940 = arith.constant 0 : i32
      %dma_start3A_941 = tpu.memref_slice %arg13[%dma_start3A_939, %dma_start3A_940] : memref<100x128xf32, #tpu.memory_space<hbm>> -> memref<100x128xf32, #tpu.memory_space<hbm>>
      tpu.enqueue_indirect_dma source(%dma_start3A_941 : memref<100x128xf32, #tpu.memory_space<hbm>>) target(%dma_start3A_936 : memref<128x128xf32, #tpu.memory_space<vmem>>) offsets(%dma_start3A_938 : memref<128xi32, #tpu.memory_space<vmem>>) semaphore(%arg42 : memref<!tpu.dma_semaphore, #tpu.memory_space<semaphore_mem>>)
      %dma_start3A_942 = arith.constant 256 : i32
      %dma_start3A_943 = arith.constant 0 : i32
      %dma_start3A_944 = tpu.memref_slice %arg35[%dma_start3A_942, %dma_start3A_943] : memref<512x128xf32, #tpu.memory_space<vmem>> -> memref<128x128xf32, #tpu.memory_space<vmem>>
      %dma_start3A_945 = arith.constant 1280 : i32
      %dma_start3A_946 = tpu.memref_slice %arg34[%dma_start3A_945] : memref<2000xi32, #tpu.memory_space<vmem>> -> memref<128xi32, #tpu.memory_space<vmem>>
      %dma_start3A_947 = arith.constant 0 : i32
      %dma_start3A_948 = arith.constant 0 : i32
      %dma_start3A_949 = tpu.memref_slice %arg13[%dma_start3A_947, %dma_start3A_948] : memref<100x128xf32, #tpu.memory_space<hbm>> -> memref<100x128xf32, #tpu.memory_space<hbm>>
      tpu.enqueue_indirect_dma source(%dma_start3A_949 : memref<100x128xf32, #tpu.memory_space<hbm>>) target(%dma_start3A_944 : memref<128x128xf32, #tpu.memory_space<vmem>>) offsets(%dma_start3A_946 : memref<128xi32, #tpu.memory_space<vmem>>) semaphore(%arg42 : memref<!tpu.dma_semaphore, #tpu.memory_space<semaphore_mem>>)
      %dma_start3A_950 = arith.constant 384 : i32
      %dma_start3A_951 = arith.constant 0 : i32
      %dma_start3A_952 = tpu.memref_slice %arg35[%dma_start3A_950, %dma_start3A_951] : memref<512x128xf32, #tpu.memory_space<vmem>> -> memref<128x128xf32, #tpu.memory_space<vmem>>
      %dma_start3A_953 = arith.constant 1408 : i32
      %dma_start3A_954 = tpu.memref_slice %arg34[%dma_start3A_953] : memref<2000xi32, #tpu.memory_space<vmem>> -> memref<128xi32, #tpu.memory_space<vmem>>
      %dma_start3A_955 = arith.constant 0 : i32
      %dma_start3A_956 = arith.constant 0 : i32
      %dma_start3A_957 = tpu.memref_slice %arg13[%dma_start3A_955, %dma_start3A_956] : memref<100x128xf32, #tpu.memory_space<hbm>> -> memref<100x128xf32, #tpu.memory_space<hbm>>
      tpu.enqueue_indirect_dma source(%dma_start3A_957 : memref<100x128xf32, #tpu.memory_space<hbm>>) target(%dma_start3A_952 : memref<128x128xf32, #tpu.memory_space<vmem>>) offsets(%dma_start3A_954 : memref<128xi32, #tpu.memory_space<vmem>>) semaphore(%arg42 : memref<!tpu.dma_semaphore, #tpu.memory_space<semaphore_mem>>)
      %dma_wait3A_958 = arith.constant 0 : i32
      %dma_wait3A_959 = arith.constant 0 : i32
      %dma_wait3A_960 = tpu.memref_slice %arg35[%dma_wait3A_958, %dma_wait3A_959] : memref<512x128xf32, #tpu.memory_space<vmem>> -> memref<128x128xf32, #tpu.memory_space<vmem>>
      %dma_wait3A_961 = arith.constant 1024 : i32
      %dma_wait3A_962 = tpu.memref_slice %arg34[%dma_wait3A_961] : memref<2000xi32, #tpu.memory_space<vmem>> -> memref<128xi32, #tpu.memory_space<vmem>>
      %dma_wait3A_963 = arith.constant 0 : i32
      %dma_wait3A_964 = arith.constant 0 : i32
      %dma_wait3A_965 = tpu.memref_slice %arg13[%dma_wait3A_963, %dma_wait3A_964] : memref<100x128xf32, #tpu.memory_space<hbm>> -> memref<100x128xf32, #tpu.memory_space<hbm>>
      tpu.wait_indirect_dma semaphore(%arg42 : memref<!tpu.dma_semaphore, #tpu.memory_space<semaphore_mem>>) src(%dma_wait3A_965 : memref<100x128xf32, #tpu.memory_space<hbm>>) dst(%dma_wait3A_960 : memref<128x128xf32, #tpu.memory_space<vmem>>)
      %dma_wait3A_966 = arith.constant 128 : i32
      %dma_wait3A_967 = arith.constant 0 : i32
      %dma_wait3A_968 = tpu.memref_slice %arg35[%dma_wait3A_966, %dma_wait3A_967] : memref<512x128xf32, #tpu.memory_space<vmem>> -> memref<128x128xf32, #tpu.memory_space<vmem>>
      %dma_wait3A_969 = arith.constant 1152 : i32
      %dma_wait3A_970 = tpu.memref_slice %arg34[%dma_wait3A_969] : memref<2000xi32, #tpu.memory_space<vmem>> -> memref<128xi32, #tpu.memory_space<vmem>>
      %dma_wait3A_971 = arith.constant 0 : i32
      %dma_wait3A_972 = arith.constant 0 : i32
      %dma_wait3A_973 = tpu.memref_slice %arg13[%dma_wait3A_971, %dma_wait3A_972] : memref<100x128xf32, #tpu.memory_space<hbm>> -> memref<100x128xf32, #tpu.memory_space<hbm>>
      tpu.wait_indirect_dma semaphore(%arg42 : memref<!tpu.dma_semaphore, #tpu.memory_space<semaphore_mem>>) src(%dma_wait3A_973 : memref<100x128xf32, #tpu.memory_space<hbm>>) dst(%dma_wait3A_968 : memref<128x128xf32, #tpu.memory_space<vmem>>)
      %dma_wait3A_974 = arith.constant 256 : i32
      %dma_wait3A_975 = arith.constant 0 : i32
      %dma_wait3A_976 = tpu.memref_slice %arg35[%dma_wait3A_974, %dma_wait3A_975] : memref<512x128xf32, #tpu.memory_space<vmem>> -> memref<128x128xf32, #tpu.memory_space<vmem>>
      %dma_wait3A_977 = arith.constant 1280 : i32
      %dma_wait3A_978 = tpu.memref_slice %arg34[%dma_wait3A_977] : memref<2000xi32, #tpu.memory_space<vmem>> -> memref<128xi32, #tpu.memory_space<vmem>>
      %dma_wait3A_979 = arith.constant 0 : i32
      %dma_wait3A_980 = arith.constant 0 : i32
      %dma_wait3A_981 = tpu.memref_slice %arg13[%dma_wait3A_979, %dma_wait3A_980] : memref<100x128xf32, #tpu.memory_space<hbm>> -> memref<100x128xf32, #tpu.memory_space<hbm>>
      tpu.wait_indirect_dma semaphore(%arg42 : memref<!tpu.dma_semaphore, #tpu.memory_space<semaphore_mem>>) src(%dma_wait3A_981 : memref<100x128xf32, #tpu.memory_space<hbm>>) dst(%dma_wait3A_976 : memref<128x128xf32, #tpu.memory_space<vmem>>)
      %dma_wait3A_982 = arith.constant 384 : i32
      %dma_wait3A_983 = arith.constant 0 : i32
      %dma_wait3A_984 = tpu.memref_slice %arg35[%dma_wait3A_982, %dma_wait3A_983] : memref<512x128xf32, #tpu.memory_space<vmem>> -> memref<128x128xf32, #tpu.memory_space<vmem>>
      %dma_wait3A_985 = arith.constant 1408 : i32
      %dma_wait3A_986 = tpu.memref_slice %arg34[%dma_wait3A_985] : memref<2000xi32, #tpu.memory_space<vmem>> -> memref<128xi32, #tpu.memory_space<vmem>>
      %dma_wait3A_987 = arith.constant 0 : i32
      %dma_wait3A_988 = arith.constant 0 : i32
      %dma_wait3A_989 = tpu.memref_slice %arg13[%dma_wait3A_987, %dma_wait3A_988] : memref<100x128xf32, #tpu.memory_space<hbm>> -> memref<100x128xf32, #tpu.memory_space<hbm>>
      tpu.wait_indirect_dma semaphore(%arg42 : memref<!tpu.dma_semaphore, #tpu.memory_space<semaphore_mem>>) src(%dma_wait3A_989 : memref<100x128xf32, #tpu.memory_space<hbm>>) dst(%dma_wait3A_984 : memref<128x128xf32, #tpu.memory_space<vmem>>)
      %add3A_990 = arith.constant 1024 : i32
      %add3A_991 = arith.addi %mul3A_793, %add3A_990 : i32
      "tpu.region"() ({
        %run_scoped3A = tpu.sem_alloc : memref<!tpu.dma_semaphore, #tpu.memory_space<semaphore_mem>>
        %dma_start3A_1058 = arith.constant 0 : i32
        %dma_start3A_1059 = arith.constant 0 : i32
        %dma_start3A_1060 = tpu.memref_slice %arg35[%dma_start3A_1058, %dma_start3A_1059] : memref<512x128xf32, #tpu.memory_space<vmem>> -> memref<512x128xf32, #tpu.memory_space<vmem>>
        %dma_start3A_1061 = arith.constant 0 : i32
        %dma_start3A_1062 = tpu.memref_slice %arg17[%add3A_991, %dma_start3A_1061] : memref<50000x128xf32, #tpu.memory_space<hbm>> -> memref<512x128xf32, #tpu.memory_space<hbm>>
        %dma_start3A_1063 = arith.constant 0 : i32
        %dma_start3A_1064 = tpu.memref_slice %arg17[%add3A_991, %dma_start3A_1063] : memref<50000x128xf32, #tpu.memory_space<hbm>> -> memref<512x128xf32, #tpu.memory_space<hbm>>
        %dma_start3A_1065 = arith.constant 0 : i32
        %dma_start3A_1066 = arith.constant 0 : i32
        %dma_start3A_1067 = tpu.memref_slice %arg35[%dma_start3A_1065, %dma_start3A_1066] : memref<512x128xf32, #tpu.memory_space<vmem>> -> memref<512x128xf32, #tpu.memory_space<vmem>>
        tpu.enqueue_dma source(%dma_start3A_1067 : memref<512x128xf32, #tpu.memory_space<vmem>>) target(%dma_start3A_1064 : memref<512x128xf32, #tpu.memory_space<hbm>>) target_semaphore(%run_scoped3A : memref<!tpu.dma_semaphore, #tpu.memory_space<semaphore_mem>>)
        %dma_wait3A_1068 = arith.constant 0 : i32
        %dma_wait3A_1069 = arith.constant 0 : i32
        %dma_wait3A_1070 = tpu.memref_slice %arg35[%dma_wait3A_1068, %dma_wait3A_1069] : memref<512x128xf32, #tpu.memory_space<vmem>> -> memref<512x128xf32, #tpu.memory_space<vmem>>
        %dma_wait3A_1071 = arith.constant 0 : i32
        %dma_wait3A_1072 = tpu.memref_slice %arg17[%add3A_991, %dma_wait3A_1071] : memref<50000x128xf32, #tpu.memory_space<hbm>> -> memref<512x128xf32, #tpu.memory_space<hbm>>
        %dma_wait3A_1073 = arith.constant 0 : i32
        %dma_wait3A_1074 = tpu.memref_slice %arg17[%add3A_991, %dma_wait3A_1073] : memref<50000x128xf32, #tpu.memory_space<hbm>> -> memref<512x128xf32, #tpu.memory_space<hbm>>
        %dma_wait3A_1075 = arith.constant 0 : i32
        %dma_wait3A_1076 = arith.constant 0 : i32
        %dma_wait3A_1077 = tpu.memref_slice %arg35[%dma_wait3A_1075, %dma_wait3A_1076] : memref<512x128xf32, #tpu.memory_space<vmem>> -> memref<512x128xf32, #tpu.memory_space<vmem>>
        tpu.wait_dma2 semaphore(%run_scoped3A : memref<!tpu.dma_semaphore, #tpu.memory_space<semaphore_mem>>) src(%dma_wait3A_1077 : memref<512x128xf32, #tpu.memory_space<vmem>>) dst(%dma_wait3A_1074 : memref<512x128xf32, #tpu.memory_space<hbm>>)
        tpu.yield
      }) : () -> ()
      %dma_start3A_992 = arith.constant 0 : i32
      %dma_start3A_993 = arith.constant 0 : i32
      %dma_start3A_994 = tpu.memref_slice %arg35[%dma_start3A_992, %dma_start3A_993] : memref<512x128xf32, #tpu.memory_space<vmem>> -> memref<128x128xf32, #tpu.memory_space<vmem>>
      %dma_start3A_995 = arith.constant 1536 : i32
      %dma_start3A_996 = tpu.memref_slice %arg34[%dma_start3A_995] : memref<2000xi32, #tpu.memory_space<vmem>> -> memref<128xi32, #tpu.memory_space<vmem>>
      %dma_start3A_997 = arith.constant 0 : i32
      %dma_start3A_998 = arith.constant 0 : i32
      %dma_start3A_999 = tpu.memref_slice %arg13[%dma_start3A_997, %dma_start3A_998] : memref<100x128xf32, #tpu.memory_space<hbm>> -> memref<100x128xf32, #tpu.memory_space<hbm>>
      tpu.enqueue_indirect_dma source(%dma_start3A_999 : memref<100x128xf32, #tpu.memory_space<hbm>>) target(%dma_start3A_994 : memref<128x128xf32, #tpu.memory_space<vmem>>) offsets(%dma_start3A_996 : memref<128xi32, #tpu.memory_space<vmem>>) semaphore(%arg42 : memref<!tpu.dma_semaphore, #tpu.memory_space<semaphore_mem>>)
      %dma_start3A_1000 = arith.constant 128 : i32
      %dma_start3A_1001 = arith.constant 0 : i32
      %dma_start3A_1002 = tpu.memref_slice %arg35[%dma_start3A_1000, %dma_start3A_1001] : memref<512x128xf32, #tpu.memory_space<vmem>> -> memref<128x128xf32, #tpu.memory_space<vmem>>
      %dma_start3A_1003 = arith.constant 1664 : i32
      %dma_start3A_1004 = tpu.memref_slice %arg34[%dma_start3A_1003] : memref<2000xi32, #tpu.memory_space<vmem>> -> memref<128xi32, #tpu.memory_space<vmem>>
      %dma_start3A_1005 = arith.constant 0 : i32
      %dma_start3A_1006 = arith.constant 0 : i32
      %dma_start3A_1007 = tpu.memref_slice %arg13[%dma_start3A_1005, %dma_start3A_1006] : memref<100x128xf32, #tpu.memory_space<hbm>> -> memref<100x128xf32, #tpu.memory_space<hbm>>
      tpu.enqueue_indirect_dma source(%dma_start3A_1007 : memref<100x128xf32, #tpu.memory_space<hbm>>) target(%dma_start3A_1002 : memref<128x128xf32, #tpu.memory_space<vmem>>) offsets(%dma_start3A_1004 : memref<128xi32, #tpu.memory_space<vmem>>) semaphore(%arg42 : memref<!tpu.dma_semaphore, #tpu.memory_space<semaphore_mem>>)
      %dma_start3A_1008 = arith.constant 256 : i32
      %dma_start3A_1009 = arith.constant 0 : i32
      %dma_start3A_1010 = tpu.memref_slice %arg35[%dma_start3A_1008, %dma_start3A_1009] : memref<512x128xf32, #tpu.memory_space<vmem>> -> memref<128x128xf32, #tpu.memory_space<vmem>>
      %dma_start3A_1011 = arith.constant 1792 : i32
      %dma_start3A_1012 = tpu.memref_slice %arg34[%dma_start3A_1011] : memref<2000xi32, #tpu.memory_space<vmem>> -> memref<128xi32, #tpu.memory_space<vmem>>
      %dma_start3A_1013 = arith.constant 0 : i32
      %dma_start3A_1014 = arith.constant 0 : i32
      %dma_start3A_1015 = tpu.memref_slice %arg13[%dma_start3A_1013, %dma_start3A_1014] : memref<100x128xf32, #tpu.memory_space<hbm>> -> memref<100x128xf32, #tpu.memory_space<hbm>>
      tpu.enqueue_indirect_dma source(%dma_start3A_1015 : memref<100x128xf32, #tpu.memory_space<hbm>>) target(%dma_start3A_1010 : memref<128x128xf32, #tpu.memory_space<vmem>>) offsets(%dma_start3A_1012 : memref<128xi32, #tpu.memory_space<vmem>>) semaphore(%arg42 : memref<!tpu.dma_semaphore, #tpu.memory_space<semaphore_mem>>)
      %dma_start3A_1016 = arith.constant 384 : i32
      %dma_start3A_1017 = arith.constant 0 : i32
      %dma_start3A_1018 = tpu.memref_slice %arg35[%dma_start3A_1016, %dma_start3A_1017] : memref<512x128xf32, #tpu.memory_space<vmem>> -> memref<80x128xf32, #tpu.memory_space<vmem>>
      %dma_start3A_1019 = arith.constant 1920 : i32
      %dma_start3A_1020 = tpu.memref_slice %arg34[%dma_start3A_1019] : memref<2000xi32, #tpu.memory_space<vmem>> -> memref<80xi32, #tpu.memory_space<vmem>>
      %dma_start3A_1021 = arith.constant 0 : i32
      %dma_start3A_1022 = arith.constant 0 : i32
      %dma_start3A_1023 = tpu.memref_slice %arg13[%dma_start3A_1021, %dma_start3A_1022] : memref<100x128xf32, #tpu.memory_space<hbm>> -> memref<100x128xf32, #tpu.memory_space<hbm>>
      tpu.enqueue_indirect_dma source(%dma_start3A_1023 : memref<100x128xf32, #tpu.memory_space<hbm>>) target(%dma_start3A_1018 : memref<80x128xf32, #tpu.memory_space<vmem>>) offsets(%dma_start3A_1020 : memref<80xi32, #tpu.memory_space<vmem>>) semaphore(%arg42 : memref<!tpu.dma_semaphore, #tpu.memory_space<semaphore_mem>>)
      %dma_wait3A_1024 = arith.constant 0 : i32
      %dma_wait3A_1025 = arith.constant 0 : i32
      %dma_wait3A_1026 = tpu.memref_slice %arg35[%dma_wait3A_1024, %dma_wait3A_1025] : memref<512x128xf32, #tpu.memory_space<vmem>> -> memref<128x128xf32, #tpu.memory_space<vmem>>
      %dma_wait3A_1027 = arith.constant 1536 : i32
      %dma_wait3A_1028 = tpu.memref_slice %arg34[%dma_wait3A_1027] : memref<2000xi32, #tpu.memory_space<vmem>> -> memref<128xi32, #tpu.memory_space<vmem>>
      %dma_wait3A_1029 = arith.constant 0 : i32
      %dma_wait3A_1030 = arith.constant 0 : i32
      %dma_wait3A_1031 = tpu.memref_slice %arg13[%dma_wait3A_1029, %dma_wait3A_1030] : memref<100x128xf32, #tpu.memory_space<hbm>> -> memref<100x128xf32, #tpu.memory_space<hbm>>
      tpu.wait_indirect_dma semaphore(%arg42 : memref<!tpu.dma_semaphore, #tpu.memory_space<semaphore_mem>>) src(%dma_wait3A_1031 : memref<100x128xf32, #tpu.memory_space<hbm>>) dst(%dma_wait3A_1026 : memref<128x128xf32, #tpu.memory_space<vmem>>)
      %dma_wait3A_1032 = arith.constant 128 : i32
      %dma_wait3A_1033 = arith.constant 0 : i32
      %dma_wait3A_1034 = tpu.memref_slice %arg35[%dma_wait3A_1032, %dma_wait3A_1033] : memref<512x128xf32, #tpu.memory_space<vmem>> -> memref<128x128xf32, #tpu.memory_space<vmem>>
      %dma_wait3A_1035 = arith.constant 1664 : i32
      %dma_wait3A_1036 = tpu.memref_slice %arg34[%dma_wait3A_1035] : memref<2000xi32, #tpu.memory_space<vmem>> -> memref<128xi32, #tpu.memory_space<vmem>>
      %dma_wait3A_1037 = arith.constant 0 : i32
      %dma_wait3A_1038 = arith.constant 0 : i32
      %dma_wait3A_1039 = tpu.memref_slice %arg13[%dma_wait3A_1037, %dma_wait3A_1038] : memref<100x128xf32, #tpu.memory_space<hbm>> -> memref<100x128xf32, #tpu.memory_space<hbm>>
      tpu.wait_indirect_dma semaphore(%arg42 : memref<!tpu.dma_semaphore, #tpu.memory_space<semaphore_mem>>) src(%dma_wait3A_1039 : memref<100x128xf32, #tpu.memory_space<hbm>>) dst(%dma_wait3A_1034 : memref<128x128xf32, #tpu.memory_space<vmem>>)
      %dma_wait3A_1040 = arith.constant 256 : i32
      %dma_wait3A_1041 = arith.constant 0 : i32
      %dma_wait3A_1042 = tpu.memref_slice %arg35[%dma_wait3A_1040, %dma_wait3A_1041] : memref<512x128xf32, #tpu.memory_space<vmem>> -> memref<128x128xf32, #tpu.memory_space<vmem>>
      %dma_wait3A_1043 = arith.constant 1792 : i32
      %dma_wait3A_1044 = tpu.memref_slice %arg34[%dma_wait3A_1043] : memref<2000xi32, #tpu.memory_space<vmem>> -> memref<128xi32, #tpu.memory_space<vmem>>
      %dma_wait3A_1045 = arith.constant 0 : i32
      %dma_wait3A_1046 = arith.constant 0 : i32
      %dma_wait3A_1047 = tpu.memref_slice %arg13[%dma_wait3A_1045, %dma_wait3A_1046] : memref<100x128xf32, #tpu.memory_space<hbm>> -> memref<100x128xf32, #tpu.memory_space<hbm>>
      tpu.wait_indirect_dma semaphore(%arg42 : memref<!tpu.dma_semaphore, #tpu.memory_space<semaphore_mem>>) src(%dma_wait3A_1047 : memref<100x128xf32, #tpu.memory_space<hbm>>) dst(%dma_wait3A_1042 : memref<128x128xf32, #tpu.memory_space<vmem>>)
      %dma_wait3A_1048 = arith.constant 384 : i32
      %dma_wait3A_1049 = arith.constant 0 : i32
      %dma_wait3A_1050 = tpu.memref_slice %arg35[%dma_wait3A_1048, %dma_wait3A_1049] : memref<512x128xf32, #tpu.memory_space<vmem>> -> memref<80x128xf32, #tpu.memory_space<vmem>>
      %dma_wait3A_1051 = arith.constant 1920 : i32
      %dma_wait3A_1052 = tpu.memref_slice %arg34[%dma_wait3A_1051] : memref<2000xi32, #tpu.memory_space<vmem>> -> memref<80xi32, #tpu.memory_space<vmem>>
      %dma_wait3A_1053 = arith.constant 0 : i32
      %dma_wait3A_1054 = arith.constant 0 : i32
      %dma_wait3A_1055 = tpu.memref_slice %arg13[%dma_wait3A_1053, %dma_wait3A_1054] : memref<100x128xf32, #tpu.memory_space<hbm>> -> memref<100x128xf32, #tpu.memory_space<hbm>>
      tpu.wait_indirect_dma semaphore(%arg42 : memref<!tpu.dma_semaphore, #tpu.memory_space<semaphore_mem>>) src(%dma_wait3A_1055 : memref<100x128xf32, #tpu.memory_space<hbm>>) dst(%dma_wait3A_1050 : memref<80x128xf32, #tpu.memory_space<vmem>>)
      %add3A_1056 = arith.constant 1536 : i32
      %add3A_1057 = arith.addi %mul3A_793, %add3A_1056 : i32
      "tpu.region"() ({
        %run_scoped3A = tpu.sem_alloc : memref<!tpu.dma_semaphore, #tpu.memory_space<semaphore_mem>>
        %dma_start3A_1058 = arith.constant 0 : i32
        %dma_start3A_1059 = arith.constant 0 : i32
        %dma_start3A_1060 = tpu.memref_slice %arg35[%dma_start3A_1058, %dma_start3A_1059] : memref<512x128xf32, #tpu.memory_space<vmem>> -> memref<464x128xf32, #tpu.memory_space<vmem>>
        %dma_start3A_1061 = arith.constant 0 : i32
        %dma_start3A_1062 = tpu.memref_slice %arg17[%add3A_1057, %dma_start3A_1061] : memref<50000x128xf32, #tpu.memory_space<hbm>> -> memref<464x128xf32, #tpu.memory_space<hbm>>
        %dma_start3A_1063 = arith.constant 0 : i32
        %dma_start3A_1064 = tpu.memref_slice %arg17[%add3A_1057, %dma_start3A_1063] : memref<50000x128xf32, #tpu.memory_space<hbm>> -> memref<464x128xf32, #tpu.memory_space<hbm>>
        %dma_start3A_1065 = arith.constant 0 : i32
        %dma_start3A_1066 = arith.constant 0 : i32
        %dma_start3A_1067 = tpu.memref_slice %arg35[%dma_start3A_1065, %dma_start3A_1066] : memref<512x128xf32, #tpu.memory_space<vmem>> -> memref<464x128xf32, #tpu.memory_space<vmem>>
        tpu.enqueue_dma source(%dma_start3A_1067 : memref<464x128xf32, #tpu.memory_space<vmem>>) target(%dma_start3A_1064 : memref<464x128xf32, #tpu.memory_space<hbm>>) target_semaphore(%run_scoped3A : memref<!tpu.dma_semaphore, #tpu.memory_space<semaphore_mem>>)
        %dma_wait3A_1068 = arith.constant 0 : i32
        %dma_wait3A_1069 = arith.constant 0 : i32
        %dma_wait3A_1070 = tpu.memref_slice %arg35[%dma_wait3A_1068, %dma_wait3A_1069] : memref<512x128xf32, #tpu.memory_space<vmem>> -> memref<464x128xf32, #tpu.memory_space<vmem>>
        %dma_wait3A_1071 = arith.constant 0 : i32
        %dma_wait3A_1072 = tpu.memref_slice %arg17[%add3A_1057, %dma_wait3A_1071] : memref<50000x128xf32, #tpu.memory_space<hbm>> -> memref<464x128xf32, #tpu.memory_space<hbm>>
        %dma_wait3A_1073 = arith.constant 0 : i32
        %dma_wait3A_1074 = tpu.memref_slice %arg17[%add3A_1057, %dma_wait3A_1073] : memref<50000x128xf32, #tpu.memory_space<hbm>> -> memref<464x128xf32, #tpu.memory_space<hbm>>
        %dma_wait3A_1075 = arith.constant 0 : i32
        %dma_wait3A_1076 = arith.constant 0 : i32
        %dma_wait3A_1077 = tpu.memref_slice %arg35[%dma_wait3A_1075, %dma_wait3A_1076] : memref<512x128xf32, #tpu.memory_space<vmem>> -> memref<464x128xf32, #tpu.memory_space<vmem>>
        tpu.wait_dma2 semaphore(%run_scoped3A : memref<!tpu.dma_semaphore, #tpu.memory_space<semaphore_mem>>) src(%dma_wait3A_1077 : memref<464x128xf32, #tpu.memory_space<vmem>>) dst(%dma_wait3A_1074 : memref<464x128xf32, #tpu.memory_space<hbm>>)
        tpu.yield
      }) : () -> ()
    } else {
    }
    return
  }
}

module attributes {stable_mosaic.version = 14 : i64} {
  func.func @_tc_body(%arg0: i32, %arg1: memref<8192xf32, #tpu.memory_space<vmem>>, %arg2: memref<8192xf32, #tpu.memory_space<vmem>>, %arg3: memref<8192xf32, #tpu.memory_space<vmem>>, %arg4: memref<32x32xf32, #tpu.memory_space<vmem>>, %arg5: memref<32x1xf32, #tpu.memory_space<vmem>>, %arg6: memref<8192xf32, #tpu.memory_space<vmem>>, %arg7: memref<32x8192xf32, #tpu.memory_space<vmem>>) attributes {dimension_semantics = [#tpu.dimension_semantics<arbitrary>], iteration_bounds = array<i64: 98>, scalar_prefetch = 0 : i64, scratch_operands = 0 : i64, tpu.core_type = #tpu.core_type<tc>, window_params = [{transform_indices = @transform_0, window_bounds = array<i64: 8192>}, {transform_indices = @transform_1, window_bounds = array<i64: 8192>}, {transform_indices = @transform_2, window_bounds = array<i64: 8192>}, {pipeline_mode = #tpu.pipeline_mode<synchronous>, transform_indices = @transform_3, window_bounds = array<i64: 32, 32>}, {pipeline_mode = #tpu.pipeline_mode<synchronous>, transform_indices = @transform_4, window_bounds = array<i64: 32, 1>}, {transform_indices = @transform_5, window_bounds = array<i64: 8192>}, {transform_indices = @transform_6, window_bounds = array<i64: 32, 8192>}]} {
    %get3A = arith.constant 0 : index
    %get3A_0 = vector.load %arg1[%get3A] : memref<8192xf32, #tpu.memory_space<vmem>>, vector<8192xf32>
    %get3A_1 = arith.constant 0 : index
    %get3A_2 = vector.load %arg2[%get3A_1] : memref<8192xf32, #tpu.memory_space<vmem>>, vector<8192xf32>
    %get3A_3 = arith.constant 0 : index
    %get3A_4 = vector.load %arg3[%get3A_3] : memref<8192xf32, #tpu.memory_space<vmem>>, vector<8192xf32>
    %mul3A = arith.mulf %get3A_0, %get3A_0 : vector<8192xf32>
    %mul3A_5 = arith.mulf %get3A_2, %get3A_2 : vector<8192xf32>
    %add3A = arith.addf %mul3A, %mul3A_5 : vector<8192xf32>
    %mul3A_6 = arith.mulf %get3A_4, %get3A_4 : vector<8192xf32>
    %add3A_7 = arith.addf %add3A, %mul3A_6 : vector<8192xf32>
    %add3A_8 = arith.constant 9.99999996E-13 : f32
    %add3A_9 = vector.broadcast %add3A_8 : f32 to vector<8192xf32>
    %add3A_10 = arith.addf %add3A_7, %add3A_9 : vector<8192xf32>
    %sqrt3A = math.sqrt %add3A_10 : vector<8192xf32>
    %swap3A = arith.constant 0 : index
    %swap3A_11 = vector.load %arg6[%swap3A] : memref<8192xf32, #tpu.memory_space<vmem>>, vector<8192xf32>
    tpu.vector_store %arg6[%swap3A], %sqrt3A {strides = array<i32>} : memref<8192xf32, #tpu.memory_space<vmem>>, vector<8192xf32>,
    %iota3A = tpu.iota {dimensions = array<i32: 0>} : vector<32x8192xi32>
    %convert_element_type3A = arith.sitofp %iota3A : vector<32x8192xi32> to vector<32x8192xf32>
    %mul3A_12 = arith.constant 0.193548381 : f32
    %mul3A_13 = vector.broadcast %mul3A_12 : f32 to vector<32x8192xf32>
    %mul3A_14 = arith.mulf %convert_element_type3A, %mul3A_13 : vector<32x8192xf32>
    %reshape3A = vector.shape_cast %sqrt3A : vector<8192xf32> to vector<1x8192xf32>
    %broadcast_in_dim3A = vector.shape_cast %reshape3A : vector<1x8192xf32> to vector<1x8192xf32>
    %broadcast_in_dim3A_15 = vector.broadcast %broadcast_in_dim3A : vector<1x8192xf32> to vector<32x8192xf32>
    %sub3A = arith.subf %broadcast_in_dim3A_15, %mul3A_14 : vector<32x8192xf32>
    %mul3A_16 = arith.mulf %sub3A, %sub3A : vector<32x8192xf32>
    %neg3A = arith.constant 0.000000e+00 : f32
    %neg3A_17 = vector.broadcast %neg3A : f32 to vector<32x8192xf32>
    %neg3A_18 = arith.subf %neg3A_17, %mul3A_16 : vector<32x8192xf32>
    %mul3A_19 = arith.constant 14.2222223 : f32
    %mul3A_20 = vector.broadcast %mul3A_19 : f32 to vector<32x8192xf32>
    %mul3A_21 = arith.mulf %neg3A_18, %mul3A_20 : vector<32x8192xf32>
    %exp3A = math.exp %mul3A_21 : vector<32x8192xf32>
    %get3A_22 = arith.constant 0 : index
    %get3A_23 = arith.constant 0 : index
    %get3A_24 = vector.load %arg4[%get3A_22, %get3A_23] : memref<32x32xf32, #tpu.memory_space<vmem>>, vector<32x32xf32>
    %dot_general3A = arith.constant dense<0.000000e+00> : vector<32x8192xf32>
    %dot_general3A_25 = tpu.matmul %get3A_24, %exp3A, %dot_general3A {dimension_numbers = #tpu.dot_dimension_numbers<[0], [0], [1], [1], [0, 1, 1, 1], [], []>, transpose_lhs_hint = false} : vector<32x32xf32>, vector<32x8192xf32>, vector<32x8192xf32> -> vector<32x8192xf32>
    %get3A_26 = arith.constant 0 : index
    %get3A_27 = arith.constant 0 : index
    %get3A_28 = vector.load %arg5[%get3A_26, %get3A_27] : memref<32x1xf32, #tpu.memory_space<vmem>>, vector<32x1xf32>
    %add3A_29 = vector.broadcast %get3A_28 : vector<32x1xf32> to vector<32x8192xf32>
    %add3A_30 = arith.addf %dot_general3A_25, %add3A_29 : vector<32x8192xf32>
    %swap3A_31 = arith.constant 0 : index
    %swap3A_32 = arith.constant 0 : index
    %swap3A_33 = vector.load %arg7[%swap3A_31, %swap3A_32] : memref<32x8192xf32, #tpu.memory_space<vmem>>, vector<32x8192xf32>
    tpu.vector_store %arg7[%swap3A_31, %swap3A_32], %add3A_30 {strides = array<i32>} : memref<32x8192xf32, #tpu.memory_space<vmem>>, vector<32x8192xf32>,
    return
  }
  func.func @transform_0(%arg0: i32) -> i32 {
    %c0_i32 = arith.constant 0 : i32
    return %arg0 : i32
  }
  func.func @transform_1(%arg0: i32) -> i32 {
    %c0_i32 = arith.constant 0 : i32
    return %arg0 : i32
  }
  func.func @transform_2(%arg0: i32) -> i32 {
    %c0_i32 = arith.constant 0 : i32
    return %arg0 : i32
  }
  func.func @transform_3(%arg0: i32) -> (i32, i32) {
    %c0_i32 = arith.constant 0 : i32
    %c0_i32_0 = arith.constant 0 : i32
    %c0_i32_1 = arith.constant 0 : i32
    return %c0_i32, %c0_i32_0 : i32, i32
  }
  func.func @transform_4(%arg0: i32) -> (i32, i32) {
    %c0_i32 = arith.constant 0 : i32
    %c0_i32_0 = arith.constant 0 : i32
    %c0_i32_1 = arith.constant 0 : i32
    return %c0_i32, %c0_i32_0 : i32, i32
  }
  func.func @transform_5(%arg0: i32) -> i32 {
    %c0_i32 = arith.constant 0 : i32
    return %arg0 : i32
  }
  func.func @transform_6(%arg0: i32) -> (i32, i32) {
    %c0_i32 = arith.constant 0 : i32
    %c0_i32_0 = arith.constant 0 : i32
    return %c0_i32, %arg0 : i32, i32
  }
}

</mosaic_0001>

<sc_bundles>
// kernel: kernel.4.cloned.1.call-start
scs
__scs_entry_jumppad:
0x0: {  	(pc) =	sbr.rel $0x88, $3  }
0x1: {  	(tag) =	ssettag $0x0;
	lr =	simm.s32 $0x1  }
0x2: {  	[smem:$0x3F97] =	sst lr;
	_ =	strace $0xD0000000  }
0x3: {  	_ = 	snop  }
0x4: {  	_ = 	snop  }
0x5: {  	_ = 	snop  }
0x6: {  	_ = 	snop  }
0x7: {  	_ = 	snop  }
__scs_overlays_trampoline_lowered:
0x8: {  	[smem:$0x3FA6] =	sst s0  }
0x9: {  	[smem:$0x3FA7] =	sst s1  }
0xa: {  	[smem:$0x3FA8] =	sst s2  }
0xb: {  	[smem:$0x3FA9] =	sst s3  }
0xc: {  	[smem:$0x3FAA] =	sst s4  }
0xd: {  	[smem:$0x3FAB] =	sst s5  }
0xe: {  	[smem:$0x3FAC] =	sst s6  }
0xf: {  	[smem:$0x3FAD] =	sst s7  }
0x10: {  	[smem:$0x3FAE] =	sst s8  }
0x11: {  	[smem:$0x3FAF] =	sst s9;
	s0 =	simm.s32 @!p0 $0x0  }
0x12: {  	s1 =	sld [smem:$0x3F95];
	s0 =	simm.s32 @p0 $0x1  }
0x13: {  	[smem:$0x3FB0] =	sst s0;
	s0 =	simm.s32 @!p1 $0x0  }
0x14: {  	s2 =	sld [smem:$0x3F94];
	s0 =	simm.s32 @p1 $0x1  }
0x15: {  	[smem:$0x3FB1] =	sst s0;
	s0 =	simm.s32 @!p2 $0x0  }
0x16: {  	s3 =	sld [smem:$0x3FDB];
	s0 =	simm.s32 @p2 $0x1  }
0x17: {  	s4 =	simm.s32 $0x1BF5;
	[smem:$0x3FB3] =	sst s0  }
0x18: {  	s0 =	sld [smem:$0x3F96];
	_ =	swait.ge [sflag:s4], $0x0  }
0x19: {  	s7 =	sld [smem:$0x3F97]  }
0x1a: {  	s8 =	sadd.s32 $0xFFFFE003, lr  }
0x1b: {  	s9 =	sadd.s32 $0xFFFFFEF7, lr;
	s5 =	simm.s32 $0xFFFFFFFF;
	p2 =	slt.u32 s8, $0xFFFFF086  }
0x1c: {  	p1 =	slt.u32 s9, $0xF7A;
	s5 =	simm.s32 @!p2 $0x0  }
0x1d: {  	s5 =	simm.s32 @p1 $0x1;
	p0 =	seq.s32 s7, s2  }
0x1e: {  	s7 =	smul.u32 @!p0 $0xF7A, s2;
	p2 =	seq.s32 @!p0 s5, $0x0  }
0x1f: {  	s9 =	smul.u32 $0xF7A, s1;
	s8 =	simm.s32 @!p0 $0x1BF5;
	p2 =	por !p2, p0  }
0x20: {  	[sflag:s8] =	ssyncset.s32 @!p0 $0xFFFFF086;
	s6 =	sadd.s32 @!p0 s3, s7;
	s7 =	simm.s32 @!p0 $0x108  }
0x21: {  	s3 =	sadd.s32 s3, s9;
	s6 =	sadd.s32 @!p0 $0x88, s6;
	s7 =	simm.s32 @p2 $0x1082  }
0x22: {  	[simem:s7], [sflag:s8] =	dma.local @!p0 [hbm:s6], $0xF7A  }
0x23: {  	s9 =	sor.u32 $0xD0000000, s2;
	s6 =	simm.s32 $0x108;
	_ =	swait.ge @!p0 [sflag:s8], $0x0  }
0x24: {  	s3 =	sadd.s32 $0x88, s3;
	s6 =	simm.s32 @!p1 $0x1082;
	[sflag:s4] =	ssyncset.s32 $0xFFFFF086  }
0x25: {  	[simem:s6], [sflag:s4] =	dma.local [hbm:s3], $0xF7A  }
0x26: {  	[smem:$0x3F97] =	sst s1;
	(tag) =	ssettag s2;
	_ =	strace s9  }
0x27: {  	s1 =	sld [smem:$0x3FA7]  }
0x28: {  	s2 =	sld [smem:$0x3FA8]  }
0x29: {  	s4 =	sld [smem:$0x3FAA]  }
0x2a: {  	p0 =	seq.s32 s5, $0x0;
	s5 =	sld [smem:$0x3FAB]  }
0x2b: {  	s6 =	sld [smem:$0x3FAC]  }
0x2c: {  	s7 =	sld [smem:$0x3FAD]  }
0x2d: {  	s3 =	simm.s32 $0x108;
	s8 =	sld [smem:$0x3FAE]  }
0x2e: {  	s3 =	simm.s32 @!p0 $0x1082;
	s9 =	sld [smem:$0x3FAF]  }
0x2f: {  	lr =	sadd.s32 s0, s3;
	s0 =	sld [smem:$0x3FA6]  }
0x30: {  	s3 =	sld [smem:$0x3FA9]  }
0x31: {  	[smem:$0x3FB2] =	sst s10  }
0x32: {  	s10 =	sld [smem:$0x3FB0];
	_ =	sdelay $0x3  }
0x33: {  	p0 =	seq.s32 s10, $0x1;
	s10 =	sld [smem:$0x3FB2];
	_ =	sdelay $0x3  }
0x34: {  	[smem:$0x3FB2] =	sst s10  }
0x35: {  	s10 =	sld [smem:$0x3FB1];
	_ =	sdelay $0x3  }
0x36: {  	p1 =	seq.s32 s10, $0x1;
	s10 =	sld [smem:$0x3FB2];
	_ =	sdelay $0x3  }
0x37: {  	[smem:$0x3FB2] =	sst s10  }
0x38: {  	s10 =	sld [smem:$0x3FB3]  }
0x39: {  	_ = 	snop;
	(pc) =	sbr.ind lr, $3  }
0x3a: {  	_ = 	snop  }
0x3b: {  	_ = 	snop  }
0x3c: {  	p2 =	seq.s32 s10, $0x1;
	s10 =	sld [smem:$0x3FB2]  }
0x3d: {  	_ =	shalt  }
0x3e: {  	_ =	shalt  }
0x3f: {  	_ =	shalt  }
0x40: {  	_ =	shalt  }
0x41: {  	_ =	shalt  }
0x42: {  	_ =	shalt  }
0x43: {  	_ =	shalt  }
0x44: {  	_ =	shalt  }
0x45: {  	_ =	shalt  }
0x46: {  	_ =	shalt  }
0x47: {  	_ =	shalt  }
0x48: {  	_ =	shalt  }
0x49: {  	_ =	shalt  }
0x4a: {  	_ =	shalt  }
0x4b: {  	_ =	shalt  }
0x4c: {  	_ =	shalt  }
0x4d: {  	_ =	shalt  }
0x4e: {  	_ =	shalt  }
0x4f: {  	_ =	shalt  }
0x50: {  	_ =	shalt  }
0x51: {  	_ =	shalt  }
0x52: {  	_ =	shalt  }
0x53: {  	_ =	shalt  }
0x54: {  	_ =	shalt  }
0x55: {  	_ =	shalt  }
0x56: {  	_ =	shalt  }
0x57: {  	_ =	shalt  }
0x58: {  	_ =	shalt  }
0x59: {  	_ =	shalt  }
0x5a: {  	_ =	shalt  }
0x5b: {  	_ =	shalt  }
0x5c: {  	_ =	shalt  }
0x5d: {  	_ =	shalt  }
0x5e: {  	_ =	shalt  }
0x5f: {  	_ =	shalt  }
0x60: {  	_ =	shalt  }
0x61: {  	_ =	shalt  }
0x62: {  	_ =	shalt  }
0x63: {  	_ =	shalt  }
0x64: {  	_ =	shalt  }
0x65: {  	_ =	shalt  }
0x66: {  	_ =	shalt  }
0x67: {  	_ =	shalt  }
0x68: {  	_ =	shalt  }
0x69: {  	_ =	shalt  }
0x6a: {  	_ =	shalt  }
0x6b: {  	_ =	shalt  }
0x6c: {  	_ =	shalt  }
0x6d: {  	_ =	shalt  }
0x6e: {  	_ =	shalt  }
0x6f: {  	_ =	shalt  }
0x70: {  	_ =	shalt  }
0x71: {  	_ =	shalt  }
0x72: {  	_ =	shalt  }
0x73: {  	_ =	shalt  }
0x74: {  	_ =	shalt  }
0x75: {  	_ =	shalt  }
0x76: {  	_ =	shalt  }
0x77: {  	_ =	shalt  }
0x78: {  	_ =	shalt  }
0x79: {  	_ =	shalt  }
0x7a: {  	_ =	shalt  }
0x7b: {  	_ =	shalt  }
0x7c: {  	_ =	shalt  }
0x7d: {  	_ =	shalt  }
0x7e: {  	_ =	shalt  }
0x7f: {  	_ =	shalt  }
0x80: {  	_ =	shalt  }
0x81: {  	_ =	shalt  }
0x82: {  	_ =	shalt  }
0x83: {  	_ =	shalt  }
0x84: {  	_ =	shalt  }
0x85: {  	_ =	shalt  }
0x86: {  	_ =	shalt  }
0x87: {  	_ =	shalt  }
.Lfunc_end0:
.L_simem_size_0:
called_computation_lowered:
.L_overlay_start_0:
0x88: {  	s2 =	sld [smem:$0x3FD9]  }
0x89: {  	s3 =	sld [smem:$0x3FFE];
	_ =	sdelay $0x1  }
0x8a: {  	s1 =	srdreg.scid  }
0x8b: {  	s0 =	sand.u32 $0x1, s1  }
0x8c: {  	s30 =	sshll.u32 s0, $0xA;
	s2 =	sadd.s32 s3, s2  }
0x8d: {  	s2 =	sadd.s32 s2, s30  }
0x8e: {  	[smem:$0x3FBE] =	sst s2  }
0x8f: {  	_ = 	snop  }
0x90: {  	s5 =	sld [smem:$0x3FC7]  }
0x91: {  	s6 =	sld [smem:$0x3FC6]  }
0x92: {  	s7 =	sld [smem:$0x3FD0]  }
0x93: {  	s2 =	sld [smem:$0x3FC4]  }
0x94: {  	s31 =	sld [smem:$0x3FC3]  }
0x95: {  	s8 =	simm.s32 $0xA;
	s9 =	simm.s32 $0x10;
	s4 =	sld [smem:$0x3FC0]  }
0x96: {  	[smem:s9], [sflag:s8] =	dma.local [hbm:s7], $0x1  }
0x97: {  	_ =	swait.eq [sflag:s8], $0x1  }
0x98: {  	s16 =	sld [smem:$0x10]  }
0x99: {  	s17 =	sld [smem:$0x11];
	[sflag:s8] =	ssyncset.done $0x0  }
0x9a: {  	s10 =	sld [smem:$0x12];
	[sflag:s8] =	ssyncadd.s32 $0xFFFFFFFF  }
0x9b: {  	s18 =	sld [smem:$0x13];
	(tm) =	ssettm $0x1  }
0x9c: {  	s11 =	sld [smem:$0x3FFB];
	_ =	sdelay $0x3  }
0x9d: {  	_ =	strace s11  }
0x9e: {  	s11 =	sld [smem:$0x3FFC];
	_ =	sdelay $0x3  }
0x9f: {  	_ =	strace s11  }
0xa0: {  	s11 =	sld [smem:$0x3FFD];
	_ =	sdelay $0x3  }
0xa1: {  	_ =	strace s11  }
0xa2: {  	_ =	strace $0x8FFFFFFF  }
0xa3: {  	s19 =	sld [smem:$0x3FDB];
	_ =	sdelay $0x1  }
0xa4: {  	s12 =	simm.s32 $_scs_section_size  }
0xa5: {  	s13 =	simm.s32 $_size__tile_overlayer_lowered;
	s14 =	simm.s32 $_tile_overlayer_lowered  }
0xa6: {  	s22 =	simm.s32 $0x1BFF;
	s21 =	sshll.u32 s14, $0x1;
	s11 =	sadd.s32 s12, s19  }
0xa7: {  	s15 =	simm.s32 $0x0;
	s20 =	sshll.u32 s13, $0x1;
	s13 =	sadd.s32 s21, s11  }
0xa8: {  	[timem:s15], [sflag:s22] =	dma.local [hbm:s13], s20  }
0xa9: {  	_ =	swait.ge [sflag:s22], s20  }
0xaa: {  	s12 =	ssub.s32 $0x0, s20;
	[sflag:s22] =	ssyncset.done $0x0  }
0xab: {  	[sflag:s22] =	ssyncadd.s32 s12;
	_ =	sdelay $0x1  }
0xac: {  	s23 =	simm.s32 $0x1B8B  }
0xad: {  	_ =	swait.ge [sflag:s23], $0x1  }
0xae: {  	[sflag:s23] =	ssyncset.done $0x0  }
0xaf: {  	s25 =	simm.s32 $0x1B8E;
	s24 =	sld [smem:$0x3FFE];
	[sflag:s23] =	ssyncadd.s32 $0xFFFFFFFF  }
0xb0: {  	s26 =	simm.s32 $execute0_lowered;
	[smem:$0x3FD2] =	sst s25  }
0xb1: {  	s13 =	sshll.u32 s26, $0x1;
	_ =	strace $0x80000046;
	[dreg:$0x1] =	wrdreg $0xFFFFFFFF  }
0xb2: {  	s28 =	simm.s32 $_size_execute0_lowered;
	s11 =	sadd.s32 s11, s13;
	[dreg:$0x0] =	wrdreg $0x0  }
0xb3: {  	s13 =	sshll.u32 s28, $0x1;
	[dreg:$0x2] =	wrdreg s11  }
0xb4: {  	[dreg:$0x3] =	wrdreg s13  }
0xb5: {  	[dreg:$0x4] =	wrdreg $0xC0  }
0xb6: {  	_ =	task [dreg:s15], $0x5FFFF  }
0xb7: {  	[dreg:$0x1] =	wrdreg $0xFFFFFFFF  }
0xb8: {  	[dreg:$0x0] =	wrdreg $0x60  }
0xb9: {  	[dreg:$0x2] =	wrdreg s24  }
0xba: {  	[dreg:$0x3] =	wrdreg s5  }
0xbb: {  	[dreg:$0x4] =	wrdreg s6  }
0xbc: {  	[dreg:$0x5] =	wrdreg s17  }
0xbd: {  	[dreg:$0x6] =	wrdreg s10  }
0xbe: {  	[dreg:$0x7] =	wrdreg s18  }
0xbf: {  	[dreg:$0x8] =	wrdreg s2  }
0xc0: {  	[dreg:$0x9] =	wrdreg s31  }
0xc1: {  	[dreg:$0xa] =	wrdreg s4  }
0xc2: {  	[dreg:$0xb] =	wrdreg s16  }
0xc3: {  	[dreg:$0xc] =	wrdreg $0x181800  }
0xc4: {  	[dreg:$0xd] =	wrdreg $0x18DB80  }
0xc5: {  	[dreg:$0xe] =	wrdreg $0x199F00  }
0xc6: {  	[dreg:$0xf] =	wrdreg $0x9  }
0xc7: {  	_ =	task.clear_ibuf [dreg:s15], $0x10FFFF;
	_ =	strace $0x90000046  }
0xc8: {  	s29 =	simm.s32 $0x9;
	_ =	strace $0x80000048  }
0xc9: {  	_ =	swait.ge [sflag:s29], $0x1  }
0xca: {  	[sflag:s29] =	ssyncadd.s32 $0xFFFFFFFF  }
0xcb: {  	_ =	strace $0x90000048  }
0xcc: {  	_ =	sfence  }
0xcd: {  	s30 =	sld [smem:$0x0];
	_ =	sdelay $0x2  }
0xce: {  	s31 =	sshll.u32 s1, $0xD;
	s1 =	sshrl.u32 s1, $0x2  }
0xcf: {  	s3 =	sand.u32 $0x4000, s31;
	s1 =	sadd.s32 s1, s30  }
0xd0: {  	s0 =	sor.u32 s3, s0;
	s1 =	sshll.u32 s1, $0x11  }
0xd1: {  	s0 =	sor.u32 s1, s0  }
0xd2: {  	s0 =	sadd.s32 $0x8F2B, s0  }
0xd3: {  	[sflag:s0] =	ssyncadd.remote.s32 $0x1  }
0xd4: {  	_ =	sfence.sel $0xFFFF  }
0xd5: {  	[dreg:$0x0] =	wrdreg $0xFFFFFFFF;
	(pc) =	sbr.abs _section_cstart, $3  }
0xd6: {  	[dreg:$0x1] =	wrdreg $0xFFFFFFFF  }
0xd7: {  	_ =	task.clear_ibuf [dreg:s15], $0x2FFFF;
	_ =	strace $0x9FFFFFFF  }
0xd8: {  	(tm) =	ssettm $0x7FFFFFFF  }
0xd9: {  	_ =	shalt  }
tec
execute0_lowered:
.L_overlay_start_1:
0x0: {  	(tag) =	ssettag $0x1  }
0x1: {  	s12 =	rddreg [dreg:$0x0]  }
0x2: {  	s13 =	rddreg [dreg:$0x1]  }
0x3: {  	s14 =	rddreg [dreg:$0x2]  }
0x4: {  	s15 =	rddreg [dreg:$0x3]  }
0x5: {  	s16 =	rddreg [dreg:$0x4]  }
0x6: {  	s17 =	rddreg [dreg:$0x5]  }
0x7: {  	s18 =	rddreg [dreg:$0x6]  }
0x8: {  	s0 =	rddreg [dreg:$0x7]  }
0x9: {  	s1 =	rddreg [dreg:$0x9]  }
0xa: {  	s9 =	rddreg [dreg:$0xa]  }
0xb: {  	s10 =	rddreg [dreg:$0xb]  }
0xc: {  	s11 =	rddreg [dreg:$0xc];
	s2 =	srdreg.scid  }
0xd: {  	s3 =	stileid.u32;
	s5 =	simm.s32 $0x0;
	s30 =	simm.s32 $0x5DC0  }
0xe: {  	s31 =	simm.s32 $0xA50;
	s2 =	sand.u32 $0x1, s2;
	s4 =	sshll.u32 s3, $0x1  }
0xf: {  	[smem:$0x7FF] =	sst s5;
	s19 =	sadd.s32 $0x36000, s12;
	s4 =	sor.u32 s2, s4  }
0x10: {  	s21 =	sadd.s32 $0x5000, s12;
	s22 =	sadd.s32 $0x1D800, s12;
	s8 =	smul.u32 $0x61A8, s4  }
0x11: {  	_ =	strace $0x80000047;
	[dreg:$0xe] =	wrdreg s19;
	s24 =	smul.u32 $0xFA, s4  }
0x12: {  	s2 =	ssub.s32 $0x2, s2;
	[dreg:$0x10] =	wrdreg s21;
	s7 =	smul.u32 $0x3E800, s4  }
0x13: {  	[dreg:$0x11] =	wrdreg s22;
	s6 =	sshrl.u32 s2, $0x1;
	s26 =	smul.u32 $0x7D00, s4  }
0x14: {  	s2 =	ssub.s32 s2, s6;
	[dreg:$0xf] =	wrdreg s8;
	s0 =	sadd.s32 s0, s24  }
0x15: {  	s25 =	sshrl.u32 s8, $0x3;
	s8 =	sadd.s32 s1, s26;
	[dreg:$0x12] =	wrdreg s0  }
0x16: {  	s28 =	simm.s32 $0x3;
	s24 =	smax.u32 s2, $0x1;
	[dreg:$0x14] =	wrdreg s8  }
0x17: {  	s29 =	sshrl.u32 s7, $0x3;
	s26 =	sadd.s32 $0x1A00, s12;
	[smem:$0x7FA] =	sst s24  }
0x18: {  	s6 =	sadd.s32 $0xBB8, s25;
	s25 =	sadd.s32 $0x3400, s12;
	[smem:$0x7FC] =	sst s26  }
0x19: {  	s0 =	sadd.s32 s1, s29;
	s29 =	sadd.s32 $0x4E00, s12;
	[smem:$0x7FB] =	sst s25  }
0x1a: {  	p0 =	sne.s32 s3, $0x0;
	s7 =	sadd.s32 s13, s6;
	[smem:$0x7FD] =	sst s29  }
0x1b: {  	s5 =	simm.s32 $0xED0;
	s13 =	sadd.s32 s14, s6;
	[dreg:$0x13] =	wrdreg s7  }
0x1c: {  	p1 =	sgt.u32 s4, $0x18;
	s14 =	sadd.s32 s18, s6;
	[dreg:$0x15] =	wrdreg s13  }
0x1d: {  	s4 =	simm.s32 $0x380;
	s15 =	sadd.s32 s15, s6;
	[dreg:$0x16] =	wrdreg s14  }
0x1e: {  	s24 =	simm.s32 $0x80;
	s16 =	sadd.s32 s16, s6;
	[dreg:$0x17] =	wrdreg s15  }
0x1f: {  	s26 =	simm.s32 $0xB50;
	s18 =	sadd.s32 s17, s6;
	[dreg:$0x18] =	wrdreg s16  }
0x20: {  	s1 =	simm.s32 $0xE50;
	s19 =	sadd.s32 s19, s6;
	[dreg:$0x19] =	wrdreg s18  }
0x21: {  	s12 =	simm.s32 $0x780;
	s20 =	sadd.s32 s21, s6;
	[dreg:$0x1a] =	wrdreg s19  }
0x22: {  	s21 =	sadd.s32 s22, s6;
	s22 =	sadd.s32 $0x2000, s0;
	[dreg:$0x1b] =	wrdreg s20  }
0x23: {  	s23 =	sadd.s32 $0x4000, s0;
	s0 =	sadd.s32 $0x6000, s0;
	[dreg:$0x1c] =	wrdreg s21  }
0x24: {  	s17 =	simm.s32 $0xAD0;
	s6 =	simm.s32 $0x680;
	[dreg:$0x1d] =	wrdreg s22  }
.Ltmp0:
0x25: {  	s25 =	simm.s32 $0x50;
	[dreg:$0x1e] =	wrdreg s23;
	(pc) =	sbr.rel .LBB2_1-.Ltmp0, $4  }
0x26: {  	[dreg:$0x1f] =	wrdreg s0;
	s0 =	simm.s32 $0x7D0;
	s23 =	simm.s32 $0x1  }
0x27: {  	s7 =	simm.s32 $0x280;
	s18 =	simm.s32 $0x300;
	s14 =	simm.s32 $0xD50  }
0x28: {  	s15 =	simm.s32 $0x600;
	s16 =	simm.s32 $0xDD0;
	s22 =	simm.s32 $0x700  }
0x29: {  	s21 =	simm.s32 $0xF50;
	s19 =	simm.s32 $0x2;
	s20 =	simm.s32 $0x0  }
.LBB2_13:
0x2a: {  	s2 =	sld [smem:$0x7FA];
	_ =	sdelay $0x1  }
0x2b: {  	s20 =	sadd.s32 $0x1, s20  }
0x2c: {  	p2 =	sne.s32 s20, s2  }
.Ltmp1:
0x2d: {  	_ = 	snop;
	(pc) =	sbr.rel @!p2 .LBB2_14-.Ltmp1, $1  }
0x2e: {  	_ =	sdelay $0x3  }
.LBB2_1:
0x2f: {  	s2 =	sld [smem:$0x7FD];
	_ =	sdelay $0x1  }
0x30: {  	[smem:$0x7F9] =	sst s20;
	s3 =	simm.s32 $0x0;
	s29 =	simm.s32 $0x5  }
0x31: {  	[tilespmem:s30], [sflag:$0x5] =	stream.linear.gather [hbm4b:s2+s3], $0x480, $0x38;
	[tilespmem:$0x1A628] =	vst v63  }
0x32: {  	_ =	swait.ge [sflag:s29], $0x480  }
0x33: {  	s8 =	sld [smem:$0x7FB]  }
0x34: {  	[sflag:s29] =	ssyncset.done $0x0  }
0x35: {  	s2 =	sshrl.u32 @!p0 s9, $0x3;
	s3 =	simm.s32 @!p0 $0x1C05;
	[sflag:s29] =	ssyncadd.s32 $0xFFFFFB80  }
0x36: {  	[spmem:s2], [sflag:s3] =	dma.local @!p0 [hbm:s8], $0x186A  }
0x37: {  	s2 =	simm.s32 @!p0 $0x5  }
0x38: {  	_ =	swait.ge @!p0 [sflag:s2], $0x186A  }
0x39: {  	s13 =	sld [smem:$0x7FC]  }
0x3a: {  	[sflag:s2] =	ssyncset.done @!p0 $0x0  }
0x3b: {  	s8 =	sshrl.u32 @!p0 s10, $0x3;
	[sflag:s2] =	ssyncadd.s32 @!p0 $0xFFFFE796  }
0x3c: {  	[spmem:s8], [sflag:s3] =	dma.local @!p0 [hbm:s13], $0x186A  }
0x3d: {  	_ =	swait.ge @!p0 [sflag:s2], $0x186A  }
0x3e: {  	[sflag:s2] =	ssyncset.done @!p0 $0x0  }
0x3f: {  	[sflag:s2] =	ssyncadd.s32 @!p0 $0xFFFFE796  }
0x40: {  	s8 =	sshrl.u32 @!p0 s11, $0x3;
	s13 =	rddreg [dreg:$0x0]  }
0x41: {  	[spmem:s8], [sflag:s3] =	dma.local @!p0 [hbm:s13], $0x186A  }
0x42: {  	_ =	swait.ge @!p0 [sflag:s2], $0x186A  }
0x43: {  	[sflag:s2] =	ssyncset.done @!p0 $0x0  }
0x44: {  	[sflag:s2] =	ssyncadd.s32 @!p0 $0xFFFFE796  }
0x45: {  	s8 =	simm.s32 $0x0;
	[bflag:$0x0] =	sbarrier.arrive $0xFFFF  }
.LBB2_2:
0x46: {  	s2 =	smul.u32 $0x7D0, s8  }
0x47: {  	s3 =	rddreg [dreg:$0xf]  }
0x48: {  	s2 =	sadd.s32 s3, s2  }
0x49: {  	s3 =	rddreg [dreg:$0x1];
	s29 =	sshrl.u32 s2, $0x3  }
0x4a: {  	s13 =	rddreg [dreg:$0x2];
	s2 =	sadd.s32 s3, s29;
	s3 =	simm.s32 $0x0  }
0x4b: {  	[tilespmem:s3], [sflag:$0x1] =	stream.linear.gather [hbm4b:s2+s3], $0x7D0, $0x38;
	[tilespmem:$0x1A628] =	vst v63  }
0x4c: {  	s20 =	rddreg [dreg:$0x6];
	s2 =	sadd.s32 s13, s29  }
0x4d: {  	[tilespmem:s0], [sflag:$0x1] =	stream.linear.gather [hbm4b:s2+s3], $0x7D0, $0x38;
	[tilespmem:$0x1A628] =	vst v63  }
0x4e: {  	s13 =	simm.s32 $0x55F0;
	s2 =	sadd.s32 s20, s29  }
0x4f: {  	[tilespmem:s13], [sflag:$0x1] =	stream.linear.gather [hbm4b:s2+s3], $0x7D0, $0x38;
	[tilespmem:$0x1A628] =	vst v63  }
0x50: {  	s13 =	rddreg [dreg:$0x3]  }
0x51: {  	s20 =	simm.s32 $0x3E80;
	s2 =	sadd.s32 s13, s29;
	s13 =	rddreg [dreg:$0x4]  }
0x52: {  	[tilespmem:s20], [sflag:$0x1] =	stream.linear.gather [hbm4b:s2+s3], $0x7D0, $0x38;
	[tilespmem:$0x1A628] =	vst v63  }
0x53: {  	s2 =	sadd.s32 s13, s29;
	s20 =	simm.s32 $0x4650;
	s13 =	rddreg [dreg:$0x5]  }
0x54: {  	[tilespmem:s20], [sflag:$0x1] =	stream.linear.gather [hbm4b:s2+s3], $0x7D0, $0x38;
	[tilespmem:$0x1A628] =	vst v63  }
0x55: {  	s2 =	sadd.s32 s13, s29;
	s20 =	simm.s32 $0x4E20  }
0x56: {  	[tilespmem:s20], [sflag:$0x1] =	stream.linear.gather [hbm4b:s2+s3], $0x7D0, $0x38;
	[tilespmem:$0x1A628] =	vst v63  }
0x57: {  	_ =	swait.ge [sflag:s23], $0x7D0  }
0x58: {  	[sflag:s23] =	ssyncset.done $0x0  }
0x59: {  	[sflag:s23] =	ssyncadd.s32 $0xFFFFF830  }
0x5a: {  	_ =	swait.ge [sflag:s23], $0x7D0  }
0x5b: {  	[sflag:s23] =	ssyncset.done $0x0  }
0x5c: {  	[sflag:s23] =	ssyncadd.s32 $0xFFFFF830  }
0x5d: {  	_ =	swait.ge [sflag:s23], $0x7D0  }
0x5e: {  	[sflag:s23] =	ssyncset.done $0x0  }
0x5f: {  	[sflag:s23] =	ssyncadd.s32 $0xFFFFF830  }
0x60: {  	_ =	swait.ge [sflag:s23], $0x7D0  }
0x61: {  	[sflag:s23] =	ssyncset.done $0x0  }
0x62: {  	[sflag:s23] =	ssyncadd.s32 $0xFFFFF830  }
0x63: {  	_ =	swait.ge [sflag:s23], $0x7D0  }
0x64: {  	[sflag:s23] =	ssyncset.done $0x0  }
0x65: {  	[sflag:s23] =	ssyncadd.s32 $0xFFFFF830  }
0x66: {  	_ =	swait.ge [sflag:s23], $0x7D0  }
0x67: {  	[sflag:s23] =	ssyncset.done $0x0  }
0x68: {  	s20 =	simm.s32 $0xFA0;
	[sflag:s23] =	ssyncadd.s32 $0xFFFFF830  }
0x69: {  	[tilespmem:s20], [sflag:$0x2] =	stream.indirect.gather [spmem:s9], $0x1, s3, s24, $0xb8;
	[tilespmem:$0x1A628] =	vst v63  }
0x6a: {  	s13 =	simm.s32 $0x1770  }
0x6b: {  	[tilespmem:s13], [sflag:$0x2] =	stream.indirect.gather [spmem:s10], $0x1, s3, s24, $0xb8;
	[tilespmem:$0x1A628] =	vst v63  }
0x6c: {  	s20 =	simm.s32 $0x1F40  }
0x6d: {  	[tilespmem:s20], [sflag:$0x2] =	stream.indirect.gather [spmem:s11], $0x1, s3, s24, $0xb8;
	[tilespmem:$0x1A628] =	vst v63  }
0x6e: {  	s13 =	simm.s32 $0x2710  }
0x6f: {  	[tilespmem:s13], [sflag:$0x2] =	stream.indirect.gather [spmem:s9], $0x1, s0, s24, $0xb8;
	[tilespmem:$0x1A628] =	vst v63  }
0x70: {  	s20 =	simm.s32 $0x2EE0  }
0x71: {  	[tilespmem:s20], [sflag:$0x2] =	stream.indirect.gather [spmem:s10], $0x1, s0, s24, $0xb8;
	[tilespmem:$0x1A628] =	vst v63  }
0x72: {  	s3 =	simm.s32 $0x36B0  }
0x73: {  	[tilespmem:s3], [sflag:$0x2] =	stream.indirect.gather [spmem:s11], $0x1, s0, s24, $0xb8;
	[tilespmem:$0x1A628] =	vst v63  }
0x74: {  	s13 =	simm.s32 $0x1020  }
0x75: {  	[tilespmem:s13], [sflag:$0x2] =	stream.indirect.gather [spmem:s9], $0x1, s24, s24, $0xb8;
	[tilespmem:$0x1A628] =	vst v63  }
0x76: {  	s20 =	simm.s32 $0x17F0  }
0x77: {  	[tilespmem:s20], [sflag:$0x2] =	stream.indirect.gather [spmem:s10], $0x1, s24, s24, $0xb8;
	[tilespmem:$0x1A628] =	vst v63  }
0x78: {  	s3 =	simm.s32 $0x1FC0  }
0x79: {  	[tilespmem:s3], [sflag:$0x2] =	stream.indirect.gather [spmem:s11], $0x1, s24, s24, $0xb8;
	[tilespmem:$0x1A628] =	vst v63  }
0x7a: {  	s2 =	simm.s32 $0x850;
	s13 =	simm.s32 $0x2790  }
0x7b: {  	[tilespmem:s13], [sflag:$0x2] =	stream.indirect.gather [spmem:s9], $0x1, s2, s24, $0xb8;
	[tilespmem:$0x1A628] =	vst v63  }
0x7c: {  	s20 =	simm.s32 $0x2F60  }
0x7d: {  	[tilespmem:s20], [sflag:$0x2] =	stream.indirect.gather [spmem:s10], $0x1, s2, s24, $0xb8;
	[tilespmem:$0x1A628] =	vst v63  }
0x7e: {  	s13 =	simm.s32 $0x3730  }
0x7f: {  	[tilespmem:s13], [sflag:$0x2] =	stream.indirect.gather [spmem:s11], $0x1, s2, s24, $0xb8;
	[tilespmem:$0x1A628] =	vst v63  }
0x80: {  	s20 =	simm.s32 $0x10A0;
	s2 =	simm.s32 $0x100  }
0x81: {  	[tilespmem:s20], [sflag:$0x2] =	stream.indirect.gather [spmem:s9], $0x1, s2, s24, $0xb8;
	[tilespmem:$0x1A628] =	vst v63  }
0x82: {  	s13 =	simm.s32 $0x1870  }
0x83: {  	[tilespmem:s13], [sflag:$0x2] =	stream.indirect.gather [spmem:s10], $0x1, s2, s24, $0xb8;
	[tilespmem:$0x1A628] =	vst v63  }
0x84: {  	s20 =	simm.s32 $0x2040  }
0x85: {  	[tilespmem:s20], [sflag:$0x2] =	stream.indirect.gather [spmem:s11], $0x1, s2, s24, $0xb8;
	[tilespmem:$0x1A628] =	vst v63  }
0x86: {  	s13 =	simm.s32 $0x2810;
	s2 =	simm.s32 $0x8D0  }
0x87: {  	[tilespmem:s13], [sflag:$0x2] =	stream.indirect.gather [spmem:s9], $0x1, s2, s24, $0xb8;
	[tilespmem:$0x1A628] =	vst v63  }
0x88: {  	s20 =	simm.s32 $0x2FE0  }
0x89: {  	[tilespmem:s20], [sflag:$0x2] =	stream.indirect.gather [spmem:s10], $0x1, s2, s24, $0xb8;
	[tilespmem:$0x1A628] =	vst v63  }
0x8a: {  	s13 =	simm.s32 $0x37B0  }
0x8b: {  	[tilespmem:s13], [sflag:$0x2] =	stream.indirect.gather [spmem:s11], $0x1, s2, s24, $0xb8;
	[tilespmem:$0x1A628] =	vst v63  }
0x8c: {  	s20 =	simm.s32 $0x1120;
	s2 =	simm.s32 $0x180  }
0x8d: {  	[tilespmem:s20], [sflag:$0x2] =	stream.indirect.gather [spmem:s9], $0x1, s2, s24, $0xb8;
	[tilespmem:$0x1A628] =	vst v63  }
0x8e: {  	s13 =	simm.s32 $0x18F0  }
0x8f: {  	[tilespmem:s13], [sflag:$0x2] =	stream.indirect.gather [spmem:s10], $0x1, s2, s24, $0xb8;
	[tilespmem:$0x1A628] =	vst v63  }
0x90: {  	s20 =	simm.s32 $0x20C0  }
0x91: {  	[tilespmem:s20], [sflag:$0x2] =	stream.indirect.gather [spmem:s11], $0x1, s2, s24, $0xb8;
	[tilespmem:$0x1A628] =	vst v63  }
0x92: {  	s13 =	simm.s32 $0x2890;
	s2 =	simm.s32 $0x950  }
0x93: {  	[tilespmem:s13], [sflag:$0x2] =	stream.indirect.gather [spmem:s9], $0x1, s2, s24, $0xb8;
	[tilespmem:$0x1A628] =	vst v63  }
0x94: {  	s20 =	simm.s32 $0x3060  }
0x95: {  	[tilespmem:s20], [sflag:$0x2] =	stream.indirect.gather [spmem:s10], $0x1, s2, s24, $0xb8;
	[tilespmem:$0x1A628] =	vst v63  }
0x96: {  	s13 =	simm.s32 $0x3830  }
0x97: {  	[tilespmem:s13], [sflag:$0x2] =	stream.indirect.gather [spmem:s11], $0x1, s2, s24, $0xb8;
	[tilespmem:$0x1A628] =	vst v63  }
0x98: {  	s20 =	simm.s32 $0x11A0;
	s2 =	simm.s32 $0x200  }
0x99: {  	[tilespmem:s20], [sflag:$0x2] =	stream.indirect.gather [spmem:s9], $0x1, s2, s24, $0xb8;
	[tilespmem:$0x1A628] =	vst v63  }
0x9a: {  	s13 =	simm.s32 $0x1970  }
0x9b: {  	[tilespmem:s13], [sflag:$0x2] =	stream.indirect.gather [spmem:s10], $0x1, s2, s24, $0xb8;
	[tilespmem:$0x1A628] =	vst v63  }
0x9c: {  	s20 =	simm.s32 $0x2140  }
0x9d: {  	[tilespmem:s20], [sflag:$0x2] =	stream.indirect.gather [spmem:s11], $0x1, s2, s24, $0xb8;
	[tilespmem:$0x1A628] =	vst v63  }
0x9e: {  	s13 =	simm.s32 $0x2910;
	s2 =	simm.s32 $0x9D0  }
0x9f: {  	[tilespmem:s13], [sflag:$0x2] =	stream.indirect.gather [spmem:s9], $0x1, s2, s24, $0xb8;
	[tilespmem:$0x1A628] =	vst v63  }
0xa0: {  	s20 =	simm.s32 $0x30E0  }
0xa1: {  	[tilespmem:s20], [sflag:$0x2] =	stream.indirect.gather [spmem:s10], $0x1, s2, s24, $0xb8;
	[tilespmem:$0x1A628] =	vst v63  }
0xa2: {  	s13 =	simm.s32 $0x38B0  }
0xa3: {  	[tilespmem:s13], [sflag:$0x2] =	stream.indirect.gather [spmem:s11], $0x1, s2, s24, $0xb8;
	[tilespmem:$0x1A628] =	vst v63  }
0xa4: {  	s20 =	simm.s32 $0x1220  }
0xa5: {  	[tilespmem:s20], [sflag:$0x2] =	stream.indirect.gather [spmem:s9], $0x1, s7, s24, $0xb8;
	[tilespmem:$0x1A628] =	vst v63  }
0xa6: {  	s3 =	simm.s32 $0x19F0  }
0xa7: {  	[tilespmem:s3], [sflag:$0x2] =	stream.indirect.gather [spmem:s10], $0x1, s7, s24, $0xb8;
	[tilespmem:$0x1A628] =	vst v63  }
0xa8: {  	s13 =	simm.s32 $0x21C0  }
0xa9: {  	[tilespmem:s13], [sflag:$0x2] =	stream.indirect.gather [spmem:s11], $0x1, s7, s24, $0xb8;
	[tilespmem:$0x1A628] =	vst v63  }
0xaa: {  	s20 =	simm.s32 $0x2990  }
0xab: {  	[tilespmem:s20], [sflag:$0x2] =	stream.indirect.gather [spmem:s9], $0x1, s31, s24, $0xb8;
	[tilespmem:$0x1A628] =	vst v63  }
0xac: {  	s3 =	simm.s32 $0x3160  }
0xad: {  	[tilespmem:s3], [sflag:$0x2] =	stream.indirect.gather [spmem:s10], $0x1, s31, s24, $0xb8;
	[tilespmem:$0x1A628] =	vst v63  }
0xae: {  	s13 =	simm.s32 $0x3930  }
0xaf: {  	[tilespmem:s13], [sflag:$0x2] =	stream.indirect.gather [spmem:s11], $0x1, s31, s24, $0xb8;
	[tilespmem:$0x1A628] =	vst v63  }
0xb0: {  	s20 =	simm.s32 $0x12A0  }
0xb1: {  	[tilespmem:s20], [sflag:$0x2] =	stream.indirect.gather [spmem:s9], $0x1, s18, s24, $0xb8;
	[tilespmem:$0x1A628] =	vst v63  }
0xb2: {  	s3 =	simm.s32 $0x1A70  }
0xb3: {  	[tilespmem:s3], [sflag:$0x2] =	stream.indirect.gather [spmem:s10], $0x1, s18, s24, $0xb8;
	[tilespmem:$0x1A628] =	vst v63  }
0xb4: {  	s13 =	simm.s32 $0x2240  }
0xb5: {  	[tilespmem:s13], [sflag:$0x2] =	stream.indirect.gather [spmem:s11], $0x1, s18, s24, $0xb8;
	[tilespmem:$0x1A628] =	vst v63  }
0xb6: {  	s20 =	simm.s32 $0x2A10  }
0xb7: {  	[tilespmem:s20], [sflag:$0x2] =	stream.indirect.gather [spmem:s9], $0x1, s17, s24, $0xb8;
	[tilespmem:$0x1A628] =	vst v63  }
0xb8: {  	s3 =	simm.s32 $0x31E0  }
0xb9: {  	[tilespmem:s3], [sflag:$0x2] =	stream.indirect.gather [spmem:s10], $0x1, s17, s24, $0xb8;
	[tilespmem:$0x1A628] =	vst v63  }
0xba: {  	s13 =	simm.s32 $0x39B0  }
0xbb: {  	[tilespmem:s13], [sflag:$0x2] =	stream.indirect.gather [spmem:s11], $0x1, s17, s24, $0xb8;
	[tilespmem:$0x1A628] =	vst v63  }
0xbc: {  	s20 =	simm.s32 $0x1320  }
0xbd: {  	[tilespmem:s20], [sflag:$0x3] =	stream.indirect.gather [spmem:s9], $0x1, s4, s24, $0xb8;
	[tilespmem:$0x1A628] =	vst v63  }
0xbe: {  	s3 =	simm.s32 $0x1AF0  }
0xbf: {  	[tilespmem:s3], [sflag:$0x3] =	stream.indirect.gather [spmem:s10], $0x1, s4, s24, $0xb8;
	[tilespmem:$0x1A628] =	vst v63  }
0xc0: {  	s13 =	simm.s32 $0x22C0  }
0xc1: {  	[tilespmem:s13], [sflag:$0x3] =	stream.indirect.gather [spmem:s11], $0x1, s4, s24, $0xb8;
	[tilespmem:$0x1A628] =	vst v63  }
0xc2: {  	s20 =	simm.s32 $0x2A90  }
0xc3: {  	[tilespmem:s20], [sflag:$0x3] =	stream.indirect.gather [spmem:s9], $0x1, s26, s24, $0xb8;
	[tilespmem:$0x1A628] =	vst v63  }
0xc4: {  	s3 =	simm.s32 $0x3260  }
0xc5: {  	[tilespmem:s3], [sflag:$0x3] =	stream.indirect.gather [spmem:s10], $0x1, s26, s24, $0xb8;
	[tilespmem:$0x1A628] =	vst v63  }
0xc6: {  	s13 =	simm.s32 $0x3A30  }
0xc7: {  	[tilespmem:s13], [sflag:$0x3] =	stream.indirect.gather [spmem:s11], $0x1, s26, s24, $0xb8;
	[tilespmem:$0x1A628] =	vst v63  }
0xc8: {  	s2 =	simm.s32 $0x400;
	s20 =	simm.s32 $0x13A0  }
0xc9: {  	[tilespmem:s20], [sflag:$0x3] =	stream.indirect.gather [spmem:s9], $0x1, s2, s24, $0xb8;
	[tilespmem:$0x1A628] =	vst v63  }
0xca: {  	s13 =	simm.s32 $0x1B70  }
0xcb: {  	[tilespmem:s13], [sflag:$0x3] =	stream.indirect.gather [spmem:s10], $0x1, s2, s24, $0xb8;
	[tilespmem:$0x1A628] =	vst v63  }
0xcc: {  	s20 =	simm.s32 $0x2340  }
0xcd: {  	[tilespmem:s20], [sflag:$0x3] =	stream.indirect.gather [spmem:s11], $0x1, s2, s24, $0xb8;
	[tilespmem:$0x1A628] =	vst v63  }
0xce: {  	s13 =	simm.s32 $0x2B10;
	s2 =	simm.s32 $0xBD0  }
0xcf: {  	[tilespmem:s13], [sflag:$0x3] =	stream.indirect.gather [spmem:s9], $0x1, s2, s24, $0xb8;
	[tilespmem:$0x1A628] =	vst v63  }
0xd0: {  	s20 =	simm.s32 $0x32E0  }
0xd1: {  	[tilespmem:s20], [sflag:$0x3] =	stream.indirect.gather [spmem:s10], $0x1, s2, s24, $0xb8;
	[tilespmem:$0x1A628] =	vst v63  }
0xd2: {  	s13 =	simm.s32 $0x3AB0  }
0xd3: {  	[tilespmem:s13], [sflag:$0x3] =	stream.indirect.gather [spmem:s11], $0x1, s2, s24, $0xb8;
	[tilespmem:$0x1A628] =	vst v63  }
0xd4: {  	s20 =	simm.s32 $0x1420;
	s2 =	simm.s32 $0x480  }
0xd5: {  	[tilespmem:s20], [sflag:$0x3] =	stream.indirect.gather [spmem:s9], $0x1, s2, s24, $0xb8;
	[tilespmem:$0x1A628] =	vst v63  }
0xd6: {  	s13 =	simm.s32 $0x1BF0  }
0xd7: {  	[tilespmem:s13], [sflag:$0x3] =	stream.indirect.gather [spmem:s10], $0x1, s2, s24, $0xb8;
	[tilespmem:$0x1A628] =	vst v63  }
0xd8: {  	s20 =	simm.s32 $0x23C0  }
0xd9: {  	[tilespmem:s20], [sflag:$0x3] =	stream.indirect.gather [spmem:s11], $0x1, s2, s24, $0xb8;
	[tilespmem:$0x1A628] =	vst v63  }
0xda: {  	s13 =	simm.s32 $0x2B90;
	s2 =	simm.s32 $0xC50  }
0xdb: {  	[tilespmem:s13], [sflag:$0x3] =	stream.indirect.gather [spmem:s9], $0x1, s2, s24, $0xb8;
	[tilespmem:$0x1A628] =	vst v63  }
0xdc: {  	s20 =	simm.s32 $0x3360  }
0xdd: {  	[tilespmem:s20], [sflag:$0x3] =	stream.indirect.gather [spmem:s10], $0x1, s2, s24, $0xb8;
	[tilespmem:$0x1A628] =	vst v63  }
0xde: {  	s13 =	simm.s32 $0x3B30  }
0xdf: {  	[tilespmem:s13], [sflag:$0x3] =	stream.indirect.gather [spmem:s11], $0x1, s2, s24, $0xb8;
	[tilespmem:$0x1A628] =	vst v63  }
0xe0: {  	s20 =	simm.s32 $0x14A0;
	s2 =	simm.s32 $0x500  }
0xe1: {  	[tilespmem:s20], [sflag:$0x3] =	stream.indirect.gather [spmem:s9], $0x1, s2, s24, $0xb8;
	[tilespmem:$0x1A628] =	vst v63  }
0xe2: {  	s13 =	simm.s32 $0x1C70  }
0xe3: {  	[tilespmem:s13], [sflag:$0x3] =	stream.indirect.gather [spmem:s10], $0x1, s2, s24, $0xb8;
	[tilespmem:$0x1A628] =	vst v63  }
0xe4: {  	s20 =	simm.s32 $0x2440  }
0xe5: {  	[tilespmem:s20], [sflag:$0x3] =	stream.indirect.gather [spmem:s11], $0x1, s2, s24, $0xb8;
	[tilespmem:$0x1A628] =	vst v63  }
0xe6: {  	s13 =	simm.s32 $0x2C10;
	s2 =	simm.s32 $0xCD0  }
0xe7: {  	[tilespmem:s13], [sflag:$0x3] =	stream.indirect.gather [spmem:s9], $0x1, s2, s24, $0xb8;
	[tilespmem:$0x1A628] =	vst v63  }
0xe8: {  	s20 =	simm.s32 $0x33E0  }
0xe9: {  	[tilespmem:s20], [sflag:$0x3] =	stream.indirect.gather [spmem:s10], $0x1, s2, s24, $0xb8;
	[tilespmem:$0x1A628] =	vst v63  }
0xea: {  	s13 =	simm.s32 $0x3BB0  }
0xeb: {  	[tilespmem:s13], [sflag:$0x3] =	stream.indirect.gather [spmem:s11], $0x1, s2, s24, $0xb8;
	[tilespmem:$0x1A628] =	vst v63  }
0xec: {  	s20 =	simm.s32 $0x1520;
	s2 =	simm.s32 $0x580  }
0xed: {  	[tilespmem:s20], [sflag:$0x3] =	stream.indirect.gather [spmem:s9], $0x1, s2, s24, $0xb8;
	[tilespmem:$0x1A628] =	vst v63  }
0xee: {  	s13 =	simm.s32 $0x1CF0  }
0xef: {  	[tilespmem:s13], [sflag:$0x3] =	stream.indirect.gather [spmem:s10], $0x1, s2, s24, $0xb8;
	[tilespmem:$0x1A628] =	vst v63  }
0xf0: {  	s20 =	simm.s32 $0x24C0  }
0xf1: {  	[tilespmem:s20], [sflag:$0x3] =	stream.indirect.gather [spmem:s11], $0x1, s2, s24, $0xb8;
	[tilespmem:$0x1A628] =	vst v63  }
0xf2: {  	s3 =	simm.s32 $0x2C90  }
0xf3: {  	[tilespmem:s3], [sflag:$0x3] =	stream.indirect.gather [spmem:s9], $0x1, s14, s24, $0xb8;
	[tilespmem:$0x1A628] =	vst v63  }
0xf4: {  	s13 =	simm.s32 $0x3460  }
0xf5: {  	[tilespmem:s13], [sflag:$0x3] =	stream.indirect.gather [spmem:s10], $0x1, s14, s24, $0xb8;
	[tilespmem:$0x1A628] =	vst v63  }
0xf6: {  	s20 =	simm.s32 $0x3C30  }
0xf7: {  	[tilespmem:s20], [sflag:$0x3] =	stream.indirect.gather [spmem:s11], $0x1, s14, s24, $0xb8;
	[tilespmem:$0x1A628] =	vst v63  }
0xf8: {  	s3 =	simm.s32 $0x15A0  }
0xf9: {  	[tilespmem:s3], [sflag:$0x3] =	stream.indirect.gather [spmem:s9], $0x1, s15, s24, $0xb8;
	[tilespmem:$0x1A628] =	vst v63  }
0xfa: {  	s13 =	simm.s32 $0x1D70  }
0xfb: {  	[tilespmem:s13], [sflag:$0x3] =	stream.indirect.gather [spmem:s10], $0x1, s15, s24, $0xb8;
	[tilespmem:$0x1A628] =	vst v63  }
0xfc: {  	s20 =	simm.s32 $0x2540  }
0xfd: {  	[tilespmem:s20], [sflag:$0x3] =	stream.indirect.gather [spmem:s11], $0x1, s15, s24, $0xb8;
	[tilespmem:$0x1A628] =	vst v63  }
0xfe: {  	s3 =	simm.s32 $0x2D10  }
0xff: {  	[tilespmem:s3], [sflag:$0x3] =	stream.indirect.gather [spmem:s9], $0x1, s16, s24, $0xb8;
	[tilespmem:$0x1A628] =	vst v63  }
0x100: {  	s13 =	simm.s32 $0x34E0  }
0x101: {  	[tilespmem:s13], [sflag:$0x3] =	stream.indirect.gather [spmem:s10], $0x1, s16, s24, $0xb8;
	[tilespmem:$0x1A628] =	vst v63  }
0x102: {  	s20 =	simm.s32 $0x3CB0  }
0x103: {  	[tilespmem:s20], [sflag:$0x3] =	stream.indirect.gather [spmem:s11], $0x1, s16, s24, $0xb8;
	[tilespmem:$0x1A628] =	vst v63  }
0x104: {  	s3 =	simm.s32 $0x1620  }
0x105: {  	[tilespmem:s3], [sflag:$0x3] =	stream.indirect.gather [spmem:s9], $0x1, s6, s24, $0xb8;
	[tilespmem:$0x1A628] =	vst v63  }
0x106: {  	s13 =	simm.s32 $0x1DF0  }
0x107: {  	[tilespmem:s13], [sflag:$0x3] =	stream.indirect.gather [spmem:s10], $0x1, s6, s24, $0xb8;
	[tilespmem:$0x1A628] =	vst v63  }
0x108: {  	s20 =	simm.s32 $0x25C0  }
0x109: {  	[tilespmem:s20], [sflag:$0x3] =	stream.indirect.gather [spmem:s11], $0x1, s6, s24, $0xb8;
	[tilespmem:$0x1A628] =	vst v63  }
0x10a: {  	s3 =	simm.s32 $0x2D90  }
0x10b: {  	[tilespmem:s3], [sflag:$0x3] =	stream.indirect.gather [spmem:s9], $0x1, s1, s24, $0xb8;
	[tilespmem:$0x1A628] =	vst v63  }
0x10c: {  	s13 =	simm.s32 $0x3560  }
0x10d: {  	[tilespmem:s13], [sflag:$0x3] =	stream.indirect.gather [spmem:s10], $0x1, s1, s24, $0xb8;
	[tilespmem:$0x1A628] =	vst v63  }
0x10e: {  	s20 =	simm.s32 $0x3D30  }
0x10f: {  	[tilespmem:s20], [sflag:$0x3] =	stream.indirect.gather [spmem:s11], $0x1, s1, s24, $0xb8;
	[tilespmem:$0x1A628] =	vst v63  }
0x110: {  	s3 =	simm.s32 $0x16A0  }
0x111: {  	[tilespmem:s3], [sflag:$0x3] =	stream.indirect.gather [spmem:s9], $0x1, s22, s24, $0xb8;
	[tilespmem:$0x1A628] =	vst v63  }
0x112: {  	s13 =	simm.s32 $0x1E70  }
0x113: {  	[tilespmem:s13], [sflag:$0x3] =	stream.indirect.gather [spmem:s10], $0x1, s22, s24, $0xb8;
	[tilespmem:$0x1A628] =	vst v63  }
0x114: {  	s20 =	simm.s32 $0x2640  }
0x115: {  	[tilespmem:s20], [sflag:$0x3] =	stream.indirect.gather [spmem:s11], $0x1, s22, s24, $0xb8;
	[tilespmem:$0x1A628] =	vst v63  }
0x116: {  	s3 =	simm.s32 $0x2E10  }
0x117: {  	[tilespmem:s3], [sflag:$0x3] =	stream.indirect.gather [spmem:s9], $0x1, s5, s24, $0xb8;
	[tilespmem:$0x1A628] =	vst v63  }
0x118: {  	s13 =	simm.s32 $0x35E0  }
0x119: {  	[tilespmem:s13], [sflag:$0x3] =	stream.indirect.gather [spmem:s10], $0x1, s5, s24, $0xb8;
	[tilespmem:$0x1A628] =	vst v63  }
0x11a: {  	s20 =	simm.s32 $0x3DB0  }
0x11b: {  	[tilespmem:s20], [sflag:$0x3] =	stream.indirect.gather [spmem:s11], $0x1, s5, s24, $0xb8;
	[tilespmem:$0x1A628] =	vst v63  }
0x11c: {  	s3 =	simm.s32 $0x1720  }
0x11d: {  	[tilespmem:s3], [sflag:$0x3] =	stream.indirect.gather [spmem:s9], $0x1, s12, s25, $0xb8;
	[tilespmem:$0x1A628] =	vst v63  }
0x11e: {  	s13 =	simm.s32 $0x1EF0  }
0x11f: {  	[tilespmem:s13], [sflag:$0x3] =	stream.indirect.gather [spmem:s10], $0x1, s12, s25, $0xb8;
	[tilespmem:$0x1A628] =	vst v63  }
0x120: {  	s20 =	simm.s32 $0x26C0  }
0x121: {  	[tilespmem:s20], [sflag:$0x3] =	stream.indirect.gather [spmem:s11], $0x1, s12, s25, $0xb8;
	[tilespmem:$0x1A628] =	vst v63  }
0x122: {  	s3 =	simm.s32 $0x2E90  }
0x123: {  	[tilespmem:s3], [sflag:$0x3] =	stream.indirect.gather [spmem:s9], $0x1, s21, s25, $0xb8;
	[tilespmem:$0x1A628] =	vst v63  }
0x124: {  	s13 =	simm.s32 $0x3660  }
0x125: {  	[tilespmem:s13], [sflag:$0x3] =	stream.indirect.gather [spmem:s10], $0x1, s21, s25, $0xb8;
	[tilespmem:$0x1A628] =	vst v63  }
0x126: {  	s20 =	simm.s32 $0x3E30  }
0x127: {  	[tilespmem:s20], [sflag:$0x3] =	stream.indirect.gather [spmem:s11], $0x1, s21, s25, $0xb8;
	[tilespmem:$0x1A628] =	vst v63  }
0x128: {  	_ =	swait.ge [sflag:s19], $0x80  }
0x129: {  	[sflag:s19] =	ssyncset.done $0x0  }
0x12a: {  	[sflag:s19] =	ssyncadd.s32 $0xFFFFFF80  }
0x12b: {  	_ =	swait.ge [sflag:s19], $0x80  }
0x12c: {  	[sflag:s19] =	ssyncset.done $0x0  }
0x12d: {  	[sflag:s19] =	ssyncadd.s32 $0xFFFFFF80  }
0x12e: {  	_ =	swait.ge [sflag:s19], $0x80  }
0x12f: {  	[sflag:s19] =	ssyncset.done $0x0  }
0x130: {  	[sflag:s19] =	ssyncadd.s32 $0xFFFFFF80  }
0x131: {  	_ =	swait.ge [sflag:s19], $0x80  }
0x132: {  	[sflag:s19] =	ssyncset.done $0x0  }
0x133: {  	[sflag:s19] =	ssyncadd.s32 $0xFFFFFF80  }
0x134: {  	_ =	swait.ge [sflag:s19], $0x80  }
0x135: {  	[sflag:s19] =	ssyncset.done $0x0  }
0x136: {  	[sflag:s19] =	ssyncadd.s32 $0xFFFFFF80  }
0x137: {  	_ =	swait.ge [sflag:s19], $0x80  }
0x138: {  	[sflag:s19] =	ssyncset.done $0x0  }
0x139: {  	[sflag:s19] =	ssyncadd.s32 $0xFFFFFF80  }
0x13a: {  	_ =	swait.ge [sflag:s19], $0x80  }
0x13b: {  	[sflag:s19] =	ssyncset.done $0x0  }
0x13c: {  	[sflag:s19] =	ssyncadd.s32 $0xFFFFFF80  }
0x13d: {  	_ =	swait.ge [sflag:s19], $0x80  }
0x13e: {  	[sflag:s19] =	ssyncset.done $0x0  }
0x13f: {  	[sflag:s19] =	ssyncadd.s32 $0xFFFFFF80  }
0x140: {  	_ =	swait.ge [sflag:s19], $0x80  }
0x141: {  	[sflag:s19] =	ssyncset.done $0x0  }
0x142: {  	[sflag:s19] =	ssyncadd.s32 $0xFFFFFF80  }
0x143: {  	_ =	swait.ge [sflag:s19], $0x80  }
0x144: {  	[sflag:s19] =	ssyncset.done $0x0  }
0x145: {  	[sflag:s19] =	ssyncadd.s32 $0xFFFFFF80  }
0x146: {  	_ =	swait.ge [sflag:s19], $0x80  }
0x147: {  	[sflag:s19] =	ssyncset.done $0x0  }
0x148: {  	[sflag:s19] =	ssyncadd.s32 $0xFFFFFF80  }
0x149: {  	_ =	swait.ge [sflag:s19], $0x80  }
0x14a: {  	[sflag:s19] =	ssyncset.done $0x0  }
0x14b: {  	[sflag:s19] =	ssyncadd.s32 $0xFFFFFF80  }
0x14c: {  	_ =	swait.ge [sflag:s19], $0x80  }
0x14d: {  	[sflag:s19] =	ssyncset.done $0x0  }
0x14e: {  	[sflag:s19] =	ssyncadd.s32 $0xFFFFFF80  }
0x14f: {  	_ =	swait.ge [sflag:s19], $0x80  }
0x150: {  	[sflag:s19] =	ssyncset.done $0x0  }
0x151: {  	[sflag:s19] =	ssyncadd.s32 $0xFFFFFF80  }
0x152: {  	_ =	swait.ge [sflag:s19], $0x80  }
0x153: {  	[sflag:s19] =	ssyncset.done $0x0  }
0x154: {  	[sflag:s19] =	ssyncadd.s32 $0xFFFFFF80  }
0x155: {  	_ =	swait.ge [sflag:s19], $0x80  }
0x156: {  	[sflag:s19] =	ssyncset.done $0x0  }
0x157: {  	[sflag:s19] =	ssyncadd.s32 $0xFFFFFF80  }
0x158: {  	_ =	swait.ge [sflag:s19], $0x80  }
0x159: {  	[sflag:s19] =	ssyncset.done $0x0  }
0x15a: {  	[sflag:s19] =	ssyncadd.s32 $0xFFFFFF80  }
0x15b: {  	_ =	swait.ge [sflag:s19], $0x80  }
0x15c: {  	[sflag:s19] =	ssyncset.done $0x0  }
0x15d: {  	[sflag:s19] =	ssyncadd.s32 $0xFFFFFF80  }
0x15e: {  	_ =	swait.ge [sflag:s19], $0x80  }
0x15f: {  	[sflag:s19] =	ssyncset.done $0x0  }
0x160: {  	[sflag:s19] =	ssyncadd.s32 $0xFFFFFF80  }
0x161: {  	_ =	swait.ge [sflag:s19], $0x80  }
0x162: {  	[sflag:s19] =	ssyncset.done $0x0  }
0x163: {  	[sflag:s19] =	ssyncadd.s32 $0xFFFFFF80  }
0x164: {  	_ =	swait.ge [sflag:s19], $0x80  }
0x165: {  	[sflag:s19] =	ssyncset.done $0x0  }
0x166: {  	[sflag:s19] =	ssyncadd.s32 $0xFFFFFF80  }
0x167: {  	_ =	swait.ge [sflag:s19], $0x80  }
0x168: {  	[sflag:s19] =	ssyncset.done $0x0  }
0x169: {  	[sflag:s19] =	ssyncadd.s32 $0xFFFFFF80  }
0x16a: {  	_ =	swait.ge [sflag:s19], $0x80  }
0x16b: {  	[sflag:s19] =	ssyncset.done $0x0  }
0x16c: {  	[sflag:s19] =	ssyncadd.s32 $0xFFFFFF80  }
0x16d: {  	_ =	swait.ge [sflag:s19], $0x80  }
0x16e: {  	[sflag:s19] =	ssyncset.done $0x0  }
0x16f: {  	[sflag:s19] =	ssyncadd.s32 $0xFFFFFF80  }
0x170: {  	_ =	swait.ge [sflag:s19], $0x80  }
0x171: {  	[sflag:s19] =	ssyncset.done $0x0  }
0x172: {  	[sflag:s19] =	ssyncadd.s32 $0xFFFFFF80  }
0x173: {  	_ =	swait.ge [sflag:s19], $0x80  }
0x174: {  	[sflag:s19] =	ssyncset.done $0x0  }
0x175: {  	[sflag:s19] =	ssyncadd.s32 $0xFFFFFF80  }
0x176: {  	_ =	swait.ge [sflag:s19], $0x80  }
0x177: {  	[sflag:s19] =	ssyncset.done $0x0  }
0x178: {  	[sflag:s19] =	ssyncadd.s32 $0xFFFFFF80  }
0x179: {  	_ =	swait.ge [sflag:s19], $0x80  }
0x17a: {  	[sflag:s19] =	ssyncset.done $0x0  }
0x17b: {  	[sflag:s19] =	ssyncadd.s32 $0xFFFFFF80  }
0x17c: {  	_ =	swait.ge [sflag:s19], $0x80  }
0x17d: {  	[sflag:s19] =	ssyncset.done $0x0  }
0x17e: {  	[sflag:s19] =	ssyncadd.s32 $0xFFFFFF80  }
0x17f: {  	_ =	swait.ge [sflag:s19], $0x80  }
0x180: {  	[sflag:s19] =	ssyncset.done $0x0  }
0x181: {  	[sflag:s19] =	ssyncadd.s32 $0xFFFFFF80  }
0x182: {  	_ =	swait.ge [sflag:s19], $0x80  }
0x183: {  	[sflag:s19] =	ssyncset.done $0x0  }
0x184: {  	[sflag:s19] =	ssyncadd.s32 $0xFFFFFF80  }
0x185: {  	_ =	swait.ge [sflag:s19], $0x80  }
0x186: {  	[sflag:s19] =	ssyncset.done $0x0  }
0x187: {  	[sflag:s19] =	ssyncadd.s32 $0xFFFFFF80  }
0x188: {  	_ =	swait.ge [sflag:s19], $0x80  }
0x189: {  	[sflag:s19] =	ssyncset.done $0x0  }
0x18a: {  	[sflag:s19] =	ssyncadd.s32 $0xFFFFFF80  }
0x18b: {  	_ =	swait.ge [sflag:s19], $0x80  }
0x18c: {  	[sflag:s19] =	ssyncset.done $0x0  }
0x18d: {  	[sflag:s19] =	ssyncadd.s32 $0xFFFFFF80  }
0x18e: {  	_ =	swait.ge [sflag:s19], $0x80  }
0x18f: {  	[sflag:s19] =	ssyncset.done $0x0  }
0x190: {  	[sflag:s19] =	ssyncadd.s32 $0xFFFFFF80  }
0x191: {  	_ =	swait.ge [sflag:s19], $0x80  }
0x192: {  	[sflag:s19] =	ssyncset.done $0x0  }
0x193: {  	[sflag:s19] =	ssyncadd.s32 $0xFFFFFF80  }
0x194: {  	_ =	swait.ge [sflag:s19], $0x80  }
0x195: {  	[sflag:s19] =	ssyncset.done $0x0  }
0x196: {  	[sflag:s19] =	ssyncadd.s32 $0xFFFFFF80  }
0x197: {  	_ =	swait.ge [sflag:s19], $0x80  }
0x198: {  	[sflag:s19] =	ssyncset.done $0x0  }
0x199: {  	[sflag:s19] =	ssyncadd.s32 $0xFFFFFF80  }
0x19a: {  	_ =	swait.ge [sflag:s19], $0x80  }
0x19b: {  	[sflag:s19] =	ssyncset.done $0x0  }
0x19c: {  	[sflag:s19] =	ssyncadd.s32 $0xFFFFFF80  }
0x19d: {  	_ =	swait.ge [sflag:s19], $0x80  }
0x19e: {  	[sflag:s19] =	ssyncset.done $0x0  }
0x19f: {  	[sflag:s19] =	ssyncadd.s32 $0xFFFFFF80  }
0x1a0: {  	_ =	swait.ge [sflag:s19], $0x80  }
0x1a1: {  	[sflag:s19] =	ssyncset.done $0x0  }
0x1a2: {  	[sflag:s19] =	ssyncadd.s32 $0xFFFFFF80  }
0x1a3: {  	_ =	swait.ge [sflag:s19], $0x80  }
0x1a4: {  	[sflag:s19] =	ssyncset.done $0x0  }
0x1a5: {  	s2 =	simm.s32 $0x0;
	[sflag:s19] =	ssyncadd.s32 $0xFFFFFF80  }
0x1a6: {  	v0 =	vld [tilespmem:s2+$0x55F0];
	_ =	sdelay $0x4  }
0x1a7: {  	v4 =	vld [tilespmem:s2+$0x3E80];
	v3 =	vmul.u32 $0x9, v0  }
0x1a8: {  	v5 =	vld [tilespmem:s2+$0x4650]  }
0x1a9: {  	v7 =	vld [tilespmem:s2+$0x4E20];
	v6 =	vadd.s32 $0x2, v3  }
0x1aa: {  	v1 =	vld [tilespmem:s2+$0x2EE0];
	v8 =	vadd.s32 $0x5, v3  }
0x1ab: {  	v2 =	vld [tilespmem:s2+$0x2710];
	v9 =	vadd.s32 $0x8, v3  }
0x1ac: {  	v0 =	vld [tilespmem:s2+$0xFA0];
	v10 =	vadd.s32 $0x1, v3  }
0x1ad: {  	v11 =	vadd.s32 $0x3, v3;
	v13 =	vld.idx.msk [tilespmem:v3+s30+$0x0], $0xffff  }
0x1ae: {  	v12 =	vadd.s32 $0x4, v3;
	v6 =	vld.idx.msk [tilespmem:v6+s30+$0x0], $0xffff  }
0x1af: {  	v14 =	vadd.s32 $0x6, v3;
	v8 =	vld.idx.msk [tilespmem:v8+s30+$0x0], $0xffff  }
0x1b0: {  	v3 =	vadd.s32 $0x7, v3;
	v9 =	vld.idx.msk [tilespmem:v9+s30+$0x0], $0xffff  }
0x1b1: {  	v10 =	vld.idx.msk [tilespmem:v10+s30+$0x0], $0xffff  }
0x1b2: {  	v11 =	vld.idx.msk [tilespmem:v11+s30+$0x0], $0xffff  }
0x1b3: {  	v12 =	vld.idx.msk [tilespmem:v12+s30+$0x0], $0xffff  }
0x1b4: {  	v4 =	vcvt.s32.f32 v4;
	v5 =	vcvt.s32.f32 v5;
	v14 =	vld.idx.msk [tilespmem:v14+s30+$0x0], $0xffff  }
0x1b5: {  	v15 =	vcvt.s32.f32 v7;
	v16 =	vld.idx.msk [tilespmem:v3+s30+$0x0], $0xffff  }
0x1b6: {  	v3 =	vmul.f32 v4, v6;
	v7 =	vmul.f32 v5, v8;
	v8 =	vld [tilespmem:s2+$0x36B0]  }
0x1b7: {  	s3 =	simm.s32 $0x10;
	v13 =	vmul.f32 v4, v13;
	v6 =	vld [tilespmem:s2+$0x1F40]  }
0x1b8: {  	v9 =	vmul.f32 v15, v9;
	v11 =	vmul.f32 v5, v11;
	v17 =	vadd.f32 v7, v3;
	v7 =	vld [tilespmem:s3+$0x55F0]  }
0x1b9: {  	v10 =	vmul.f32 v4, v10;
	v12 =	vmul.f32 v5, v12;
	v4 =	vld [tilespmem:s3+$0x4650]  }
0x1ba: {  	v14 =	vmul.f32 v15, v14;
	v5 =	vld [tilespmem:s3+$0x4E20];
	v13 =	vadd.f32 v11, v13;
	v17 =	vadd.f32 v9, v17  }
0x1bb: {  	v3 =	vld [tilespmem:s3+$0x3E80];
	v9 =	vadd.f32 v12, v10;
	v11 =	vmul.f32 v15, v16  }
0x1bc: {  	s13 =	simm.s32 $0x80;
	v12 =	vadd.f32 v14, v13;
	v10 =	vadd.f32 v17, v8;
	v8 =	vld [tilespmem:s2+$0x1770]  }
.LBB2_3:
0x1bd: {  	p2 =	sne.s32 s13, $0xDC0;
	v7 =	vmul.u32 $0x9, v7;
	v9 =	vadd.f32 v11, v9;
	s20 =	smov.u32 s13;
	s13 =	sadd.s32 $0x40, s13  }
0x1be: {  	v6 =	vsub.f32 v10, v6;
	v2 =	vadd.f32 v12, v2  }
0x1bf: {  	v10 =	vadd.s32 $0x1, v7;
	v11 =	vadd.s32 $0x2, v7;
	v1 =	vadd.f32 v9, v1  }
0x1c0: {  	v9 =	vadd.s32 $0x3, v7;
	v12 =	vadd.s32 $0x4, v7;
	v2 =	vsub.f32 v2, v0;
	[tilespmem:s2+$0x71E0] =	vst v6  }
0x1c1: {  	v13 =	vadd.s32 $0x8, v7;
	v6 =	vadd.s32 $0x5, v7;
	v0 =	vld [tilespmem:s3+$0xFA0];
	v8 =	vsub.f32 v1, v8  }
0x1c2: {  	v14 =	vadd.s32 $0x6, v7;
	v15 =	vadd.s32 $0x7, v7;
	v1 =	vld [tilespmem:s3+$0x2EE0];
	[tilespmem:s2+$0x6240] =	vst v2  }
0x1c3: {  	v2 =	vld [tilespmem:s3+$0x2710];
	[tilespmem:s2+$0x6A10] =	vst v8;
	s2 =	smov.u32 s3  }
0x1c4: {  	v8 =	vld.idx.msk [tilespmem:v11+s30+$0x0], $0xffff  }
0x1c5: {  	v11 =	vld.idx.msk [tilespmem:v7+s30+$0x0], $0xffff  }
0x1c6: {  	v6 =	vld.idx.msk [tilespmem:v6+s30+$0x0], $0xffff  }
0x1c7: {  	v7 =	vld.idx.msk [tilespmem:v13+s30+$0x0], $0xffff  }
0x1c8: {  	v10 =	vld.idx.msk [tilespmem:v10+s30+$0x0], $0xffff  }
0x1c9: {  	v9 =	vld.idx.msk [tilespmem:v9+s30+$0x0], $0xffff  }
0x1ca: {  	v4 =	vcvt.s32.f32 v4;
	v13 =	vcvt.s32.f32 v3;
	v12 =	vld.idx.msk [tilespmem:v12+s30+$0x0], $0xffff  }
0x1cb: {  	v16 =	vcvt.s32.f32 v5;
	v5 =	vld.idx.msk [tilespmem:v14+s30+$0x0], $0xffff  }
0x1cc: {  	v3 =	vmul.f32 v13, v8;
	v8 =	vmul.f32 v4, v6;
	v14 =	vld.idx.msk [tilespmem:v15+s30+$0x0], $0xffff  }
0x1cd: {  	v15 =	vld [tilespmem:s2+$0x36B0]  }
0x1ce: {  	s3 =	sshra.s32 s20, $0x2;
	v17 =	vmul.f32 v16, v7;
	v8 =	vadd.f32 v8, v3;
	v6 =	vld [tilespmem:s2+$0x1F40]  }
.Ltmp2:
0x1cf: {  	v11 =	vmul.f32 v13, v11;
	v9 =	vmul.f32 v4, v9;
	v7 =	vld [tilespmem:s3+$0x55F0];
	(pc) =	sbr.rel @p2 .LBB2_3-.Ltmp2, $4  }
0x1d0: {  	v10 =	vmul.f32 v13, v10;
	v12 =	vmul.f32 v4, v12;
	v8 =	vadd.f32 v17, v8;
	v3 =	vld [tilespmem:s3+$0x3E80]  }
0x1d1: {  	v13 =	vadd.f32 v9, v11;
	v17 =	vmul.f32 v16, v5;
	v4 =	vld [tilespmem:s3+$0x4650]  }
0x1d2: {  	v9 =	vadd.f32 v12, v10;
	v11 =	vmul.f32 v16, v14;
	v5 =	vld [tilespmem:s3+$0x4E20];
	v10 =	vadd.f32 v8, v15  }
0x1d3: {  	v12 =	vadd.f32 v17, v13;
	v8 =	vld [tilespmem:s2+$0x1770]  }
0x1d4: {  	v6 =	vsub.f32 v10, v6;
	v7 =	vmul.u32 $0x9, v7;
	v9 =	vadd.f32 v11, v9  }
0x1d5: {  	v2 =	vadd.f32 v12, v2  }
0x1d6: {  	[tilespmem:s2+$0x71E0] =	vst v6;
	v6 =	vadd.s32 $0x2, v7;
	v1 =	vadd.f32 v9, v1  }
0x1d7: {  	v0 =	vsub.f32 v2, v0  }
0x1d8: {  	v10 =	vadd.s32 $0x5, v7;
	v2 =	vld [tilespmem:s3+$0xFA0];
	v1 =	vsub.f32 v1, v8  }
0x1d9: {  	v11 =	vadd.s32 $0x1, v7;
	v9 =	vld [tilespmem:s3+$0x2EE0];
	[tilespmem:s2+$0x6240] =	vst v0  }
0x1da: {  	v12 =	vadd.s32 $0x4, v7;
	v8 =	vld [tilespmem:s3+$0x2710];
	[tilespmem:s2+$0x6A10] =	vst v1  }
0x1db: {  	v1 =	vadd.s32 $0x3, v7;
	v6 =	vld.idx.msk [tilespmem:v6+s30+$0x0], $0xffff  }
0x1dc: {  	v0 =	vadd.s32 $0x8, v7;
	v13 =	vld.idx.msk [tilespmem:v7+s30+$0x0], $0xffff  }
0x1dd: {  	v14 =	vadd.s32 $0x6, v7;
	v10 =	vld.idx.msk [tilespmem:v10+s30+$0x0], $0xffff  }
0x1de: {  	v7 =	vadd.s32 $0x7, v7;
	v11 =	vld.idx.msk [tilespmem:v11+s30+$0x0], $0xffff  }
0x1df: {  	v12 =	vld.idx.msk [tilespmem:v12+s30+$0x0], $0xffff  }
0x1e0: {  	v1 =	vld.idx.msk [tilespmem:v1+s30+$0x0], $0xffff  }
0x1e1: {  	v3 =	vcvt.s32.f32 v3;
	v0 =	vld.idx.msk [tilespmem:v0+s30+$0x0], $0xffff  }
0x1e2: {  	v4 =	vcvt.s32.f32 v4;
	v14 =	vld.idx.msk [tilespmem:v14+s30+$0x0], $0xffff  }
0x1e3: {  	v5 =	vcvt.s32.f32 v5;
	v7 =	vld.idx.msk [tilespmem:v7+s30+$0x0], $0xffff;
	v6 =	vmul.f32 v3, v6  }
0x1e4: {  	v10 =	vmul.f32 v4, v10;
	v13 =	vmul.f32 v3, v13  }
0x1e5: {  	v15 =	vld [tilespmem:s3+$0x36B0];
	v3 =	vmul.f32 v3, v11;
	v1 =	vmul.f32 v4, v1  }
0x1e6: {  	v6 =	vadd.f32 v10, v6;
	v0 =	vmul.f32 v5, v0;
	v4 =	vmul.f32 v4, v12  }
0x1e7: {  	v11 =	vmul.f32 v5, v14;
	v10 =	vld [tilespmem:s3+$0x1F40];
	v1 =	vadd.f32 v1, v13  }
0x1e8: {  	v0 =	vadd.f32 v0, v6;
	v3 =	vadd.f32 v4, v3;
	v4 =	vmul.f32 v5, v7  }
0x1e9: {  	v5 =	vld [tilespmem:s3+$0x1770];
	v1 =	vadd.f32 v11, v1  }
0x1ea: {  	v0 =	vadd.f32 v0, v15;
	v3 =	vadd.f32 v4, v3  }
0x1eb: {  	v1 =	vadd.f32 v1, v8  }
0x1ec: {  	v0 =	vsub.f32 v0, v10;
	v3 =	vadd.f32 v3, v9  }
0x1ed: {  	v1 =	vsub.f32 v1, v2  }
0x1ee: {  	[tilespmem:s3+$0x71E0] =	vst v0;
	v0 =	vsub.f32 v3, v5  }
0x1ef: {  	[tilespmem:s3+$0x6240] =	vst v1  }
0x1f0: {  	[tilespmem:s3+$0x6A10] =	vst v0  }
0x1f1: {  	_ =	swait.ge [sflag:s28], $0x80  }
0x1f2: {  	[sflag:s28] =	ssyncset.done $0x0  }
0x1f3: {  	[sflag:s28] =	ssyncadd.s32 $0xFFFFFF80  }
0x1f4: {  	_ =	swait.ge [sflag:s28], $0x80  }
0x1f5: {  	[sflag:s28] =	ssyncset.done $0x0  }
0x1f6: {  	[sflag:s28] =	ssyncadd.s32 $0xFFFFFF80  }
0x1f7: {  	_ =	swait.ge [sflag:s28], $0x80  }
0x1f8: {  	[sflag:s28] =	ssyncset.done $0x0  }
0x1f9: {  	[sflag:s28] =	ssyncadd.s32 $0xFFFFFF80  }
0x1fa: {  	_ =	swait.ge [sflag:s28], $0x80  }
0x1fb: {  	[sflag:s28] =	ssyncset.done $0x0  }
0x1fc: {  	[sflag:s28] =	ssyncadd.s32 $0xFFFFFF80  }
0x1fd: {  	_ =	swait.ge [sflag:s28], $0x80  }
0x1fe: {  	[sflag:s28] =	ssyncset.done $0x0  }
0x1ff: {  	[sflag:s28] =	ssyncadd.s32 $0xFFFFFF80  }
0x200: {  	_ =	swait.ge [sflag:s28], $0x80  }
0x201: {  	[sflag:s28] =	ssyncset.done $0x0  }
0x202: {  	[sflag:s28] =	ssyncadd.s32 $0xFFFFFF80  }
0x203: {  	_ =	swait.ge [sflag:s28], $0x80  }
0x204: {  	[sflag:s28] =	ssyncset.done $0x0  }
0x205: {  	[sflag:s28] =	ssyncadd.s32 $0xFFFFFF80  }
0x206: {  	_ =	swait.ge [sflag:s28], $0x80  }
0x207: {  	[sflag:s28] =	ssyncset.done $0x0  }
0x208: {  	[sflag:s28] =	ssyncadd.s32 $0xFFFFFF80  }
0x209: {  	_ =	swait.ge [sflag:s28], $0x80  }
0x20a: {  	[sflag:s28] =	ssyncset.done $0x0  }
0x20b: {  	[sflag:s28] =	ssyncadd.s32 $0xFFFFFF80  }
0x20c: {  	_ =	swait.ge [sflag:s28], $0x80  }
0x20d: {  	[sflag:s28] =	ssyncset.done $0x0  }
0x20e: {  	[sflag:s28] =	ssyncadd.s32 $0xFFFFFF80  }
0x20f: {  	_ =	swait.ge [sflag:s28], $0x80  }
0x210: {  	[sflag:s28] =	ssyncset.done $0x0  }
0x211: {  	[sflag:s28] =	ssyncadd.s32 $0xFFFFFF80  }
0x212: {  	_ =	swait.ge [sflag:s28], $0x80  }
0x213: {  	[sflag:s28] =	ssyncset.done $0x0  }
0x214: {  	[sflag:s28] =	ssyncadd.s32 $0xFFFFFF80  }
0x215: {  	_ =	swait.ge [sflag:s28], $0x80  }
0x216: {  	[sflag:s28] =	ssyncset.done $0x0  }
0x217: {  	[sflag:s28] =	ssyncadd.s32 $0xFFFFFF80  }
0x218: {  	_ =	swait.ge [sflag:s28], $0x80  }
0x219: {  	[sflag:s28] =	ssyncset.done $0x0  }
0x21a: {  	[sflag:s28] =	ssyncadd.s32 $0xFFFFFF80  }
0x21b: {  	_ =	swait.ge [sflag:s28], $0x80  }
0x21c: {  	[sflag:s28] =	ssyncset.done $0x0  }
0x21d: {  	[sflag:s28] =	ssyncadd.s32 $0xFFFFFF80  }
0x21e: {  	_ =	swait.ge [sflag:s28], $0x80  }
0x21f: {  	[sflag:s28] =	ssyncset.done $0x0  }
0x220: {  	[sflag:s28] =	ssyncadd.s32 $0xFFFFFF80  }
0x221: {  	_ =	swait.ge [sflag:s28], $0x80  }
0x222: {  	[sflag:s28] =	ssyncset.done $0x0  }
0x223: {  	[sflag:s28] =	ssyncadd.s32 $0xFFFFFF80  }
0x224: {  	_ =	swait.ge [sflag:s28], $0x80  }
0x225: {  	[sflag:s28] =	ssyncset.done $0x0  }
0x226: {  	[sflag:s28] =	ssyncadd.s32 $0xFFFFFF80  }
0x227: {  	_ =	swait.ge [sflag:s28], $0x80  }
0x228: {  	[sflag:s28] =	ssyncset.done $0x0  }
0x229: {  	[sflag:s28] =	ssyncadd.s32 $0xFFFFFF80  }
0x22a: {  	_ =	swait.ge [sflag:s28], $0x80  }
0x22b: {  	[sflag:s28] =	ssyncset.done $0x0  }
0x22c: {  	[sflag:s28] =	ssyncadd.s32 $0xFFFFFF80  }
0x22d: {  	_ =	swait.ge [sflag:s28], $0x80  }
0x22e: {  	[sflag:s28] =	ssyncset.done $0x0  }
0x22f: {  	[sflag:s28] =	ssyncadd.s32 $0xFFFFFF80  }
0x230: {  	_ =	swait.ge [sflag:s28], $0x80  }
0x231: {  	[sflag:s28] =	ssyncset.done $0x0  }
0x232: {  	[sflag:s28] =	ssyncadd.s32 $0xFFFFFF80  }
0x233: {  	_ =	swait.ge [sflag:s28], $0x80  }
0x234: {  	[sflag:s28] =	ssyncset.done $0x0  }
0x235: {  	[sflag:s28] =	ssyncadd.s32 $0xFFFFFF80  }
0x236: {  	_ =	swait.ge [sflag:s28], $0x80  }
0x237: {  	[sflag:s28] =	ssyncset.done $0x0  }
0x238: {  	[sflag:s28] =	ssyncadd.s32 $0xFFFFFF80  }
0x239: {  	_ =	swait.ge [sflag:s28], $0x80  }
0x23a: {  	[sflag:s28] =	ssyncset.done $0x0  }
0x23b: {  	[sflag:s28] =	ssyncadd.s32 $0xFFFFFF80  }
0x23c: {  	_ =	swait.ge [sflag:s28], $0x80  }
0x23d: {  	[sflag:s28] =	ssyncset.done $0x0  }
0x23e: {  	[sflag:s28] =	ssyncadd.s32 $0xFFFFFF80  }
0x23f: {  	_ =	swait.ge [sflag:s28], $0x80  }
0x240: {  	[sflag:s28] =	ssyncset.done $0x0  }
0x241: {  	[sflag:s28] =	ssyncadd.s32 $0xFFFFFF80  }
0x242: {  	_ =	swait.ge [sflag:s28], $0x80  }
0x243: {  	[sflag:s28] =	ssyncset.done $0x0  }
0x244: {  	[sflag:s28] =	ssyncadd.s32 $0xFFFFFF80  }
0x245: {  	_ =	swait.ge [sflag:s28], $0x80  }
0x246: {  	[sflag:s28] =	ssyncset.done $0x0  }
0x247: {  	[sflag:s28] =	ssyncadd.s32 $0xFFFFFF80  }
0x248: {  	_ =	swait.ge [sflag:s28], $0x80  }
0x249: {  	[sflag:s28] =	ssyncset.done $0x0  }
0x24a: {  	[sflag:s28] =	ssyncadd.s32 $0xFFFFFF80  }
0x24b: {  	_ =	swait.ge [sflag:s28], $0x80  }
0x24c: {  	[sflag:s28] =	ssyncset.done $0x0  }
0x24d: {  	[sflag:s28] =	ssyncadd.s32 $0xFFFFFF80  }
0x24e: {  	_ =	swait.ge [sflag:s28], $0x80  }
0x24f: {  	[sflag:s28] =	ssyncset.done $0x0  }
0x250: {  	[sflag:s28] =	ssyncadd.s32 $0xFFFFFF80  }
0x251: {  	_ =	swait.ge [sflag:s28], $0x80  }
0x252: {  	[sflag:s28] =	ssyncset.done $0x0  }
0x253: {  	[sflag:s28] =	ssyncadd.s32 $0xFFFFFF80  }
0x254: {  	_ =	swait.ge [sflag:s28], $0x80  }
0x255: {  	[sflag:s28] =	ssyncset.done $0x0  }
0x256: {  	[sflag:s28] =	ssyncadd.s32 $0xFFFFFF80  }
0x257: {  	_ =	swait.ge [sflag:s28], $0x80  }
0x258: {  	[sflag:s28] =	ssyncset.done $0x0  }
0x259: {  	[sflag:s28] =	ssyncadd.s32 $0xFFFFFF80  }
0x25a: {  	_ =	swait.ge [sflag:s28], $0x80  }
0x25b: {  	[sflag:s28] =	ssyncset.done $0x0  }
0x25c: {  	[sflag:s28] =	ssyncadd.s32 $0xFFFFFF80  }
0x25d: {  	_ =	swait.ge [sflag:s28], $0x80  }
0x25e: {  	[sflag:s28] =	ssyncset.done $0x0  }
0x25f: {  	[sflag:s28] =	ssyncadd.s32 $0xFFFFFF80  }
0x260: {  	_ =	swait.ge [sflag:s28], $0x80  }
0x261: {  	[sflag:s28] =	ssyncset.done $0x0  }
0x262: {  	[sflag:s28] =	ssyncadd.s32 $0xFFFFFF80  }
0x263: {  	_ =	swait.ge [sflag:s28], $0x80  }
0x264: {  	[sflag:s28] =	ssyncset.done $0x0  }
0x265: {  	[sflag:s28] =	ssyncadd.s32 $0xFFFFFF80  }
0x266: {  	_ =	swait.ge [sflag:s28], $0x80  }
0x267: {  	[sflag:s28] =	ssyncset.done $0x0  }
0x268: {  	[sflag:s28] =	ssyncadd.s32 $0xFFFFFF80  }
0x269: {  	_ =	swait.ge [sflag:s28], $0x80  }
0x26a: {  	[sflag:s28] =	ssyncset.done $0x0  }
0x26b: {  	[sflag:s28] =	ssyncadd.s32 $0xFFFFFF80  }
0x26c: {  	_ =	swait.ge [sflag:s28], $0x80  }
0x26d: {  	[sflag:s28] =	ssyncset.done $0x0  }
0x26e: {  	[sflag:s28] =	ssyncadd.s32 $0xFFFFFF80  }
0x26f: {  	_ =	swait.ge [sflag:s28], $0x80  }
0x270: {  	[sflag:s28] =	ssyncset.done $0x0  }
0x271: {  	[sflag:s28] =	ssyncadd.s32 $0xFFFFFF80  }
0x272: {  	_ =	swait.ge [sflag:s28], $0x80  }
0x273: {  	[sflag:s28] =	ssyncset.done $0x0  }
0x274: {  	[sflag:s28] =	ssyncadd.s32 $0xFFFFFF80  }
0x275: {  	_ =	swait.ge [sflag:s28], $0x80  }
0x276: {  	[sflag:s28] =	ssyncset.done $0x0  }
0x277: {  	[sflag:s28] =	ssyncadd.s32 $0xFFFFFF80  }
0x278: {  	_ =	swait.ge [sflag:s28], $0x80  }
0x279: {  	[sflag:s28] =	ssyncset.done $0x0  }
0x27a: {  	[sflag:s28] =	ssyncadd.s32 $0xFFFFFF80  }
0x27b: {  	_ =	swait.ge [sflag:s28], $0x80  }
0x27c: {  	[sflag:s28] =	ssyncset.done $0x0  }
0x27d: {  	[sflag:s28] =	ssyncadd.s32 $0xFFFFFF80  }
0x27e: {  	_ =	swait.ge [sflag:s28], $0x80  }
0x27f: {  	[sflag:s28] =	ssyncset.done $0x0  }
0x280: {  	[sflag:s28] =	ssyncadd.s32 $0xFFFFFF80  }
0x281: {  	_ =	swait.ge [sflag:s28], $0x50  }
0x282: {  	[sflag:s28] =	ssyncset.done $0x0  }
0x283: {  	[sflag:s28] =	ssyncadd.s32 $0xFFFFFFB0  }
0x284: {  	_ =	swait.ge [sflag:s28], $0x50  }
0x285: {  	[sflag:s28] =	ssyncset.done $0x0  }
0x286: {  	[sflag:s28] =	ssyncadd.s32 $0xFFFFFFB0  }
0x287: {  	_ =	swait.ge [sflag:s28], $0x50  }
0x288: {  	[sflag:s28] =	ssyncset.done $0x0  }
0x289: {  	[sflag:s28] =	ssyncadd.s32 $0xFFFFFFB0  }
0x28a: {  	_ =	swait.ge [sflag:s28], $0x50  }
0x28b: {  	[sflag:s28] =	ssyncset.done $0x0  }
0x28c: {  	[sflag:s28] =	ssyncadd.s32 $0xFFFFFFB0  }
0x28d: {  	_ =	swait.ge [sflag:s28], $0x50  }
0x28e: {  	[sflag:s28] =	ssyncset.done $0x0  }
0x28f: {  	[sflag:s28] =	ssyncadd.s32 $0xFFFFFFB0  }
0x290: {  	_ =	swait.ge [sflag:s28], $0x50  }
0x291: {  	[sflag:s28] =	ssyncset.done $0x0  }
0x292: {  	s2 =	simm.s32 $0x380;
	[sflag:s28] =	ssyncadd.s32 $0xFFFFFFB0  }
0x293: {  	v0 =	vld [tilespmem:s2+$0x55F0];
	_ =	sdelay $0x4  }
0x294: {  	v4 =	vld [tilespmem:s2+$0x3E80];
	v3 =	vmul.u32 $0x9, v0  }
0x295: {  	v5 =	vld [tilespmem:s2+$0x4650]  }
0x296: {  	v7 =	vld [tilespmem:s2+$0x4E20];
	v6 =	vadd.s32 $0x2, v3  }
0x297: {  	v1 =	vld [tilespmem:s2+$0x2EE0];
	v8 =	vadd.s32 $0x5, v3  }
0x298: {  	v2 =	vld [tilespmem:s2+$0x2710];
	v9 =	vadd.s32 $0x8, v3  }
0x299: {  	v0 =	vld [tilespmem:s2+$0xFA0];
	v10 =	vadd.s32 $0x1, v3  }
0x29a: {  	v11 =	vadd.s32 $0x3, v3;
	v13 =	vld.idx.msk [tilespmem:v3+s30+$0x0], $0xffff  }
0x29b: {  	v12 =	vadd.s32 $0x4, v3;
	v6 =	vld.idx.msk [tilespmem:v6+s30+$0x0], $0xffff  }
0x29c: {  	v14 =	vadd.s32 $0x6, v3;
	v8 =	vld.idx.msk [tilespmem:v8+s30+$0x0], $0xffff  }
0x29d: {  	v3 =	vadd.s32 $0x7, v3;
	v9 =	vld.idx.msk [tilespmem:v9+s30+$0x0], $0xffff  }
0x29e: {  	v10 =	vld.idx.msk [tilespmem:v10+s30+$0x0], $0xffff  }
0x29f: {  	v11 =	vld.idx.msk [tilespmem:v11+s30+$0x0], $0xffff  }
0x2a0: {  	v12 =	vld.idx.msk [tilespmem:v12+s30+$0x0], $0xffff  }
0x2a1: {  	v4 =	vcvt.s32.f32 v4;
	v5 =	vcvt.s32.f32 v5;
	v14 =	vld.idx.msk [tilespmem:v14+s30+$0x0], $0xffff  }
0x2a2: {  	v15 =	vcvt.s32.f32 v7;
	v16 =	vld.idx.msk [tilespmem:v3+s30+$0x0], $0xffff  }
0x2a3: {  	v3 =	vmul.f32 v4, v6;
	v7 =	vmul.f32 v5, v8;
	v8 =	vld [tilespmem:s2+$0x36B0]  }
0x2a4: {  	s3 =	simm.s32 $0x390;
	v13 =	vmul.f32 v4, v13;
	v6 =	vld [tilespmem:s2+$0x1F40]  }
0x2a5: {  	v9 =	vmul.f32 v15, v9;
	v11 =	vmul.f32 v5, v11;
	v17 =	vadd.f32 v7, v3;
	v7 =	vld [tilespmem:s3+$0x55F0]  }
0x2a6: {  	v10 =	vmul.f32 v4, v10;
	v12 =	vmul.f32 v5, v12;
	v4 =	vld [tilespmem:s3+$0x4650]  }
0x2a7: {  	v14 =	vmul.f32 v15, v14;
	v5 =	vld [tilespmem:s3+$0x4E20];
	v13 =	vadd.f32 v11, v13;
	v17 =	vadd.f32 v9, v17  }
0x2a8: {  	v3 =	vld [tilespmem:s3+$0x3E80];
	v9 =	vadd.f32 v12, v10;
	v11 =	vmul.f32 v15, v16  }
0x2a9: {  	s13 =	simm.s32 $0xE80;
	v12 =	vadd.f32 v14, v13;
	v10 =	vadd.f32 v17, v8;
	v8 =	vld [tilespmem:s2+$0x1770]  }
.LBB2_5:
0x2aa: {  	p2 =	sne.s32 s13, $0x1F00;
	v7 =	vmul.u32 $0x9, v7;
	v9 =	vadd.f32 v11, v9;
	s20 =	smov.u32 s13;
	s13 =	sadd.s32 $0x40, s13  }
0x2ab: {  	v6 =	vsub.f32 v10, v6;
	v2 =	vadd.f32 v12, v2  }
0x2ac: {  	v10 =	vadd.s32 $0x1, v7;
	v11 =	vadd.s32 $0x2, v7;
	v1 =	vadd.f32 v9, v1  }
0x2ad: {  	v9 =	vadd.s32 $0x3, v7;
	v12 =	vadd.s32 $0x4, v7;
	v2 =	vsub.f32 v2, v0;
	[tilespmem:s2+$0x71E0] =	vst v6  }
0x2ae: {  	v13 =	vadd.s32 $0x8, v7;
	v6 =	vadd.s32 $0x5, v7;
	v0 =	vld [tilespmem:s3+$0xFA0];
	v8 =	vsub.f32 v1, v8  }
0x2af: {  	v14 =	vadd.s32 $0x6, v7;
	v15 =	vadd.s32 $0x7, v7;
	v1 =	vld [tilespmem:s3+$0x2EE0];
	[tilespmem:s2+$0x6240] =	vst v2  }
0x2b0: {  	v2 =	vld [tilespmem:s3+$0x2710];
	[tilespmem:s2+$0x6A10] =	vst v8;
	s2 =	smov.u32 s3  }
0x2b1: {  	v8 =	vld.idx.msk [tilespmem:v11+s30+$0x0], $0xffff  }
0x2b2: {  	v11 =	vld.idx.msk [tilespmem:v7+s30+$0x0], $0xffff  }
0x2b3: {  	v6 =	vld.idx.msk [tilespmem:v6+s30+$0x0], $0xffff  }
0x2b4: {  	v7 =	vld.idx.msk [tilespmem:v13+s30+$0x0], $0xffff  }
0x2b5: {  	v10 =	vld.idx.msk [tilespmem:v10+s30+$0x0], $0xffff  }
0x2b6: {  	v9 =	vld.idx.msk [tilespmem:v9+s30+$0x0], $0xffff  }
0x2b7: {  	v4 =	vcvt.s32.f32 v4;
	v13 =	vcvt.s32.f32 v3;
	v12 =	vld.idx.msk [tilespmem:v12+s30+$0x0], $0xffff  }
0x2b8: {  	v16 =	vcvt.s32.f32 v5;
	v5 =	vld.idx.msk [tilespmem:v14+s30+$0x0], $0xffff  }
0x2b9: {  	v3 =	vmul.f32 v13, v8;
	v8 =	vmul.f32 v4, v6;
	v14 =	vld.idx.msk [tilespmem:v15+s30+$0x0], $0xffff  }
0x2ba: {  	v15 =	vld [tilespmem:s2+$0x36B0]  }
0x2bb: {  	s3 =	sshra.s32 s20, $0x2;
	v17 =	vmul.f32 v16, v7;
	v8 =	vadd.f32 v8, v3;
	v6 =	vld [tilespmem:s2+$0x1F40]  }
.Ltmp3:
0x2bc: {  	v11 =	vmul.f32 v13, v11;
	v9 =	vmul.f32 v4, v9;
	v7 =	vld [tilespmem:s3+$0x55F0];
	(pc) =	sbr.rel @p2 .LBB2_5-.Ltmp3, $4  }
0x2bd: {  	v10 =	vmul.f32 v13, v10;
	v12 =	vmul.f32 v4, v12;
	v8 =	vadd.f32 v17, v8;
	v3 =	vld [tilespmem:s3+$0x3E80]  }
0x2be: {  	v13 =	vadd.f32 v9, v11;
	v17 =	vmul.f32 v16, v5;
	v4 =	vld [tilespmem:s3+$0x4650]  }
0x2bf: {  	v9 =	vadd.f32 v12, v10;
	v11 =	vmul.f32 v16, v14;
	v5 =	vld [tilespmem:s3+$0x4E20];
	v10 =	vadd.f32 v8, v15  }
0x2c0: {  	v12 =	vadd.f32 v17, v13;
	v8 =	vld [tilespmem:s2+$0x1770]  }
0x2c1: {  	v7 =	vmul.u32 $0x9, v7;
	v9 =	vadd.f32 v11, v9  }
0x2c2: {  	v6 =	vsub.f32 v10, v6;
	v2 =	vadd.f32 v12, v2  }
0x2c3: {  	v50 =	vadd.s32 $0x2, v7;
	v1 =	vadd.f32 v9, v1  }
0x2c4: {  	[tilespmem:s2+$0x71E0] =	vst v6;
	v0 =	vsub.f32 v2, v0  }
0x2c5: {  	v53 =	vadd.s32 $0x5, v7;
	v51 =	vld [tilespmem:s3+$0xFA0];
	v1 =	vsub.f32 v1, v8  }
0x2c6: {  	v54 =	vadd.s32 $0x8, v7;
	v52 =	vld [tilespmem:s3+$0x2EE0];
	[tilespmem:s2+$0x6240] =	vst v0  }
0x2c7: {  	v56 =	vadd.s32 $0x1, v7;
	v55 =	vld [tilespmem:s3+$0x2710];
	[tilespmem:s2+$0x6A10] =	vst v1  }
0x2c8: {  	v57 =	vadd.s32 $0x3, v7;
	v6 =	vld.idx.msk [tilespmem:v50+s30+$0x0], $0xffff  }
0x2c9: {  	v58 =	vadd.s32 $0x4, v7;
	v13 =	vld.idx.msk [tilespmem:v7+s30+$0x0], $0xffff  }
0x2ca: {  	v14 =	vadd.s32 $0x6, v7;
	v10 =	vld.idx.msk [tilespmem:v53+s30+$0x0], $0xffff  }
0x2cb: {  	v7 =	vadd.s32 $0x7, v7;
	v0 =	vld.idx.msk [tilespmem:v54+s30+$0x0], $0xffff  }
0x2cc: {  	v11 =	vld.idx.msk [tilespmem:v56+s30+$0x0], $0xffff  }
0x2cd: {  	v1 =	vld.idx.msk [tilespmem:v57+s30+$0x0], $0xffff  }
0x2ce: {  	v3 =	vcvt.s32.f32 v3;
	v12 =	vld.idx.msk [tilespmem:v58+s30+$0x0], $0xffff  }
0x2cf: {  	v4 =	vcvt.s32.f32 v4;
	v5 =	vcvt.s32.f32 v5;
	v14 =	vld.idx.msk [tilespmem:v14+s30+$0x0], $0xffff  }
0x2d0: {  	v7 =	vld.idx.msk [tilespmem:v7+s30+$0x0], $0xffff;
	v6 =	vmul.f32 v3, v6  }
0x2d1: {  	v10 =	vmul.f32 v4, v10;
	v0 =	vmul.f32 v5, v0  }
0x2d2: {  	v15 =	vld [tilespmem:s3+$0x36B0];
	v13 =	vmul.f32 v3, v13;
	v1 =	vmul.f32 v4, v1  }
0x2d3: {  	v3 =	vmul.f32 v3, v11;
	v4 =	vmul.f32 v4, v12;
	v6 =	vadd.f32 v10, v6  }
0x2d4: {  	v59 =	vld [tilespmem:s3+$0x1F40];
	v60 =	vmul.f32 v5, v14;
	v1 =	vadd.f32 v1, v13  }
0x2d5: {  	v3 =	vadd.f32 v4, v3;
	v0 =	vadd.f32 v0, v6;
	v61 =	vmul.f32 v5, v7  }
0x2d6: {  	v62 =	vld [tilespmem:s3+$0x1770];
	v1 =	vadd.f32 v60, v1  }
0x2d7: {  	v0 =	vadd.f32 v0, v15;
	v3 =	vadd.f32 v61, v3  }
0x2d8: {  	v1 =	vadd.f32 v1, v55  }
0x2d9: {  	v0 =	vsub.f32 v0, v59;
	v3 =	vadd.f32 v3, v52  }
0x2da: {  	v1 =	vsub.f32 v1, v51  }
0x2db: {  	[tilespmem:s3+$0x71E0] =	vst v0;
	v63 =	vsub.f32 v3, v62  }
0x2dc: {  	[tilespmem:s3+$0x6240] =	vst v1  }
0x2dd: {  	[tilespmem:s3+$0x6A10] =	vst v63;
	s3 =	rddreg [dreg:$0xe]  }
0x2de: {  	s13 =	simm.s32 $0x6240;
	s2 =	sadd.s32 s3, s29;
	s3 =	simm.s32 $0x0  }
0x2df: {  	[hbm4b:s2+s3] =	stream.linear.scatter [tilespmem:s13], [sflag:$0x1], $0x7D0, $0x38;
	[tilespmem:$0x1A628] =	vst v63  }
0x2e0: {  	s13 =	rddreg [dreg:$0x10]  }
0x2e1: {  	s20 =	simm.s32 $0x6A10;
	s2 =	sadd.s32 s13, s29  }
0x2e2: {  	[hbm4b:s2+s3] =	stream.linear.scatter [tilespmem:s20], [sflag:$0x1], $0x7D0, $0x38;
	[tilespmem:$0x1A628] =	vst v63  }
0x2e3: {  	s20 =	rddreg [dreg:$0x11]  }
0x2e4: {  	s2 =	sadd.s32 s20, s29;
	s29 =	simm.s32 $0x71E0  }
0x2e5: {  	[hbm4b:s2+s3] =	stream.linear.scatter [tilespmem:s29], [sflag:$0x1], $0x7D0, $0x38;
	[tilespmem:$0x1A628] =	vst v63  }
0x2e6: {  	_ =	swait.ge [sflag:s23], $0x7D0  }
0x2e7: {  	[sflag:s23] =	ssyncset.done $0x0  }
0x2e8: {  	s8 =	sadd.s32 $0x1, s8;
	[sflag:s23] =	ssyncadd.s32 $0xFFFFF830  }
0x2e9: {  	p2 =	sne.s32 s8, $0xC;
	_ =	swait.ge [sflag:s23], $0x7D0  }
.Ltmp4:
0x2ea: {  	[sflag:s23] =	ssyncset.done $0x0;
	(pc) =	sbr.rel @p2 .LBB2_2-.Ltmp4, $4  }
0x2eb: {  	[sflag:s23] =	ssyncadd.s32 $0xFFFFF830  }
0x2ec: {  	_ =	swait.ge [sflag:s23], $0x7D0  }
0x2ed: {  	[sflag:s23] =	ssyncset.done $0x0  }
0x2ee: {  	[sflag:s23] =	ssyncadd.s32 $0xFFFFF830  }
0x2ef: {  	s2 =	simm.s32 $0x0;
	s3 =	rddreg [dreg:$0x13]  }
0x2f0: {  	[tilespmem:s2], [sflag:$0x1] =	stream.linear.gather [hbm4b:s3+s2], $0x3E8, $0x38;
	[tilespmem:$0x1A628] =	vst v63  }
0x2f1: {  	s8 =	rddreg [dreg:$0x15]  }
0x2f2: {  	[tilespmem:s0], [sflag:$0x1] =	stream.linear.gather [hbm4b:s8+s2], $0x3E8, $0x38;
	[tilespmem:$0x1A628] =	vst v63  }
0x2f3: {  	s13 =	rddreg [dreg:$0x16];
	s8 =	simm.s32 $0x55F0  }
0x2f4: {  	[tilespmem:s8], [sflag:$0x1] =	stream.linear.gather [hbm4b:s13+s2], $0x3E8, $0x38;
	[tilespmem:$0x1A628] =	vst v63  }
0x2f5: {  	s20 =	rddreg [dreg:$0x17];
	s29 =	simm.s32 $0x3E80  }
0x2f6: {  	[tilespmem:s29], [sflag:$0x1] =	stream.linear.gather [hbm4b:s20+s2], $0x3E8, $0x38;
	[tilespmem:$0x1A628] =	vst v63  }
0x2f7: {  	s8 =	rddreg [dreg:$0x18];
	s13 =	simm.s32 $0x4650  }
0x2f8: {  	[tilespmem:s13], [sflag:$0x1] =	stream.linear.gather [hbm4b:s8+s2], $0x3E8, $0x38;
	[tilespmem:$0x1A628] =	vst v63  }
0x2f9: {  	s20 =	rddreg [dreg:$0x19];
	s29 =	simm.s32 $0x4E20  }
0x2fa: {  	[tilespmem:s29], [sflag:$0x1] =	stream.linear.gather [hbm4b:s20+s2], $0x3E8, $0x38;
	[tilespmem:$0x1A628] =	vst v63  }
0x2fb: {  	_ =	swait.ge [sflag:s23], $0x3E8  }
0x2fc: {  	[sflag:s23] =	ssyncset.done $0x0  }
0x2fd: {  	[sflag:s23] =	ssyncadd.s32 $0xFFFFFC18  }
0x2fe: {  	_ =	swait.ge [sflag:s23], $0x3E8  }
0x2ff: {  	[sflag:s23] =	ssyncset.done $0x0  }
0x300: {  	[sflag:s23] =	ssyncadd.s32 $0xFFFFFC18  }
0x301: {  	_ =	swait.ge [sflag:s23], $0x3E8  }
0x302: {  	[sflag:s23] =	ssyncset.done $0x0  }
0x303: {  	[sflag:s23] =	ssyncadd.s32 $0xFFFFFC18  }
0x304: {  	_ =	swait.ge [sflag:s23], $0x3E8  }
0x305: {  	[sflag:s23] =	ssyncset.done $0x0  }
0x306: {  	[sflag:s23] =	ssyncadd.s32 $0xFFFFFC18  }
0x307: {  	_ =	swait.ge [sflag:s23], $0x3E8  }
0x308: {  	[sflag:s23] =	ssyncset.done $0x0  }
0x309: {  	[sflag:s23] =	ssyncadd.s32 $0xFFFFFC18  }
0x30a: {  	_ =	swait.ge [sflag:s23], $0x3E8  }
0x30b: {  	[sflag:s23] =	ssyncset.done $0x0  }
0x30c: {  	s13 =	simm.s32 $0xFA0;
	[sflag:s23] =	ssyncadd.s32 $0xFFFFFC18  }
0x30d: {  	[tilespmem:s13], [sflag:$0x2] =	stream.indirect.gather [spmem:s9], $0x1, s2, s24, $0xb8;
	[tilespmem:$0x1A628] =	vst v63  }
0x30e: {  	s20 =	simm.s32 $0x1770  }
0x30f: {  	[tilespmem:s20], [sflag:$0x2] =	stream.indirect.gather [spmem:s10], $0x1, s2, s24, $0xb8;
	[tilespmem:$0x1A628] =	vst v63  }
0x310: {  	s29 =	simm.s32 $0x1F40  }
0x311: {  	[tilespmem:s29], [sflag:$0x2] =	stream.indirect.gather [spmem:s11], $0x1, s2, s24, $0xb8;
	[tilespmem:$0x1A628] =	vst v63  }
0x312: {  	s3 =	simm.s32 $0x2710  }
0x313: {  	[tilespmem:s3], [sflag:$0x2] =	stream.indirect.gather [spmem:s9], $0x1, s0, s24, $0xb8;
	[tilespmem:$0x1A628] =	vst v63  }
0x314: {  	s8 =	simm.s32 $0x2EE0  }
0x315: {  	[tilespmem:s8], [sflag:$0x2] =	stream.indirect.gather [spmem:s10], $0x1, s0, s24, $0xb8;
	[tilespmem:$0x1A628] =	vst v63  }
0x316: {  	s13 =	simm.s32 $0x36B0  }
0x317: {  	[tilespmem:s13], [sflag:$0x2] =	stream.indirect.gather [spmem:s11], $0x1, s0, s24, $0xb8;
	[tilespmem:$0x1A628] =	vst v63  }
0x318: {  	s20 =	simm.s32 $0x1020  }
0x319: {  	[tilespmem:s20], [sflag:$0x2] =	stream.indirect.gather [spmem:s9], $0x1, s24, s24, $0xb8;
	[tilespmem:$0x1A628] =	vst v63  }
0x31a: {  	s29 =	simm.s32 $0x17F0  }
0x31b: {  	[tilespmem:s29], [sflag:$0x2] =	stream.indirect.gather [spmem:s10], $0x1, s24, s24, $0xb8;
	[tilespmem:$0x1A628] =	vst v63  }
0x31c: {  	s3 =	simm.s32 $0x1FC0  }
0x31d: {  	[tilespmem:s3], [sflag:$0x2] =	stream.indirect.gather [spmem:s11], $0x1, s24, s24, $0xb8;
	[tilespmem:$0x1A628] =	vst v63  }
0x31e: {  	s8 =	simm.s32 $0x850;
	s13 =	simm.s32 $0x2790  }
0x31f: {  	[tilespmem:s13], [sflag:$0x2] =	stream.indirect.gather [spmem:s9], $0x1, s8, s24, $0xb8;
	[tilespmem:$0x1A628] =	vst v63  }
0x320: {  	s20 =	simm.s32 $0x2F60  }
0x321: {  	[tilespmem:s20], [sflag:$0x2] =	stream.indirect.gather [spmem:s10], $0x1, s8, s24, $0xb8;
	[tilespmem:$0x1A628] =	vst v63  }
0x322: {  	s29 =	simm.s32 $0x3730  }
0x323: {  	[tilespmem:s29], [sflag:$0x2] =	stream.indirect.gather [spmem:s11], $0x1, s8, s24, $0xb8;
	[tilespmem:$0x1A628] =	vst v63  }
0x324: {  	s13 =	simm.s32 $0x10A0;
	s8 =	simm.s32 $0x100  }
0x325: {  	[tilespmem:s13], [sflag:$0x2] =	stream.indirect.gather [spmem:s9], $0x1, s8, s24, $0xb8;
	[tilespmem:$0x1A628] =	vst v63  }
0x326: {  	s20 =	simm.s32 $0x1870  }
0x327: {  	[tilespmem:s20], [sflag:$0x2] =	stream.indirect.gather [spmem:s10], $0x1, s8, s24, $0xb8;
	[tilespmem:$0x1A628] =	vst v63  }
0x328: {  	s29 =	simm.s32 $0x2040  }
0x329: {  	[tilespmem:s29], [sflag:$0x2] =	stream.indirect.gather [spmem:s11], $0x1, s8, s24, $0xb8;
	[tilespmem:$0x1A628] =	vst v63  }
0x32a: {  	s13 =	simm.s32 $0x2810;
	s8 =	simm.s32 $0x8D0  }
0x32b: {  	[tilespmem:s13], [sflag:$0x2] =	stream.indirect.gather [spmem:s9], $0x1, s8, s24, $0xb8;
	[tilespmem:$0x1A628] =	vst v63  }
0x32c: {  	s20 =	simm.s32 $0x2FE0  }
0x32d: {  	[tilespmem:s20], [sflag:$0x2] =	stream.indirect.gather [spmem:s10], $0x1, s8, s24, $0xb8;
	[tilespmem:$0x1A628] =	vst v63  }
0x32e: {  	s29 =	simm.s32 $0x37B0  }
0x32f: {  	[tilespmem:s29], [sflag:$0x2] =	stream.indirect.gather [spmem:s11], $0x1, s8, s24, $0xb8;
	[tilespmem:$0x1A628] =	vst v63  }
0x330: {  	s13 =	simm.s32 $0x1120;
	s8 =	simm.s32 $0x180  }
0x331: {  	[tilespmem:s13], [sflag:$0x3] =	stream.indirect.gather [spmem:s9], $0x1, s8, s24, $0xb8;
	[tilespmem:$0x1A628] =	vst v63  }
0x332: {  	s20 =	simm.s32 $0x18F0  }
0x333: {  	[tilespmem:s20], [sflag:$0x3] =	stream.indirect.gather [spmem:s10], $0x1, s8, s24, $0xb8;
	[tilespmem:$0x1A628] =	vst v63  }
0x334: {  	s29 =	simm.s32 $0x20C0  }
0x335: {  	[tilespmem:s29], [sflag:$0x3] =	stream.indirect.gather [spmem:s11], $0x1, s8, s24, $0xb8;
	[tilespmem:$0x1A628] =	vst v63  }
0x336: {  	s13 =	simm.s32 $0x2890;
	s8 =	simm.s32 $0x950  }
0x337: {  	[tilespmem:s13], [sflag:$0x3] =	stream.indirect.gather [spmem:s9], $0x1, s8, s24, $0xb8;
	[tilespmem:$0x1A628] =	vst v63  }
0x338: {  	s20 =	simm.s32 $0x3060  }
0x339: {  	[tilespmem:s20], [sflag:$0x3] =	stream.indirect.gather [spmem:s10], $0x1, s8, s24, $0xb8;
	[tilespmem:$0x1A628] =	vst v63  }
0x33a: {  	s29 =	simm.s32 $0x3830  }
0x33b: {  	[tilespmem:s29], [sflag:$0x3] =	stream.indirect.gather [spmem:s11], $0x1, s8, s24, $0xb8;
	[tilespmem:$0x1A628] =	vst v63  }
0x33c: {  	s13 =	simm.s32 $0x11A0;
	s8 =	simm.s32 $0x200  }
0x33d: {  	[tilespmem:s13], [sflag:$0x3] =	stream.indirect.gather [spmem:s9], $0x1, s8, s24, $0xb8;
	[tilespmem:$0x1A628] =	vst v63  }
0x33e: {  	s20 =	simm.s32 $0x1970  }
0x33f: {  	[tilespmem:s20], [sflag:$0x3] =	stream.indirect.gather [spmem:s10], $0x1, s8, s24, $0xb8;
	[tilespmem:$0x1A628] =	vst v63  }
0x340: {  	s29 =	simm.s32 $0x2140  }
0x341: {  	[tilespmem:s29], [sflag:$0x3] =	stream.indirect.gather [spmem:s11], $0x1, s8, s24, $0xb8;
	[tilespmem:$0x1A628] =	vst v63  }
0x342: {  	s13 =	simm.s32 $0x2910;
	s8 =	simm.s32 $0x9D0  }
0x343: {  	[tilespmem:s13], [sflag:$0x3] =	stream.indirect.gather [spmem:s9], $0x1, s8, s24, $0xb8;
	[tilespmem:$0x1A628] =	vst v63  }
0x344: {  	s20 =	simm.s32 $0x30E0  }
0x345: {  	[tilespmem:s20], [sflag:$0x3] =	stream.indirect.gather [spmem:s10], $0x1, s8, s24, $0xb8;
	[tilespmem:$0x1A628] =	vst v63  }
0x346: {  	s29 =	simm.s32 $0x38B0  }
0x347: {  	[tilespmem:s29], [sflag:$0x3] =	stream.indirect.gather [spmem:s11], $0x1, s8, s24, $0xb8;
	[tilespmem:$0x1A628] =	vst v63  }
0x348: {  	s8 =	simm.s32 $0x1220  }
0x349: {  	[tilespmem:s8], [sflag:$0x3] =	stream.indirect.gather [spmem:s9], $0x1, s7, s24, $0xb8;
	[tilespmem:$0x1A628] =	vst v63  }
0x34a: {  	s13 =	simm.s32 $0x19F0  }
0x34b: {  	[tilespmem:s13], [sflag:$0x3] =	stream.indirect.gather [spmem:s10], $0x1, s7, s24, $0xb8;
	[tilespmem:$0x1A628] =	vst v63  }
0x34c: {  	s20 =	simm.s32 $0x21C0  }
0x34d: {  	[tilespmem:s20], [sflag:$0x3] =	stream.indirect.gather [spmem:s11], $0x1, s7, s24, $0xb8;
	[tilespmem:$0x1A628] =	vst v63  }
0x34e: {  	s29 =	simm.s32 $0x2990  }
0x34f: {  	[tilespmem:s29], [sflag:$0x3] =	stream.indirect.gather [spmem:s9], $0x1, s31, s24, $0xb8;
	[tilespmem:$0x1A628] =	vst v63  }
0x350: {  	s3 =	simm.s32 $0x3160  }
0x351: {  	[tilespmem:s3], [sflag:$0x3] =	stream.indirect.gather [spmem:s10], $0x1, s31, s24, $0xb8;
	[tilespmem:$0x1A628] =	vst v63  }
0x352: {  	s8 =	simm.s32 $0x3930  }
0x353: {  	[tilespmem:s8], [sflag:$0x3] =	stream.indirect.gather [spmem:s11], $0x1, s31, s24, $0xb8;
	[tilespmem:$0x1A628] =	vst v63  }
0x354: {  	s13 =	simm.s32 $0x12A0  }
0x355: {  	[tilespmem:s13], [sflag:$0x3] =	stream.indirect.gather [spmem:s9], $0x1, s18, s24, $0xb8;
	[tilespmem:$0x1A628] =	vst v63  }
0x356: {  	s20 =	simm.s32 $0x1A70  }
0x357: {  	[tilespmem:s20], [sflag:$0x3] =	stream.indirect.gather [spmem:s10], $0x1, s18, s24, $0xb8;
	[tilespmem:$0x1A628] =	vst v63  }
0x358: {  	s29 =	simm.s32 $0x2240  }
0x359: {  	[tilespmem:s29], [sflag:$0x3] =	stream.indirect.gather [spmem:s11], $0x1, s18, s24, $0xb8;
	[tilespmem:$0x1A628] =	vst v63  }
0x35a: {  	s3 =	simm.s32 $0x2A10  }
0x35b: {  	[tilespmem:s3], [sflag:$0x3] =	stream.indirect.gather [spmem:s9], $0x1, s17, s24, $0xb8;
	[tilespmem:$0x1A628] =	vst v63  }
0x35c: {  	s8 =	simm.s32 $0x31E0  }
0x35d: {  	[tilespmem:s8], [sflag:$0x3] =	stream.indirect.gather [spmem:s10], $0x1, s17, s24, $0xb8;
	[tilespmem:$0x1A628] =	vst v63  }
0x35e: {  	s13 =	simm.s32 $0x39B0  }
0x35f: {  	[tilespmem:s13], [sflag:$0x3] =	stream.indirect.gather [spmem:s11], $0x1, s17, s24, $0xb8;
	[tilespmem:$0x1A628] =	vst v63  }
0x360: {  	s20 =	simm.s32 $0x1320;
	s3 =	simm.s32 $0x68  }
0x361: {  	[tilespmem:s20], [sflag:$0x3] =	stream.indirect.gather [spmem:s9], $0x1, s4, s3, $0xb8;
	[tilespmem:$0x1A628] =	vst v63  }
0x362: {  	s29 =	simm.s32 $0x1AF0  }
0x363: {  	[tilespmem:s29], [sflag:$0x3] =	stream.indirect.gather [spmem:s10], $0x1, s4, s3, $0xb8;
	[tilespmem:$0x1A628] =	vst v63  }
0x364: {  	s8 =	simm.s32 $0x22C0  }
0x365: {  	[tilespmem:s8], [sflag:$0x3] =	stream.indirect.gather [spmem:s11], $0x1, s4, s3, $0xb8;
	[tilespmem:$0x1A628] =	vst v63  }
0x366: {  	s13 =	simm.s32 $0x2A90  }
0x367: {  	[tilespmem:s13], [sflag:$0x3] =	stream.indirect.gather [spmem:s9], $0x1, s26, s3, $0xb8;
	[tilespmem:$0x1A628] =	vst v63  }
0x368: {  	s20 =	simm.s32 $0x3260  }
0x369: {  	[tilespmem:s20], [sflag:$0x3] =	stream.indirect.gather [spmem:s10], $0x1, s26, s3, $0xb8;
	[tilespmem:$0x1A628] =	vst v63  }
0x36a: {  	s29 =	simm.s32 $0x3A30  }
0x36b: {  	[tilespmem:s29], [sflag:$0x3] =	stream.indirect.gather [spmem:s11], $0x1, s26, s3, $0xb8;
	[tilespmem:$0x1A628] =	vst v63  }
0x36c: {  	_ =	swait.ge [sflag:s19], $0x80  }
0x36d: {  	[sflag:s19] =	ssyncset.done $0x0  }
0x36e: {  	[sflag:s19] =	ssyncadd.s32 $0xFFFFFF80  }
0x36f: {  	_ =	swait.ge [sflag:s19], $0x80  }
0x370: {  	[sflag:s19] =	ssyncset.done $0x0  }
0x371: {  	[sflag:s19] =	ssyncadd.s32 $0xFFFFFF80  }
0x372: {  	_ =	swait.ge [sflag:s19], $0x80  }
0x373: {  	[sflag:s19] =	ssyncset.done $0x0  }
0x374: {  	[sflag:s19] =	ssyncadd.s32 $0xFFFFFF80  }
0x375: {  	_ =	swait.ge [sflag:s19], $0x80  }
0x376: {  	[sflag:s19] =	ssyncset.done $0x0  }
0x377: {  	[sflag:s19] =	ssyncadd.s32 $0xFFFFFF80  }
0x378: {  	_ =	swait.ge [sflag:s19], $0x80  }
0x379: {  	[sflag:s19] =	ssyncset.done $0x0  }
0x37a: {  	[sflag:s19] =	ssyncadd.s32 $0xFFFFFF80  }
0x37b: {  	_ =	swait.ge [sflag:s19], $0x80  }
0x37c: {  	[sflag:s19] =	ssyncset.done $0x0  }
0x37d: {  	[sflag:s19] =	ssyncadd.s32 $0xFFFFFF80  }
0x37e: {  	_ =	swait.ge [sflag:s19], $0x80  }
0x37f: {  	[sflag:s19] =	ssyncset.done $0x0  }
0x380: {  	[sflag:s19] =	ssyncadd.s32 $0xFFFFFF80  }
0x381: {  	_ =	swait.ge [sflag:s19], $0x80  }
0x382: {  	[sflag:s19] =	ssyncset.done $0x0  }
0x383: {  	[sflag:s19] =	ssyncadd.s32 $0xFFFFFF80  }
0x384: {  	_ =	swait.ge [sflag:s19], $0x80  }
0x385: {  	[sflag:s19] =	ssyncset.done $0x0  }
0x386: {  	[sflag:s19] =	ssyncadd.s32 $0xFFFFFF80  }
0x387: {  	_ =	swait.ge [sflag:s19], $0x80  }
0x388: {  	[sflag:s19] =	ssyncset.done $0x0  }
0x389: {  	[sflag:s19] =	ssyncadd.s32 $0xFFFFFF80  }
0x38a: {  	_ =	swait.ge [sflag:s19], $0x80  }
0x38b: {  	[sflag:s19] =	ssyncset.done $0x0  }
0x38c: {  	[sflag:s19] =	ssyncadd.s32 $0xFFFFFF80  }
0x38d: {  	_ =	swait.ge [sflag:s19], $0x80  }
0x38e: {  	[sflag:s19] =	ssyncset.done $0x0  }
0x38f: {  	[sflag:s19] =	ssyncadd.s32 $0xFFFFFF80  }
0x390: {  	_ =	swait.ge [sflag:s19], $0x80  }
0x391: {  	[sflag:s19] =	ssyncset.done $0x0  }
0x392: {  	[sflag:s19] =	ssyncadd.s32 $0xFFFFFF80  }
0x393: {  	_ =	swait.ge [sflag:s19], $0x80  }
0x394: {  	[sflag:s19] =	ssyncset.done $0x0  }
0x395: {  	[sflag:s19] =	ssyncadd.s32 $0xFFFFFF80  }
0x396: {  	_ =	swait.ge [sflag:s19], $0x80  }
0x397: {  	[sflag:s19] =	ssyncset.done $0x0  }
0x398: {  	[sflag:s19] =	ssyncadd.s32 $0xFFFFFF80  }
0x399: {  	_ =	swait.ge [sflag:s19], $0x80  }
0x39a: {  	[sflag:s19] =	ssyncset.done $0x0  }
0x39b: {  	[sflag:s19] =	ssyncadd.s32 $0xFFFFFF80  }
0x39c: {  	_ =	swait.ge [sflag:s19], $0x80  }
0x39d: {  	[sflag:s19] =	ssyncset.done $0x0  }
0x39e: {  	[sflag:s19] =	ssyncadd.s32 $0xFFFFFF80  }
0x39f: {  	_ =	swait.ge [sflag:s19], $0x80  }
0x3a0: {  	[sflag:s19] =	ssyncset.done $0x0  }
0x3a1: {  	s2 =	simm.s32 $0x0;
	[sflag:s19] =	ssyncadd.s32 $0xFFFFFF80  }
0x3a2: {  	v0 =	vld [tilespmem:s2+$0x55F0];
	_ =	sdelay $0x4  }
0x3a3: {  	v4 =	vld [tilespmem:s2+$0x3E80];
	v3 =	vmul.u32 $0x9, v0  }
0x3a4: {  	v5 =	vld [tilespmem:s2+$0x4650]  }
0x3a5: {  	v7 =	vld [tilespmem:s2+$0x4E20];
	v6 =	vadd.s32 $0x2, v3  }
0x3a6: {  	v1 =	vld [tilespmem:s2+$0x2EE0];
	v8 =	vadd.s32 $0x5, v3  }
0x3a7: {  	v2 =	vld [tilespmem:s2+$0x2710];
	v9 =	vadd.s32 $0x8, v3  }
0x3a8: {  	v0 =	vld [tilespmem:s2+$0xFA0];
	v10 =	vadd.s32 $0x1, v3  }
0x3a9: {  	v11 =	vadd.s32 $0x3, v3;
	v13 =	vld.idx.msk [tilespmem:v3+s30+$0x0], $0xffff  }
0x3aa: {  	v12 =	vadd.s32 $0x4, v3;
	v6 =	vld.idx.msk [tilespmem:v6+s30+$0x0], $0xffff  }
0x3ab: {  	v14 =	vadd.s32 $0x6, v3;
	v8 =	vld.idx.msk [tilespmem:v8+s30+$0x0], $0xffff  }
0x3ac: {  	v3 =	vadd.s32 $0x7, v3;
	v9 =	vld.idx.msk [tilespmem:v9+s30+$0x0], $0xffff  }
0x3ad: {  	v10 =	vld.idx.msk [tilespmem:v10+s30+$0x0], $0xffff  }
0x3ae: {  	v11 =	vld.idx.msk [tilespmem:v11+s30+$0x0], $0xffff  }
0x3af: {  	v12 =	vld.idx.msk [tilespmem:v12+s30+$0x0], $0xffff  }
0x3b0: {  	v4 =	vcvt.s32.f32 v4;
	v5 =	vcvt.s32.f32 v5;
	v14 =	vld.idx.msk [tilespmem:v14+s30+$0x0], $0xffff  }
0x3b1: {  	v15 =	vcvt.s32.f32 v7;
	v16 =	vld.idx.msk [tilespmem:v3+s30+$0x0], $0xffff  }
0x3b2: {  	v3 =	vmul.f32 v4, v6;
	v7 =	vmul.f32 v5, v8;
	v8 =	vld [tilespmem:s2+$0x36B0]  }
0x3b3: {  	s3 =	simm.s32 $0x10;
	v13 =	vmul.f32 v4, v13;
	v6 =	vld [tilespmem:s2+$0x1F40]  }
0x3b4: {  	v9 =	vmul.f32 v15, v9;
	v11 =	vmul.f32 v5, v11;
	v17 =	vadd.f32 v7, v3;
	v7 =	vld [tilespmem:s3+$0x55F0]  }
0x3b5: {  	v10 =	vmul.f32 v4, v10;
	v12 =	vmul.f32 v5, v12;
	v4 =	vld [tilespmem:s3+$0x4650]  }
0x3b6: {  	v14 =	vmul.f32 v15, v14;
	v5 =	vld [tilespmem:s3+$0x4E20];
	v13 =	vadd.f32 v11, v13;
	v17 =	vadd.f32 v9, v17  }
0x3b7: {  	v3 =	vld [tilespmem:s3+$0x3E80];
	v9 =	vadd.f32 v12, v10;
	v11 =	vmul.f32 v15, v16  }
0x3b8: {  	s8 =	simm.s32 $0x80;
	v12 =	vadd.f32 v14, v13;
	v10 =	vadd.f32 v17, v8;
	v8 =	vld [tilespmem:s2+$0x1770]  }
.LBB2_8:
0x3b9: {  	p2 =	sne.s32 s8, $0x5C0;
	v7 =	vmul.u32 $0x9, v7;
	v9 =	vadd.f32 v11, v9;
	s13 =	smov.u32 s8;
	s8 =	sadd.s32 $0x40, s8  }
0x3ba: {  	v6 =	vsub.f32 v10, v6;
	v2 =	vadd.f32 v12, v2  }
0x3bb: {  	v10 =	vadd.s32 $0x1, v7;
	v11 =	vadd.s32 $0x2, v7;
	v1 =	vadd.f32 v9, v1  }
0x3bc: {  	v9 =	vadd.s32 $0x3, v7;
	v12 =	vadd.s32 $0x4, v7;
	v2 =	vsub.f32 v2, v0;
	[tilespmem:s2+$0x71E0] =	vst v6  }
0x3bd: {  	v13 =	vadd.s32 $0x8, v7;
	v6 =	vadd.s32 $0x5, v7;
	v0 =	vld [tilespmem:s3+$0xFA0];
	v8 =	vsub.f32 v1, v8  }
0x3be: {  	v14 =	vadd.s32 $0x6, v7;
	v15 =	vadd.s32 $0x7, v7;
	v1 =	vld [tilespmem:s3+$0x2EE0];
	[tilespmem:s2+$0x6240] =	vst v2  }
0x3bf: {  	v2 =	vld [tilespmem:s3+$0x2710];
	[tilespmem:s2+$0x6A10] =	vst v8;
	s2 =	smov.u32 s3  }
0x3c0: {  	v8 =	vld.idx.msk [tilespmem:v11+s30+$0x0], $0xffff  }
0x3c1: {  	v11 =	vld.idx.msk [tilespmem:v7+s30+$0x0], $0xffff  }
0x3c2: {  	v6 =	vld.idx.msk [tilespmem:v6+s30+$0x0], $0xffff  }
0x3c3: {  	v7 =	vld.idx.msk [tilespmem:v13+s30+$0x0], $0xffff  }
0x3c4: {  	v10 =	vld.idx.msk [tilespmem:v10+s30+$0x0], $0xffff  }
0x3c5: {  	v9 =	vld.idx.msk [tilespmem:v9+s30+$0x0], $0xffff  }
0x3c6: {  	v4 =	vcvt.s32.f32 v4;
	v13 =	vcvt.s32.f32 v3;
	v12 =	vld.idx.msk [tilespmem:v12+s30+$0x0], $0xffff  }
0x3c7: {  	v16 =	vcvt.s32.f32 v5;
	v5 =	vld.idx.msk [tilespmem:v14+s30+$0x0], $0xffff  }
0x3c8: {  	v3 =	vmul.f32 v13, v8;
	v8 =	vmul.f32 v4, v6;
	v14 =	vld.idx.msk [tilespmem:v15+s30+$0x0], $0xffff  }
0x3c9: {  	v15 =	vld [tilespmem:s2+$0x36B0]  }
0x3ca: {  	s3 =	sshra.s32 s13, $0x2;
	v17 =	vmul.f32 v16, v7;
	v8 =	vadd.f32 v8, v3;
	v6 =	vld [tilespmem:s2+$0x1F40]  }
.Ltmp5:
0x3cb: {  	v11 =	vmul.f32 v13, v11;
	v9 =	vmul.f32 v4, v9;
	v7 =	vld [tilespmem:s3+$0x55F0];
	(pc) =	sbr.rel @p2 .LBB2_8-.Ltmp5, $4  }
0x3cc: {  	v10 =	vmul.f32 v13, v10;
	v12 =	vmul.f32 v4, v12;
	v8 =	vadd.f32 v17, v8;
	v3 =	vld [tilespmem:s3+$0x3E80]  }
0x3cd: {  	v13 =	vadd.f32 v9, v11;
	v17 =	vmul.f32 v16, v5;
	v4 =	vld [tilespmem:s3+$0x4650]  }
0x3ce: {  	v9 =	vadd.f32 v12, v10;
	v11 =	vmul.f32 v16, v14;
	v5 =	vld [tilespmem:s3+$0x4E20];
	v10 =	vadd.f32 v8, v15  }
0x3cf: {  	v12 =	vadd.f32 v17, v13;
	v8 =	vld [tilespmem:s2+$0x1770]  }
0x3d0: {  	v6 =	vsub.f32 v10, v6;
	v7 =	vmul.u32 $0x9, v7;
	v9 =	vadd.f32 v11, v9  }
0x3d1: {  	v2 =	vadd.f32 v12, v2  }
0x3d2: {  	[tilespmem:s2+$0x71E0] =	vst v6;
	v6 =	vadd.s32 $0x2, v7;
	v1 =	vadd.f32 v9, v1  }
0x3d3: {  	v0 =	vsub.f32 v2, v0  }
0x3d4: {  	v10 =	vadd.s32 $0x5, v7;
	v2 =	vld [tilespmem:s3+$0xFA0];
	v1 =	vsub.f32 v1, v8  }
0x3d5: {  	v11 =	vadd.s32 $0x1, v7;
	v9 =	vld [tilespmem:s3+$0x2EE0];
	[tilespmem:s2+$0x6240] =	vst v0  }
0x3d6: {  	v12 =	vadd.s32 $0x4, v7;
	v8 =	vld [tilespmem:s3+$0x2710];
	[tilespmem:s2+$0x6A10] =	vst v1  }
0x3d7: {  	v1 =	vadd.s32 $0x3, v7;
	v6 =	vld.idx.msk [tilespmem:v6+s30+$0x0], $0xffff  }
0x3d8: {  	v0 =	vadd.s32 $0x8, v7;
	v13 =	vld.idx.msk [tilespmem:v7+s30+$0x0], $0xffff  }
0x3d9: {  	v14 =	vadd.s32 $0x6, v7;
	v10 =	vld.idx.msk [tilespmem:v10+s30+$0x0], $0xffff  }
0x3da: {  	v7 =	vadd.s32 $0x7, v7;
	v11 =	vld.idx.msk [tilespmem:v11+s30+$0x0], $0xffff  }
0x3db: {  	v12 =	vld.idx.msk [tilespmem:v12+s30+$0x0], $0xffff  }
0x3dc: {  	v1 =	vld.idx.msk [tilespmem:v1+s30+$0x0], $0xffff  }
0x3dd: {  	v3 =	vcvt.s32.f32 v3;
	v0 =	vld.idx.msk [tilespmem:v0+s30+$0x0], $0xffff  }
0x3de: {  	v4 =	vcvt.s32.f32 v4;
	v14 =	vld.idx.msk [tilespmem:v14+s30+$0x0], $0xffff  }
0x3df: {  	v5 =	vcvt.s32.f32 v5;
	v7 =	vld.idx.msk [tilespmem:v7+s30+$0x0], $0xffff;
	v6 =	vmul.f32 v3, v6  }
0x3e0: {  	v10 =	vmul.f32 v4, v10;
	v13 =	vmul.f32 v3, v13  }
0x3e1: {  	v15 =	vld [tilespmem:s3+$0x36B0];
	v3 =	vmul.f32 v3, v11;
	v1 =	vmul.f32 v4, v1  }
0x3e2: {  	v6 =	vadd.f32 v10, v6;
	v0 =	vmul.f32 v5, v0;
	v4 =	vmul.f32 v4, v12  }
0x3e3: {  	v11 =	vmul.f32 v5, v14;
	v10 =	vld [tilespmem:s3+$0x1F40];
	v1 =	vadd.f32 v1, v13  }
0x3e4: {  	v0 =	vadd.f32 v0, v6;
	v3 =	vadd.f32 v4, v3;
	v4 =	vmul.f32 v5, v7  }
0x3e5: {  	v5 =	vld [tilespmem:s3+$0x1770];
	v1 =	vadd.f32 v11, v1  }
0x3e6: {  	v0 =	vadd.f32 v0, v15;
	v3 =	vadd.f32 v4, v3  }
0x3e7: {  	v1 =	vadd.f32 v1, v8  }
0x3e8: {  	v0 =	vsub.f32 v0, v10;
	v3 =	vadd.f32 v3, v9  }
0x3e9: {  	v1 =	vsub.f32 v1, v2  }
0x3ea: {  	[tilespmem:s3+$0x71E0] =	vst v0;
	v0 =	vsub.f32 v3, v5  }
0x3eb: {  	[tilespmem:s3+$0x6240] =	vst v1  }
0x3ec: {  	[tilespmem:s3+$0x6A10] =	vst v0  }
0x3ed: {  	_ =	swait.ge [sflag:s28], $0x80  }
0x3ee: {  	[sflag:s28] =	ssyncset.done $0x0  }
0x3ef: {  	[sflag:s28] =	ssyncadd.s32 $0xFFFFFF80  }
0x3f0: {  	_ =	swait.ge [sflag:s28], $0x80  }
0x3f1: {  	[sflag:s28] =	ssyncset.done $0x0  }
0x3f2: {  	[sflag:s28] =	ssyncadd.s32 $0xFFFFFF80  }
0x3f3: {  	_ =	swait.ge [sflag:s28], $0x80  }
0x3f4: {  	[sflag:s28] =	ssyncset.done $0x0  }
0x3f5: {  	[sflag:s28] =	ssyncadd.s32 $0xFFFFFF80  }
0x3f6: {  	_ =	swait.ge [sflag:s28], $0x80  }
0x3f7: {  	[sflag:s28] =	ssyncset.done $0x0  }
0x3f8: {  	[sflag:s28] =	ssyncadd.s32 $0xFFFFFF80  }
0x3f9: {  	_ =	swait.ge [sflag:s28], $0x80  }
0x3fa: {  	[sflag:s28] =	ssyncset.done $0x0  }
0x3fb: {  	[sflag:s28] =	ssyncadd.s32 $0xFFFFFF80  }
0x3fc: {  	_ =	swait.ge [sflag:s28], $0x80  }
0x3fd: {  	[sflag:s28] =	ssyncset.done $0x0  }
0x3fe: {  	[sflag:s28] =	ssyncadd.s32 $0xFFFFFF80  }
0x3ff: {  	_ =	swait.ge [sflag:s28], $0x80  }
0x400: {  	[sflag:s28] =	ssyncset.done $0x0  }
0x401: {  	[sflag:s28] =	ssyncadd.s32 $0xFFFFFF80  }
0x402: {  	_ =	swait.ge [sflag:s28], $0x80  }
0x403: {  	[sflag:s28] =	ssyncset.done $0x0  }
0x404: {  	[sflag:s28] =	ssyncadd.s32 $0xFFFFFF80  }
0x405: {  	_ =	swait.ge [sflag:s28], $0x80  }
0x406: {  	[sflag:s28] =	ssyncset.done $0x0  }
0x407: {  	[sflag:s28] =	ssyncadd.s32 $0xFFFFFF80  }
0x408: {  	_ =	swait.ge [sflag:s28], $0x80  }
0x409: {  	[sflag:s28] =	ssyncset.done $0x0  }
0x40a: {  	[sflag:s28] =	ssyncadd.s32 $0xFFFFFF80  }
0x40b: {  	_ =	swait.ge [sflag:s28], $0x80  }
0x40c: {  	[sflag:s28] =	ssyncset.done $0x0  }
0x40d: {  	[sflag:s28] =	ssyncadd.s32 $0xFFFFFF80  }
0x40e: {  	_ =	swait.ge [sflag:s28], $0x80  }
0x40f: {  	[sflag:s28] =	ssyncset.done $0x0  }
0x410: {  	[sflag:s28] =	ssyncadd.s32 $0xFFFFFF80  }
0x411: {  	_ =	swait.ge [sflag:s28], $0x80  }
0x412: {  	[sflag:s28] =	ssyncset.done $0x0  }
0x413: {  	[sflag:s28] =	ssyncadd.s32 $0xFFFFFF80  }
0x414: {  	_ =	swait.ge [sflag:s28], $0x80  }
0x415: {  	[sflag:s28] =	ssyncset.done $0x0  }
0x416: {  	[sflag:s28] =	ssyncadd.s32 $0xFFFFFF80  }
0x417: {  	_ =	swait.ge [sflag:s28], $0x80  }
0x418: {  	[sflag:s28] =	ssyncset.done $0x0  }
0x419: {  	[sflag:s28] =	ssyncadd.s32 $0xFFFFFF80  }
0x41a: {  	_ =	swait.ge [sflag:s28], $0x80  }
0x41b: {  	[sflag:s28] =	ssyncset.done $0x0  }
0x41c: {  	[sflag:s28] =	ssyncadd.s32 $0xFFFFFF80  }
0x41d: {  	_ =	swait.ge [sflag:s28], $0x80  }
0x41e: {  	[sflag:s28] =	ssyncset.done $0x0  }
0x41f: {  	[sflag:s28] =	ssyncadd.s32 $0xFFFFFF80  }
0x420: {  	_ =	swait.ge [sflag:s28], $0x80  }
0x421: {  	[sflag:s28] =	ssyncset.done $0x0  }
0x422: {  	[sflag:s28] =	ssyncadd.s32 $0xFFFFFF80  }
0x423: {  	_ =	swait.ge [sflag:s28], $0x80  }
0x424: {  	[sflag:s28] =	ssyncset.done $0x0  }
0x425: {  	[sflag:s28] =	ssyncadd.s32 $0xFFFFFF80  }
0x426: {  	_ =	swait.ge [sflag:s28], $0x80  }
0x427: {  	[sflag:s28] =	ssyncset.done $0x0  }
0x428: {  	[sflag:s28] =	ssyncadd.s32 $0xFFFFFF80  }
0x429: {  	_ =	swait.ge [sflag:s28], $0x80  }
0x42a: {  	[sflag:s28] =	ssyncset.done $0x0  }
0x42b: {  	[sflag:s28] =	ssyncadd.s32 $0xFFFFFF80  }
0x42c: {  	_ =	swait.ge [sflag:s28], $0x80  }
0x42d: {  	[sflag:s28] =	ssyncset.done $0x0  }
0x42e: {  	[sflag:s28] =	ssyncadd.s32 $0xFFFFFF80  }
0x42f: {  	_ =	swait.ge [sflag:s28], $0x80  }
0x430: {  	[sflag:s28] =	ssyncset.done $0x0  }
0x431: {  	[sflag:s28] =	ssyncadd.s32 $0xFFFFFF80  }
0x432: {  	_ =	swait.ge [sflag:s28], $0x80  }
0x433: {  	[sflag:s28] =	ssyncset.done $0x0  }
0x434: {  	[sflag:s28] =	ssyncadd.s32 $0xFFFFFF80  }
0x435: {  	_ =	swait.ge [sflag:s28], $0x68  }
0x436: {  	[sflag:s28] =	ssyncset.done $0x0  }
0x437: {  	[sflag:s28] =	ssyncadd.s32 $0xFFFFFF98  }
0x438: {  	_ =	swait.ge [sflag:s28], $0x68  }
0x439: {  	[sflag:s28] =	ssyncset.done $0x0  }
0x43a: {  	[sflag:s28] =	ssyncadd.s32 $0xFFFFFF98  }
0x43b: {  	_ =	swait.ge [sflag:s28], $0x68  }
0x43c: {  	[sflag:s28] =	ssyncset.done $0x0  }
0x43d: {  	[sflag:s28] =	ssyncadd.s32 $0xFFFFFF98  }
0x43e: {  	_ =	swait.ge [sflag:s28], $0x68  }
0x43f: {  	[sflag:s28] =	ssyncset.done $0x0  }
0x440: {  	[sflag:s28] =	ssyncadd.s32 $0xFFFFFF98  }
0x441: {  	_ =	swait.ge [sflag:s28], $0x68  }
0x442: {  	[sflag:s28] =	ssyncset.done $0x0  }
0x443: {  	[sflag:s28] =	ssyncadd.s32 $0xFFFFFF98  }
0x444: {  	_ =	swait.ge [sflag:s28], $0x68  }
0x445: {  	[sflag:s28] =	ssyncset.done $0x0  }
0x446: {  	s2 =	simm.s32 $0x180;
	[sflag:s28] =	ssyncadd.s32 $0xFFFFFF98  }
0x447: {  	v0 =	vld [tilespmem:s2+$0x55F0];
	_ =	sdelay $0x4  }
0x448: {  	v4 =	vld [tilespmem:s2+$0x3E80];
	v3 =	vmul.u32 $0x9, v0  }
0x449: {  	v5 =	vld [tilespmem:s2+$0x4650]  }
0x44a: {  	v7 =	vld [tilespmem:s2+$0x4E20];
	v6 =	vadd.s32 $0x2, v3  }
0x44b: {  	v1 =	vld [tilespmem:s2+$0x2EE0];
	v8 =	vadd.s32 $0x5, v3  }
0x44c: {  	v2 =	vld [tilespmem:s2+$0x2710];
	v9 =	vadd.s32 $0x8, v3  }
0x44d: {  	v0 =	vld [tilespmem:s2+$0xFA0];
	v10 =	vadd.s32 $0x1, v3  }
0x44e: {  	v11 =	vadd.s32 $0x3, v3;
	v13 =	vld.idx.msk [tilespmem:v3+s30+$0x0], $0xffff  }
0x44f: {  	v12 =	vadd.s32 $0x4, v3;
	v6 =	vld.idx.msk [tilespmem:v6+s30+$0x0], $0xffff  }
0x450: {  	v14 =	vadd.s32 $0x6, v3;
	v8 =	vld.idx.msk [tilespmem:v8+s30+$0x0], $0xffff  }
0x451: {  	v3 =	vadd.s32 $0x7, v3;
	v9 =	vld.idx.msk [tilespmem:v9+s30+$0x0], $0xffff  }
0x452: {  	v10 =	vld.idx.msk [tilespmem:v10+s30+$0x0], $0xffff  }
0x453: {  	v11 =	vld.idx.msk [tilespmem:v11+s30+$0x0], $0xffff  }
0x454: {  	v12 =	vld.idx.msk [tilespmem:v12+s30+$0x0], $0xffff  }
0x455: {  	v4 =	vcvt.s32.f32 v4;
	v5 =	vcvt.s32.f32 v5;
	v14 =	vld.idx.msk [tilespmem:v14+s30+$0x0], $0xffff  }
0x456: {  	v15 =	vcvt.s32.f32 v7;
	v16 =	vld.idx.msk [tilespmem:v3+s30+$0x0], $0xffff  }
0x457: {  	v3 =	vmul.f32 v4, v6;
	v7 =	vmul.f32 v5, v8;
	v8 =	vld [tilespmem:s2+$0x36B0]  }
0x458: {  	s3 =	simm.s32 $0x190;
	v13 =	vmul.f32 v4, v13;
	v6 =	vld [tilespmem:s2+$0x1F40]  }
0x459: {  	v9 =	vmul.f32 v15, v9;
	v11 =	vmul.f32 v5, v11;
	v17 =	vadd.f32 v7, v3;
	v7 =	vld [tilespmem:s3+$0x55F0]  }
0x45a: {  	v10 =	vmul.f32 v4, v10;
	v12 =	vmul.f32 v5, v12;
	v4 =	vld [tilespmem:s3+$0x4650]  }
0x45b: {  	v14 =	vmul.f32 v15, v14;
	v5 =	vld [tilespmem:s3+$0x4E20];
	v13 =	vadd.f32 v11, v13;
	v17 =	vadd.f32 v9, v17  }
0x45c: {  	v3 =	vld [tilespmem:s3+$0x3E80];
	v9 =	vadd.f32 v12, v10;
	v11 =	vmul.f32 v15, v16  }
0x45d: {  	s8 =	simm.s32 $0x680;
	v12 =	vadd.f32 v14, v13;
	v10 =	vadd.f32 v17, v8;
	v8 =	vld [tilespmem:s2+$0x1770]  }
.LBB2_10:
0x45e: {  	p2 =	sne.s32 s8, $0xF40;
	v7 =	vmul.u32 $0x9, v7;
	v9 =	vadd.f32 v11, v9;
	s13 =	smov.u32 s8;
	s8 =	sadd.s32 $0x40, s8  }
0x45f: {  	v6 =	vsub.f32 v10, v6;
	v2 =	vadd.f32 v12, v2  }
0x460: {  	v10 =	vadd.s32 $0x1, v7;
	v11 =	vadd.s32 $0x2, v7;
	v1 =	vadd.f32 v9, v1  }
0x461: {  	v9 =	vadd.s32 $0x3, v7;
	v12 =	vadd.s32 $0x4, v7;
	v2 =	vsub.f32 v2, v0;
	[tilespmem:s2+$0x71E0] =	vst v6  }
0x462: {  	v13 =	vadd.s32 $0x8, v7;
	v6 =	vadd.s32 $0x5, v7;
	v0 =	vld [tilespmem:s3+$0xFA0];
	v8 =	vsub.f32 v1, v8  }
0x463: {  	v14 =	vadd.s32 $0x6, v7;
	v15 =	vadd.s32 $0x7, v7;
	v1 =	vld [tilespmem:s3+$0x2EE0];
	[tilespmem:s2+$0x6240] =	vst v2  }
0x464: {  	v2 =	vld [tilespmem:s3+$0x2710];
	[tilespmem:s2+$0x6A10] =	vst v8;
	s2 =	smov.u32 s3  }
0x465: {  	v8 =	vld.idx.msk [tilespmem:v11+s30+$0x0], $0xffff  }
0x466: {  	v11 =	vld.idx.msk [tilespmem:v7+s30+$0x0], $0xffff  }
0x467: {  	v6 =	vld.idx.msk [tilespmem:v6+s30+$0x0], $0xffff  }
0x468: {  	v7 =	vld.idx.msk [tilespmem:v13+s30+$0x0], $0xffff  }
0x469: {  	v10 =	vld.idx.msk [tilespmem:v10+s30+$0x0], $0xffff  }
0x46a: {  	v9 =	vld.idx.msk [tilespmem:v9+s30+$0x0], $0xffff  }
0x46b: {  	v4 =	vcvt.s32.f32 v4;
	v13 =	vcvt.s32.f32 v3;
	v12 =	vld.idx.msk [tilespmem:v12+s30+$0x0], $0xffff  }
0x46c: {  	v16 =	vcvt.s32.f32 v5;
	v5 =	vld.idx.msk [tilespmem:v14+s30+$0x0], $0xffff  }
0x46d: {  	v3 =	vmul.f32 v13, v8;
	v8 =	vmul.f32 v4, v6;
	v14 =	vld.idx.msk [tilespmem:v15+s30+$0x0], $0xffff  }
0x46e: {  	v15 =	vld [tilespmem:s2+$0x36B0]  }
0x46f: {  	s3 =	sshra.s32 s13, $0x2;
	v17 =	vmul.f32 v16, v7;
	v8 =	vadd.f32 v8, v3;
	v6 =	vld [tilespmem:s2+$0x1F40]  }
.Ltmp6:
0x470: {  	v11 =	vmul.f32 v13, v11;
	v9 =	vmul.f32 v4, v9;
	v7 =	vld [tilespmem:s3+$0x55F0];
	(pc) =	sbr.rel @p2 .LBB2_10-.Ltmp6, $4  }
0x471: {  	v10 =	vmul.f32 v13, v10;
	v12 =	vmul.f32 v4, v12;
	v8 =	vadd.f32 v17, v8;
	v3 =	vld [tilespmem:s3+$0x3E80]  }
0x472: {  	v13 =	vadd.f32 v9, v11;
	v17 =	vmul.f32 v16, v5;
	v4 =	vld [tilespmem:s3+$0x4650]  }
0x473: {  	v9 =	vadd.f32 v12, v10;
	v11 =	vmul.f32 v16, v14;
	v5 =	vld [tilespmem:s3+$0x4E20];
	v10 =	vadd.f32 v8, v15  }
0x474: {  	v12 =	vadd.f32 v17, v13;
	v8 =	vld [tilespmem:s2+$0x1770]  }
0x475: {  	v7 =	vmul.u32 $0x9, v7;
	v9 =	vadd.f32 v11, v9  }
0x476: {  	v6 =	vsub.f32 v10, v6;
	v2 =	vadd.f32 v12, v2  }
0x477: {  	v30 =	vadd.s32 $0x2, v7;
	v1 =	vadd.f32 v9, v1  }
0x478: {  	[tilespmem:s2+$0x71E0] =	vst v6;
	v0 =	vsub.f32 v2, v0  }
0x479: {  	v33 =	vadd.s32 $0x5, v7;
	v31 =	vld [tilespmem:s3+$0xFA0];
	v1 =	vsub.f32 v1, v8  }
0x47a: {  	v34 =	vadd.s32 $0x8, v7;
	v32 =	vld [tilespmem:s3+$0x2EE0];
	[tilespmem:s2+$0x6240] =	vst v0  }
0x47b: {  	v36 =	vadd.s32 $0x1, v7;
	v35 =	vld [tilespmem:s3+$0x2710];
	[tilespmem:s2+$0x6A10] =	vst v1  }
0x47c: {  	v37 =	vadd.s32 $0x3, v7;
	v6 =	vld.idx.msk [tilespmem:v30+s30+$0x0], $0xffff  }
0x47d: {  	v38 =	vadd.s32 $0x4, v7;
	v13 =	vld.idx.msk [tilespmem:v7+s30+$0x0], $0xffff  }
0x47e: {  	v14 =	vadd.s32 $0x6, v7;
	v10 =	vld.idx.msk [tilespmem:v33+s30+$0x0], $0xffff  }
0x47f: {  	v7 =	vadd.s32 $0x7, v7;
	v0 =	vld.idx.msk [tilespmem:v34+s30+$0x0], $0xffff  }
0x480: {  	v11 =	vld.idx.msk [tilespmem:v36+s30+$0x0], $0xffff  }
0x481: {  	v1 =	vld.idx.msk [tilespmem:v37+s30+$0x0], $0xffff  }
0x482: {  	v3 =	vcvt.s32.f32 v3;
	v12 =	vld.idx.msk [tilespmem:v38+s30+$0x0], $0xffff  }
0x483: {  	v4 =	vcvt.s32.f32 v4;
	v5 =	vcvt.s32.f32 v5;
	v14 =	vld.idx.msk [tilespmem:v14+s30+$0x0], $0xffff  }
0x484: {  	v7 =	vld.idx.msk [tilespmem:v7+s30+$0x0], $0xffff;
	v6 =	vmul.f32 v3, v6  }
0x485: {  	v10 =	vmul.f32 v4, v10;
	v0 =	vmul.f32 v5, v0  }
0x486: {  	v15 =	vld [tilespmem:s3+$0x36B0];
	v13 =	vmul.f32 v3, v13;
	v1 =	vmul.f32 v4, v1  }
0x487: {  	v3 =	vmul.f32 v3, v11;
	v4 =	vmul.f32 v4, v12;
	v6 =	vadd.f32 v10, v6  }
0x488: {  	v39 =	vld [tilespmem:s3+$0x1F40];
	v40 =	vmul.f32 v5, v14;
	v1 =	vadd.f32 v1, v13  }
0x489: {  	v3 =	vadd.f32 v4, v3;
	v0 =	vadd.f32 v0, v6;
	v41 =	vmul.f32 v5, v7  }
0x48a: {  	v42 =	vld [tilespmem:s3+$0x1770];
	v1 =	vadd.f32 v40, v1  }
0x48b: {  	v0 =	vadd.f32 v0, v15;
	v3 =	vadd.f32 v41, v3  }
0x48c: {  	v1 =	vadd.f32 v1, v35  }
0x48d: {  	v0 =	vsub.f32 v0, v39;
	v3 =	vadd.f32 v3, v32  }
0x48e: {  	v1 =	vsub.f32 v1, v31  }
0x48f: {  	[tilespmem:s3+$0x71E0] =	vst v0;
	v43 =	vsub.f32 v3, v42  }
0x490: {  	[tilespmem:s3+$0x6240] =	vst v1  }
0x491: {  	[tilespmem:s3+$0x6A10] =	vst v43  }
0x492: {  	v0 =	vld [tilespmem:$0x59C8];
	_ =	sdelay $0x4  }
0x493: {  	v0 =	vmul.u32 $0x9, v0;
	_ =	sdelay $0x1  }
0x494: {  	v44 =	vadd.s32 $0x1, v0  }
0x495: {  	v45 =	vld [tilespmem:$0x4258];
	v46 =	vadd.s32 $0x2, v0  }
0x496: {  	v47 =	vld [tilespmem:$0x4A28];
	v48 =	vadd.s32 $0x3, v0  }
0x497: {  	v49 =	vld [tilespmem:$0x51F8];
	v50 =	vadd.s32 $0x6, v0  }
0x498: {  	v52 =	vadd.s32 $0x4, v0;
	v51 =	vld.idx.msk [tilespmem:v0+s30+$0x0], $0xffff  }
0x499: {  	v53 =	vadd.s32 $0x5, v0;
	v1 =	vld.idx.msk [tilespmem:v44+s30+$0x0], $0xffff  }
0x49a: {  	v54 =	vadd.s32 $0x7, v0;
	v3 =	vld.idx.msk [tilespmem:v46+s30+$0x0], $0xffff  }
0x49b: {  	v0 =	vadd.s32 $0x8, v0;
	v5 =	vld.idx.msk [tilespmem:v48+s30+$0x0], $0xffff  }
0x49c: {  	v7 =	vld.idx.msk [tilespmem:v50+s30+$0x0], $0xffff  }
0x49d: {  	v9 =	vld.idx.msk [tilespmem:v52+s30+$0x0], $0xffff  }
0x49e: {  	v2 =	vcvt.s32.f32 v45;
	v10 =	vld.idx.msk [tilespmem:v53+s30+$0x0], $0xffff  }
0x49f: {  	v4 =	vcvt.s32.f32 v47;
	v6 =	vcvt.s32.f32 v49;
	v11 =	vld.idx.msk [tilespmem:v54+s30+$0x0], $0xffff  }
0x4a0: {  	v0 =	vld.idx.msk [tilespmem:v0+s30+$0x0], $0xffff;
	v8 =	vmul.f32 v2, v51  }
0x4a1: {  	v55 =	vld [tilespmem:$0x1378];
	v5 =	vmul.f32 v4, v5;
	v7 =	vmul.f32 v6, v7  }
0x4a2: {  	v56 =	vld [tilespmem:$0x2AE8];
	v1 =	vmul.f32 v2, v1;
	v9 =	vmul.f32 v4, v9  }
0x4a3: {  	v57 =	vld [tilespmem:$0x32B8];
	v2 =	vmul.f32 v2, v3;
	v58 =	vmul.f32 v4, v10;
	v5 =	vadd.f32 v5, v8  }
0x4a4: {  	v59 =	vld [tilespmem:$0x3A88];
	v60 =	vmul.f32 v6, v11;
	v1 =	vadd.f32 v9, v1  }
0x4a5: {  	v61 =	vld [tilespmem:$0x1B48];
	v2 =	vadd.f32 v58, v2;
	v5 =	vadd.f32 v7, v5;
	v0 =	vmul.f32 v6, v0  }
0x4a6: {  	v62 =	vld [tilespmem:$0x2318];
	v1 =	vadd.f32 v60, v1  }
0x4a7: {  	v5 =	vadd.f32 v5, v56;
	v0 =	vadd.f32 v0, v2  }
0x4a8: {  	v1 =	vadd.f32 v1, v57  }
0x4a9: {  	v63 =	vsub.f32 v5, v55;
	v0 =	vadd.f32 v0, v59  }
0x4aa: {  	v1 =	vsub.f32 v1, v61  }
0x4ab: {  	[tilespmem:$0x6618] =	vst v63;
	v0 =	vsub.f32 v0, v62  }
0x4ac: {  	[tilespmem:$0x6DE8] =	vst v1  }
0x4ad: {  	s29 =	rddreg [dreg:$0x1a];
	s8 =	simm.s32 $0x6240;
	s2 =	simm.s32 $0x0;
	[tilespmem:$0x75B8] =	vst v0  }
0x4ae: {  	[hbm4b:s29+s2] =	stream.linear.scatter [tilespmem:s8], [sflag:$0x1], $0x3E8, $0x38;
	[tilespmem:$0x1A628] =	vst v63  }
0x4af: {  	s13 =	simm.s32 $0x6A10;
	s8 =	rddreg [dreg:$0x1b]  }
0x4b0: {  	[hbm4b:s8+s2] =	stream.linear.scatter [tilespmem:s13], [sflag:$0x1], $0x3E8, $0x38;
	[tilespmem:$0x1A628] =	vst v63  }
0x4b1: {  	s20 =	rddreg [dreg:$0x1c];
	s29 =	simm.s32 $0x71E0  }
0x4b2: {  	[hbm4b:s20+s2] =	stream.linear.scatter [tilespmem:s29], [sflag:$0x1], $0x3E8, $0x38;
	[tilespmem:$0x1A628] =	vst v63  }
0x4b3: {  	_ =	swait.ge [sflag:s23], $0x3E8  }
0x4b4: {  	[sflag:s23] =	ssyncset.done $0x0  }
0x4b5: {  	[sflag:s23] =	ssyncadd.s32 $0xFFFFFC18  }
0x4b6: {  	_ =	swait.ge [sflag:s23], $0x3E8  }
.Ltmp7:
0x4b7: {  	[sflag:s23] =	ssyncset.done $0x0;
	(pc) =	sbr.rel @p1 .LBB2_13-.Ltmp7, $4  }
0x4b8: {  	[sflag:s23] =	ssyncadd.s32 $0xFFFFFC18  }
0x4b9: {  	_ =	swait.ge [sflag:s23], $0x3E8  }
0x4ba: {  	[sflag:s23] =	ssyncset.done $0x0  }
0x4bb: {  	s20 =	sld [smem:$0x7F9];
	[sflag:s23] =	ssyncadd.s32 $0xFFFFFC18  }
0x4bc: {  	s3 =	simm.s32 $0x0  }
0x4bd: {  	s2 =	rddreg [dreg:$0x12];
	s8 =	simm.s32 $0x79B0;
	s13 =	simm.s32 $0x5  }
0x4be: {  	[tilespmem:s8], [sflag:$0x5] =	stream.linear.gather [hbm4b:s2+s3], $0x7D0, $0x38;
	[tilespmem:$0x1A628] =	vst v63  }
0x4bf: {  	_ =	swait.ge [sflag:s13], $0x7D0  }
0x4c0: {  	[sflag:s13] =	ssyncset.done $0x0  }
0x4c1: {  	[sflag:s13] =	ssyncadd.s32 $0xFFFFF830  }
0x4c2: {  	s29 =	simm.s32 $0x8180;
	s2 =	rddreg [dreg:$0x8]  }
0x4c3: {  	[tilespmem:s29], [sflag:$0x4] =	stream.indirect.gather [hbm4b:s2+s24], $0x80, s8, s24, $0xb8;
	[tilespmem:$0x1A628] =	vst v63  }
0x4c4: {  	s14 =	simm.s32 $0xC180;
	s3 =	simm.s32 $0x7A30  }
0x4c5: {  	[tilespmem:s14], [sflag:$0x4] =	stream.indirect.gather [hbm4b:s2+s24], $0x80, s3, s24, $0xb8;
	[tilespmem:$0x1A628] =	vst v63  }
0x4c6: {  	s3 =	simm.s32 $0x7AB0;
	s14 =	simm.s32 $0x10180  }
0x4c7: {  	[tilespmem:s14], [sflag:$0x4] =	stream.indirect.gather [hbm4b:s2+s24], $0x80, s3, s24, $0xb8;
	[tilespmem:$0x1A628] =	vst v63  }
0x4c8: {  	s3 =	simm.s32 $0x7B30;
	s14 =	simm.s32 $0x14180  }
0x4c9: {  	[tilespmem:s14], [sflag:$0x4] =	stream.indirect.gather [hbm4b:s2+s24], $0x80, s3, s24, $0xb8;
	[tilespmem:$0x1A628] =	vst v63  }
0x4ca: {  	s14 =	simm.s32 $0x4  }
0x4cb: {  	_ =	swait.ge [sflag:s14], $0x4000  }
0x4cc: {  	[sflag:s14] =	ssyncset.done $0x0  }
0x4cd: {  	[sflag:s14] =	ssyncadd.s32 $0xFFFFC000  }
0x4ce: {  	_ =	swait.ge [sflag:s14], $0x4000  }
0x4cf: {  	[sflag:s14] =	ssyncset.done $0x0  }
0x4d0: {  	[sflag:s14] =	ssyncadd.s32 $0xFFFFC000  }
0x4d1: {  	_ =	swait.ge [sflag:s14], $0x4000  }
0x4d2: {  	[sflag:s14] =	ssyncset.done $0x0  }
0x4d3: {  	[sflag:s14] =	ssyncadd.s32 $0xFFFFC000  }
0x4d4: {  	_ =	swait.ge [sflag:s14], $0x4000  }
0x4d5: {  	[sflag:s14] =	ssyncset.done $0x0  }
0x4d6: {  	s3 =	simm.s32 $0x0;
	s8 =	rddreg [dreg:$0x14];
	[sflag:s14] =	ssyncadd.s32 $0xFFFFC000  }
0x4d7: {  	[hbm4b:s8+s3] =	stream.linear.scatter [tilespmem:s29], [sflag:$0x5], $0x10000, $0x38;
	[tilespmem:$0x1A628] =	vst v63  }
0x4d8: {  	_ =	swait.ge [sflag:s13], $0x10000  }
0x4d9: {  	[sflag:s13] =	ssyncset.done $0x0  }
0x4da: {  	s3 =	simm.s32 $0x7BB0;
	[sflag:s13] =	ssyncadd.s32 $0xFFFF0000  }
0x4db: {  	[tilespmem:s29], [sflag:$0x4] =	stream.indirect.gather [hbm4b:s2+s24], $0x80, s3, s24, $0xb8;
	[tilespmem:$0x1A628] =	vst v63  }
0x4dc: {  	s8 =	simm.s32 $0x7C30;
	s3 =	simm.s32 $0xC180  }
0x4dd: {  	[tilespmem:s3], [sflag:$0x4] =	stream.indirect.gather [hbm4b:s2+s24], $0x80, s8, s24, $0xb8;
	[tilespmem:$0x1A628] =	vst v63  }
0x4de: {  	s8 =	simm.s32 $0x7CB0;
	s3 =	simm.s32 $0x10180  }
0x4df: {  	[tilespmem:s3], [sflag:$0x4] =	stream.indirect.gather [hbm4b:s2+s24], $0x80, s8, s24, $0xb8;
	[tilespmem:$0x1A628] =	vst v63  }
0x4e0: {  	s8 =	simm.s32 $0x7D30;
	s3 =	simm.s32 $0x14180  }
0x4e1: {  	[tilespmem:s3], [sflag:$0x4] =	stream.indirect.gather [hbm4b:s2+s24], $0x80, s8, s24, $0xb8;
	[tilespmem:$0x1A628] =	vst v63  }
0x4e2: {  	_ =	swait.ge [sflag:s14], $0x4000  }
0x4e3: {  	[sflag:s14] =	ssyncset.done $0x0  }
0x4e4: {  	[sflag:s14] =	ssyncadd.s32 $0xFFFFC000  }
0x4e5: {  	_ =	swait.ge [sflag:s14], $0x4000  }
0x4e6: {  	[sflag:s14] =	ssyncset.done $0x0  }
0x4e7: {  	[sflag:s14] =	ssyncadd.s32 $0xFFFFC000  }
0x4e8: {  	_ =	swait.ge [sflag:s14], $0x4000  }
0x4e9: {  	[sflag:s14] =	ssyncset.done $0x0  }
0x4ea: {  	[sflag:s14] =	ssyncadd.s32 $0xFFFFC000  }
0x4eb: {  	_ =	swait.ge [sflag:s14], $0x4000  }
0x4ec: {  	[sflag:s14] =	ssyncset.done $0x0  }
0x4ed: {  	s3 =	simm.s32 $0x0;
	s8 =	rddreg [dreg:$0x1d];
	[sflag:s14] =	ssyncadd.s32 $0xFFFFC000  }
0x4ee: {  	[hbm4b:s8+s3] =	stream.linear.scatter [tilespmem:s29], [sflag:$0x5], $0x10000, $0x38;
	[tilespmem:$0x1A628] =	vst v63  }
0x4ef: {  	_ =	swait.ge [sflag:s13], $0x10000  }
0x4f0: {  	[sflag:s13] =	ssyncset.done $0x0  }
0x4f1: {  	s3 =	simm.s32 $0x7DB0;
	[sflag:s13] =	ssyncadd.s32 $0xFFFF0000  }
0x4f2: {  	[tilespmem:s29], [sflag:$0x4] =	stream.indirect.gather [hbm4b:s2+s24], $0x80, s3, s24, $0xb8;
	[tilespmem:$0x1A628] =	vst v63  }
0x4f3: {  	s8 =	simm.s32 $0x7E30;
	s3 =	simm.s32 $0xC180  }
0x4f4: {  	[tilespmem:s3], [sflag:$0x4] =	stream.indirect.gather [hbm4b:s2+s24], $0x80, s8, s24, $0xb8;
	[tilespmem:$0x1A628] =	vst v63  }
0x4f5: {  	s8 =	simm.s32 $0x7EB0;
	s3 =	simm.s32 $0x10180  }
0x4f6: {  	[tilespmem:s3], [sflag:$0x4] =	stream.indirect.gather [hbm4b:s2+s24], $0x80, s8, s24, $0xb8;
	[tilespmem:$0x1A628] =	vst v63  }
0x4f7: {  	s8 =	simm.s32 $0x7F30;
	s3 =	simm.s32 $0x14180  }
0x4f8: {  	[tilespmem:s3], [sflag:$0x4] =	stream.indirect.gather [hbm4b:s2+s24], $0x80, s8, s24, $0xb8;
	[tilespmem:$0x1A628] =	vst v63  }
0x4f9: {  	_ =	swait.ge [sflag:s14], $0x4000  }
0x4fa: {  	[sflag:s14] =	ssyncset.done $0x0  }
0x4fb: {  	[sflag:s14] =	ssyncadd.s32 $0xFFFFC000  }
0x4fc: {  	_ =	swait.ge [sflag:s14], $0x4000  }
0x4fd: {  	[sflag:s14] =	ssyncset.done $0x0  }
0x4fe: {  	[sflag:s14] =	ssyncadd.s32 $0xFFFFC000  }
0x4ff: {  	_ =	swait.ge [sflag:s14], $0x4000  }
0x500: {  	[sflag:s14] =	ssyncset.done $0x0  }
0x501: {  	[sflag:s14] =	ssyncadd.s32 $0xFFFFC000  }
0x502: {  	_ =	swait.ge [sflag:s14], $0x4000  }
0x503: {  	[sflag:s14] =	ssyncset.done $0x0  }
0x504: {  	s3 =	simm.s32 $0x0;
	s8 =	rddreg [dreg:$0x1e];
	[sflag:s14] =	ssyncadd.s32 $0xFFFFC000  }
0x505: {  	[hbm4b:s8+s3] =	stream.linear.scatter [tilespmem:s29], [sflag:$0x5], $0x10000, $0x38;
	[tilespmem:$0x1A628] =	vst v63  }
0x506: {  	_ =	swait.ge [sflag:s13], $0x10000  }
0x507: {  	[sflag:s13] =	ssyncset.done $0x0  }
0x508: {  	s3 =	simm.s32 $0x7FB0;
	[sflag:s13] =	ssyncadd.s32 $0xFFFF0000  }
0x509: {  	[tilespmem:s29], [sflag:$0x4] =	stream.indirect.gather [hbm4b:s2+s24], $0x80, s3, s24, $0xb8;
	[tilespmem:$0x1A628] =	vst v63  }
0x50a: {  	s8 =	simm.s32 $0x8030;
	s3 =	simm.s32 $0xC180  }
0x50b: {  	[tilespmem:s3], [sflag:$0x4] =	stream.indirect.gather [hbm4b:s2+s24], $0x80, s8, s24, $0xb8;
	[tilespmem:$0x1A628] =	vst v63  }
0x50c: {  	s8 =	simm.s32 $0x80B0;
	s3 =	simm.s32 $0x10180  }
0x50d: {  	[tilespmem:s3], [sflag:$0x4] =	stream.indirect.gather [hbm4b:s2+s24], $0x80, s8, s24, $0xb8;
	[tilespmem:$0x1A628] =	vst v63  }
0x50e: {  	s3 =	simm.s32 $0x8130;
	s8 =	simm.s32 $0x14180  }
0x50f: {  	[tilespmem:s8], [sflag:$0x4] =	stream.indirect.gather [hbm4b:s2+s25], $0x80, s3, s25, $0xb8;
	[tilespmem:$0x1A628] =	vst v63  }
0x510: {  	_ =	swait.ge [sflag:s14], $0x4000  }
0x511: {  	[sflag:s14] =	ssyncset.done $0x0  }
0x512: {  	[sflag:s14] =	ssyncadd.s32 $0xFFFFC000  }
0x513: {  	_ =	swait.ge [sflag:s14], $0x4000  }
0x514: {  	[sflag:s14] =	ssyncset.done $0x0  }
0x515: {  	[sflag:s14] =	ssyncadd.s32 $0xFFFFC000  }
0x516: {  	_ =	swait.ge [sflag:s14], $0x4000  }
0x517: {  	[sflag:s14] =	ssyncset.done $0x0  }
0x518: {  	[sflag:s14] =	ssyncadd.s32 $0xFFFFC000  }
0x519: {  	_ =	swait.ge [sflag:s14], $0x2800  }
0x51a: {  	s8 =	simm.s32 $0x0;
	[sflag:s14] =	ssyncset.done $0x0  }
.Ltmp8:
0x51b: {  	s3 =	rddreg [dreg:$0x1f];
	[sflag:s14] =	ssyncadd.s32 $0xFFFFD800;
	(pc) =	sbr.rel .LBB2_13-.Ltmp8, $4  }
0x51c: {  	[hbm4b:s3+s8] =	stream.linear.scatter [tilespmem:s29], [sflag:$0x5], $0xE800, $0x38;
	[tilespmem:$0x1A628] =	vst v63  }
0x51d: {  	_ =	swait.ge [sflag:s13], $0xE800  }
0x51e: {  	[sflag:s13] =	ssyncset.done $0x0  }
0x51f: {  	s14 =	simm.s32 $0xD50;
	[sflag:s13] =	ssyncadd.s32 $0xFFFF1800  }
.LBB2_14:
0x520: {  	_ =	sfence.sel $0x180000  }
0x521: {  	[bflag:$0x0] =	sbarrier.arrive $0xFFFF  }
0x522: {  	_ =	strace $0x90000047  }
0x523: {  	[bflag:$0x2] =	sbarrier.arrive $0xFFFF  }
0x524: {  	s0 =	rddreg [dreg:$0xd]  }
0x525: {  	s0 =	sadd.s32 @!p0 $0x100000, s0  }
0x526: {  	[sflag:s0] =	ssyncadd.tile.s32 @!p0 $0x1;
	_ =	shalt  }
.Lfunc_end2:
_tile_overlayer_lowered:
.L_overlay_start_2:
0x527: {  	(tag) =	ssettag $0x2  }
0x528: {  	s0 =	rddreg [dreg:$0x0];
	s2 =	stileid.u32  }
0x529: {  	s1 =	rddreg [dreg:$0x1];
	p0 =	sne.s32 s2, $0x0  }
0x52a: {  	s3 =	rddreg [dreg:$0x2];
	[bflag:$0x3] =	sbarrier.arrive $0xFFFF;
	s2 =	simm.s32 @!p0 $0x1C05  }
0x52b: {  	[timem:s3], [sflag:s2] =	dma.local @!p0 [hbm:s0], s1  }
0x52c: {  	s0 =	simm.s32 @!p0 $0x5  }
0x52d: {  	_ =	swait.ge @!p0 [sflag:s0], s1  }
0x52e: {  	s1 =	ssub.s32 @!p0 $0x0, s1;
	[sflag:s0] =	ssyncset.done @!p0 $0x0  }
0x52f: {  	[sflag:s0] =	ssyncadd.s32 @!p0 s1  }
0x530: {  	[bflag:$0x3] =	sbarrier.arrive $0xFFFF  }
0x531: {  	_ =	shalt  }

</sc_bundles>
